<compile_context>
chip_gen: v7x
topology: tpu7x:2x2x1
jax: 0.10.2.dev20260603
libtpu: 0.0.44.dev20260713+nightly
codegen_flags: <defaults>
</compile_context>

<pallas_src>
import functools

import jax
import jax.numpy as jnp
from jax import lax
from jax.experimental import pallas as pl
from jax.experimental.pallas import tpu as pltpu
from jax.experimental.pallas import tpu_sc as plsc

N_NODES = 10000
D = 128
N_EDGES = 320000

NC = 2
NS = 16
NT = NC * NS

CB = 32
NITER = -(-N_EDGES // (NT * CB * 2))
NCHUNK_SC = 2 * NITER
NCHUNK_IO = NCHUNK_SC + 2
E_PAD = NT * CB * NCHUNK_IO
NP = 10112
RPT = NP // NS

_STRIPE_CHUNKS = [CB] * (RPT // CB) + ([RPT % CB] if RPT % CB else [])


def _sc_body(x_hbm, src_hbm, dst_hbm, sum_out, cnt_out,
             acc, src_v0, src_v1, dst_v0, dst_v1, rows_a, rows_b,
             s_is0, s_is1, s_id0, s_id1, s_ga, s_gb):
    cid = lax.axis_index("c")
    sid = lax.axis_index("s")
    tid = cid * NS + sid
    base = sid * RPT
    out_base = cid * NP + base

    def fill_rows(buf, val16):
        def fill(i, carry):
            for j in range(D // 16):
                buf[i, pl.ds(j * 16, 16)] = val16
            return carry
        lax.fori_loop(0, CB, fill, 0)

    def zero_acc():
        off = 0
        for sz in _STRIPE_CHUNKS:
            pltpu.sync_copy(rows_a.at[pl.ds(0, sz)],
                            acc.at[pl.ds(base + off, sz)])
            off += sz

    def writeout(dest):
        off = 0
        for sz in _STRIPE_CHUNKS:
            pltpu.sync_copy(acc.at[pl.ds(base + off, sz)],
                            rows_a.at[pl.ds(0, sz)])
            pltpu.sync_copy(rows_a.at[pl.ds(0, sz)],
                            dest.at[pl.ds(out_base + off, sz)])
            off += sz

    def wait_idx(sem, buf):
        pltpu.make_async_copy(src_hbm.at[tid, 0], buf.at[0], sem).wait()

    def wait_gather(sem, src_idx, buf):
        pltpu.make_async_copy(x_hbm.at[src_idx.at[0]], buf, sem).wait()

    zeros16 = jnp.zeros((16,), jnp.float32)
    ones16 = jnp.ones((16,), jnp.float32)

    with jax.named_scope("sc_zero1"):
        fill_rows(rows_a, zeros16)
        zero_acc()
        plsc.subcore_barrier()

    pltpu.async_copy(src_hbm.at[tid, 0], src_v0.at[0], s_is0)
    pltpu.async_copy(dst_hbm.at[tid, 0], dst_v0.at[0], s_id0)
    pltpu.async_copy(src_hbm.at[tid, 1], src_v1.at[0], s_is1)
    pltpu.async_copy(dst_hbm.at[tid, 1], dst_v1.at[0], s_id1)
    wait_idx(s_is0, src_v0)
    pltpu.async_copy(x_hbm.at[src_v0.at[0]], rows_a, s_ga)

    def pbody(i, carry):
        g2 = 2 * i + 2
        g3 = 2 * i + 3
        wait_idx(s_is1, src_v1)
        wait_gather(s_ga, src_v0, rows_a)
        pltpu.async_copy(x_hbm.at[src_v1.at[0]], rows_b, s_gb)
        wait_idx(s_id0, dst_v0)
        pltpu.sync_copy(rows_a, acc.at[dst_v0.at[0]], add=True)
        pltpu.async_copy(src_hbm.at[tid, g2], src_v0.at[0], s_is0)
        pltpu.async_copy(dst_hbm.at[tid, g2], dst_v0.at[0], s_id0)
        wait_idx(s_is0, src_v0)
        wait_gather(s_gb, src_v1, rows_b)
        pltpu.async_copy(x_hbm.at[src_v0.at[0]], rows_a, s_ga)
        wait_idx(s_id1, dst_v1)
        pltpu.sync_copy(rows_b, acc.at[dst_v1.at[0]], add=True)
        pltpu.async_copy(src_hbm.at[tid, g3], src_v1.at[0], s_is1)
        pltpu.async_copy(dst_hbm.at[tid, g3], dst_v1.at[0], s_id1)
        return carry

    with jax.named_scope("sc_p1"):
        lax.fori_loop(0, NITER, pbody, 0)
        wait_gather(s_ga, src_v0, rows_a)
        wait_idx(s_id0, dst_v0)
        wait_idx(s_is1, src_v1)
        wait_idx(s_id1, dst_v1)
        plsc.subcore_barrier()
    with jax.named_scope("sc_wo1"):
        writeout(sum_out)

    with jax.named_scope("sc_zero2"):
        fill_rows(rows_a, zeros16)
        zero_acc()
        fill_rows(rows_b, ones16)
        plsc.subcore_barrier()

    pltpu.async_copy(dst_hbm.at[tid, 0], dst_v0.at[0], s_id0)
    pltpu.async_copy(dst_hbm.at[tid, 1], dst_v1.at[0], s_id1)

    def cbody(i, carry):
        g2 = 2 * i + 2
        g3 = 2 * i + 3
        wait_idx(s_id0, dst_v0)
        pltpu.sync_copy(rows_b, acc.at[dst_v0.at[0]], add=True)
        pltpu.async_copy(dst_hbm.at[tid, g2], dst_v0.at[0], s_id0)
        wait_idx(s_id1, dst_v1)
        pltpu.sync_copy(rows_b, acc.at[dst_v1.at[0]], add=True)
        pltpu.async_copy(dst_hbm.at[tid, g3], dst_v1.at[0], s_id1)
        return carry

    with jax.named_scope("sc_p2"):
        lax.fori_loop(0, NITER, cbody, 0)
        wait_idx(s_id0, dst_v0)
        wait_idx(s_id1, dst_v1)
        plsc.subcore_barrier()
    with jax.named_scope("sc_wo2"):
        writeout(cnt_out)


_sc_aggregate = functools.partial(
    pl.kernel,
    out_type=(jax.ShapeDtypeStruct((NC * NP, D), jnp.float32),
              jax.ShapeDtypeStruct((NC * NP, D), jnp.float32)),
    mesh=plsc.VectorSubcoreMesh(core_axis_name="c", subcore_axis_name="s",
                                num_cores=NC, num_subcores=NS),
    scratch_types=[
        pltpu.VMEM_SHARED((NP, D), jnp.float32),
        pltpu.VMEM((1, CB), jnp.int32),
        pltpu.VMEM((1, CB), jnp.int32),
        pltpu.VMEM((1, CB), jnp.int32),
        pltpu.VMEM((1, CB), jnp.int32),
        pltpu.VMEM((CB, D), jnp.float32),
        pltpu.VMEM((CB, D), jnp.float32),
        pltpu.SemaphoreType.DMA,
        pltpu.SemaphoreType.DMA,
        pltpu.SemaphoreType.DMA,
        pltpu.SemaphoreType.DMA,
        pltpu.SemaphoreType.DMA,
        pltpu.SemaphoreType.DMA,
    ],
)(_sc_body)


ROWS_BLK = 1000


def _tc_body(x_ref, s_ref, c_ref, w_ref, b_ref, o_ref):
    s = s_ref[0] + s_ref[1]
    c = c_ref[0, :, 0:1] + c_ref[1, :, 0:1]
    agg = s / jnp.maximum(c, 1.0)
    t = lax.dot_general(agg, w_ref[...], (((1,), (1,)), ((), ())),
                        preferred_element_type=jnp.float32)
    o_ref[...] = x_ref[...] + t + b_ref[...]


_tc_combine = pl.pallas_call(
    _tc_body,
    grid=(N_NODES // ROWS_BLK,),
    in_specs=[
        pl.BlockSpec((ROWS_BLK, D), lambda g: (g, 0)),
        pl.BlockSpec((NC, ROWS_BLK, D), lambda g: (0, g, 0)),
        pl.BlockSpec((NC, ROWS_BLK, D), lambda g: (0, g, 0)),
        pl.BlockSpec((D, D), lambda g: (0, 0)),
        pl.BlockSpec((1, D), lambda g: (0, 0)),
    ],
    out_specs=pl.BlockSpec((ROWS_BLK, D), lambda g: (g, 0)),
    out_shape=jax.ShapeDtypeStruct((N_NODES, D), jnp.float32),
)


def kernel(x, edge_index, W, b):
    src = edge_index[0].astype(jnp.int32)
    dst = edge_index[1].astype(jnp.int32)
    pad = NT * NCHUNK_SC * CB - N_EDGES
    src = jnp.concatenate([src, jnp.zeros((pad,), jnp.int32)])
    dst = jnp.concatenate([dst, jnp.full((pad,), N_NODES, jnp.int32)])
    src3 = jnp.concatenate(
        [src.reshape(NT, NCHUNK_SC, CB),
         jnp.zeros((NT, 2, CB), jnp.int32)], axis=1)
    dst3 = jnp.concatenate(
        [dst.reshape(NT, NCHUNK_SC, CB),
         jnp.full((NT, 2, CB), N_NODES, jnp.int32)], axis=1)
    sums, cnts = _sc_aggregate(x, src3, dst3)
    sums = sums.reshape(NC, NP, D)
    cnts = cnts.reshape(NC, NP, D)
    return _tc_combine(x, sums, cnts, W, b.reshape(1, D))

# --- scband reference (transcript-rebuilt; emitter-appended) ---
"""Pipeline reference for scband-weighted-average-layer-14078902796421 (READ-ONLY COPY).

The authoritative reference and input builder live on the scoring server;
editing this copy changes nothing except your own understanding.
"""

import jax, jax.numpy as jnp
import numpy as np

N_NODES = 10000
N_EDGES = 320000
D_IN = 128
D_OUT = 128


def setup_inputs(seed: int = 0) -> dict:
    key = jax.random.key(seed)
    k1, k2, k3, k4 = jax.random.split(key, 4)
    x = jax.random.normal(k1, (N_NODES, D_IN), dtype=jnp.float32)
    edge_index = jax.random.randint(k2, (2, N_EDGES), 0, N_NODES, dtype=jnp.int64)
    # nn.Linear params: weight [out, in], bias [out]
    bound = 1.0 / np.sqrt(D_IN)
    W = jax.random.uniform(k3, (D_OUT, D_IN), dtype=jnp.float32, minval=-bound, maxval=bound)
    b = jax.random.uniform(k4, (D_OUT,), dtype=jnp.float32, minval=-bound, maxval=bound)
    return {"x": x, "edge_index": edge_index, "W": W, "b": b}


def reference(x, edge_index, W, b):
    source_nodes = edge_index[0]
    target_nodes = edge_index[1]
    # gather source node features per edge
    source_features = jnp.take(x, source_nodes, axis=0)
    # scatter_mean over target nodes with dim_size = N_NODES
    summed = jax.ops.segment_sum(source_features, target_nodes, num_segments=N_NODES)
    counts = jax.ops.segment_sum(jnp.ones((source_features.shape[0],), dtype=x.dtype), target_nodes, num_segments=N_NODES)
    counts = jnp.clip(counts, 1.0, None)
    aggregated_features = summed / counts[:, None]
    transformed_features = aggregated_features @ W.T + b
    return x + transformed_features


if False:  # reference __main__ guard neutralized (emitter)
    out = reference(**setup_inputs())
    print(out.shape, out.dtype)

if __name__ == "__main__":
    import jax
    _d = setup_inputs()
    print(jax.jit(kernel)(*tuple(_d.values())))

</pallas_src>

<mosaic_0001>
#map = affine_map<(d0, d1) -> (0, 0)>
#map1 = affine_map<(d0, d1) -> (0, 0, 0)>
module attributes {stable_mosaic.version = 14 : i64} {
  func.func @_sc_body(%arg0: i32, %arg1: i32, %arg2: memref<10000x128xf32, #tpu.memory_space<hbm>>, %arg3: memref<32x316x32xi32, #tpu.memory_space<hbm>>, %arg4: memref<32x316x32xi32, #tpu.memory_space<hbm>>, %arg5: memref<20224x128xf32, #tpu.memory_space<hbm>>, %arg6: memref<20224x128xf32, #tpu.memory_space<hbm>>, %arg7: memref<10112x128xf32, #tpu.memory_space<vmem_shared>>, %arg8: memref<1x32xi32, #tpu.memory_space<vmem>>, %arg9: memref<1x32xi32, #tpu.memory_space<vmem>>, %arg10: memref<1x32xi32, #tpu.memory_space<vmem>>, %arg11: memref<1x32xi32, #tpu.memory_space<vmem>>, %arg12: memref<32x128xf32, #tpu.memory_space<vmem>>, %arg13: memref<32x128xf32, #tpu.memory_space<vmem>>, %arg14: memref<!tpu.dma_semaphore, #tpu.memory_space<semaphore_mem>>, %arg15: memref<!tpu.dma_semaphore, #tpu.memory_space<semaphore_mem>>, %arg16: memref<!tpu.dma_semaphore, #tpu.memory_space<semaphore_mem>>, %arg17: memref<!tpu.dma_semaphore, #tpu.memory_space<semaphore_mem>>, %arg18: memref<!tpu.dma_semaphore, #tpu.memory_space<semaphore_mem>>, %arg19: memref<!tpu.dma_semaphore, #tpu.memory_space<semaphore_mem>>) attributes {dimension_semantics = [#tpu.dimension_semantics<core_parallel>, #tpu.dimension_semantics<subcore_parallel>], iteration_bounds = array<i64: 2, 16>, scalar_prefetch = 0 : i64, scratch_operands = 13 : i64, tpu.core_type = #tpu.core_type<sc_vector_subcore>, window_params = [{transform_indices = #map}, {transform_indices = #map1}, {transform_indices = #map1}, {transform_indices = #map}, {transform_indices = #map}]} {
    %mul3A = arith.constant 16 : i32
    %mul3A_0 = arith.muli %arg0, %mul3A : i32
    %add3A = arith.addi %mul3A_0, %arg1 : i32
    %mul3A_1 = arith.constant 632 : i32
    %mul3A_2 = arith.muli %arg1, %mul3A_1 : i32
    %mul3A_3 = arith.constant 10112 : i32
    %mul3A_4 = arith.muli %arg0, %mul3A_3 : i32
    %add3A_5 = arith.addi %mul3A_4, %mul3A_2 : i32
    %broadcast_in_dim3A = arith.constant 0.000000e+00 : f32
    %broadcast_in_dim3A_6 = vector.broadcast %broadcast_in_dim3A : f32 to vector<16xf32>
    %broadcast_in_dim3A_7 = arith.constant 1.000000e+00 : f32
    %broadcast_in_dim3A_8 = vector.broadcast %broadcast_in_dim3A_7 : f32 to vector<16xf32>
    "tpu.trace_start"() <{level = 10 : i32, message = "sc_zero1"}> : () -> ()
    %scan3A = arith.constant 0 : i32
    %scan3A_9 = arith.constant 0 : i32
    %scan3A_10 = arith.constant 32 : i32
    %scan3A_11 = arith.addi %scan3A_9, %scan3A_10 : i32
    %scan3A_12 = arith.constant 1 : i32
    scf.for %scan3A_461 = %scan3A_9 to %scan3A_11 step %scan3A_12  : i32 {
      %swap3A = arith.index_cast %scan3A_461 : i32 to index
      %swap3A_462 = arith.constant 0 : index
      %swap3A_463 = tpu.vector_load %arg12[%swap3A, %swap3A_462] {strides = array<i32>} : memref<32x128xf32, #tpu.memory_space<vmem>>, vector<1x16xf32>,
      %swap3A_464 = vector.shape_cast %swap3A_463 : vector<1x16xf32> to vector<16xf32>
      %swap3A_465 = vector.shape_cast %broadcast_in_dim3A_6 : vector<16xf32> to vector<1x16xf32>
      tpu.vector_store %arg12[%swap3A, %swap3A_462], %swap3A_465 {strides = array<i32>} : memref<32x128xf32, #tpu.memory_space<vmem>>, vector<1x16xf32>,
      %swap3A_466 = arith.index_cast %scan3A_461 : i32 to index
      %swap3A_467 = arith.constant 16 : index
      %swap3A_468 = tpu.vector_load %arg12[%swap3A_466, %swap3A_467] {strides = array<i32>} : memref<32x128xf32, #tpu.memory_space<vmem>>, vector<1x16xf32>,
      %swap3A_469 = vector.shape_cast %swap3A_468 : vector<1x16xf32> to vector<16xf32>
      %swap3A_470 = vector.shape_cast %broadcast_in_dim3A_6 : vector<16xf32> to vector<1x16xf32>
      tpu.vector_store %arg12[%swap3A_466, %swap3A_467], %swap3A_470 {strides = array<i32>} : memref<32x128xf32, #tpu.memory_space<vmem>>, vector<1x16xf32>,
      %swap3A_471 = arith.index_cast %scan3A_461 : i32 to index
      %swap3A_472 = arith.constant 32 : index
      %swap3A_473 = tpu.vector_load %arg12[%swap3A_471, %swap3A_472] {strides = array<i32>} : memref<32x128xf32, #tpu.memory_space<vmem>>, vector<1x16xf32>,
      %swap3A_474 = vector.shape_cast %swap3A_473 : vector<1x16xf32> to vector<16xf32>
      %swap3A_475 = vector.shape_cast %broadcast_in_dim3A_6 : vector<16xf32> to vector<1x16xf32>
      tpu.vector_store %arg12[%swap3A_471, %swap3A_472], %swap3A_475 {strides = array<i32>} : memref<32x128xf32, #tpu.memory_space<vmem>>, vector<1x16xf32>,
      %swap3A_476 = arith.index_cast %scan3A_461 : i32 to index
      %swap3A_477 = arith.constant 48 : index
      %swap3A_478 = tpu.vector_load %arg12[%swap3A_476, %swap3A_477] {strides = array<i32>} : memref<32x128xf32, #tpu.memory_space<vmem>>, vector<1x16xf32>,
      %swap3A_479 = vector.shape_cast %swap3A_478 : vector<1x16xf32> to vector<16xf32>
      %swap3A_480 = vector.shape_cast %broadcast_in_dim3A_6 : vector<16xf32> to vector<1x16xf32>
      tpu.vector_store %arg12[%swap3A_476, %swap3A_477], %swap3A_480 {strides = array<i32>} : memref<32x128xf32, #tpu.memory_space<vmem>>, vector<1x16xf32>,
      %swap3A_481 = arith.index_cast %scan3A_461 : i32 to index
      %swap3A_482 = arith.constant 64 : index
      %swap3A_483 = tpu.vector_load %arg12[%swap3A_481, %swap3A_482] {strides = array<i32>} : memref<32x128xf32, #tpu.memory_space<vmem>>, vector<1x16xf32>,
      %swap3A_484 = vector.shape_cast %swap3A_483 : vector<1x16xf32> to vector<16xf32>
      %swap3A_485 = vector.shape_cast %broadcast_in_dim3A_6 : vector<16xf32> to vector<1x16xf32>
      tpu.vector_store %arg12[%swap3A_481, %swap3A_482], %swap3A_485 {strides = array<i32>} : memref<32x128xf32, #tpu.memory_space<vmem>>, vector<1x16xf32>,
      %swap3A_486 = arith.index_cast %scan3A_461 : i32 to index
      %swap3A_487 = arith.constant 80 : index
      %swap3A_488 = tpu.vector_load %arg12[%swap3A_486, %swap3A_487] {strides = array<i32>} : memref<32x128xf32, #tpu.memory_space<vmem>>, vector<1x16xf32>,
      %swap3A_489 = vector.shape_cast %swap3A_488 : vector<1x16xf32> to vector<16xf32>
      %swap3A_490 = vector.shape_cast %broadcast_in_dim3A_6 : vector<16xf32> to vector<1x16xf32>
      tpu.vector_store %arg12[%swap3A_486, %swap3A_487], %swap3A_490 {strides = array<i32>} : memref<32x128xf32, #tpu.memory_space<vmem>>, vector<1x16xf32>,
      %swap3A_491 = arith.index_cast %scan3A_461 : i32 to index
      %swap3A_492 = arith.constant 96 : index
      %swap3A_493 = tpu.vector_load %arg12[%swap3A_491, %swap3A_492] {strides = array<i32>} : memref<32x128xf32, #tpu.memory_space<vmem>>, vector<1x16xf32>,
      %swap3A_494 = vector.shape_cast %swap3A_493 : vector<1x16xf32> to vector<16xf32>
      %swap3A_495 = vector.shape_cast %broadcast_in_dim3A_6 : vector<16xf32> to vector<1x16xf32>
      tpu.vector_store %arg12[%swap3A_491, %swap3A_492], %swap3A_495 {strides = array<i32>} : memref<32x128xf32, #tpu.memory_space<vmem>>, vector<1x16xf32>,
      %swap3A_496 = arith.index_cast %scan3A_461 : i32 to index
      %swap3A_497 = arith.constant 112 : index
      %swap3A_498 = tpu.vector_load %arg12[%swap3A_496, %swap3A_497] {strides = array<i32>} : memref<32x128xf32, #tpu.memory_space<vmem>>, vector<1x16xf32>,
      %swap3A_499 = vector.shape_cast %swap3A_498 : vector<1x16xf32> to vector<16xf32>
      %swap3A_500 = vector.shape_cast %broadcast_in_dim3A_6 : vector<16xf32> to vector<1x16xf32>
      tpu.vector_store %arg12[%swap3A_496, %swap3A_497], %swap3A_500 {strides = array<i32>} : memref<32x128xf32, #tpu.memory_space<vmem>>, vector<1x16xf32>,
    }
    %scan3A_13 = arith.constant 32 : i32
    %add3A_14 = arith.constant 0 : i32
    %add3A_15 = arith.addi %mul3A_2, %add3A_14 : i32
    "tpu.region"() ({
      %run_scoped3A = tpu.sem_alloc : memref<!tpu.dma_semaphore, #tpu.memory_space<semaphore_mem>>
      %dma_start3A_461 = arith.constant 0 : i32
      %dma_start3A_462 = arith.constant 0 : i32
      %dma_start3A_463 = tpu.memref_slice %arg12[%dma_start3A_461, %dma_start3A_462] : memref<32x128xf32, #tpu.memory_space<vmem>> -> memref<32x128xf32, #tpu.memory_space<vmem>>
      %dma_start3A_464 = arith.constant 0 : i32
      %dma_start3A_465 = tpu.memref_slice %arg7[%add3A_15, %dma_start3A_464] : memref<10112x128xf32, #tpu.memory_space<vmem_shared>> -> memref<32x128xf32, #tpu.memory_space<vmem_shared>>
      %dma_start3A_466 = arith.constant 0 : i32
      %dma_start3A_467 = tpu.memref_slice %arg7[%add3A_15, %dma_start3A_466] : memref<10112x128xf32, #tpu.memory_space<vmem_shared>> -> memref<32x128xf32, #tpu.memory_space<vmem_shared>>
      %dma_start3A_468 = arith.constant 0 : i32
      %dma_start3A_469 = arith.constant 0 : i32
      %dma_start3A_470 = tpu.memref_slice %arg12[%dma_start3A_468, %dma_start3A_469] : memref<32x128xf32, #tpu.memory_space<vmem>> -> memref<32x128xf32, #tpu.memory_space<vmem>>
      tpu.enqueue_dma source(%dma_start3A_470 : memref<32x128xf32, #tpu.memory_space<vmem>>) target(%dma_start3A_467 : memref<32x128xf32, #tpu.memory_space<vmem_shared>>) target_semaphore(%run_scoped3A : memref<!tpu.dma_semaphore, #tpu.memory_space<semaphore_mem>>)
      %dma_wait3A_471 = arith.constant 0 : i32
      %dma_wait3A_472 = arith.constant 0 : i32
      %dma_wait3A_473 = tpu.memref_slice %arg12[%dma_wait3A_471, %dma_wait3A_472] : memref<32x128xf32, #tpu.memory_space<vmem>> -> memref<32x128xf32, #tpu.memory_space<vmem>>
      %dma_wait3A_474 = arith.constant 0 : i32
      %dma_wait3A_475 = tpu.memref_slice %arg7[%add3A_15, %dma_wait3A_474] : memref<10112x128xf32, #tpu.memory_space<vmem_shared>> -> memref<32x128xf32, #tpu.memory_space<vmem_shared>>
      %dma_wait3A_476 = arith.constant 0 : i32
      %dma_wait3A_477 = tpu.memref_slice %arg7[%add3A_15, %dma_wait3A_476] : memref<10112x128xf32, #tpu.memory_space<vmem_shared>> -> memref<32x128xf32, #tpu.memory_space<vmem_shared>>
      %dma_wait3A_478 = arith.constant 0 : i32
      %dma_wait3A_479 = arith.constant 0 : i32
      %dma_wait3A_480 = tpu.memref_slice %arg12[%dma_wait3A_478, %dma_wait3A_479] : memref<32x128xf32, #tpu.memory_space<vmem>> -> memref<32x128xf32, #tpu.memory_space<vmem>>
      tpu.wait_dma2 semaphore(%run_scoped3A : memref<!tpu.dma_semaphore, #tpu.memory_space<semaphore_mem>>) src(%dma_wait3A_480 : memref<32x128xf32, #tpu.memory_space<vmem>>) dst(%dma_wait3A_477 : memref<32x128xf32, #tpu.memory_space<vmem_shared>>)
      tpu.yield
    }) : () -> ()
    %add3A_16 = arith.constant 32 : i32
    %add3A_17 = arith.addi %mul3A_2, %add3A_16 : i32
    "tpu.region"() ({
      %run_scoped3A = tpu.sem_alloc : memref<!tpu.dma_semaphore, #tpu.memory_space<semaphore_mem>>
      %dma_start3A_461 = arith.constant 0 : i32
      %dma_start3A_462 = arith.constant 0 : i32
      %dma_start3A_463 = tpu.memref_slice %arg12[%dma_start3A_461, %dma_start3A_462] : memref<32x128xf32, #tpu.memory_space<vmem>> -> memref<32x128xf32, #tpu.memory_space<vmem>>
      %dma_start3A_464 = arith.constant 0 : i32
      %dma_start3A_465 = tpu.memref_slice %arg7[%add3A_17, %dma_start3A_464] : memref<10112x128xf32, #tpu.memory_space<vmem_shared>> -> memref<32x128xf32, #tpu.memory_space<vmem_shared>>
      %dma_start3A_466 = arith.constant 0 : i32
      %dma_start3A_467 = tpu.memref_slice %arg7[%add3A_17, %dma_start3A_466] : memref<10112x128xf32, #tpu.memory_space<vmem_shared>> -> memref<32x128xf32, #tpu.memory_space<vmem_shared>>
      %dma_start3A_468 = arith.constant 0 : i32
      %dma_start3A_469 = arith.constant 0 : i32
      %dma_start3A_470 = tpu.memref_slice %arg12[%dma_start3A_468, %dma_start3A_469] : memref<32x128xf32, #tpu.memory_space<vmem>> -> memref<32x128xf32, #tpu.memory_space<vmem>>
      tpu.enqueue_dma source(%dma_start3A_470 : memref<32x128xf32, #tpu.memory_space<vmem>>) target(%dma_start3A_467 : memref<32x128xf32, #tpu.memory_space<vmem_shared>>) target_semaphore(%run_scoped3A : memref<!tpu.dma_semaphore, #tpu.memory_space<semaphore_mem>>)
      %dma_wait3A_471 = arith.constant 0 : i32
      %dma_wait3A_472 = arith.constant 0 : i32
      %dma_wait3A_473 = tpu.memref_slice %arg12[%dma_wait3A_471, %dma_wait3A_472] : memref<32x128xf32, #tpu.memory_space<vmem>> -> memref<32x128xf32, #tpu.memory_space<vmem>>
      %dma_wait3A_474 = arith.constant 0 : i32
      %dma_wait3A_475 = tpu.memref_slice %arg7[%add3A_17, %dma_wait3A_474] : memref<10112x128xf32, #tpu.memory_space<vmem_shared>> -> memref<32x128xf32, #tpu.memory_space<vmem_shared>>
      %dma_wait3A_476 = arith.constant 0 : i32
      %dma_wait3A_477 = tpu.memref_slice %arg7[%add3A_17, %dma_wait3A_476] : memref<10112x128xf32, #tpu.memory_space<vmem_shared>> -> memref<32x128xf32, #tpu.memory_space<vmem_shared>>
      %dma_wait3A_478 = arith.constant 0 : i32
      %dma_wait3A_479 = arith.constant 0 : i32
      %dma_wait3A_480 = tpu.memref_slice %arg12[%dma_wait3A_478, %dma_wait3A_479] : memref<32x128xf32, #tpu.memory_space<vmem>> -> memref<32x128xf32, #tpu.memory_space<vmem>>
      tpu.wait_dma2 semaphore(%run_scoped3A : memref<!tpu.dma_semaphore, #tpu.memory_space<semaphore_mem>>) src(%dma_wait3A_480 : memref<32x128xf32, #tpu.memory_space<vmem>>) dst(%dma_wait3A_477 : memref<32x128xf32, #tpu.memory_space<vmem_shared>>)
      tpu.yield
    }) : () -> ()
    %add3A_18 = arith.constant 64 : i32
    %add3A_19 = arith.addi %mul3A_2, %add3A_18 : i32
    "tpu.region"() ({
      %run_scoped3A = tpu.sem_alloc : memref<!tpu.dma_semaphore, #tpu.memory_space<semaphore_mem>>
      %dma_start3A_461 = arith.constant 0 : i32
      %dma_start3A_462 = arith.constant 0 : i32
      %dma_start3A_463 = tpu.memref_slice %arg12[%dma_start3A_461, %dma_start3A_462] : memref<32x128xf32, #tpu.memory_space<vmem>> -> memref<32x128xf32, #tpu.memory_space<vmem>>
      %dma_start3A_464 = arith.constant 0 : i32
      %dma_start3A_465 = tpu.memref_slice %arg7[%add3A_19, %dma_start3A_464] : memref<10112x128xf32, #tpu.memory_space<vmem_shared>> -> memref<32x128xf32, #tpu.memory_space<vmem_shared>>
      %dma_start3A_466 = arith.constant 0 : i32
      %dma_start3A_467 = tpu.memref_slice %arg7[%add3A_19, %dma_start3A_466] : memref<10112x128xf32, #tpu.memory_space<vmem_shared>> -> memref<32x128xf32, #tpu.memory_space<vmem_shared>>
      %dma_start3A_468 = arith.constant 0 : i32
      %dma_start3A_469 = arith.constant 0 : i32
      %dma_start3A_470 = tpu.memref_slice %arg12[%dma_start3A_468, %dma_start3A_469] : memref<32x128xf32, #tpu.memory_space<vmem>> -> memref<32x128xf32, #tpu.memory_space<vmem>>
      tpu.enqueue_dma source(%dma_start3A_470 : memref<32x128xf32, #tpu.memory_space<vmem>>) target(%dma_start3A_467 : memref<32x128xf32, #tpu.memory_space<vmem_shared>>) target_semaphore(%run_scoped3A : memref<!tpu.dma_semaphore, #tpu.memory_space<semaphore_mem>>)
      %dma_wait3A_471 = arith.constant 0 : i32
      %dma_wait3A_472 = arith.constant 0 : i32
      %dma_wait3A_473 = tpu.memref_slice %arg12[%dma_wait3A_471, %dma_wait3A_472] : memref<32x128xf32, #tpu.memory_space<vmem>> -> memref<32x128xf32, #tpu.memory_space<vmem>>
      %dma_wait3A_474 = arith.constant 0 : i32
      %dma_wait3A_475 = tpu.memref_slice %arg7[%add3A_19, %dma_wait3A_474] : memref<10112x128xf32, #tpu.memory_space<vmem_shared>> -> memref<32x128xf32, #tpu.memory_space<vmem_shared>>
      %dma_wait3A_476 = arith.constant 0 : i32
      %dma_wait3A_477 = tpu.memref_slice %arg7[%add3A_19, %dma_wait3A_476] : memref<10112x128xf32, #tpu.memory_space<vmem_shared>> -> memref<32x128xf32, #tpu.memory_space<vmem_shared>>
      %dma_wait3A_478 = arith.constant 0 : i32
      %dma_wait3A_479 = arith.constant 0 : i32
      %dma_wait3A_480 = tpu.memref_slice %arg12[%dma_wait3A_478, %dma_wait3A_479] : memref<32x128xf32, #tpu.memory_space<vmem>> -> memref<32x128xf32, #tpu.memory_space<vmem>>
      tpu.wait_dma2 semaphore(%run_scoped3A : memref<!tpu.dma_semaphore, #tpu.memory_space<semaphore_mem>>) src(%dma_wait3A_480 : memref<32x128xf32, #tpu.memory_space<vmem>>) dst(%dma_wait3A_477 : memref<32x128xf32, #tpu.memory_space<vmem_shared>>)
      tpu.yield
    }) : () -> ()
    %add3A_20 = arith.constant 96 : i32
    %add3A_21 = arith.addi %mul3A_2, %add3A_20 : i32
    "tpu.region"() ({
      %run_scoped3A = tpu.sem_alloc : memref<!tpu.dma_semaphore, #tpu.memory_space<semaphore_mem>>
      %dma_start3A_461 = arith.constant 0 : i32
      %dma_start3A_462 = arith.constant 0 : i32
      %dma_start3A_463 = tpu.memref_slice %arg12[%dma_start3A_461, %dma_start3A_462] : memref<32x128xf32, #tpu.memory_space<vmem>> -> memref<32x128xf32, #tpu.memory_space<vmem>>
      %dma_start3A_464 = arith.constant 0 : i32
      %dma_start3A_465 = tpu.memref_slice %arg7[%add3A_21, %dma_start3A_464] : memref<10112x128xf32, #tpu.memory_space<vmem_shared>> -> memref<32x128xf32, #tpu.memory_space<vmem_shared>>
      %dma_start3A_466 = arith.constant 0 : i32
      %dma_start3A_467 = tpu.memref_slice %arg7[%add3A_21, %dma_start3A_466] : memref<10112x128xf32, #tpu.memory_space<vmem_shared>> -> memref<32x128xf32, #tpu.memory_space<vmem_shared>>
      %dma_start3A_468 = arith.constant 0 : i32
      %dma_start3A_469 = arith.constant 0 : i32
      %dma_start3A_470 = tpu.memref_slice %arg12[%dma_start3A_468, %dma_start3A_469] : memref<32x128xf32, #tpu.memory_space<vmem>> -> memref<32x128xf32, #tpu.memory_space<vmem>>
      tpu.enqueue_dma source(%dma_start3A_470 : memref<32x128xf32, #tpu.memory_space<vmem>>) target(%dma_start3A_467 : memref<32x128xf32, #tpu.memory_space<vmem_shared>>) target_semaphore(%run_scoped3A : memref<!tpu.dma_semaphore, #tpu.memory_space<semaphore_mem>>)
      %dma_wait3A_471 = arith.constant 0 : i32
      %dma_wait3A_472 = arith.constant 0 : i32
      %dma_wait3A_473 = tpu.memref_slice %arg12[%dma_wait3A_471, %dma_wait3A_472] : memref<32x128xf32, #tpu.memory_space<vmem>> -> memref<32x128xf32, #tpu.memory_space<vmem>>
      %dma_wait3A_474 = arith.constant 0 : i32
      %dma_wait3A_475 = tpu.memref_slice %arg7[%add3A_21, %dma_wait3A_474] : memref<10112x128xf32, #tpu.memory_space<vmem_shared>> -> memref<32x128xf32, #tpu.memory_space<vmem_shared>>
      %dma_wait3A_476 = arith.constant 0 : i32
      %dma_wait3A_477 = tpu.memref_slice %arg7[%add3A_21, %dma_wait3A_476] : memref<10112x128xf32, #tpu.memory_space<vmem_shared>> -> memref<32x128xf32, #tpu.memory_space<vmem_shared>>
      %dma_wait3A_478 = arith.constant 0 : i32
      %dma_wait3A_479 = arith.constant 0 : i32
      %dma_wait3A_480 = tpu.memref_slice %arg12[%dma_wait3A_478, %dma_wait3A_479] : memref<32x128xf32, #tpu.memory_space<vmem>> -> memref<32x128xf32, #tpu.memory_space<vmem>>
      tpu.wait_dma2 semaphore(%run_scoped3A : memref<!tpu.dma_semaphore, #tpu.memory_space<semaphore_mem>>) src(%dma_wait3A_480 : memref<32x128xf32, #tpu.memory_space<vmem>>) dst(%dma_wait3A_477 : memref<32x128xf32, #tpu.memory_space<vmem_shared>>)
      tpu.yield
    }) : () -> ()
    %add3A_22 = arith.constant 128 : i32
    %add3A_23 = arith.addi %mul3A_2, %add3A_22 : i32
    "tpu.region"() ({
      %run_scoped3A = tpu.sem_alloc : memref<!tpu.dma_semaphore, #tpu.memory_space<semaphore_mem>>
      %dma_start3A_461 = arith.constant 0 : i32
      %dma_start3A_462 = arith.constant 0 : i32
      %dma_start3A_463 = tpu.memref_slice %arg12[%dma_start3A_461, %dma_start3A_462] : memref<32x128xf32, #tpu.memory_space<vmem>> -> memref<32x128xf32, #tpu.memory_space<vmem>>
      %dma_start3A_464 = arith.constant 0 : i32
      %dma_start3A_465 = tpu.memref_slice %arg7[%add3A_23, %dma_start3A_464] : memref<10112x128xf32, #tpu.memory_space<vmem_shared>> -> memref<32x128xf32, #tpu.memory_space<vmem_shared>>
      %dma_start3A_466 = arith.constant 0 : i32
      %dma_start3A_467 = tpu.memref_slice %arg7[%add3A_23, %dma_start3A_466] : memref<10112x128xf32, #tpu.memory_space<vmem_shared>> -> memref<32x128xf32, #tpu.memory_space<vmem_shared>>
      %dma_start3A_468 = arith.constant 0 : i32
      %dma_start3A_469 = arith.constant 0 : i32
      %dma_start3A_470 = tpu.memref_slice %arg12[%dma_start3A_468, %dma_start3A_469] : memref<32x128xf32, #tpu.memory_space<vmem>> -> memref<32x128xf32, #tpu.memory_space<vmem>>
      tpu.enqueue_dma source(%dma_start3A_470 : memref<32x128xf32, #tpu.memory_space<vmem>>) target(%dma_start3A_467 : memref<32x128xf32, #tpu.memory_space<vmem_shared>>) target_semaphore(%run_scoped3A : memref<!tpu.dma_semaphore, #tpu.memory_space<semaphore_mem>>)
      %dma_wait3A_471 = arith.constant 0 : i32
      %dma_wait3A_472 = arith.constant 0 : i32
      %dma_wait3A_473 = tpu.memref_slice %arg12[%dma_wait3A_471, %dma_wait3A_472] : memref<32x128xf32, #tpu.memory_space<vmem>> -> memref<32x128xf32, #tpu.memory_space<vmem>>
      %dma_wait3A_474 = arith.constant 0 : i32
      %dma_wait3A_475 = tpu.memref_slice %arg7[%add3A_23, %dma_wait3A_474] : memref<10112x128xf32, #tpu.memory_space<vmem_shared>> -> memref<32x128xf32, #tpu.memory_space<vmem_shared>>
      %dma_wait3A_476 = arith.constant 0 : i32
      %dma_wait3A_477 = tpu.memref_slice %arg7[%add3A_23, %dma_wait3A_476] : memref<10112x128xf32, #tpu.memory_space<vmem_shared>> -> memref<32x128xf32, #tpu.memory_space<vmem_shared>>
      %dma_wait3A_478 = arith.constant 0 : i32
      %dma_wait3A_479 = arith.constant 0 : i32
      %dma_wait3A_480 = tpu.memref_slice %arg12[%dma_wait3A_478, %dma_wait3A_479] : memref<32x128xf32, #tpu.memory_space<vmem>> -> memref<32x128xf32, #tpu.memory_space<vmem>>
      tpu.wait_dma2 semaphore(%run_scoped3A : memref<!tpu.dma_semaphore, #tpu.memory_space<semaphore_mem>>) src(%dma_wait3A_480 : memref<32x128xf32, #tpu.memory_space<vmem>>) dst(%dma_wait3A_477 : memref<32x128xf32, #tpu.memory_space<vmem_shared>>)
      tpu.yield
    }) : () -> ()
    %add3A_24 = arith.constant 160 : i32
    %add3A_25 = arith.addi %mul3A_2, %add3A_24 : i32
    "tpu.region"() ({
      %run_scoped3A = tpu.sem_alloc : memref<!tpu.dma_semaphore, #tpu.memory_space<semaphore_mem>>
      %dma_start3A_461 = arith.constant 0 : i32
      %dma_start3A_462 = arith.constant 0 : i32
      %dma_start3A_463 = tpu.memref_slice %arg12[%dma_start3A_461, %dma_start3A_462] : memref<32x128xf32, #tpu.memory_space<vmem>> -> memref<32x128xf32, #tpu.memory_space<vmem>>
      %dma_start3A_464 = arith.constant 0 : i32
      %dma_start3A_465 = tpu.memref_slice %arg7[%add3A_25, %dma_start3A_464] : memref<10112x128xf32, #tpu.memory_space<vmem_shared>> -> memref<32x128xf32, #tpu.memory_space<vmem_shared>>
      %dma_start3A_466 = arith.constant 0 : i32
      %dma_start3A_467 = tpu.memref_slice %arg7[%add3A_25, %dma_start3A_466] : memref<10112x128xf32, #tpu.memory_space<vmem_shared>> -> memref<32x128xf32, #tpu.memory_space<vmem_shared>>
      %dma_start3A_468 = arith.constant 0 : i32
      %dma_start3A_469 = arith.constant 0 : i32
      %dma_start3A_470 = tpu.memref_slice %arg12[%dma_start3A_468, %dma_start3A_469] : memref<32x128xf32, #tpu.memory_space<vmem>> -> memref<32x128xf32, #tpu.memory_space<vmem>>
      tpu.enqueue_dma source(%dma_start3A_470 : memref<32x128xf32, #tpu.memory_space<vmem>>) target(%dma_start3A_467 : memref<32x128xf32, #tpu.memory_space<vmem_shared>>) target_semaphore(%run_scoped3A : memref<!tpu.dma_semaphore, #tpu.memory_space<semaphore_mem>>)
      %dma_wait3A_471 = arith.constant 0 : i32
      %dma_wait3A_472 = arith.constant 0 : i32
      %dma_wait3A_473 = tpu.memref_slice %arg12[%dma_wait3A_471, %dma_wait3A_472] : memref<32x128xf32, #tpu.memory_space<vmem>> -> memref<32x128xf32, #tpu.memory_space<vmem>>
      %dma_wait3A_474 = arith.constant 0 : i32
      %dma_wait3A_475 = tpu.memref_slice %arg7[%add3A_25, %dma_wait3A_474] : memref<10112x128xf32, #tpu.memory_space<vmem_shared>> -> memref<32x128xf32, #tpu.memory_space<vmem_shared>>
      %dma_wait3A_476 = arith.constant 0 : i32
      %dma_wait3A_477 = tpu.memref_slice %arg7[%add3A_25, %dma_wait3A_476] : memref<10112x128xf32, #tpu.memory_space<vmem_shared>> -> memref<32x128xf32, #tpu.memory_space<vmem_shared>>
      %dma_wait3A_478 = arith.constant 0 : i32
      %dma_wait3A_479 = arith.constant 0 : i32
      %dma_wait3A_480 = tpu.memref_slice %arg12[%dma_wait3A_478, %dma_wait3A_479] : memref<32x128xf32, #tpu.memory_space<vmem>> -> memref<32x128xf32, #tpu.memory_space<vmem>>
      tpu.wait_dma2 semaphore(%run_scoped3A : memref<!tpu.dma_semaphore, #tpu.memory_space<semaphore_mem>>) src(%dma_wait3A_480 : memref<32x128xf32, #tpu.memory_space<vmem>>) dst(%dma_wait3A_477 : memref<32x128xf32, #tpu.memory_space<vmem_shared>>)
      tpu.yield
    }) : () -> ()
    %add3A_26 = arith.constant 192 : i32
    %add3A_27 = arith.addi %mul3A_2, %add3A_26 : i32
    "tpu.region"() ({
      %run_scoped3A = tpu.sem_alloc : memref<!tpu.dma_semaphore, #tpu.memory_space<semaphore_mem>>
      %dma_start3A_461 = arith.constant 0 : i32
      %dma_start3A_462 = arith.constant 0 : i32
      %dma_start3A_463 = tpu.memref_slice %arg12[%dma_start3A_461, %dma_start3A_462] : memref<32x128xf32, #tpu.memory_space<vmem>> -> memref<32x128xf32, #tpu.memory_space<vmem>>
      %dma_start3A_464 = arith.constant 0 : i32
      %dma_start3A_465 = tpu.memref_slice %arg7[%add3A_27, %dma_start3A_464] : memref<10112x128xf32, #tpu.memory_space<vmem_shared>> -> memref<32x128xf32, #tpu.memory_space<vmem_shared>>
      %dma_start3A_466 = arith.constant 0 : i32
      %dma_start3A_467 = tpu.memref_slice %arg7[%add3A_27, %dma_start3A_466] : memref<10112x128xf32, #tpu.memory_space<vmem_shared>> -> memref<32x128xf32, #tpu.memory_space<vmem_shared>>
      %dma_start3A_468 = arith.constant 0 : i32
      %dma_start3A_469 = arith.constant 0 : i32
      %dma_start3A_470 = tpu.memref_slice %arg12[%dma_start3A_468, %dma_start3A_469] : memref<32x128xf32, #tpu.memory_space<vmem>> -> memref<32x128xf32, #tpu.memory_space<vmem>>
      tpu.enqueue_dma source(%dma_start3A_470 : memref<32x128xf32, #tpu.memory_space<vmem>>) target(%dma_start3A_467 : memref<32x128xf32, #tpu.memory_space<vmem_shared>>) target_semaphore(%run_scoped3A : memref<!tpu.dma_semaphore, #tpu.memory_space<semaphore_mem>>)
      %dma_wait3A_471 = arith.constant 0 : i32
      %dma_wait3A_472 = arith.constant 0 : i32
      %dma_wait3A_473 = tpu.memref_slice %arg12[%dma_wait3A_471, %dma_wait3A_472] : memref<32x128xf32, #tpu.memory_space<vmem>> -> memref<32x128xf32, #tpu.memory_space<vmem>>
      %dma_wait3A_474 = arith.constant 0 : i32
      %dma_wait3A_475 = tpu.memref_slice %arg7[%add3A_27, %dma_wait3A_474] : memref<10112x128xf32, #tpu.memory_space<vmem_shared>> -> memref<32x128xf32, #tpu.memory_space<vmem_shared>>
      %dma_wait3A_476 = arith.constant 0 : i32
      %dma_wait3A_477 = tpu.memref_slice %arg7[%add3A_27, %dma_wait3A_476] : memref<10112x128xf32, #tpu.memory_space<vmem_shared>> -> memref<32x128xf32, #tpu.memory_space<vmem_shared>>
      %dma_wait3A_478 = arith.constant 0 : i32
      %dma_wait3A_479 = arith.constant 0 : i32
      %dma_wait3A_480 = tpu.memref_slice %arg12[%dma_wait3A_478, %dma_wait3A_479] : memref<32x128xf32, #tpu.memory_space<vmem>> -> memref<32x128xf32, #tpu.memory_space<vmem>>
      tpu.wait_dma2 semaphore(%run_scoped3A : memref<!tpu.dma_semaphore, #tpu.memory_space<semaphore_mem>>) src(%dma_wait3A_480 : memref<32x128xf32, #tpu.memory_space<vmem>>) dst(%dma_wait3A_477 : memref<32x128xf32, #tpu.memory_space<vmem_shared>>)
      tpu.yield
    }) : () -> ()
    %add3A_28 = arith.constant 224 : i32
    %add3A_29 = arith.addi %mul3A_2, %add3A_28 : i32
    "tpu.region"() ({
      %run_scoped3A = tpu.sem_alloc : memref<!tpu.dma_semaphore, #tpu.memory_space<semaphore_mem>>
      %dma_start3A_461 = arith.constant 0 : i32
      %dma_start3A_462 = arith.constant 0 : i32
      %dma_start3A_463 = tpu.memref_slice %arg12[%dma_start3A_461, %dma_start3A_462] : memref<32x128xf32, #tpu.memory_space<vmem>> -> memref<32x128xf32, #tpu.memory_space<vmem>>
      %dma_start3A_464 = arith.constant 0 : i32
      %dma_start3A_465 = tpu.memref_slice %arg7[%add3A_29, %dma_start3A_464] : memref<10112x128xf32, #tpu.memory_space<vmem_shared>> -> memref<32x128xf32, #tpu.memory_space<vmem_shared>>
      %dma_start3A_466 = arith.constant 0 : i32
      %dma_start3A_467 = tpu.memref_slice %arg7[%add3A_29, %dma_start3A_466] : memref<10112x128xf32, #tpu.memory_space<vmem_shared>> -> memref<32x128xf32, #tpu.memory_space<vmem_shared>>
      %dma_start3A_468 = arith.constant 0 : i32
      %dma_start3A_469 = arith.constant 0 : i32
      %dma_start3A_470 = tpu.memref_slice %arg12[%dma_start3A_468, %dma_start3A_469] : memref<32x128xf32, #tpu.memory_space<vmem>> -> memref<32x128xf32, #tpu.memory_space<vmem>>
      tpu.enqueue_dma source(%dma_start3A_470 : memref<32x128xf32, #tpu.memory_space<vmem>>) target(%dma_start3A_467 : memref<32x128xf32, #tpu.memory_space<vmem_shared>>) target_semaphore(%run_scoped3A : memref<!tpu.dma_semaphore, #tpu.memory_space<semaphore_mem>>)
      %dma_wait3A_471 = arith.constant 0 : i32
      %dma_wait3A_472 = arith.constant 0 : i32
      %dma_wait3A_473 = tpu.memref_slice %arg12[%dma_wait3A_471, %dma_wait3A_472] : memref<32x128xf32, #tpu.memory_space<vmem>> -> memref<32x128xf32, #tpu.memory_space<vmem>>
      %dma_wait3A_474 = arith.constant 0 : i32
      %dma_wait3A_475 = tpu.memref_slice %arg7[%add3A_29, %dma_wait3A_474] : memref<10112x128xf32, #tpu.memory_space<vmem_shared>> -> memref<32x128xf32, #tpu.memory_space<vmem_shared>>
      %dma_wait3A_476 = arith.constant 0 : i32
      %dma_wait3A_477 = tpu.memref_slice %arg7[%add3A_29, %dma_wait3A_476] : memref<10112x128xf32, #tpu.memory_space<vmem_shared>> -> memref<32x128xf32, #tpu.memory_space<vmem_shared>>
      %dma_wait3A_478 = arith.constant 0 : i32
      %dma_wait3A_479 = arith.constant 0 : i32
      %dma_wait3A_480 = tpu.memref_slice %arg12[%dma_wait3A_478, %dma_wait3A_479] : memref<32x128xf32, #tpu.memory_space<vmem>> -> memref<32x128xf32, #tpu.memory_space<vmem>>
      tpu.wait_dma2 semaphore(%run_scoped3A : memref<!tpu.dma_semaphore, #tpu.memory_space<semaphore_mem>>) src(%dma_wait3A_480 : memref<32x128xf32, #tpu.memory_space<vmem>>) dst(%dma_wait3A_477 : memref<32x128xf32, #tpu.memory_space<vmem_shared>>)
      tpu.yield
    }) : () -> ()
    %add3A_30 = arith.constant 256 : i32
    %add3A_31 = arith.addi %mul3A_2, %add3A_30 : i32
    "tpu.region"() ({
      %run_scoped3A = tpu.sem_alloc : memref<!tpu.dma_semaphore, #tpu.memory_space<semaphore_mem>>
      %dma_start3A_461 = arith.constant 0 : i32
      %dma_start3A_462 = arith.constant 0 : i32
      %dma_start3A_463 = tpu.memref_slice %arg12[%dma_start3A_461, %dma_start3A_462] : memref<32x128xf32, #tpu.memory_space<vmem>> -> memref<32x128xf32, #tpu.memory_space<vmem>>
      %dma_start3A_464 = arith.constant 0 : i32
      %dma_start3A_465 = tpu.memref_slice %arg7[%add3A_31, %dma_start3A_464] : memref<10112x128xf32, #tpu.memory_space<vmem_shared>> -> memref<32x128xf32, #tpu.memory_space<vmem_shared>>
      %dma_start3A_466 = arith.constant 0 : i32
      %dma_start3A_467 = tpu.memref_slice %arg7[%add3A_31, %dma_start3A_466] : memref<10112x128xf32, #tpu.memory_space<vmem_shared>> -> memref<32x128xf32, #tpu.memory_space<vmem_shared>>
      %dma_start3A_468 = arith.constant 0 : i32
      %dma_start3A_469 = arith.constant 0 : i32
      %dma_start3A_470 = tpu.memref_slice %arg12[%dma_start3A_468, %dma_start3A_469] : memref<32x128xf32, #tpu.memory_space<vmem>> -> memref<32x128xf32, #tpu.memory_space<vmem>>
      tpu.enqueue_dma source(%dma_start3A_470 : memref<32x128xf32, #tpu.memory_space<vmem>>) target(%dma_start3A_467 : memref<32x128xf32, #tpu.memory_space<vmem_shared>>) target_semaphore(%run_scoped3A : memref<!tpu.dma_semaphore, #tpu.memory_space<semaphore_mem>>)
      %dma_wait3A_471 = arith.constant 0 : i32
      %dma_wait3A_472 = arith.constant 0 : i32
      %dma_wait3A_473 = tpu.memref_slice %arg12[%dma_wait3A_471, %dma_wait3A_472] : memref<32x128xf32, #tpu.memory_space<vmem>> -> memref<32x128xf32, #tpu.memory_space<vmem>>
      %dma_wait3A_474 = arith.constant 0 : i32
      %dma_wait3A_475 = tpu.memref_slice %arg7[%add3A_31, %dma_wait3A_474] : memref<10112x128xf32, #tpu.memory_space<vmem_shared>> -> memref<32x128xf32, #tpu.memory_space<vmem_shared>>
      %dma_wait3A_476 = arith.constant 0 : i32
      %dma_wait3A_477 = tpu.memref_slice %arg7[%add3A_31, %dma_wait3A_476] : memref<10112x128xf32, #tpu.memory_space<vmem_shared>> -> memref<32x128xf32, #tpu.memory_space<vmem_shared>>
      %dma_wait3A_478 = arith.constant 0 : i32
      %dma_wait3A_479 = arith.constant 0 : i32
      %dma_wait3A_480 = tpu.memref_slice %arg12[%dma_wait3A_478, %dma_wait3A_479] : memref<32x128xf32, #tpu.memory_space<vmem>> -> memref<32x128xf32, #tpu.memory_space<vmem>>
      tpu.wait_dma2 semaphore(%run_scoped3A : memref<!tpu.dma_semaphore, #tpu.memory_space<semaphore_mem>>) src(%dma_wait3A_480 : memref<32x128xf32, #tpu.memory_space<vmem>>) dst(%dma_wait3A_477 : memref<32x128xf32, #tpu.memory_space<vmem_shared>>)
      tpu.yield
    }) : () -> ()
    %add3A_32 = arith.constant 288 : i32
    %add3A_33 = arith.addi %mul3A_2, %add3A_32 : i32
    "tpu.region"() ({
      %run_scoped3A = tpu.sem_alloc : memref<!tpu.dma_semaphore, #tpu.memory_space<semaphore_mem>>
      %dma_start3A_461 = arith.constant 0 : i32
      %dma_start3A_462 = arith.constant 0 : i32
      %dma_start3A_463 = tpu.memref_slice %arg12[%dma_start3A_461, %dma_start3A_462] : memref<32x128xf32, #tpu.memory_space<vmem>> -> memref<32x128xf32, #tpu.memory_space<vmem>>
      %dma_start3A_464 = arith.constant 0 : i32
      %dma_start3A_465 = tpu.memref_slice %arg7[%add3A_33, %dma_start3A_464] : memref<10112x128xf32, #tpu.memory_space<vmem_shared>> -> memref<32x128xf32, #tpu.memory_space<vmem_shared>>
      %dma_start3A_466 = arith.constant 0 : i32
      %dma_start3A_467 = tpu.memref_slice %arg7[%add3A_33, %dma_start3A_466] : memref<10112x128xf32, #tpu.memory_space<vmem_shared>> -> memref<32x128xf32, #tpu.memory_space<vmem_shared>>
      %dma_start3A_468 = arith.constant 0 : i32
      %dma_start3A_469 = arith.constant 0 : i32
      %dma_start3A_470 = tpu.memref_slice %arg12[%dma_start3A_468, %dma_start3A_469] : memref<32x128xf32, #tpu.memory_space<vmem>> -> memref<32x128xf32, #tpu.memory_space<vmem>>
      tpu.enqueue_dma source(%dma_start3A_470 : memref<32x128xf32, #tpu.memory_space<vmem>>) target(%dma_start3A_467 : memref<32x128xf32, #tpu.memory_space<vmem_shared>>) target_semaphore(%run_scoped3A : memref<!tpu.dma_semaphore, #tpu.memory_space<semaphore_mem>>)
      %dma_wait3A_471 = arith.constant 0 : i32
      %dma_wait3A_472 = arith.constant 0 : i32
      %dma_wait3A_473 = tpu.memref_slice %arg12[%dma_wait3A_471, %dma_wait3A_472] : memref<32x128xf32, #tpu.memory_space<vmem>> -> memref<32x128xf32, #tpu.memory_space<vmem>>
      %dma_wait3A_474 = arith.constant 0 : i32
      %dma_wait3A_475 = tpu.memref_slice %arg7[%add3A_33, %dma_wait3A_474] : memref<10112x128xf32, #tpu.memory_space<vmem_shared>> -> memref<32x128xf32, #tpu.memory_space<vmem_shared>>
      %dma_wait3A_476 = arith.constant 0 : i32
      %dma_wait3A_477 = tpu.memref_slice %arg7[%add3A_33, %dma_wait3A_476] : memref<10112x128xf32, #tpu.memory_space<vmem_shared>> -> memref<32x128xf32, #tpu.memory_space<vmem_shared>>
      %dma_wait3A_478 = arith.constant 0 : i32
      %dma_wait3A_479 = arith.constant 0 : i32
      %dma_wait3A_480 = tpu.memref_slice %arg12[%dma_wait3A_478, %dma_wait3A_479] : memref<32x128xf32, #tpu.memory_space<vmem>> -> memref<32x128xf32, #tpu.memory_space<vmem>>
      tpu.wait_dma2 semaphore(%run_scoped3A : memref<!tpu.dma_semaphore, #tpu.memory_space<semaphore_mem>>) src(%dma_wait3A_480 : memref<32x128xf32, #tpu.memory_space<vmem>>) dst(%dma_wait3A_477 : memref<32x128xf32, #tpu.memory_space<vmem_shared>>)
      tpu.yield
    }) : () -> ()
    %add3A_34 = arith.constant 320 : i32
    %add3A_35 = arith.addi %mul3A_2, %add3A_34 : i32
    "tpu.region"() ({
      %run_scoped3A = tpu.sem_alloc : memref<!tpu.dma_semaphore, #tpu.memory_space<semaphore_mem>>
      %dma_start3A_461 = arith.constant 0 : i32
      %dma_start3A_462 = arith.constant 0 : i32
      %dma_start3A_463 = tpu.memref_slice %arg12[%dma_start3A_461, %dma_start3A_462] : memref<32x128xf32, #tpu.memory_space<vmem>> -> memref<32x128xf32, #tpu.memory_space<vmem>>
      %dma_start3A_464 = arith.constant 0 : i32
      %dma_start3A_465 = tpu.memref_slice %arg7[%add3A_35, %dma_start3A_464] : memref<10112x128xf32, #tpu.memory_space<vmem_shared>> -> memref<32x128xf32, #tpu.memory_space<vmem_shared>>
      %dma_start3A_466 = arith.constant 0 : i32
      %dma_start3A_467 = tpu.memref_slice %arg7[%add3A_35, %dma_start3A_466] : memref<10112x128xf32, #tpu.memory_space<vmem_shared>> -> memref<32x128xf32, #tpu.memory_space<vmem_shared>>
      %dma_start3A_468 = arith.constant 0 : i32
      %dma_start3A_469 = arith.constant 0 : i32
      %dma_start3A_470 = tpu.memref_slice %arg12[%dma_start3A_468, %dma_start3A_469] : memref<32x128xf32, #tpu.memory_space<vmem>> -> memref<32x128xf32, #tpu.memory_space<vmem>>
      tpu.enqueue_dma source(%dma_start3A_470 : memref<32x128xf32, #tpu.memory_space<vmem>>) target(%dma_start3A_467 : memref<32x128xf32, #tpu.memory_space<vmem_shared>>) target_semaphore(%run_scoped3A : memref<!tpu.dma_semaphore, #tpu.memory_space<semaphore_mem>>)
      %dma_wait3A_471 = arith.constant 0 : i32
      %dma_wait3A_472 = arith.constant 0 : i32
      %dma_wait3A_473 = tpu.memref_slice %arg12[%dma_wait3A_471, %dma_wait3A_472] : memref<32x128xf32, #tpu.memory_space<vmem>> -> memref<32x128xf32, #tpu.memory_space<vmem>>
      %dma_wait3A_474 = arith.constant 0 : i32
      %dma_wait3A_475 = tpu.memref_slice %arg7[%add3A_35, %dma_wait3A_474] : memref<10112x128xf32, #tpu.memory_space<vmem_shared>> -> memref<32x128xf32, #tpu.memory_space<vmem_shared>>
      %dma_wait3A_476 = arith.constant 0 : i32
      %dma_wait3A_477 = tpu.memref_slice %arg7[%add3A_35, %dma_wait3A_476] : memref<10112x128xf32, #tpu.memory_space<vmem_shared>> -> memref<32x128xf32, #tpu.memory_space<vmem_shared>>
      %dma_wait3A_478 = arith.constant 0 : i32
      %dma_wait3A_479 = arith.constant 0 : i32
      %dma_wait3A_480 = tpu.memref_slice %arg12[%dma_wait3A_478, %dma_wait3A_479] : memref<32x128xf32, #tpu.memory_space<vmem>> -> memref<32x128xf32, #tpu.memory_space<vmem>>
      tpu.wait_dma2 semaphore(%run_scoped3A : memref<!tpu.dma_semaphore, #tpu.memory_space<semaphore_mem>>) src(%dma_wait3A_480 : memref<32x128xf32, #tpu.memory_space<vmem>>) dst(%dma_wait3A_477 : memref<32x128xf32, #tpu.memory_space<vmem_shared>>)
      tpu.yield
    }) : () -> ()
    %add3A_36 = arith.constant 352 : i32
    %add3A_37 = arith.addi %mul3A_2, %add3A_36 : i32
    "tpu.region"() ({
      %run_scoped3A = tpu.sem_alloc : memref<!tpu.dma_semaphore, #tpu.memory_space<semaphore_mem>>
      %dma_start3A_461 = arith.constant 0 : i32
      %dma_start3A_462 = arith.constant 0 : i32
      %dma_start3A_463 = tpu.memref_slice %arg12[%dma_start3A_461, %dma_start3A_462] : memref<32x128xf32, #tpu.memory_space<vmem>> -> memref<32x128xf32, #tpu.memory_space<vmem>>
      %dma_start3A_464 = arith.constant 0 : i32
      %dma_start3A_465 = tpu.memref_slice %arg7[%add3A_37, %dma_start3A_464] : memref<10112x128xf32, #tpu.memory_space<vmem_shared>> -> memref<32x128xf32, #tpu.memory_space<vmem_shared>>
      %dma_start3A_466 = arith.constant 0 : i32
      %dma_start3A_467 = tpu.memref_slice %arg7[%add3A_37, %dma_start3A_466] : memref<10112x128xf32, #tpu.memory_space<vmem_shared>> -> memref<32x128xf32, #tpu.memory_space<vmem_shared>>
      %dma_start3A_468 = arith.constant 0 : i32
      %dma_start3A_469 = arith.constant 0 : i32
      %dma_start3A_470 = tpu.memref_slice %arg12[%dma_start3A_468, %dma_start3A_469] : memref<32x128xf32, #tpu.memory_space<vmem>> -> memref<32x128xf32, #tpu.memory_space<vmem>>
      tpu.enqueue_dma source(%dma_start3A_470 : memref<32x128xf32, #tpu.memory_space<vmem>>) target(%dma_start3A_467 : memref<32x128xf32, #tpu.memory_space<vmem_shared>>) target_semaphore(%run_scoped3A : memref<!tpu.dma_semaphore, #tpu.memory_space<semaphore_mem>>)
      %dma_wait3A_471 = arith.constant 0 : i32
      %dma_wait3A_472 = arith.constant 0 : i32
      %dma_wait3A_473 = tpu.memref_slice %arg12[%dma_wait3A_471, %dma_wait3A_472] : memref<32x128xf32, #tpu.memory_space<vmem>> -> memref<32x128xf32, #tpu.memory_space<vmem>>
      %dma_wait3A_474 = arith.constant 0 : i32
      %dma_wait3A_475 = tpu.memref_slice %arg7[%add3A_37, %dma_wait3A_474] : memref<10112x128xf32, #tpu.memory_space<vmem_shared>> -> memref<32x128xf32, #tpu.memory_space<vmem_shared>>
      %dma_wait3A_476 = arith.constant 0 : i32
      %dma_wait3A_477 = tpu.memref_slice %arg7[%add3A_37, %dma_wait3A_476] : memref<10112x128xf32, #tpu.memory_space<vmem_shared>> -> memref<32x128xf32, #tpu.memory_space<vmem_shared>>
      %dma_wait3A_478 = arith.constant 0 : i32
      %dma_wait3A_479 = arith.constant 0 : i32
      %dma_wait3A_480 = tpu.memref_slice %arg12[%dma_wait3A_478, %dma_wait3A_479] : memref<32x128xf32, #tpu.memory_space<vmem>> -> memref<32x128xf32, #tpu.memory_space<vmem>>
      tpu.wait_dma2 semaphore(%run_scoped3A : memref<!tpu.dma_semaphore, #tpu.memory_space<semaphore_mem>>) src(%dma_wait3A_480 : memref<32x128xf32, #tpu.memory_space<vmem>>) dst(%dma_wait3A_477 : memref<32x128xf32, #tpu.memory_space<vmem_shared>>)
      tpu.yield
    }) : () -> ()
    %add3A_38 = arith.constant 384 : i32
    %add3A_39 = arith.addi %mul3A_2, %add3A_38 : i32
    "tpu.region"() ({
      %run_scoped3A = tpu.sem_alloc : memref<!tpu.dma_semaphore, #tpu.memory_space<semaphore_mem>>
      %dma_start3A_461 = arith.constant 0 : i32
      %dma_start3A_462 = arith.constant 0 : i32
      %dma_start3A_463 = tpu.memref_slice %arg12[%dma_start3A_461, %dma_start3A_462] : memref<32x128xf32, #tpu.memory_space<vmem>> -> memref<32x128xf32, #tpu.memory_space<vmem>>
      %dma_start3A_464 = arith.constant 0 : i32
      %dma_start3A_465 = tpu.memref_slice %arg7[%add3A_39, %dma_start3A_464] : memref<10112x128xf32, #tpu.memory_space<vmem_shared>> -> memref<32x128xf32, #tpu.memory_space<vmem_shared>>
      %dma_start3A_466 = arith.constant 0 : i32
      %dma_start3A_467 = tpu.memref_slice %arg7[%add3A_39, %dma_start3A_466] : memref<10112x128xf32, #tpu.memory_space<vmem_shared>> -> memref<32x128xf32, #tpu.memory_space<vmem_shared>>
      %dma_start3A_468 = arith.constant 0 : i32
      %dma_start3A_469 = arith.constant 0 : i32
      %dma_start3A_470 = tpu.memref_slice %arg12[%dma_start3A_468, %dma_start3A_469] : memref<32x128xf32, #tpu.memory_space<vmem>> -> memref<32x128xf32, #tpu.memory_space<vmem>>
      tpu.enqueue_dma source(%dma_start3A_470 : memref<32x128xf32, #tpu.memory_space<vmem>>) target(%dma_start3A_467 : memref<32x128xf32, #tpu.memory_space<vmem_shared>>) target_semaphore(%run_scoped3A : memref<!tpu.dma_semaphore, #tpu.memory_space<semaphore_mem>>)
      %dma_wait3A_471 = arith.constant 0 : i32
      %dma_wait3A_472 = arith.constant 0 : i32
      %dma_wait3A_473 = tpu.memref_slice %arg12[%dma_wait3A_471, %dma_wait3A_472] : memref<32x128xf32, #tpu.memory_space<vmem>> -> memref<32x128xf32, #tpu.memory_space<vmem>>
      %dma_wait3A_474 = arith.constant 0 : i32
      %dma_wait3A_475 = tpu.memref_slice %arg7[%add3A_39, %dma_wait3A_474] : memref<10112x128xf32, #tpu.memory_space<vmem_shared>> -> memref<32x128xf32, #tpu.memory_space<vmem_shared>>
      %dma_wait3A_476 = arith.constant 0 : i32
      %dma_wait3A_477 = tpu.memref_slice %arg7[%add3A_39, %dma_wait3A_476] : memref<10112x128xf32, #tpu.memory_space<vmem_shared>> -> memref<32x128xf32, #tpu.memory_space<vmem_shared>>
      %dma_wait3A_478 = arith.constant 0 : i32
      %dma_wait3A_479 = arith.constant 0 : i32
      %dma_wait3A_480 = tpu.memref_slice %arg12[%dma_wait3A_478, %dma_wait3A_479] : memref<32x128xf32, #tpu.memory_space<vmem>> -> memref<32x128xf32, #tpu.memory_space<vmem>>
      tpu.wait_dma2 semaphore(%run_scoped3A : memref<!tpu.dma_semaphore, #tpu.memory_space<semaphore_mem>>) src(%dma_wait3A_480 : memref<32x128xf32, #tpu.memory_space<vmem>>) dst(%dma_wait3A_477 : memref<32x128xf32, #tpu.memory_space<vmem_shared>>)
      tpu.yield
    }) : () -> ()
    %add3A_40 = arith.constant 416 : i32
    %add3A_41 = arith.addi %mul3A_2, %add3A_40 : i32
    "tpu.region"() ({
      %run_scoped3A = tpu.sem_alloc : memref<!tpu.dma_semaphore, #tpu.memory_space<semaphore_mem>>
      %dma_start3A_461 = arith.constant 0 : i32
      %dma_start3A_462 = arith.constant 0 : i32
      %dma_start3A_463 = tpu.memref_slice %arg12[%dma_start3A_461, %dma_start3A_462] : memref<32x128xf32, #tpu.memory_space<vmem>> -> memref<32x128xf32, #tpu.memory_space<vmem>>
      %dma_start3A_464 = arith.constant 0 : i32
      %dma_start3A_465 = tpu.memref_slice %arg7[%add3A_41, %dma_start3A_464] : memref<10112x128xf32, #tpu.memory_space<vmem_shared>> -> memref<32x128xf32, #tpu.memory_space<vmem_shared>>
      %dma_start3A_466 = arith.constant 0 : i32
      %dma_start3A_467 = tpu.memref_slice %arg7[%add3A_41, %dma_start3A_466] : memref<10112x128xf32, #tpu.memory_space<vmem_shared>> -> memref<32x128xf32, #tpu.memory_space<vmem_shared>>
      %dma_start3A_468 = arith.constant 0 : i32
      %dma_start3A_469 = arith.constant 0 : i32
      %dma_start3A_470 = tpu.memref_slice %arg12[%dma_start3A_468, %dma_start3A_469] : memref<32x128xf32, #tpu.memory_space<vmem>> -> memref<32x128xf32, #tpu.memory_space<vmem>>
      tpu.enqueue_dma source(%dma_start3A_470 : memref<32x128xf32, #tpu.memory_space<vmem>>) target(%dma_start3A_467 : memref<32x128xf32, #tpu.memory_space<vmem_shared>>) target_semaphore(%run_scoped3A : memref<!tpu.dma_semaphore, #tpu.memory_space<semaphore_mem>>)
      %dma_wait3A_471 = arith.constant 0 : i32
      %dma_wait3A_472 = arith.constant 0 : i32
      %dma_wait3A_473 = tpu.memref_slice %arg12[%dma_wait3A_471, %dma_wait3A_472] : memref<32x128xf32, #tpu.memory_space<vmem>> -> memref<32x128xf32, #tpu.memory_space<vmem>>
      %dma_wait3A_474 = arith.constant 0 : i32
      %dma_wait3A_475 = tpu.memref_slice %arg7[%add3A_41, %dma_wait3A_474] : memref<10112x128xf32, #tpu.memory_space<vmem_shared>> -> memref<32x128xf32, #tpu.memory_space<vmem_shared>>
      %dma_wait3A_476 = arith.constant 0 : i32
      %dma_wait3A_477 = tpu.memref_slice %arg7[%add3A_41, %dma_wait3A_476] : memref<10112x128xf32, #tpu.memory_space<vmem_shared>> -> memref<32x128xf32, #tpu.memory_space<vmem_shared>>
      %dma_wait3A_478 = arith.constant 0 : i32
      %dma_wait3A_479 = arith.constant 0 : i32
      %dma_wait3A_480 = tpu.memref_slice %arg12[%dma_wait3A_478, %dma_wait3A_479] : memref<32x128xf32, #tpu.memory_space<vmem>> -> memref<32x128xf32, #tpu.memory_space<vmem>>
      tpu.wait_dma2 semaphore(%run_scoped3A : memref<!tpu.dma_semaphore, #tpu.memory_space<semaphore_mem>>) src(%dma_wait3A_480 : memref<32x128xf32, #tpu.memory_space<vmem>>) dst(%dma_wait3A_477 : memref<32x128xf32, #tpu.memory_space<vmem_shared>>)
      tpu.yield
    }) : () -> ()
    %add3A_42 = arith.constant 448 : i32
    %add3A_43 = arith.addi %mul3A_2, %add3A_42 : i32
    "tpu.region"() ({
      %run_scoped3A = tpu.sem_alloc : memref<!tpu.dma_semaphore, #tpu.memory_space<semaphore_mem>>
      %dma_start3A_461 = arith.constant 0 : i32
      %dma_start3A_462 = arith.constant 0 : i32
      %dma_start3A_463 = tpu.memref_slice %arg12[%dma_start3A_461, %dma_start3A_462] : memref<32x128xf32, #tpu.memory_space<vmem>> -> memref<32x128xf32, #tpu.memory_space<vmem>>
      %dma_start3A_464 = arith.constant 0 : i32
      %dma_start3A_465 = tpu.memref_slice %arg7[%add3A_43, %dma_start3A_464] : memref<10112x128xf32, #tpu.memory_space<vmem_shared>> -> memref<32x128xf32, #tpu.memory_space<vmem_shared>>
      %dma_start3A_466 = arith.constant 0 : i32
      %dma_start3A_467 = tpu.memref_slice %arg7[%add3A_43, %dma_start3A_466] : memref<10112x128xf32, #tpu.memory_space<vmem_shared>> -> memref<32x128xf32, #tpu.memory_space<vmem_shared>>
      %dma_start3A_468 = arith.constant 0 : i32
      %dma_start3A_469 = arith.constant 0 : i32
      %dma_start3A_470 = tpu.memref_slice %arg12[%dma_start3A_468, %dma_start3A_469] : memref<32x128xf32, #tpu.memory_space<vmem>> -> memref<32x128xf32, #tpu.memory_space<vmem>>
      tpu.enqueue_dma source(%dma_start3A_470 : memref<32x128xf32, #tpu.memory_space<vmem>>) target(%dma_start3A_467 : memref<32x128xf32, #tpu.memory_space<vmem_shared>>) target_semaphore(%run_scoped3A : memref<!tpu.dma_semaphore, #tpu.memory_space<semaphore_mem>>)
      %dma_wait3A_471 = arith.constant 0 : i32
      %dma_wait3A_472 = arith.constant 0 : i32
      %dma_wait3A_473 = tpu.memref_slice %arg12[%dma_wait3A_471, %dma_wait3A_472] : memref<32x128xf32, #tpu.memory_space<vmem>> -> memref<32x128xf32, #tpu.memory_space<vmem>>
      %dma_wait3A_474 = arith.constant 0 : i32
      %dma_wait3A_475 = tpu.memref_slice %arg7[%add3A_43, %dma_wait3A_474] : memref<10112x128xf32, #tpu.memory_space<vmem_shared>> -> memref<32x128xf32, #tpu.memory_space<vmem_shared>>
      %dma_wait3A_476 = arith.constant 0 : i32
      %dma_wait3A_477 = tpu.memref_slice %arg7[%add3A_43, %dma_wait3A_476] : memref<10112x128xf32, #tpu.memory_space<vmem_shared>> -> memref<32x128xf32, #tpu.memory_space<vmem_shared>>
      %dma_wait3A_478 = arith.constant 0 : i32
      %dma_wait3A_479 = arith.constant 0 : i32
      %dma_wait3A_480 = tpu.memref_slice %arg12[%dma_wait3A_478, %dma_wait3A_479] : memref<32x128xf32, #tpu.memory_space<vmem>> -> memref<32x128xf32, #tpu.memory_space<vmem>>
      tpu.wait_dma2 semaphore(%run_scoped3A : memref<!tpu.dma_semaphore, #tpu.memory_space<semaphore_mem>>) src(%dma_wait3A_480 : memref<32x128xf32, #tpu.memory_space<vmem>>) dst(%dma_wait3A_477 : memref<32x128xf32, #tpu.memory_space<vmem_shared>>)
      tpu.yield
    }) : () -> ()
    %add3A_44 = arith.constant 480 : i32
    %add3A_45 = arith.addi %mul3A_2, %add3A_44 : i32
    "tpu.region"() ({
      %run_scoped3A = tpu.sem_alloc : memref<!tpu.dma_semaphore, #tpu.memory_space<semaphore_mem>>
      %dma_start3A_461 = arith.constant 0 : i32
      %dma_start3A_462 = arith.constant 0 : i32
      %dma_start3A_463 = tpu.memref_slice %arg12[%dma_start3A_461, %dma_start3A_462] : memref<32x128xf32, #tpu.memory_space<vmem>> -> memref<32x128xf32, #tpu.memory_space<vmem>>
      %dma_start3A_464 = arith.constant 0 : i32
      %dma_start3A_465 = tpu.memref_slice %arg7[%add3A_45, %dma_start3A_464] : memref<10112x128xf32, #tpu.memory_space<vmem_shared>> -> memref<32x128xf32, #tpu.memory_space<vmem_shared>>
      %dma_start3A_466 = arith.constant 0 : i32
      %dma_start3A_467 = tpu.memref_slice %arg7[%add3A_45, %dma_start3A_466] : memref<10112x128xf32, #tpu.memory_space<vmem_shared>> -> memref<32x128xf32, #tpu.memory_space<vmem_shared>>
      %dma_start3A_468 = arith.constant 0 : i32
      %dma_start3A_469 = arith.constant 0 : i32
      %dma_start3A_470 = tpu.memref_slice %arg12[%dma_start3A_468, %dma_start3A_469] : memref<32x128xf32, #tpu.memory_space<vmem>> -> memref<32x128xf32, #tpu.memory_space<vmem>>
      tpu.enqueue_dma source(%dma_start3A_470 : memref<32x128xf32, #tpu.memory_space<vmem>>) target(%dma_start3A_467 : memref<32x128xf32, #tpu.memory_space<vmem_shared>>) target_semaphore(%run_scoped3A : memref<!tpu.dma_semaphore, #tpu.memory_space<semaphore_mem>>)
      %dma_wait3A_471 = arith.constant 0 : i32
      %dma_wait3A_472 = arith.constant 0 : i32
      %dma_wait3A_473 = tpu.memref_slice %arg12[%dma_wait3A_471, %dma_wait3A_472] : memref<32x128xf32, #tpu.memory_space<vmem>> -> memref<32x128xf32, #tpu.memory_space<vmem>>
      %dma_wait3A_474 = arith.constant 0 : i32
      %dma_wait3A_475 = tpu.memref_slice %arg7[%add3A_45, %dma_wait3A_474] : memref<10112x128xf32, #tpu.memory_space<vmem_shared>> -> memref<32x128xf32, #tpu.memory_space<vmem_shared>>
      %dma_wait3A_476 = arith.constant 0 : i32
      %dma_wait3A_477 = tpu.memref_slice %arg7[%add3A_45, %dma_wait3A_476] : memref<10112x128xf32, #tpu.memory_space<vmem_shared>> -> memref<32x128xf32, #tpu.memory_space<vmem_shared>>
      %dma_wait3A_478 = arith.constant 0 : i32
      %dma_wait3A_479 = arith.constant 0 : i32
      %dma_wait3A_480 = tpu.memref_slice %arg12[%dma_wait3A_478, %dma_wait3A_479] : memref<32x128xf32, #tpu.memory_space<vmem>> -> memref<32x128xf32, #tpu.memory_space<vmem>>
      tpu.wait_dma2 semaphore(%run_scoped3A : memref<!tpu.dma_semaphore, #tpu.memory_space<semaphore_mem>>) src(%dma_wait3A_480 : memref<32x128xf32, #tpu.memory_space<vmem>>) dst(%dma_wait3A_477 : memref<32x128xf32, #tpu.memory_space<vmem_shared>>)
      tpu.yield
    }) : () -> ()
    %add3A_46 = arith.constant 512 : i32
    %add3A_47 = arith.addi %mul3A_2, %add3A_46 : i32
    "tpu.region"() ({
      %run_scoped3A = tpu.sem_alloc : memref<!tpu.dma_semaphore, #tpu.memory_space<semaphore_mem>>
      %dma_start3A_461 = arith.constant 0 : i32
      %dma_start3A_462 = arith.constant 0 : i32
      %dma_start3A_463 = tpu.memref_slice %arg12[%dma_start3A_461, %dma_start3A_462] : memref<32x128xf32, #tpu.memory_space<vmem>> -> memref<32x128xf32, #tpu.memory_space<vmem>>
      %dma_start3A_464 = arith.constant 0 : i32
      %dma_start3A_465 = tpu.memref_slice %arg7[%add3A_47, %dma_start3A_464] : memref<10112x128xf32, #tpu.memory_space<vmem_shared>> -> memref<32x128xf32, #tpu.memory_space<vmem_shared>>
      %dma_start3A_466 = arith.constant 0 : i32
      %dma_start3A_467 = tpu.memref_slice %arg7[%add3A_47, %dma_start3A_466] : memref<10112x128xf32, #tpu.memory_space<vmem_shared>> -> memref<32x128xf32, #tpu.memory_space<vmem_shared>>
      %dma_start3A_468 = arith.constant 0 : i32
      %dma_start3A_469 = arith.constant 0 : i32
      %dma_start3A_470 = tpu.memref_slice %arg12[%dma_start3A_468, %dma_start3A_469] : memref<32x128xf32, #tpu.memory_space<vmem>> -> memref<32x128xf32, #tpu.memory_space<vmem>>
      tpu.enqueue_dma source(%dma_start3A_470 : memref<32x128xf32, #tpu.memory_space<vmem>>) target(%dma_start3A_467 : memref<32x128xf32, #tpu.memory_space<vmem_shared>>) target_semaphore(%run_scoped3A : memref<!tpu.dma_semaphore, #tpu.memory_space<semaphore_mem>>)
      %dma_wait3A_471 = arith.constant 0 : i32
      %dma_wait3A_472 = arith.constant 0 : i32
      %dma_wait3A_473 = tpu.memref_slice %arg12[%dma_wait3A_471, %dma_wait3A_472] : memref<32x128xf32, #tpu.memory_space<vmem>> -> memref<32x128xf32, #tpu.memory_space<vmem>>
      %dma_wait3A_474 = arith.constant 0 : i32
      %dma_wait3A_475 = tpu.memref_slice %arg7[%add3A_47, %dma_wait3A_474] : memref<10112x128xf32, #tpu.memory_space<vmem_shared>> -> memref<32x128xf32, #tpu.memory_space<vmem_shared>>
      %dma_wait3A_476 = arith.constant 0 : i32
      %dma_wait3A_477 = tpu.memref_slice %arg7[%add3A_47, %dma_wait3A_476] : memref<10112x128xf32, #tpu.memory_space<vmem_shared>> -> memref<32x128xf32, #tpu.memory_space<vmem_shared>>
      %dma_wait3A_478 = arith.constant 0 : i32
      %dma_wait3A_479 = arith.constant 0 : i32
      %dma_wait3A_480 = tpu.memref_slice %arg12[%dma_wait3A_478, %dma_wait3A_479] : memref<32x128xf32, #tpu.memory_space<vmem>> -> memref<32x128xf32, #tpu.memory_space<vmem>>
      tpu.wait_dma2 semaphore(%run_scoped3A : memref<!tpu.dma_semaphore, #tpu.memory_space<semaphore_mem>>) src(%dma_wait3A_480 : memref<32x128xf32, #tpu.memory_space<vmem>>) dst(%dma_wait3A_477 : memref<32x128xf32, #tpu.memory_space<vmem_shared>>)
      tpu.yield
    }) : () -> ()
    %add3A_48 = arith.constant 544 : i32
    %add3A_49 = arith.addi %mul3A_2, %add3A_48 : i32
    "tpu.region"() ({
      %run_scoped3A = tpu.sem_alloc : memref<!tpu.dma_semaphore, #tpu.memory_space<semaphore_mem>>
      %dma_start3A_461 = arith.constant 0 : i32
      %dma_start3A_462 = arith.constant 0 : i32
      %dma_start3A_463 = tpu.memref_slice %arg12[%dma_start3A_461, %dma_start3A_462] : memref<32x128xf32, #tpu.memory_space<vmem>> -> memref<32x128xf32, #tpu.memory_space<vmem>>
      %dma_start3A_464 = arith.constant 0 : i32
      %dma_start3A_465 = tpu.memref_slice %arg7[%add3A_49, %dma_start3A_464] : memref<10112x128xf32, #tpu.memory_space<vmem_shared>> -> memref<32x128xf32, #tpu.memory_space<vmem_shared>>
      %dma_start3A_466 = arith.constant 0 : i32
      %dma_start3A_467 = tpu.memref_slice %arg7[%add3A_49, %dma_start3A_466] : memref<10112x128xf32, #tpu.memory_space<vmem_shared>> -> memref<32x128xf32, #tpu.memory_space<vmem_shared>>
      %dma_start3A_468 = arith.constant 0 : i32
      %dma_start3A_469 = arith.constant 0 : i32
      %dma_start3A_470 = tpu.memref_slice %arg12[%dma_start3A_468, %dma_start3A_469] : memref<32x128xf32, #tpu.memory_space<vmem>> -> memref<32x128xf32, #tpu.memory_space<vmem>>
      tpu.enqueue_dma source(%dma_start3A_470 : memref<32x128xf32, #tpu.memory_space<vmem>>) target(%dma_start3A_467 : memref<32x128xf32, #tpu.memory_space<vmem_shared>>) target_semaphore(%run_scoped3A : memref<!tpu.dma_semaphore, #tpu.memory_space<semaphore_mem>>)
      %dma_wait3A_471 = arith.constant 0 : i32
      %dma_wait3A_472 = arith.constant 0 : i32
      %dma_wait3A_473 = tpu.memref_slice %arg12[%dma_wait3A_471, %dma_wait3A_472] : memref<32x128xf32, #tpu.memory_space<vmem>> -> memref<32x128xf32, #tpu.memory_space<vmem>>
      %dma_wait3A_474 = arith.constant 0 : i32
      %dma_wait3A_475 = tpu.memref_slice %arg7[%add3A_49, %dma_wait3A_474] : memref<10112x128xf32, #tpu.memory_space<vmem_shared>> -> memref<32x128xf32, #tpu.memory_space<vmem_shared>>
      %dma_wait3A_476 = arith.constant 0 : i32
      %dma_wait3A_477 = tpu.memref_slice %arg7[%add3A_49, %dma_wait3A_476] : memref<10112x128xf32, #tpu.memory_space<vmem_shared>> -> memref<32x128xf32, #tpu.memory_space<vmem_shared>>
      %dma_wait3A_478 = arith.constant 0 : i32
      %dma_wait3A_479 = arith.constant 0 : i32
      %dma_wait3A_480 = tpu.memref_slice %arg12[%dma_wait3A_478, %dma_wait3A_479] : memref<32x128xf32, #tpu.memory_space<vmem>> -> memref<32x128xf32, #tpu.memory_space<vmem>>
      tpu.wait_dma2 semaphore(%run_scoped3A : memref<!tpu.dma_semaphore, #tpu.memory_space<semaphore_mem>>) src(%dma_wait3A_480 : memref<32x128xf32, #tpu.memory_space<vmem>>) dst(%dma_wait3A_477 : memref<32x128xf32, #tpu.memory_space<vmem_shared>>)
      tpu.yield
    }) : () -> ()
    %add3A_50 = arith.constant 576 : i32
    %add3A_51 = arith.addi %mul3A_2, %add3A_50 : i32
    "tpu.region"() ({
      %run_scoped3A = tpu.sem_alloc : memref<!tpu.dma_semaphore, #tpu.memory_space<semaphore_mem>>
      %dma_start3A_461 = arith.constant 0 : i32
      %dma_start3A_462 = arith.constant 0 : i32
      %dma_start3A_463 = tpu.memref_slice %arg12[%dma_start3A_461, %dma_start3A_462] : memref<32x128xf32, #tpu.memory_space<vmem>> -> memref<32x128xf32, #tpu.memory_space<vmem>>
      %dma_start3A_464 = arith.constant 0 : i32
      %dma_start3A_465 = tpu.memref_slice %arg7[%add3A_51, %dma_start3A_464] : memref<10112x128xf32, #tpu.memory_space<vmem_shared>> -> memref<32x128xf32, #tpu.memory_space<vmem_shared>>
      %dma_start3A_466 = arith.constant 0 : i32
      %dma_start3A_467 = tpu.memref_slice %arg7[%add3A_51, %dma_start3A_466] : memref<10112x128xf32, #tpu.memory_space<vmem_shared>> -> memref<32x128xf32, #tpu.memory_space<vmem_shared>>
      %dma_start3A_468 = arith.constant 0 : i32
      %dma_start3A_469 = arith.constant 0 : i32
      %dma_start3A_470 = tpu.memref_slice %arg12[%dma_start3A_468, %dma_start3A_469] : memref<32x128xf32, #tpu.memory_space<vmem>> -> memref<32x128xf32, #tpu.memory_space<vmem>>
      tpu.enqueue_dma source(%dma_start3A_470 : memref<32x128xf32, #tpu.memory_space<vmem>>) target(%dma_start3A_467 : memref<32x128xf32, #tpu.memory_space<vmem_shared>>) target_semaphore(%run_scoped3A : memref<!tpu.dma_semaphore, #tpu.memory_space<semaphore_mem>>)
      %dma_wait3A_471 = arith.constant 0 : i32
      %dma_wait3A_472 = arith.constant 0 : i32
      %dma_wait3A_473 = tpu.memref_slice %arg12[%dma_wait3A_471, %dma_wait3A_472] : memref<32x128xf32, #tpu.memory_space<vmem>> -> memref<32x128xf32, #tpu.memory_space<vmem>>
      %dma_wait3A_474 = arith.constant 0 : i32
      %dma_wait3A_475 = tpu.memref_slice %arg7[%add3A_51, %dma_wait3A_474] : memref<10112x128xf32, #tpu.memory_space<vmem_shared>> -> memref<32x128xf32, #tpu.memory_space<vmem_shared>>
      %dma_wait3A_476 = arith.constant 0 : i32
      %dma_wait3A_477 = tpu.memref_slice %arg7[%add3A_51, %dma_wait3A_476] : memref<10112x128xf32, #tpu.memory_space<vmem_shared>> -> memref<32x128xf32, #tpu.memory_space<vmem_shared>>
      %dma_wait3A_478 = arith.constant 0 : i32
      %dma_wait3A_479 = arith.constant 0 : i32
      %dma_wait3A_480 = tpu.memref_slice %arg12[%dma_wait3A_478, %dma_wait3A_479] : memref<32x128xf32, #tpu.memory_space<vmem>> -> memref<32x128xf32, #tpu.memory_space<vmem>>
      tpu.wait_dma2 semaphore(%run_scoped3A : memref<!tpu.dma_semaphore, #tpu.memory_space<semaphore_mem>>) src(%dma_wait3A_480 : memref<32x128xf32, #tpu.memory_space<vmem>>) dst(%dma_wait3A_477 : memref<32x128xf32, #tpu.memory_space<vmem_shared>>)
      tpu.yield
    }) : () -> ()
    %add3A_52 = arith.constant 608 : i32
    %add3A_53 = arith.addi %mul3A_2, %add3A_52 : i32
    "tpu.region"() ({
      %run_scoped3A = tpu.sem_alloc : memref<!tpu.dma_semaphore, #tpu.memory_space<semaphore_mem>>
      %dma_start3A_461 = arith.constant 0 : i32
      %dma_start3A_462 = arith.constant 0 : i32
      %dma_start3A_463 = tpu.memref_slice %arg12[%dma_start3A_461, %dma_start3A_462] : memref<32x128xf32, #tpu.memory_space<vmem>> -> memref<24x128xf32, #tpu.memory_space<vmem>>
      %dma_start3A_464 = arith.constant 0 : i32
      %dma_start3A_465 = tpu.memref_slice %arg7[%add3A_53, %dma_start3A_464] : memref<10112x128xf32, #tpu.memory_space<vmem_shared>> -> memref<24x128xf32, #tpu.memory_space<vmem_shared>>
      %dma_start3A_466 = arith.constant 0 : i32
      %dma_start3A_467 = tpu.memref_slice %arg7[%add3A_53, %dma_start3A_466] : memref<10112x128xf32, #tpu.memory_space<vmem_shared>> -> memref<24x128xf32, #tpu.memory_space<vmem_shared>>
      %dma_start3A_468 = arith.constant 0 : i32
      %dma_start3A_469 = arith.constant 0 : i32
      %dma_start3A_470 = tpu.memref_slice %arg12[%dma_start3A_468, %dma_start3A_469] : memref<32x128xf32, #tpu.memory_space<vmem>> -> memref<24x128xf32, #tpu.memory_space<vmem>>
      tpu.enqueue_dma source(%dma_start3A_470 : memref<24x128xf32, #tpu.memory_space<vmem>>) target(%dma_start3A_467 : memref<24x128xf32, #tpu.memory_space<vmem_shared>>) target_semaphore(%run_scoped3A : memref<!tpu.dma_semaphore, #tpu.memory_space<semaphore_mem>>)
      %dma_wait3A_471 = arith.constant 0 : i32
      %dma_wait3A_472 = arith.constant 0 : i32
      %dma_wait3A_473 = tpu.memref_slice %arg12[%dma_wait3A_471, %dma_wait3A_472] : memref<32x128xf32, #tpu.memory_space<vmem>> -> memref<24x128xf32, #tpu.memory_space<vmem>>
      %dma_wait3A_474 = arith.constant 0 : i32
      %dma_wait3A_475 = tpu.memref_slice %arg7[%add3A_53, %dma_wait3A_474] : memref<10112x128xf32, #tpu.memory_space<vmem_shared>> -> memref<24x128xf32, #tpu.memory_space<vmem_shared>>
      %dma_wait3A_476 = arith.constant 0 : i32
      %dma_wait3A_477 = tpu.memref_slice %arg7[%add3A_53, %dma_wait3A_476] : memref<10112x128xf32, #tpu.memory_space<vmem_shared>> -> memref<24x128xf32, #tpu.memory_space<vmem_shared>>
      %dma_wait3A_478 = arith.constant 0 : i32
      %dma_wait3A_479 = arith.constant 0 : i32
      %dma_wait3A_480 = tpu.memref_slice %arg12[%dma_wait3A_478, %dma_wait3A_479] : memref<32x128xf32, #tpu.memory_space<vmem>> -> memref<24x128xf32, #tpu.memory_space<vmem>>
      tpu.wait_dma2 semaphore(%run_scoped3A : memref<!tpu.dma_semaphore, #tpu.memory_space<semaphore_mem>>) src(%dma_wait3A_480 : memref<24x128xf32, #tpu.memory_space<vmem>>) dst(%dma_wait3A_477 : memref<24x128xf32, #tpu.memory_space<vmem_shared>>)
      tpu.yield
    }) : () -> ()
    %barrier3A = arith.constant 0 : index
    tpu.barrier barrier_id(%barrier3A)
    %dma_start3A = arith.constant 0 : i32
    %dma_start3A_54 = arith.constant 0 : i32
    "tpu.trace_stop"() : () -> ()
    %dma_start3A_55 = arith.constant 0 : i32
    %dma_start3A_56 = tpu.memref_slice %arg8[%dma_start3A_54, %dma_start3A_55] : memref<1x32xi32, #tpu.memory_space<vmem>> -> memref<1x32xi32, #tpu.memory_space<vmem>>
    %dma_start3A_57 = tpu.memref_squeeze %dma_start3A_56 : memref<1x32xi32, #tpu.memory_space<vmem>> -> memref<32xi32, #tpu.memory_space<vmem>>
    %dma_start3A_58 = arith.constant 0 : i32
    %dma_start3A_59 = tpu.memref_slice %arg3[%add3A, %dma_start3A, %dma_start3A_58] : memref<32x316x32xi32, #tpu.memory_space<hbm>> -> memref<1x1x32xi32, #tpu.memory_space<hbm>>
    %dma_start3A_60 = tpu.memref_squeeze %dma_start3A_59 : memref<1x1x32xi32, #tpu.memory_space<hbm>> -> memref<32xi32, #tpu.memory_space<hbm>>
    %dma_start3A_61 = arith.constant 0 : i32
    %dma_start3A_62 = tpu.memref_slice %arg8[%dma_start3A_54, %dma_start3A_61] : memref<1x32xi32, #tpu.memory_space<vmem>> -> memref<1x32xi32, #tpu.memory_space<vmem>>
    %dma_start3A_63 = tpu.memref_squeeze %dma_start3A_62 : memref<1x32xi32, #tpu.memory_space<vmem>> -> memref<32xi32, #tpu.memory_space<vmem>>
    %dma_start3A_64 = arith.constant 0 : i32
    %dma_start3A_65 = tpu.memref_slice %arg3[%add3A, %dma_start3A, %dma_start3A_64] : memref<32x316x32xi32, #tpu.memory_space<hbm>> -> memref<1x1x32xi32, #tpu.memory_space<hbm>>
    %dma_start3A_66 = tpu.memref_squeeze %dma_start3A_65 : memref<1x1x32xi32, #tpu.memory_space<hbm>> -> memref<32xi32, #tpu.memory_space<hbm>>
    tpu.enqueue_dma source(%dma_start3A_66 : memref<32xi32, #tpu.memory_space<hbm>>) target(%dma_start3A_63 : memref<32xi32, #tpu.memory_space<vmem>>) target_semaphore(%arg14 : memref<!tpu.dma_semaphore, #tpu.memory_space<semaphore_mem>>)
    %dma_start3A_67 = arith.constant 0 : i32
    %dma_start3A_68 = arith.constant 0 : i32
    %dma_start3A_69 = arith.constant 0 : i32
    %dma_start3A_70 = tpu.memref_slice %arg10[%dma_start3A_68, %dma_start3A_69] : memref<1x32xi32, #tpu.memory_space<vmem>> -> memref<1x32xi32, #tpu.memory_space<vmem>>
    %dma_start3A_71 = tpu.memref_squeeze %dma_start3A_70 : memref<1x32xi32, #tpu.memory_space<vmem>> -> memref<32xi32, #tpu.memory_space<vmem>>
    %dma_start3A_72 = arith.constant 0 : i32
    %dma_start3A_73 = tpu.memref_slice %arg4[%add3A, %dma_start3A_67, %dma_start3A_72] : memref<32x316x32xi32, #tpu.memory_space<hbm>> -> memref<1x1x32xi32, #tpu.memory_space<hbm>>
    %dma_start3A_74 = tpu.memref_squeeze %dma_start3A_73 : memref<1x1x32xi32, #tpu.memory_space<hbm>> -> memref<32xi32, #tpu.memory_space<hbm>>
    %dma_start3A_75 = arith.constant 0 : i32
    %dma_start3A_76 = tpu.memref_slice %arg10[%dma_start3A_68, %dma_start3A_75] : memref<1x32xi32, #tpu.memory_space<vmem>> -> memref<1x32xi32, #tpu.memory_space<vmem>>
    %dma_start3A_77 = tpu.memref_squeeze %dma_start3A_76 : memref<1x32xi32, #tpu.memory_space<vmem>> -> memref<32xi32, #tpu.memory_space<vmem>>
    %dma_start3A_78 = arith.constant 0 : i32
    %dma_start3A_79 = tpu.memref_slice %arg4[%add3A, %dma_start3A_67, %dma_start3A_78] : memref<32x316x32xi32, #tpu.memory_space<hbm>> -> memref<1x1x32xi32, #tpu.memory_space<hbm>>
    %dma_start3A_80 = tpu.memref_squeeze %dma_start3A_79 : memref<1x1x32xi32, #tpu.memory_space<hbm>> -> memref<32xi32, #tpu.memory_space<hbm>>
    tpu.enqueue_dma source(%dma_start3A_80 : memref<32xi32, #tpu.memory_space<hbm>>) target(%dma_start3A_77 : memref<32xi32, #tpu.memory_space<vmem>>) target_semaphore(%arg16 : memref<!tpu.dma_semaphore, #tpu.memory_space<semaphore_mem>>)
    %dma_start3A_81 = arith.constant 1 : i32
    %dma_start3A_82 = arith.constant 0 : i32
    %dma_start3A_83 = arith.constant 0 : i32
    %dma_start3A_84 = tpu.memref_slice %arg9[%dma_start3A_82, %dma_start3A_83] : memref<1x32xi32, #tpu.memory_space<vmem>> -> memref<1x32xi32, #tpu.memory_space<vmem>>
    %dma_start3A_85 = tpu.memref_squeeze %dma_start3A_84 : memref<1x32xi32, #tpu.memory_space<vmem>> -> memref<32xi32, #tpu.memory_space<vmem>>
    %dma_start3A_86 = arith.constant 0 : i32
    %dma_start3A_87 = tpu.memref_slice %arg3[%add3A, %dma_start3A_81, %dma_start3A_86] : memref<32x316x32xi32, #tpu.memory_space<hbm>> -> memref<1x1x32xi32, #tpu.memory_space<hbm>>
    %dma_start3A_88 = tpu.memref_squeeze %dma_start3A_87 : memref<1x1x32xi32, #tpu.memory_space<hbm>> -> memref<32xi32, #tpu.memory_space<hbm>>
    %dma_start3A_89 = arith.constant 0 : i32
    %dma_start3A_90 = tpu.memref_slice %arg9[%dma_start3A_82, %dma_start3A_89] : memref<1x32xi32, #tpu.memory_space<vmem>> -> memref<1x32xi32, #tpu.memory_space<vmem>>
    %dma_start3A_91 = tpu.memref_squeeze %dma_start3A_90 : memref<1x32xi32, #tpu.memory_space<vmem>> -> memref<32xi32, #tpu.memory_space<vmem>>
    %dma_start3A_92 = arith.constant 0 : i32
    %dma_start3A_93 = tpu.memref_slice %arg3[%add3A, %dma_start3A_81, %dma_start3A_92] : memref<32x316x32xi32, #tpu.memory_space<hbm>> -> memref<1x1x32xi32, #tpu.memory_space<hbm>>
    %dma_start3A_94 = tpu.memref_squeeze %dma_start3A_93 : memref<1x1x32xi32, #tpu.memory_space<hbm>> -> memref<32xi32, #tpu.memory_space<hbm>>
    tpu.enqueue_dma source(%dma_start3A_94 : memref<32xi32, #tpu.memory_space<hbm>>) target(%dma_start3A_91 : memref<32xi32, #tpu.memory_space<vmem>>) target_semaphore(%arg15 : memref<!tpu.dma_semaphore, #tpu.memory_space<semaphore_mem>>)
    %dma_start3A_95 = arith.constant 1 : i32
    %dma_start3A_96 = arith.constant 0 : i32
    %dma_start3A_97 = arith.constant 0 : i32
    %dma_start3A_98 = tpu.memref_slice %arg11[%dma_start3A_96, %dma_start3A_97] : memref<1x32xi32, #tpu.memory_space<vmem>> -> memref<1x32xi32, #tpu.memory_space<vmem>>
    %dma_start3A_99 = tpu.memref_squeeze %dma_start3A_98 : memref<1x32xi32, #tpu.memory_space<vmem>> -> memref<32xi32, #tpu.memory_space<vmem>>
    %dma_start3A_100 = arith.constant 0 : i32
    %dma_start3A_101 = tpu.memref_slice %arg4[%add3A, %dma_start3A_95, %dma_start3A_100] : memref<32x316x32xi32, #tpu.memory_space<hbm>> -> memref<1x1x32xi32, #tpu.memory_space<hbm>>
    %dma_start3A_102 = tpu.memref_squeeze %dma_start3A_101 : memref<1x1x32xi32, #tpu.memory_space<hbm>> -> memref<32xi32, #tpu.memory_space<hbm>>
    %dma_start3A_103 = arith.constant 0 : i32
    %dma_start3A_104 = tpu.memref_slice %arg11[%dma_start3A_96, %dma_start3A_103] : memref<1x32xi32, #tpu.memory_space<vmem>> -> memref<1x32xi32, #tpu.memory_space<vmem>>
    %dma_start3A_105 = tpu.memref_squeeze %dma_start3A_104 : memref<1x32xi32, #tpu.memory_space<vmem>> -> memref<32xi32, #tpu.memory_space<vmem>>
    %dma_start3A_106 = arith.constant 0 : i32
    %dma_start3A_107 = tpu.memref_slice %arg4[%add3A, %dma_start3A_95, %dma_start3A_106] : memref<32x316x32xi32, #tpu.memory_space<hbm>> -> memref<1x1x32xi32, #tpu.memory_space<hbm>>
    %dma_start3A_108 = tpu.memref_squeeze %dma_start3A_107 : memref<1x1x32xi32, #tpu.memory_space<hbm>> -> memref<32xi32, #tpu.memory_space<hbm>>
    tpu.enqueue_dma source(%dma_start3A_108 : memref<32xi32, #tpu.memory_space<hbm>>) target(%dma_start3A_105 : memref<32xi32, #tpu.memory_space<vmem>>) target_semaphore(%arg17 : memref<!tpu.dma_semaphore, #tpu.memory_space<semaphore_mem>>)
    %dma_wait3A = arith.constant 0 : i32
    %dma_wait3A_109 = arith.constant 0 : i32
    %dma_wait3A_110 = arith.constant 0 : i32
    %dma_wait3A_111 = tpu.memref_slice %arg8[%dma_wait3A_109, %dma_wait3A_110] : memref<1x32xi32, #tpu.memory_space<vmem>> -> memref<1x32xi32, #tpu.memory_space<vmem>>
    %dma_wait3A_112 = tpu.memref_squeeze %dma_wait3A_111 : memref<1x32xi32, #tpu.memory_space<vmem>> -> memref<32xi32, #tpu.memory_space<vmem>>
    %dma_wait3A_113 = arith.constant 0 : i32
    %dma_wait3A_114 = tpu.memref_slice %arg3[%add3A, %dma_wait3A, %dma_wait3A_113] : memref<32x316x32xi32, #tpu.memory_space<hbm>> -> memref<1x1x32xi32, #tpu.memory_space<hbm>>
    %dma_wait3A_115 = tpu.memref_squeeze %dma_wait3A_114 : memref<1x1x32xi32, #tpu.memory_space<hbm>> -> memref<32xi32, #tpu.memory_space<hbm>>
    %dma_wait3A_116 = arith.constant 0 : i32
    %dma_wait3A_117 = tpu.memref_slice %arg8[%dma_wait3A_109, %dma_wait3A_116] : memref<1x32xi32, #tpu.memory_space<vmem>> -> memref<1x32xi32, #tpu.memory_space<vmem>>
    %dma_wait3A_118 = tpu.memref_squeeze %dma_wait3A_117 : memref<1x32xi32, #tpu.memory_space<vmem>> -> memref<32xi32, #tpu.memory_space<vmem>>
    %dma_wait3A_119 = arith.constant 0 : i32
    %dma_wait3A_120 = tpu.memref_slice %arg3[%add3A, %dma_wait3A, %dma_wait3A_119] : memref<32x316x32xi32, #tpu.memory_space<hbm>> -> memref<1x1x32xi32, #tpu.memory_space<hbm>>
    %dma_wait3A_121 = tpu.memref_squeeze %dma_wait3A_120 : memref<1x1x32xi32, #tpu.memory_space<hbm>> -> memref<32xi32, #tpu.memory_space<hbm>>
    tpu.wait_dma2 semaphore(%arg14 : memref<!tpu.dma_semaphore, #tpu.memory_space<semaphore_mem>>) src(%dma_wait3A_121 : memref<32xi32, #tpu.memory_space<hbm>>) dst(%dma_wait3A_118 : memref<32xi32, #tpu.memory_space<vmem>>)
    %dma_start3A_122 = arith.constant 0 : i32
    %dma_start3A_123 = arith.constant 0 : i32
    %dma_start3A_124 = tpu.memref_slice %arg8[%dma_start3A_122, %dma_start3A_123] : memref<1x32xi32, #tpu.memory_space<vmem>> -> memref<1x32xi32, #tpu.memory_space<vmem>>
    %dma_start3A_125 = tpu.memref_squeeze %dma_start3A_124 : memref<1x32xi32, #tpu.memory_space<vmem>> -> memref<32xi32, #tpu.memory_space<vmem>>
    %dma_start3A_126 = arith.constant 0 : i32
    %dma_start3A_127 = arith.constant 0 : i32
    %dma_start3A_128 = tpu.memref_slice %arg2[%dma_start3A_126, %dma_start3A_127] : memref<10000x128xf32, #tpu.memory_space<hbm>> -> memref<10000x128xf32, #tpu.memory_space<hbm>>
    tpu.enqueue_indirect_dma source(%dma_start3A_128 : memref<10000x128xf32, #tpu.memory_space<hbm>>) target(%arg12 : memref<32x128xf32, #tpu.memory_space<vmem>>) offsets(%dma_start3A_125 : memref<32xi32, #tpu.memory_space<vmem>>) semaphore(%arg18 : memref<!tpu.dma_semaphore, #tpu.memory_space<semaphore_mem>>)
    "tpu.trace_start"() <{level = 10 : i32, message = "sc_p1"}> : () -> ()
    %scan3A_129 = arith.constant 0 : i32
    %scan3A_130 = arith.constant 0 : i32
    %scan3A_131 = arith.constant 157 : i32
    %scan3A_132 = arith.addi %scan3A_130, %scan3A_131 : i32
    %scan3A_133 = arith.constant 1 : i32
    scf.for %scan3A_461 = %scan3A_130 to %scan3A_132 step %scan3A_133  : i32 {
      %mul3A_462 = arith.constant 2 : i32
      %mul3A_463 = arith.muli %mul3A_462, %scan3A_461 : i32
      %add3A_464 = arith.constant 2 : i32
      %add3A_465 = arith.addi %mul3A_463, %add3A_464 : i32
      %mul3A_466 = arith.constant 2 : i32
      %mul3A_467 = arith.muli %mul3A_466, %scan3A_461 : i32
      %add3A_468 = arith.constant 3 : i32
      %add3A_469 = arith.addi %mul3A_467, %add3A_468 : i32
      %dma_wait3A_470 = arith.constant 0 : i32
      %dma_wait3A_471 = arith.constant 0 : i32
      %dma_wait3A_472 = arith.constant 0 : i32
      %dma_wait3A_473 = tpu.memref_slice %arg9[%dma_wait3A_471, %dma_wait3A_472] : memref<1x32xi32, #tpu.memory_space<vmem>> -> memref<1x32xi32, #tpu.memory_space<vmem>>
      %dma_wait3A_474 = tpu.memref_squeeze %dma_wait3A_473 : memref<1x32xi32, #tpu.memory_space<vmem>> -> memref<32xi32, #tpu.memory_space<vmem>>
      %dma_wait3A_475 = arith.constant 0 : i32
      %dma_wait3A_476 = tpu.memref_slice %arg3[%add3A, %dma_wait3A_470, %dma_wait3A_475] : memref<32x316x32xi32, #tpu.memory_space<hbm>> -> memref<1x1x32xi32, #tpu.memory_space<hbm>>
      %dma_wait3A_477 = tpu.memref_squeeze %dma_wait3A_476 : memref<1x1x32xi32, #tpu.memory_space<hbm>> -> memref<32xi32, #tpu.memory_space<hbm>>
      %dma_wait3A_478 = arith.constant 0 : i32
      %dma_wait3A_479 = tpu.memref_slice %arg9[%dma_wait3A_471, %dma_wait3A_478] : memref<1x32xi32, #tpu.memory_space<vmem>> -> memref<1x32xi32, #tpu.memory_space<vmem>>
      %dma_wait3A_480 = tpu.memref_squeeze %dma_wait3A_479 : memref<1x32xi32, #tpu.memory_space<vmem>> -> memref<32xi32, #tpu.memory_space<vmem>>
      %dma_wait3A_481 = arith.constant 0 : i32
      %dma_wait3A_482 = tpu.memref_slice %arg3[%add3A, %dma_wait3A_470, %dma_wait3A_481] : memref<32x316x32xi32, #tpu.memory_space<hbm>> -> memref<1x1x32xi32, #tpu.memory_space<hbm>>
      %dma_wait3A_483 = tpu.memref_squeeze %dma_wait3A_482 : memref<1x1x32xi32, #tpu.memory_space<hbm>> -> memref<32xi32, #tpu.memory_space<hbm>>
      tpu.wait_dma2 semaphore(%arg15 : memref<!tpu.dma_semaphore, #tpu.memory_space<semaphore_mem>>) src(%dma_wait3A_483 : memref<32xi32, #tpu.memory_space<hbm>>) dst(%dma_wait3A_480 : memref<32xi32, #tpu.memory_space<vmem>>)
      %dma_wait3A_484 = arith.constant 0 : i32
      %dma_wait3A_485 = arith.constant 0 : i32
      %dma_wait3A_486 = tpu.memref_slice %arg8[%dma_wait3A_484, %dma_wait3A_485] : memref<1x32xi32, #tpu.memory_space<vmem>> -> memref<1x32xi32, #tpu.memory_space<vmem>>
      %dma_wait3A_487 = tpu.memref_squeeze %dma_wait3A_486 : memref<1x32xi32, #tpu.memory_space<vmem>> -> memref<32xi32, #tpu.memory_space<vmem>>
      %dma_wait3A_488 = arith.constant 0 : i32
      %dma_wait3A_489 = arith.constant 0 : i32
      %dma_wait3A_490 = tpu.memref_slice %arg2[%dma_wait3A_488, %dma_wait3A_489] : memref<10000x128xf32, #tpu.memory_space<hbm>> -> memref<10000x128xf32, #tpu.memory_space<hbm>>
      tpu.wait_indirect_dma semaphore(%arg18 : memref<!tpu.dma_semaphore, #tpu.memory_space<semaphore_mem>>) src(%dma_wait3A_490 : memref<10000x128xf32, #tpu.memory_space<hbm>>) dst(%arg12 : memref<32x128xf32, #tpu.memory_space<vmem>>)
      %dma_start3A_491 = arith.constant 0 : i32
      %dma_start3A_492 = arith.constant 0 : i32
      %dma_start3A_493 = tpu.memref_slice %arg9[%dma_start3A_491, %dma_start3A_492] : memref<1x32xi32, #tpu.memory_space<vmem>> -> memref<1x32xi32, #tpu.memory_space<vmem>>
      %dma_start3A_494 = tpu.memref_squeeze %dma_start3A_493 : memref<1x32xi32, #tpu.memory_space<vmem>> -> memref<32xi32, #tpu.memory_space<vmem>>
      %dma_start3A_495 = arith.constant 0 : i32
      %dma_start3A_496 = arith.constant 0 : i32
      %dma_start3A_497 = tpu.memref_slice %arg2[%dma_start3A_495, %dma_start3A_496] : memref<10000x128xf32, #tpu.memory_space<hbm>> -> memref<10000x128xf32, #tpu.memory_space<hbm>>
      tpu.enqueue_indirect_dma source(%dma_start3A_497 : memref<10000x128xf32, #tpu.memory_space<hbm>>) target(%arg13 : memref<32x128xf32, #tpu.memory_space<vmem>>) offsets(%dma_start3A_494 : memref<32xi32, #tpu.memory_space<vmem>>) semaphore(%arg19 : memref<!tpu.dma_semaphore, #tpu.memory_space<semaphore_mem>>)
      %dma_wait3A_498 = arith.constant 0 : i32
      %dma_wait3A_499 = arith.constant 0 : i32
      %dma_wait3A_500 = arith.constant 0 : i32
      %dma_wait3A_501 = tpu.memref_slice %arg10[%dma_wait3A_499, %dma_wait3A_500] : memref<1x32xi32, #tpu.memory_space<vmem>> -> memref<1x32xi32, #tpu.memory_space<vmem>>
      %dma_wait3A_502 = tpu.memref_squeeze %dma_wait3A_501 : memref<1x32xi32, #tpu.memory_space<vmem>> -> memref<32xi32, #tpu.memory_space<vmem>>
      %dma_wait3A_503 = arith.constant 0 : i32
      %dma_wait3A_504 = tpu.memref_slice %arg3[%add3A, %dma_wait3A_498, %dma_wait3A_503] : memref<32x316x32xi32, #tpu.memory_space<hbm>> -> memref<1x1x32xi32, #tpu.memory_space<hbm>>
      %dma_wait3A_505 = tpu.memref_squeeze %dma_wait3A_504 : memref<1x1x32xi32, #tpu.memory_space<hbm>> -> memref<32xi32, #tpu.memory_space<hbm>>
      %dma_wait3A_506 = arith.constant 0 : i32
      %dma_wait3A_507 = tpu.memref_slice %arg10[%dma_wait3A_499, %dma_wait3A_506] : memref<1x32xi32, #tpu.memory_space<vmem>> -> memref<1x32xi32, #tpu.memory_space<vmem>>
      %dma_wait3A_508 = tpu.memref_squeeze %dma_wait3A_507 : memref<1x32xi32, #tpu.memory_space<vmem>> -> memref<32xi32, #tpu.memory_space<vmem>>
      %dma_wait3A_509 = arith.constant 0 : i32
      %dma_wait3A_510 = tpu.memref_slice %arg3[%add3A, %dma_wait3A_498, %dma_wait3A_509] : memref<32x316x32xi32, #tpu.memory_space<hbm>> -> memref<1x1x32xi32, #tpu.memory_space<hbm>>
      %dma_wait3A_511 = tpu.memref_squeeze %dma_wait3A_510 : memref<1x1x32xi32, #tpu.memory_space<hbm>> -> memref<32xi32, #tpu.memory_space<hbm>>
      tpu.wait_dma2 semaphore(%arg16 : memref<!tpu.dma_semaphore, #tpu.memory_space<semaphore_mem>>) src(%dma_wait3A_511 : memref<32xi32, #tpu.memory_space<hbm>>) dst(%dma_wait3A_508 : memref<32xi32, #tpu.memory_space<vmem>>)
      %run_scoped3A = arith.constant 0 : i32
      "tpu.region"() ({
        %run_scoped3A_607 = tpu.sem_alloc : memref<!tpu.dma_semaphore, #tpu.memory_space<semaphore_mem>>
        %dma_start3A_608 = arith.constant 0 : i32
        %dma_start3A_609 = tpu.memref_slice %arg10[%run_scoped3A, %dma_start3A_608] : memref<1x32xi32, #tpu.memory_space<vmem>> -> memref<1x32xi32, #tpu.memory_space<vmem>>
        %dma_start3A_610 = tpu.memref_squeeze %dma_start3A_609 : memref<1x32xi32, #tpu.memory_space<vmem>> -> memref<32xi32, #tpu.memory_space<vmem>>
        %dma_start3A_611 = arith.constant 0 : i32
        %dma_start3A_612 = arith.constant 0 : i32
        %dma_start3A_613 = tpu.memref_slice %arg7[%dma_start3A_611, %dma_start3A_612] : memref<10112x128xf32, #tpu.memory_space<vmem_shared>> -> memref<10112x128xf32, #tpu.memory_space<vmem_shared>>
        tpu.enqueue_indirect_dma source(%arg12 : memref<32x128xf32, #tpu.memory_space<vmem>>) target(%dma_start3A_613 : memref<10112x128xf32, #tpu.memory_space<vmem_shared>>) offsets(%dma_start3A_610 : memref<32xi32, #tpu.memory_space<vmem>>) semaphore(%run_scoped3A_607 : memref<!tpu.dma_semaphore, #tpu.memory_space<semaphore_mem>>) {add = true}
        %dma_wait3A_614 = arith.constant 0 : i32
        %dma_wait3A_615 = tpu.memref_slice %arg10[%run_scoped3A, %dma_wait3A_614] : memref<1x32xi32, #tpu.memory_space<vmem>> -> memref<1x32xi32, #tpu.memory_space<vmem>>
        %dma_wait3A_616 = tpu.memref_squeeze %dma_wait3A_615 : memref<1x32xi32, #tpu.memory_space<vmem>> -> memref<32xi32, #tpu.memory_space<vmem>>
        %dma_wait3A_617 = arith.constant 0 : i32
        %dma_wait3A_618 = arith.constant 0 : i32
        %dma_wait3A_619 = tpu.memref_slice %arg7[%dma_wait3A_617, %dma_wait3A_618] : memref<10112x128xf32, #tpu.memory_space<vmem_shared>> -> memref<10112x128xf32, #tpu.memory_space<vmem_shared>>
        tpu.wait_indirect_dma semaphore(%run_scoped3A_607 : memref<!tpu.dma_semaphore, #tpu.memory_space<semaphore_mem>>) src(%arg12 : memref<32x128xf32, #tpu.memory_space<vmem>>) dst(%dma_wait3A_619 : memref<10112x128xf32, #tpu.memory_space<vmem_shared>>)
        tpu.yield
      }) : () -> ()
      %dma_start3A_512 = arith.constant 0 : i32
      %dma_start3A_513 = arith.constant 0 : i32
      %dma_start3A_514 = tpu.memref_slice %arg8[%dma_start3A_512, %dma_start3A_513] : memref<1x32xi32, #tpu.memory_space<vmem>> -> memref<1x32xi32, #tpu.memory_space<vmem>>
      %dma_start3A_515 = tpu.memref_squeeze %dma_start3A_514 : memref<1x32xi32, #tpu.memory_space<vmem>> -> memref<32xi32, #tpu.memory_space<vmem>>
      %dma_start3A_516 = arith.constant 0 : i32
      %dma_start3A_517 = tpu.memref_slice %arg3[%add3A, %add3A_465, %dma_start3A_516] : memref<32x316x32xi32, #tpu.memory_space<hbm>> -> memref<1x1x32xi32, #tpu.memory_space<hbm>>
      %dma_start3A_518 = tpu.memref_squeeze %dma_start3A_517 : memref<1x1x32xi32, #tpu.memory_space<hbm>> -> memref<32xi32, #tpu.memory_space<hbm>>
      %dma_start3A_519 = arith.constant 0 : i32
      %dma_start3A_520 = tpu.memref_slice %arg8[%dma_start3A_512, %dma_start3A_519] : memref<1x32xi32, #tpu.memory_space<vmem>> -> memref<1x32xi32, #tpu.memory_space<vmem>>
      %dma_start3A_521 = tpu.memref_squeeze %dma_start3A_520 : memref<1x32xi32, #tpu.memory_space<vmem>> -> memref<32xi32, #tpu.memory_space<vmem>>
      %dma_start3A_522 = arith.constant 0 : i32
      %dma_start3A_523 = tpu.memref_slice %arg3[%add3A, %add3A_465, %dma_start3A_522] : memref<32x316x32xi32, #tpu.memory_space<hbm>> -> memref<1x1x32xi32, #tpu.memory_space<hbm>>
      %dma_start3A_524 = tpu.memref_squeeze %dma_start3A_523 : memref<1x1x32xi32, #tpu.memory_space<hbm>> -> memref<32xi32, #tpu.memory_space<hbm>>
      tpu.enqueue_dma source(%dma_start3A_524 : memref<32xi32, #tpu.memory_space<hbm>>) target(%dma_start3A_521 : memref<32xi32, #tpu.memory_space<vmem>>) target_semaphore(%arg14 : memref<!tpu.dma_semaphore, #tpu.memory_space<semaphore_mem>>)
      %dma_start3A_525 = arith.constant 0 : i32
      %dma_start3A_526 = arith.constant 0 : i32
      %dma_start3A_527 = tpu.memref_slice %arg10[%dma_start3A_525, %dma_start3A_526] : memref<1x32xi32, #tpu.memory_space<vmem>> -> memref<1x32xi32, #tpu.memory_space<vmem>>
      %dma_start3A_528 = tpu.memref_squeeze %dma_start3A_527 : memref<1x32xi32, #tpu.memory_space<vmem>> -> memref<32xi32, #tpu.memory_space<vmem>>
      %dma_start3A_529 = arith.constant 0 : i32
      %dma_start3A_530 = tpu.memref_slice %arg4[%add3A, %add3A_465, %dma_start3A_529] : memref<32x316x32xi32, #tpu.memory_space<hbm>> -> memref<1x1x32xi32, #tpu.memory_space<hbm>>
      %dma_start3A_531 = tpu.memref_squeeze %dma_start3A_530 : memref<1x1x32xi32, #tpu.memory_space<hbm>> -> memref<32xi32, #tpu.memory_space<hbm>>
      %dma_start3A_532 = arith.constant 0 : i32
      %dma_start3A_533 = tpu.memref_slice %arg10[%dma_start3A_525, %dma_start3A_532] : memref<1x32xi32, #tpu.memory_space<vmem>> -> memref<1x32xi32, #tpu.memory_space<vmem>>
      %dma_start3A_534 = tpu.memref_squeeze %dma_start3A_533 : memref<1x32xi32, #tpu.memory_space<vmem>> -> memref<32xi32, #tpu.memory_space<vmem>>
      %dma_start3A_535 = arith.constant 0 : i32
      %dma_start3A_536 = tpu.memref_slice %arg4[%add3A, %add3A_465, %dma_start3A_535] : memref<32x316x32xi32, #tpu.memory_space<hbm>> -> memref<1x1x32xi32, #tpu.memory_space<hbm>>
      %dma_start3A_537 = tpu.memref_squeeze %dma_start3A_536 : memref<1x1x32xi32, #tpu.memory_space<hbm>> -> memref<32xi32, #tpu.memory_space<hbm>>
      tpu.enqueue_dma source(%dma_start3A_537 : memref<32xi32, #tpu.memory_space<hbm>>) target(%dma_start3A_534 : memref<32xi32, #tpu.memory_space<vmem>>) target_semaphore(%arg16 : memref<!tpu.dma_semaphore, #tpu.memory_space<semaphore_mem>>)
      %dma_wait3A_538 = arith.constant 0 : i32
      %dma_wait3A_539 = arith.constant 0 : i32
      %dma_wait3A_540 = arith.constant 0 : i32
      %dma_wait3A_541 = tpu.memref_slice %arg8[%dma_wait3A_539, %dma_wait3A_540] : memref<1x32xi32, #tpu.memory_space<vmem>> -> memref<1x32xi32, #tpu.memory_space<vmem>>
      %dma_wait3A_542 = tpu.memref_squeeze %dma_wait3A_541 : memref<1x32xi32, #tpu.memory_space<vmem>> -> memref<32xi32, #tpu.memory_space<vmem>>
      %dma_wait3A_543 = arith.constant 0 : i32
      %dma_wait3A_544 = tpu.memref_slice %arg3[%add3A, %dma_wait3A_538, %dma_wait3A_543] : memref<32x316x32xi32, #tpu.memory_space<hbm>> -> memref<1x1x32xi32, #tpu.memory_space<hbm>>
      %dma_wait3A_545 = tpu.memref_squeeze %dma_wait3A_544 : memref<1x1x32xi32, #tpu.memory_space<hbm>> -> memref<32xi32, #tpu.memory_space<hbm>>
      %dma_wait3A_546 = arith.constant 0 : i32
      %dma_wait3A_547 = tpu.memref_slice %arg8[%dma_wait3A_539, %dma_wait3A_546] : memref<1x32xi32, #tpu.memory_space<vmem>> -> memref<1x32xi32, #tpu.memory_space<vmem>>
      %dma_wait3A_548 = tpu.memref_squeeze %dma_wait3A_547 : memref<1x32xi32, #tpu.memory_space<vmem>> -> memref<32xi32, #tpu.memory_space<vmem>>
      %dma_wait3A_549 = arith.constant 0 : i32
      %dma_wait3A_550 = tpu.memref_slice %arg3[%add3A, %dma_wait3A_538, %dma_wait3A_549] : memref<32x316x32xi32, #tpu.memory_space<hbm>> -> memref<1x1x32xi32, #tpu.memory_space<hbm>>
      %dma_wait3A_551 = tpu.memref_squeeze %dma_wait3A_550 : memref<1x1x32xi32, #tpu.memory_space<hbm>> -> memref<32xi32, #tpu.memory_space<hbm>>
      tpu.wait_dma2 semaphore(%arg14 : memref<!tpu.dma_semaphore, #tpu.memory_space<semaphore_mem>>) src(%dma_wait3A_551 : memref<32xi32, #tpu.memory_space<hbm>>) dst(%dma_wait3A_548 : memref<32xi32, #tpu.memory_space<vmem>>)
      %dma_wait3A_552 = arith.constant 0 : i32
      %dma_wait3A_553 = arith.constant 0 : i32
      %dma_wait3A_554 = tpu.memref_slice %arg9[%dma_wait3A_552, %dma_wait3A_553] : memref<1x32xi32, #tpu.memory_space<vmem>> -> memref<1x32xi32, #tpu.memory_space<vmem>>
      %dma_wait3A_555 = tpu.memref_squeeze %dma_wait3A_554 : memref<1x32xi32, #tpu.memory_space<vmem>> -> memref<32xi32, #tpu.memory_space<vmem>>
      %dma_wait3A_556 = arith.constant 0 : i32
      %dma_wait3A_557 = arith.constant 0 : i32
      %dma_wait3A_558 = tpu.memref_slice %arg2[%dma_wait3A_556, %dma_wait3A_557] : memref<10000x128xf32, #tpu.memory_space<hbm>> -> memref<10000x128xf32, #tpu.memory_space<hbm>>
      tpu.wait_indirect_dma semaphore(%arg19 : memref<!tpu.dma_semaphore, #tpu.memory_space<semaphore_mem>>) src(%dma_wait3A_558 : memref<10000x128xf32, #tpu.memory_space<hbm>>) dst(%arg13 : memref<32x128xf32, #tpu.memory_space<vmem>>)
      %dma_start3A_559 = arith.constant 0 : i32
      %dma_start3A_560 = arith.constant 0 : i32
      %dma_start3A_561 = tpu.memref_slice %arg8[%dma_start3A_559, %dma_start3A_560] : memref<1x32xi32, #tpu.memory_space<vmem>> -> memref<1x32xi32, #tpu.memory_space<vmem>>
      %dma_start3A_562 = tpu.memref_squeeze %dma_start3A_561 : memref<1x32xi32, #tpu.memory_space<vmem>> -> memref<32xi32, #tpu.memory_space<vmem>>
      %dma_start3A_563 = arith.constant 0 : i32
      %dma_start3A_564 = arith.constant 0 : i32
      %dma_start3A_565 = tpu.memref_slice %arg2[%dma_start3A_563, %dma_start3A_564] : memref<10000x128xf32, #tpu.memory_space<hbm>> -> memref<10000x128xf32, #tpu.memory_space<hbm>>
      tpu.enqueue_indirect_dma source(%dma_start3A_565 : memref<10000x128xf32, #tpu.memory_space<hbm>>) target(%arg12 : memref<32x128xf32, #tpu.memory_space<vmem>>) offsets(%dma_start3A_562 : memref<32xi32, #tpu.memory_space<vmem>>) semaphore(%arg18 : memref<!tpu.dma_semaphore, #tpu.memory_space<semaphore_mem>>)
      %dma_wait3A_566 = arith.constant 0 : i32
      %dma_wait3A_567 = arith.constant 0 : i32
      %dma_wait3A_568 = arith.constant 0 : i32
      %dma_wait3A_569 = tpu.memref_slice %arg11[%dma_wait3A_567, %dma_wait3A_568] : memref<1x32xi32, #tpu.memory_space<vmem>> -> memref<1x32xi32, #tpu.memory_space<vmem>>
      %dma_wait3A_570 = tpu.memref_squeeze %dma_wait3A_569 : memref<1x32xi32, #tpu.memory_space<vmem>> -> memref<32xi32, #tpu.memory_space<vmem>>
      %dma_wait3A_571 = arith.constant 0 : i32
      %dma_wait3A_572 = tpu.memref_slice %arg3[%add3A, %dma_wait3A_566, %dma_wait3A_571] : memref<32x316x32xi32, #tpu.memory_space<hbm>> -> memref<1x1x32xi32, #tpu.memory_space<hbm>>
      %dma_wait3A_573 = tpu.memref_squeeze %dma_wait3A_572 : memref<1x1x32xi32, #tpu.memory_space<hbm>> -> memref<32xi32, #tpu.memory_space<hbm>>
      %dma_wait3A_574 = arith.constant 0 : i32
      %dma_wait3A_575 = tpu.memref_slice %arg11[%dma_wait3A_567, %dma_wait3A_574] : memref<1x32xi32, #tpu.memory_space<vmem>> -> memref<1x32xi32, #tpu.memory_space<vmem>>
      %dma_wait3A_576 = tpu.memref_squeeze %dma_wait3A_575 : memref<1x32xi32, #tpu.memory_space<vmem>> -> memref<32xi32, #tpu.memory_space<vmem>>
      %dma_wait3A_577 = arith.constant 0 : i32
      %dma_wait3A_578 = tpu.memref_slice %arg3[%add3A, %dma_wait3A_566, %dma_wait3A_577] : memref<32x316x32xi32, #tpu.memory_space<hbm>> -> memref<1x1x32xi32, #tpu.memory_space<hbm>>
      %dma_wait3A_579 = tpu.memref_squeeze %dma_wait3A_578 : memref<1x1x32xi32, #tpu.memory_space<hbm>> -> memref<32xi32, #tpu.memory_space<hbm>>
      tpu.wait_dma2 semaphore(%arg17 : memref<!tpu.dma_semaphore, #tpu.memory_space<semaphore_mem>>) src(%dma_wait3A_579 : memref<32xi32, #tpu.memory_space<hbm>>) dst(%dma_wait3A_576 : memref<32xi32, #tpu.memory_space<vmem>>)
      %run_scoped3A_580 = arith.constant 0 : i32
      "tpu.region"() ({
        %run_scoped3A_607 = tpu.sem_alloc : memref<!tpu.dma_semaphore, #tpu.memory_space<semaphore_mem>>
        %dma_start3A_608 = arith.constant 0 : i32
        %dma_start3A_609 = tpu.memref_slice %arg11[%run_scoped3A_580, %dma_start3A_608] : memref<1x32xi32, #tpu.memory_space<vmem>> -> memref<1x32xi32, #tpu.memory_space<vmem>>
        %dma_start3A_610 = tpu.memref_squeeze %dma_start3A_609 : memref<1x32xi32, #tpu.memory_space<vmem>> -> memref<32xi32, #tpu.memory_space<vmem>>
        %dma_start3A_611 = arith.constant 0 : i32
        %dma_start3A_612 = arith.constant 0 : i32
        %dma_start3A_613 = tpu.memref_slice %arg7[%dma_start3A_611, %dma_start3A_612] : memref<10112x128xf32, #tpu.memory_space<vmem_shared>> -> memref<10112x128xf32, #tpu.memory_space<vmem_shared>>
        tpu.enqueue_indirect_dma source(%arg13 : memref<32x128xf32, #tpu.memory_space<vmem>>) target(%dma_start3A_613 : memref<10112x128xf32, #tpu.memory_space<vmem_shared>>) offsets(%dma_start3A_610 : memref<32xi32, #tpu.memory_space<vmem>>) semaphore(%run_scoped3A_607 : memref<!tpu.dma_semaphore, #tpu.memory_space<semaphore_mem>>) {add = true}
        %dma_wait3A_614 = arith.constant 0 : i32
        %dma_wait3A_615 = tpu.memref_slice %arg11[%run_scoped3A_580, %dma_wait3A_614] : memref<1x32xi32, #tpu.memory_space<vmem>> -> memref<1x32xi32, #tpu.memory_space<vmem>>
        %dma_wait3A_616 = tpu.memref_squeeze %dma_wait3A_615 : memref<1x32xi32, #tpu.memory_space<vmem>> -> memref<32xi32, #tpu.memory_space<vmem>>
        %dma_wait3A_617 = arith.constant 0 : i32
        %dma_wait3A_618 = arith.constant 0 : i32
        %dma_wait3A_619 = tpu.memref_slice %arg7[%dma_wait3A_617, %dma_wait3A_618] : memref<10112x128xf32, #tpu.memory_space<vmem_shared>> -> memref<10112x128xf32, #tpu.memory_space<vmem_shared>>
        tpu.wait_indirect_dma semaphore(%run_scoped3A_607 : memref<!tpu.dma_semaphore, #tpu.memory_space<semaphore_mem>>) src(%arg13 : memref<32x128xf32, #tpu.memory_space<vmem>>) dst(%dma_wait3A_619 : memref<10112x128xf32, #tpu.memory_space<vmem_shared>>)
        tpu.yield
      }) : () -> ()
      %dma_start3A_581 = arith.constant 0 : i32
      %dma_start3A_582 = arith.constant 0 : i32
      %dma_start3A_583 = tpu.memref_slice %arg9[%dma_start3A_581, %dma_start3A_582] : memref<1x32xi32, #tpu.memory_space<vmem>> -> memref<1x32xi32, #tpu.memory_space<vmem>>
      %dma_start3A_584 = tpu.memref_squeeze %dma_start3A_583 : memref<1x32xi32, #tpu.memory_space<vmem>> -> memref<32xi32, #tpu.memory_space<vmem>>
      %dma_start3A_585 = arith.constant 0 : i32
      %dma_start3A_586 = tpu.memref_slice %arg3[%add3A, %add3A_469, %dma_start3A_585] : memref<32x316x32xi32, #tpu.memory_space<hbm>> -> memref<1x1x32xi32, #tpu.memory_space<hbm>>
      %dma_start3A_587 = tpu.memref_squeeze %dma_start3A_586 : memref<1x1x32xi32, #tpu.memory_space<hbm>> -> memref<32xi32, #tpu.memory_space<hbm>>
      %dma_start3A_588 = arith.constant 0 : i32
      %dma_start3A_589 = tpu.memref_slice %arg9[%dma_start3A_581, %dma_start3A_588] : memref<1x32xi32, #tpu.memory_space<vmem>> -> memref<1x32xi32, #tpu.memory_space<vmem>>
      %dma_start3A_590 = tpu.memref_squeeze %dma_start3A_589 : memref<1x32xi32, #tpu.memory_space<vmem>> -> memref<32xi32, #tpu.memory_space<vmem>>
      %dma_start3A_591 = arith.constant 0 : i32
      %dma_start3A_592 = tpu.memref_slice %arg3[%add3A, %add3A_469, %dma_start3A_591] : memref<32x316x32xi32, #tpu.memory_space<hbm>> -> memref<1x1x32xi32, #tpu.memory_space<hbm>>
      %dma_start3A_593 = tpu.memref_squeeze %dma_start3A_592 : memref<1x1x32xi32, #tpu.memory_space<hbm>> -> memref<32xi32, #tpu.memory_space<hbm>>
      tpu.enqueue_dma source(%dma_start3A_593 : memref<32xi32, #tpu.memory_space<hbm>>) target(%dma_start3A_590 : memref<32xi32, #tpu.memory_space<vmem>>) target_semaphore(%arg15 : memref<!tpu.dma_semaphore, #tpu.memory_space<semaphore_mem>>)
      %dma_start3A_594 = arith.constant 0 : i32
      %dma_start3A_595 = arith.constant 0 : i32
      %dma_start3A_596 = tpu.memref_slice %arg11[%dma_start3A_594, %dma_start3A_595] : memref<1x32xi32, #tpu.memory_space<vmem>> -> memref<1x32xi32, #tpu.memory_space<vmem>>
      %dma_start3A_597 = tpu.memref_squeeze %dma_start3A_596 : memref<1x32xi32, #tpu.memory_space<vmem>> -> memref<32xi32, #tpu.memory_space<vmem>>
      %dma_start3A_598 = arith.constant 0 : i32
      %dma_start3A_599 = tpu.memref_slice %arg4[%add3A, %add3A_469, %dma_start3A_598] : memref<32x316x32xi32, #tpu.memory_space<hbm>> -> memref<1x1x32xi32, #tpu.memory_space<hbm>>
      %dma_start3A_600 = tpu.memref_squeeze %dma_start3A_599 : memref<1x1x32xi32, #tpu.memory_space<hbm>> -> memref<32xi32, #tpu.memory_space<hbm>>
      %dma_start3A_601 = arith.constant 0 : i32
      %dma_start3A_602 = tpu.memref_slice %arg11[%dma_start3A_594, %dma_start3A_601] : memref<1x32xi32, #tpu.memory_space<vmem>> -> memref<1x32xi32, #tpu.memory_space<vmem>>
      %dma_start3A_603 = tpu.memref_squeeze %dma_start3A_602 : memref<1x32xi32, #tpu.memory_space<vmem>> -> memref<32xi32, #tpu.memory_space<vmem>>
      %dma_start3A_604 = arith.constant 0 : i32
      %dma_start3A_605 = tpu.memref_slice %arg4[%add3A, %add3A_469, %dma_start3A_604] : memref<32x316x32xi32, #tpu.memory_space<hbm>> -> memref<1x1x32xi32, #tpu.memory_space<hbm>>
      %dma_start3A_606 = tpu.memref_squeeze %dma_start3A_605 : memref<1x1x32xi32, #tpu.memory_space<hbm>> -> memref<32xi32, #tpu.memory_space<hbm>>
      tpu.enqueue_dma source(%dma_start3A_606 : memref<32xi32, #tpu.memory_space<hbm>>) target(%dma_start3A_603 : memref<32xi32, #tpu.memory_space<vmem>>) target_semaphore(%arg17 : memref<!tpu.dma_semaphore, #tpu.memory_space<semaphore_mem>>)
    }
    %scan3A_134 = arith.constant 157 : i32
    %dma_wait3A_135 = arith.constant 0 : i32
    %dma_wait3A_136 = arith.constant 0 : i32
    %dma_wait3A_137 = tpu.memref_slice %arg8[%dma_wait3A_135, %dma_wait3A_136] : memref<1x32xi32, #tpu.memory_space<vmem>> -> memref<1x32xi32, #tpu.memory_space<vmem>>
    %dma_wait3A_138 = tpu.memref_squeeze %dma_wait3A_137 : memref<1x32xi32, #tpu.memory_space<vmem>> -> memref<32xi32, #tpu.memory_space<vmem>>
    %dma_wait3A_139 = arith.constant 0 : i32
    %dma_wait3A_140 = arith.constant 0 : i32
    %dma_wait3A_141 = tpu.memref_slice %arg2[%dma_wait3A_139, %dma_wait3A_140] : memref<10000x128xf32, #tpu.memory_space<hbm>> -> memref<10000x128xf32, #tpu.memory_space<hbm>>
    tpu.wait_indirect_dma semaphore(%arg18 : memref<!tpu.dma_semaphore, #tpu.memory_space<semaphore_mem>>) src(%dma_wait3A_141 : memref<10000x128xf32, #tpu.memory_space<hbm>>) dst(%arg12 : memref<32x128xf32, #tpu.memory_space<vmem>>)
    %dma_wait3A_142 = arith.constant 0 : i32
    %dma_wait3A_143 = arith.constant 0 : i32
    %dma_wait3A_144 = arith.constant 0 : i32
    %dma_wait3A_145 = tpu.memref_slice %arg10[%dma_wait3A_143, %dma_wait3A_144] : memref<1x32xi32, #tpu.memory_space<vmem>> -> memref<1x32xi32, #tpu.memory_space<vmem>>
    %dma_wait3A_146 = tpu.memref_squeeze %dma_wait3A_145 : memref<1x32xi32, #tpu.memory_space<vmem>> -> memref<32xi32, #tpu.memory_space<vmem>>
    %dma_wait3A_147 = arith.constant 0 : i32
    %dma_wait3A_148 = tpu.memref_slice %arg3[%add3A, %dma_wait3A_142, %dma_wait3A_147] : memref<32x316x32xi32, #tpu.memory_space<hbm>> -> memref<1x1x32xi32, #tpu.memory_space<hbm>>
    %dma_wait3A_149 = tpu.memref_squeeze %dma_wait3A_148 : memref<1x1x32xi32, #tpu.memory_space<hbm>> -> memref<32xi32, #tpu.memory_space<hbm>>
    %dma_wait3A_150 = arith.constant 0 : i32
    %dma_wait3A_151 = tpu.memref_slice %arg10[%dma_wait3A_143, %dma_wait3A_150] : memref<1x32xi32, #tpu.memory_space<vmem>> -> memref<1x32xi32, #tpu.memory_space<vmem>>
    %dma_wait3A_152 = tpu.memref_squeeze %dma_wait3A_151 : memref<1x32xi32, #tpu.memory_space<vmem>> -> memref<32xi32, #tpu.memory_space<vmem>>
    %dma_wait3A_153 = arith.constant 0 : i32
    %dma_wait3A_154 = tpu.memref_slice %arg3[%add3A, %dma_wait3A_142, %dma_wait3A_153] : memref<32x316x32xi32, #tpu.memory_space<hbm>> -> memref<1x1x32xi32, #tpu.memory_space<hbm>>
    %dma_wait3A_155 = tpu.memref_squeeze %dma_wait3A_154 : memref<1x1x32xi32, #tpu.memory_space<hbm>> -> memref<32xi32, #tpu.memory_space<hbm>>
    tpu.wait_dma2 semaphore(%arg16 : memref<!tpu.dma_semaphore, #tpu.memory_space<semaphore_mem>>) src(%dma_wait3A_155 : memref<32xi32, #tpu.memory_space<hbm>>) dst(%dma_wait3A_152 : memref<32xi32, #tpu.memory_space<vmem>>)
    %dma_wait3A_156 = arith.constant 0 : i32
    %dma_wait3A_157 = arith.constant 0 : i32
    %dma_wait3A_158 = arith.constant 0 : i32
    %dma_wait3A_159 = tpu.memref_slice %arg9[%dma_wait3A_157, %dma_wait3A_158] : memref<1x32xi32, #tpu.memory_space<vmem>> -> memref<1x32xi32, #tpu.memory_space<vmem>>
    %dma_wait3A_160 = tpu.memref_squeeze %dma_wait3A_159 : memref<1x32xi32, #tpu.memory_space<vmem>> -> memref<32xi32, #tpu.memory_space<vmem>>
    %dma_wait3A_161 = arith.constant 0 : i32
    %dma_wait3A_162 = tpu.memref_slice %arg3[%add3A, %dma_wait3A_156, %dma_wait3A_161] : memref<32x316x32xi32, #tpu.memory_space<hbm>> -> memref<1x1x32xi32, #tpu.memory_space<hbm>>
    %dma_wait3A_163 = tpu.memref_squeeze %dma_wait3A_162 : memref<1x1x32xi32, #tpu.memory_space<hbm>> -> memref<32xi32, #tpu.memory_space<hbm>>
    %dma_wait3A_164 = arith.constant 0 : i32
    %dma_wait3A_165 = tpu.memref_slice %arg9[%dma_wait3A_157, %dma_wait3A_164] : memref<1x32xi32, #tpu.memory_space<vmem>> -> memref<1x32xi32, #tpu.memory_space<vmem>>
    %dma_wait3A_166 = tpu.memref_squeeze %dma_wait3A_165 : memref<1x32xi32, #tpu.memory_space<vmem>> -> memref<32xi32, #tpu.memory_space<vmem>>
    %dma_wait3A_167 = arith.constant 0 : i32
    %dma_wait3A_168 = tpu.memref_slice %arg3[%add3A, %dma_wait3A_156, %dma_wait3A_167] : memref<32x316x32xi32, #tpu.memory_space<hbm>> -> memref<1x1x32xi32, #tpu.memory_space<hbm>>
    %dma_wait3A_169 = tpu.memref_squeeze %dma_wait3A_168 : memref<1x1x32xi32, #tpu.memory_space<hbm>> -> memref<32xi32, #tpu.memory_space<hbm>>
    tpu.wait_dma2 semaphore(%arg15 : memref<!tpu.dma_semaphore, #tpu.memory_space<semaphore_mem>>) src(%dma_wait3A_169 : memref<32xi32, #tpu.memory_space<hbm>>) dst(%dma_wait3A_166 : memref<32xi32, #tpu.memory_space<vmem>>)
    %dma_wait3A_170 = arith.constant 0 : i32
    %dma_wait3A_171 = arith.constant 0 : i32
    %dma_wait3A_172 = arith.constant 0 : i32
    %dma_wait3A_173 = tpu.memref_slice %arg11[%dma_wait3A_171, %dma_wait3A_172] : memref<1x32xi32, #tpu.memory_space<vmem>> -> memref<1x32xi32, #tpu.memory_space<vmem>>
    %dma_wait3A_174 = tpu.memref_squeeze %dma_wait3A_173 : memref<1x32xi32, #tpu.memory_space<vmem>> -> memref<32xi32, #tpu.memory_space<vmem>>
    %dma_wait3A_175 = arith.constant 0 : i32
    %dma_wait3A_176 = tpu.memref_slice %arg3[%add3A, %dma_wait3A_170, %dma_wait3A_175] : memref<32x316x32xi32, #tpu.memory_space<hbm>> -> memref<1x1x32xi32, #tpu.memory_space<hbm>>
    %dma_wait3A_177 = tpu.memref_squeeze %dma_wait3A_176 : memref<1x1x32xi32, #tpu.memory_space<hbm>> -> memref<32xi32, #tpu.memory_space<hbm>>
    %dma_wait3A_178 = arith.constant 0 : i32
    %dma_wait3A_179 = tpu.memref_slice %arg11[%dma_wait3A_171, %dma_wait3A_178] : memref<1x32xi32, #tpu.memory_space<vmem>> -> memref<1x32xi32, #tpu.memory_space<vmem>>
    %dma_wait3A_180 = tpu.memref_squeeze %dma_wait3A_179 : memref<1x32xi32, #tpu.memory_space<vmem>> -> memref<32xi32, #tpu.memory_space<vmem>>
    %dma_wait3A_181 = arith.constant 0 : i32
    %dma_wait3A_182 = tpu.memref_slice %arg3[%add3A, %dma_wait3A_170, %dma_wait3A_181] : memref<32x316x32xi32, #tpu.memory_space<hbm>> -> memref<1x1x32xi32, #tpu.memory_space<hbm>>
    %dma_wait3A_183 = tpu.memref_squeeze %dma_wait3A_182 : memref<1x1x32xi32, #tpu.memory_space<hbm>> -> memref<32xi32, #tpu.memory_space<hbm>>
    tpu.wait_dma2 semaphore(%arg17 : memref<!tpu.dma_semaphore, #tpu.memory_space<semaphore_mem>>) src(%dma_wait3A_183 : memref<32xi32, #tpu.memory_space<hbm>>) dst(%dma_wait3A_180 : memref<32xi32, #tpu.memory_space<vmem>>)
    %barrier3A_184 = arith.constant 0 : index
    tpu.barrier barrier_id(%barrier3A_184)
    "tpu.trace_stop"() : () -> ()
    "tpu.trace_start"() <{level = 10 : i32, message = "sc_wo1"}> : () -> ()
    %add3A_185 = arith.constant 0 : i32
    %add3A_186 = arith.addi %mul3A_2, %add3A_185 : i32
    "tpu.region"() ({
      %run_scoped3A = tpu.sem_alloc : memref<!tpu.dma_semaphore, #tpu.memory_space<semaphore_mem>>
      %dma_start3A_461 = arith.constant 0 : i32
      %dma_start3A_462 = arith.constant 0 : i32
      %dma_start3A_463 = tpu.memref_slice %arg12[%dma_start3A_461, %dma_start3A_462] : memref<32x128xf32, #tpu.memory_space<vmem>> -> memref<32x128xf32, #tpu.memory_space<vmem>>
      %dma_start3A_464 = arith.constant 0 : i32
      %dma_start3A_465 = tpu.memref_slice %arg7[%add3A_186, %dma_start3A_464] : memref<10112x128xf32, #tpu.memory_space<vmem_shared>> -> memref<32x128xf32, #tpu.memory_space<vmem_shared>>
      %dma_start3A_466 = arith.constant 0 : i32
      %dma_start3A_467 = arith.constant 0 : i32
      %dma_start3A_468 = tpu.memref_slice %arg12[%dma_start3A_466, %dma_start3A_467] : memref<32x128xf32, #tpu.memory_space<vmem>> -> memref<32x128xf32, #tpu.memory_space<vmem>>
      %dma_start3A_469 = arith.constant 0 : i32
      %dma_start3A_470 = tpu.memref_slice %arg7[%add3A_186, %dma_start3A_469] : memref<10112x128xf32, #tpu.memory_space<vmem_shared>> -> memref<32x128xf32, #tpu.memory_space<vmem_shared>>
      tpu.enqueue_dma source(%dma_start3A_470 : memref<32x128xf32, #tpu.memory_space<vmem_shared>>) target(%dma_start3A_468 : memref<32x128xf32, #tpu.memory_space<vmem>>) target_semaphore(%run_scoped3A : memref<!tpu.dma_semaphore, #tpu.memory_space<semaphore_mem>>)
      %dma_wait3A_471 = arith.constant 0 : i32
      %dma_wait3A_472 = arith.constant 0 : i32
      %dma_wait3A_473 = tpu.memref_slice %arg12[%dma_wait3A_471, %dma_wait3A_472] : memref<32x128xf32, #tpu.memory_space<vmem>> -> memref<32x128xf32, #tpu.memory_space<vmem>>
      %dma_wait3A_474 = arith.constant 0 : i32
      %dma_wait3A_475 = tpu.memref_slice %arg7[%add3A_186, %dma_wait3A_474] : memref<10112x128xf32, #tpu.memory_space<vmem_shared>> -> memref<32x128xf32, #tpu.memory_space<vmem_shared>>
      %dma_wait3A_476 = arith.constant 0 : i32
      %dma_wait3A_477 = arith.constant 0 : i32
      %dma_wait3A_478 = tpu.memref_slice %arg12[%dma_wait3A_476, %dma_wait3A_477] : memref<32x128xf32, #tpu.memory_space<vmem>> -> memref<32x128xf32, #tpu.memory_space<vmem>>
      %dma_wait3A_479 = arith.constant 0 : i32
      %dma_wait3A_480 = tpu.memref_slice %arg7[%add3A_186, %dma_wait3A_479] : memref<10112x128xf32, #tpu.memory_space<vmem_shared>> -> memref<32x128xf32, #tpu.memory_space<vmem_shared>>
      tpu.wait_dma2 semaphore(%run_scoped3A : memref<!tpu.dma_semaphore, #tpu.memory_space<semaphore_mem>>) src(%dma_wait3A_480 : memref<32x128xf32, #tpu.memory_space<vmem_shared>>) dst(%dma_wait3A_478 : memref<32x128xf32, #tpu.memory_space<vmem>>)
      tpu.yield
    }) : () -> ()
    %add3A_187 = arith.constant 0 : i32
    %add3A_188 = arith.addi %add3A_5, %add3A_187 : i32
    "tpu.region"() ({
      %run_scoped3A = tpu.sem_alloc : memref<!tpu.dma_semaphore, #tpu.memory_space<semaphore_mem>>
      %dma_start3A_461 = arith.constant 0 : i32
      %dma_start3A_462 = arith.constant 0 : i32
      %dma_start3A_463 = tpu.memref_slice %arg12[%dma_start3A_461, %dma_start3A_462] : memref<32x128xf32, #tpu.memory_space<vmem>> -> memref<32x128xf32, #tpu.memory_space<vmem>>
      %dma_start3A_464 = arith.constant 0 : i32
      %dma_start3A_465 = tpu.memref_slice %arg5[%add3A_188, %dma_start3A_464] : memref<20224x128xf32, #tpu.memory_space<hbm>> -> memref<32x128xf32, #tpu.memory_space<hbm>>
      %dma_start3A_466 = arith.constant 0 : i32
      %dma_start3A_467 = tpu.memref_slice %arg5[%add3A_188, %dma_start3A_466] : memref<20224x128xf32, #tpu.memory_space<hbm>> -> memref<32x128xf32, #tpu.memory_space<hbm>>
      %dma_start3A_468 = arith.constant 0 : i32
      %dma_start3A_469 = arith.constant 0 : i32
      %dma_start3A_470 = tpu.memref_slice %arg12[%dma_start3A_468, %dma_start3A_469] : memref<32x128xf32, #tpu.memory_space<vmem>> -> memref<32x128xf32, #tpu.memory_space<vmem>>
      tpu.enqueue_dma source(%dma_start3A_470 : memref<32x128xf32, #tpu.memory_space<vmem>>) target(%dma_start3A_467 : memref<32x128xf32, #tpu.memory_space<hbm>>) target_semaphore(%run_scoped3A : memref<!tpu.dma_semaphore, #tpu.memory_space<semaphore_mem>>)
      %dma_wait3A_471 = arith.constant 0 : i32
      %dma_wait3A_472 = arith.constant 0 : i32
      %dma_wait3A_473 = tpu.memref_slice %arg12[%dma_wait3A_471, %dma_wait3A_472] : memref<32x128xf32, #tpu.memory_space<vmem>> -> memref<32x128xf32, #tpu.memory_space<vmem>>
      %dma_wait3A_474 = arith.constant 0 : i32
      %dma_wait3A_475 = tpu.memref_slice %arg5[%add3A_188, %dma_wait3A_474] : memref<20224x128xf32, #tpu.memory_space<hbm>> -> memref<32x128xf32, #tpu.memory_space<hbm>>
      %dma_wait3A_476 = arith.constant 0 : i32
      %dma_wait3A_477 = tpu.memref_slice %arg5[%add3A_188, %dma_wait3A_476] : memref<20224x128xf32, #tpu.memory_space<hbm>> -> memref<32x128xf32, #tpu.memory_space<hbm>>
      %dma_wait3A_478 = arith.constant 0 : i32
      %dma_wait3A_479 = arith.constant 0 : i32
      %dma_wait3A_480 = tpu.memref_slice %arg12[%dma_wait3A_478, %dma_wait3A_479] : memref<32x128xf32, #tpu.memory_space<vmem>> -> memref<32x128xf32, #tpu.memory_space<vmem>>
      tpu.wait_dma2 semaphore(%run_scoped3A : memref<!tpu.dma_semaphore, #tpu.memory_space<semaphore_mem>>) src(%dma_wait3A_480 : memref<32x128xf32, #tpu.memory_space<vmem>>) dst(%dma_wait3A_477 : memref<32x128xf32, #tpu.memory_space<hbm>>)
      tpu.yield
    }) : () -> ()
    %add3A_189 = arith.constant 32 : i32
    %add3A_190 = arith.addi %mul3A_2, %add3A_189 : i32
    "tpu.region"() ({
      %run_scoped3A = tpu.sem_alloc : memref<!tpu.dma_semaphore, #tpu.memory_space<semaphore_mem>>
      %dma_start3A_461 = arith.constant 0 : i32
      %dma_start3A_462 = arith.constant 0 : i32
      %dma_start3A_463 = tpu.memref_slice %arg12[%dma_start3A_461, %dma_start3A_462] : memref<32x128xf32, #tpu.memory_space<vmem>> -> memref<32x128xf32, #tpu.memory_space<vmem>>
      %dma_start3A_464 = arith.constant 0 : i32
      %dma_start3A_465 = tpu.memref_slice %arg7[%add3A_190, %dma_start3A_464] : memref<10112x128xf32, #tpu.memory_space<vmem_shared>> -> memref<32x128xf32, #tpu.memory_space<vmem_shared>>
      %dma_start3A_466 = arith.constant 0 : i32
      %dma_start3A_467 = arith.constant 0 : i32
      %dma_start3A_468 = tpu.memref_slice %arg12[%dma_start3A_466, %dma_start3A_467] : memref<32x128xf32, #tpu.memory_space<vmem>> -> memref<32x128xf32, #tpu.memory_space<vmem>>
      %dma_start3A_469 = arith.constant 0 : i32
      %dma_start3A_470 = tpu.memref_slice %arg7[%add3A_190, %dma_start3A_469] : memref<10112x128xf32, #tpu.memory_space<vmem_shared>> -> memref<32x128xf32, #tpu.memory_space<vmem_shared>>
      tpu.enqueue_dma source(%dma_start3A_470 : memref<32x128xf32, #tpu.memory_space<vmem_shared>>) target(%dma_start3A_468 : memref<32x128xf32, #tpu.memory_space<vmem>>) target_semaphore(%run_scoped3A : memref<!tpu.dma_semaphore, #tpu.memory_space<semaphore_mem>>)
      %dma_wait3A_471 = arith.constant 0 : i32
      %dma_wait3A_472 = arith.constant 0 : i32
      %dma_wait3A_473 = tpu.memref_slice %arg12[%dma_wait3A_471, %dma_wait3A_472] : memref<32x128xf32, #tpu.memory_space<vmem>> -> memref<32x128xf32, #tpu.memory_space<vmem>>
      %dma_wait3A_474 = arith.constant 0 : i32
      %dma_wait3A_475 = tpu.memref_slice %arg7[%add3A_190, %dma_wait3A_474] : memref<10112x128xf32, #tpu.memory_space<vmem_shared>> -> memref<32x128xf32, #tpu.memory_space<vmem_shared>>
      %dma_wait3A_476 = arith.constant 0 : i32
      %dma_wait3A_477 = arith.constant 0 : i32
      %dma_wait3A_478 = tpu.memref_slice %arg12[%dma_wait3A_476, %dma_wait3A_477] : memref<32x128xf32, #tpu.memory_space<vmem>> -> memref<32x128xf32, #tpu.memory_space<vmem>>
      %dma_wait3A_479 = arith.constant 0 : i32
      %dma_wait3A_480 = tpu.memref_slice %arg7[%add3A_190, %dma_wait3A_479] : memref<10112x128xf32, #tpu.memory_space<vmem_shared>> -> memref<32x128xf32, #tpu.memory_space<vmem_shared>>
      tpu.wait_dma2 semaphore(%run_scoped3A : memref<!tpu.dma_semaphore, #tpu.memory_space<semaphore_mem>>) src(%dma_wait3A_480 : memref<32x128xf32, #tpu.memory_space<vmem_shared>>) dst(%dma_wait3A_478 : memref<32x128xf32, #tpu.memory_space<vmem>>)
      tpu.yield
    }) : () -> ()
    %add3A_191 = arith.constant 32 : i32
    %add3A_192 = arith.addi %add3A_5, %add3A_191 : i32
    "tpu.region"() ({
      %run_scoped3A = tpu.sem_alloc : memref<!tpu.dma_semaphore, #tpu.memory_space<semaphore_mem>>
      %dma_start3A_461 = arith.constant 0 : i32
      %dma_start3A_462 = arith.constant 0 : i32
      %dma_start3A_463 = tpu.memref_slice %arg12[%dma_start3A_461, %dma_start3A_462] : memref<32x128xf32, #tpu.memory_space<vmem>> -> memref<32x128xf32, #tpu.memory_space<vmem>>
      %dma_start3A_464 = arith.constant 0 : i32
      %dma_start3A_465 = tpu.memref_slice %arg5[%add3A_192, %dma_start3A_464] : memref<20224x128xf32, #tpu.memory_space<hbm>> -> memref<32x128xf32, #tpu.memory_space<hbm>>
      %dma_start3A_466 = arith.constant 0 : i32
      %dma_start3A_467 = tpu.memref_slice %arg5[%add3A_192, %dma_start3A_466] : memref<20224x128xf32, #tpu.memory_space<hbm>> -> memref<32x128xf32, #tpu.memory_space<hbm>>
      %dma_start3A_468 = arith.constant 0 : i32
      %dma_start3A_469 = arith.constant 0 : i32
      %dma_start3A_470 = tpu.memref_slice %arg12[%dma_start3A_468, %dma_start3A_469] : memref<32x128xf32, #tpu.memory_space<vmem>> -> memref<32x128xf32, #tpu.memory_space<vmem>>
      tpu.enqueue_dma source(%dma_start3A_470 : memref<32x128xf32, #tpu.memory_space<vmem>>) target(%dma_start3A_467 : memref<32x128xf32, #tpu.memory_space<hbm>>) target_semaphore(%run_scoped3A : memref<!tpu.dma_semaphore, #tpu.memory_space<semaphore_mem>>)
      %dma_wait3A_471 = arith.constant 0 : i32
      %dma_wait3A_472 = arith.constant 0 : i32
      %dma_wait3A_473 = tpu.memref_slice %arg12[%dma_wait3A_471, %dma_wait3A_472] : memref<32x128xf32, #tpu.memory_space<vmem>> -> memref<32x128xf32, #tpu.memory_space<vmem>>
      %dma_wait3A_474 = arith.constant 0 : i32
      %dma_wait3A_475 = tpu.memref_slice %arg5[%add3A_192, %dma_wait3A_474] : memref<20224x128xf32, #tpu.memory_space<hbm>> -> memref<32x128xf32, #tpu.memory_space<hbm>>
      %dma_wait3A_476 = arith.constant 0 : i32
      %dma_wait3A_477 = tpu.memref_slice %arg5[%add3A_192, %dma_wait3A_476] : memref<20224x128xf32, #tpu.memory_space<hbm>> -> memref<32x128xf32, #tpu.memory_space<hbm>>
      %dma_wait3A_478 = arith.constant 0 : i32
      %dma_wait3A_479 = arith.constant 0 : i32
      %dma_wait3A_480 = tpu.memref_slice %arg12[%dma_wait3A_478, %dma_wait3A_479] : memref<32x128xf32, #tpu.memory_space<vmem>> -> memref<32x128xf32, #tpu.memory_space<vmem>>
      tpu.wait_dma2 semaphore(%run_scoped3A : memref<!tpu.dma_semaphore, #tpu.memory_space<semaphore_mem>>) src(%dma_wait3A_480 : memref<32x128xf32, #tpu.memory_space<vmem>>) dst(%dma_wait3A_477 : memref<32x128xf32, #tpu.memory_space<hbm>>)
      tpu.yield
    }) : () -> ()
    %add3A_193 = arith.constant 64 : i32
    %add3A_194 = arith.addi %mul3A_2, %add3A_193 : i32
    "tpu.region"() ({
      %run_scoped3A = tpu.sem_alloc : memref<!tpu.dma_semaphore, #tpu.memory_space<semaphore_mem>>
      %dma_start3A_461 = arith.constant 0 : i32
      %dma_start3A_462 = arith.constant 0 : i32
      %dma_start3A_463 = tpu.memref_slice %arg12[%dma_start3A_461, %dma_start3A_462] : memref<32x128xf32, #tpu.memory_space<vmem>> -> memref<32x128xf32, #tpu.memory_space<vmem>>
      %dma_start3A_464 = arith.constant 0 : i32
      %dma_start3A_465 = tpu.memref_slice %arg7[%add3A_194, %dma_start3A_464] : memref<10112x128xf32, #tpu.memory_space<vmem_shared>> -> memref<32x128xf32, #tpu.memory_space<vmem_shared>>
      %dma_start3A_466 = arith.constant 0 : i32
      %dma_start3A_467 = arith.constant 0 : i32
      %dma_start3A_468 = tpu.memref_slice %arg12[%dma_start3A_466, %dma_start3A_467] : memref<32x128xf32, #tpu.memory_space<vmem>> -> memref<32x128xf32, #tpu.memory_space<vmem>>
      %dma_start3A_469 = arith.constant 0 : i32
      %dma_start3A_470 = tpu.memref_slice %arg7[%add3A_194, %dma_start3A_469] : memref<10112x128xf32, #tpu.memory_space<vmem_shared>> -> memref<32x128xf32, #tpu.memory_space<vmem_shared>>
      tpu.enqueue_dma source(%dma_start3A_470 : memref<32x128xf32, #tpu.memory_space<vmem_shared>>) target(%dma_start3A_468 : memref<32x128xf32, #tpu.memory_space<vmem>>) target_semaphore(%run_scoped3A : memref<!tpu.dma_semaphore, #tpu.memory_space<semaphore_mem>>)
      %dma_wait3A_471 = arith.constant 0 : i32
      %dma_wait3A_472 = arith.constant 0 : i32
      %dma_wait3A_473 = tpu.memref_slice %arg12[%dma_wait3A_471, %dma_wait3A_472] : memref<32x128xf32, #tpu.memory_space<vmem>> -> memref<32x128xf32, #tpu.memory_space<vmem>>
      %dma_wait3A_474 = arith.constant 0 : i32
      %dma_wait3A_475 = tpu.memref_slice %arg7[%add3A_194, %dma_wait3A_474] : memref<10112x128xf32, #tpu.memory_space<vmem_shared>> -> memref<32x128xf32, #tpu.memory_space<vmem_shared>>
      %dma_wait3A_476 = arith.constant 0 : i32
      %dma_wait3A_477 = arith.constant 0 : i32
      %dma_wait3A_478 = tpu.memref_slice %arg12[%dma_wait3A_476, %dma_wait3A_477] : memref<32x128xf32, #tpu.memory_space<vmem>> -> memref<32x128xf32, #tpu.memory_space<vmem>>
      %dma_wait3A_479 = arith.constant 0 : i32
      %dma_wait3A_480 = tpu.memref_slice %arg7[%add3A_194, %dma_wait3A_479] : memref<10112x128xf32, #tpu.memory_space<vmem_shared>> -> memref<32x128xf32, #tpu.memory_space<vmem_shared>>
      tpu.wait_dma2 semaphore(%run_scoped3A : memref<!tpu.dma_semaphore, #tpu.memory_space<semaphore_mem>>) src(%dma_wait3A_480 : memref<32x128xf32, #tpu.memory_space<vmem_shared>>) dst(%dma_wait3A_478 : memref<32x128xf32, #tpu.memory_space<vmem>>)
      tpu.yield
    }) : () -> ()
    %add3A_195 = arith.constant 64 : i32
    %add3A_196 = arith.addi %add3A_5, %add3A_195 : i32
    "tpu.region"() ({
      %run_scoped3A = tpu.sem_alloc : memref<!tpu.dma_semaphore, #tpu.memory_space<semaphore_mem>>
      %dma_start3A_461 = arith.constant 0 : i32
      %dma_start3A_462 = arith.constant 0 : i32
      %dma_start3A_463 = tpu.memref_slice %arg12[%dma_start3A_461, %dma_start3A_462] : memref<32x128xf32, #tpu.memory_space<vmem>> -> memref<32x128xf32, #tpu.memory_space<vmem>>
      %dma_start3A_464 = arith.constant 0 : i32
      %dma_start3A_465 = tpu.memref_slice %arg5[%add3A_196, %dma_start3A_464] : memref<20224x128xf32, #tpu.memory_space<hbm>> -> memref<32x128xf32, #tpu.memory_space<hbm>>
      %dma_start3A_466 = arith.constant 0 : i32
      %dma_start3A_467 = tpu.memref_slice %arg5[%add3A_196, %dma_start3A_466] : memref<20224x128xf32, #tpu.memory_space<hbm>> -> memref<32x128xf32, #tpu.memory_space<hbm>>
      %dma_start3A_468 = arith.constant 0 : i32
      %dma_start3A_469 = arith.constant 0 : i32
      %dma_start3A_470 = tpu.memref_slice %arg12[%dma_start3A_468, %dma_start3A_469] : memref<32x128xf32, #tpu.memory_space<vmem>> -> memref<32x128xf32, #tpu.memory_space<vmem>>
      tpu.enqueue_dma source(%dma_start3A_470 : memref<32x128xf32, #tpu.memory_space<vmem>>) target(%dma_start3A_467 : memref<32x128xf32, #tpu.memory_space<hbm>>) target_semaphore(%run_scoped3A : memref<!tpu.dma_semaphore, #tpu.memory_space<semaphore_mem>>)
      %dma_wait3A_471 = arith.constant 0 : i32
      %dma_wait3A_472 = arith.constant 0 : i32
      %dma_wait3A_473 = tpu.memref_slice %arg12[%dma_wait3A_471, %dma_wait3A_472] : memref<32x128xf32, #tpu.memory_space<vmem>> -> memref<32x128xf32, #tpu.memory_space<vmem>>
      %dma_wait3A_474 = arith.constant 0 : i32
      %dma_wait3A_475 = tpu.memref_slice %arg5[%add3A_196, %dma_wait3A_474] : memref<20224x128xf32, #tpu.memory_space<hbm>> -> memref<32x128xf32, #tpu.memory_space<hbm>>
      %dma_wait3A_476 = arith.constant 0 : i32
      %dma_wait3A_477 = tpu.memref_slice %arg5[%add3A_196, %dma_wait3A_476] : memref<20224x128xf32, #tpu.memory_space<hbm>> -> memref<32x128xf32, #tpu.memory_space<hbm>>
      %dma_wait3A_478 = arith.constant 0 : i32
      %dma_wait3A_479 = arith.constant 0 : i32
      %dma_wait3A_480 = tpu.memref_slice %arg12[%dma_wait3A_478, %dma_wait3A_479] : memref<32x128xf32, #tpu.memory_space<vmem>> -> memref<32x128xf32, #tpu.memory_space<vmem>>
      tpu.wait_dma2 semaphore(%run_scoped3A : memref<!tpu.dma_semaphore, #tpu.memory_space<semaphore_mem>>) src(%dma_wait3A_480 : memref<32x128xf32, #tpu.memory_space<vmem>>) dst(%dma_wait3A_477 : memref<32x128xf32, #tpu.memory_space<hbm>>)
      tpu.yield
    }) : () -> ()
    %add3A_197 = arith.constant 96 : i32
    %add3A_198 = arith.addi %mul3A_2, %add3A_197 : i32
    "tpu.region"() ({
      %run_scoped3A = tpu.sem_alloc : memref<!tpu.dma_semaphore, #tpu.memory_space<semaphore_mem>>
      %dma_start3A_461 = arith.constant 0 : i32
      %dma_start3A_462 = arith.constant 0 : i32
      %dma_start3A_463 = tpu.memref_slice %arg12[%dma_start3A_461, %dma_start3A_462] : memref<32x128xf32, #tpu.memory_space<vmem>> -> memref<32x128xf32, #tpu.memory_space<vmem>>
      %dma_start3A_464 = arith.constant 0 : i32
      %dma_start3A_465 = tpu.memref_slice %arg7[%add3A_198, %dma_start3A_464] : memref<10112x128xf32, #tpu.memory_space<vmem_shared>> -> memref<32x128xf32, #tpu.memory_space<vmem_shared>>
      %dma_start3A_466 = arith.constant 0 : i32
      %dma_start3A_467 = arith.constant 0 : i32
      %dma_start3A_468 = tpu.memref_slice %arg12[%dma_start3A_466, %dma_start3A_467] : memref<32x128xf32, #tpu.memory_space<vmem>> -> memref<32x128xf32, #tpu.memory_space<vmem>>
      %dma_start3A_469 = arith.constant 0 : i32
      %dma_start3A_470 = tpu.memref_slice %arg7[%add3A_198, %dma_start3A_469] : memref<10112x128xf32, #tpu.memory_space<vmem_shared>> -> memref<32x128xf32, #tpu.memory_space<vmem_shared>>
      tpu.enqueue_dma source(%dma_start3A_470 : memref<32x128xf32, #tpu.memory_space<vmem_shared>>) target(%dma_start3A_468 : memref<32x128xf32, #tpu.memory_space<vmem>>) target_semaphore(%run_scoped3A : memref<!tpu.dma_semaphore, #tpu.memory_space<semaphore_mem>>)
      %dma_wait3A_471 = arith.constant 0 : i32
      %dma_wait3A_472 = arith.constant 0 : i32
      %dma_wait3A_473 = tpu.memref_slice %arg12[%dma_wait3A_471, %dma_wait3A_472] : memref<32x128xf32, #tpu.memory_space<vmem>> -> memref<32x128xf32, #tpu.memory_space<vmem>>
      %dma_wait3A_474 = arith.constant 0 : i32
      %dma_wait3A_475 = tpu.memref_slice %arg7[%add3A_198, %dma_wait3A_474] : memref<10112x128xf32, #tpu.memory_space<vmem_shared>> -> memref<32x128xf32, #tpu.memory_space<vmem_shared>>
      %dma_wait3A_476 = arith.constant 0 : i32
      %dma_wait3A_477 = arith.constant 0 : i32
      %dma_wait3A_478 = tpu.memref_slice %arg12[%dma_wait3A_476, %dma_wait3A_477] : memref<32x128xf32, #tpu.memory_space<vmem>> -> memref<32x128xf32, #tpu.memory_space<vmem>>
      %dma_wait3A_479 = arith.constant 0 : i32
      %dma_wait3A_480 = tpu.memref_slice %arg7[%add3A_198, %dma_wait3A_479] : memref<10112x128xf32, #tpu.memory_space<vmem_shared>> -> memref<32x128xf32, #tpu.memory_space<vmem_shared>>
      tpu.wait_dma2 semaphore(%run_scoped3A : memref<!tpu.dma_semaphore, #tpu.memory_space<semaphore_mem>>) src(%dma_wait3A_480 : memref<32x128xf32, #tpu.memory_space<vmem_shared>>) dst(%dma_wait3A_478 : memref<32x128xf32, #tpu.memory_space<vmem>>)
      tpu.yield
    }) : () -> ()
    %add3A_199 = arith.constant 96 : i32
    %add3A_200 = arith.addi %add3A_5, %add3A_199 : i32
    "tpu.region"() ({
      %run_scoped3A = tpu.sem_alloc : memref<!tpu.dma_semaphore, #tpu.memory_space<semaphore_mem>>
      %dma_start3A_461 = arith.constant 0 : i32
      %dma_start3A_462 = arith.constant 0 : i32
      %dma_start3A_463 = tpu.memref_slice %arg12[%dma_start3A_461, %dma_start3A_462] : memref<32x128xf32, #tpu.memory_space<vmem>> -> memref<32x128xf32, #tpu.memory_space<vmem>>
      %dma_start3A_464 = arith.constant 0 : i32
      %dma_start3A_465 = tpu.memref_slice %arg5[%add3A_200, %dma_start3A_464] : memref<20224x128xf32, #tpu.memory_space<hbm>> -> memref<32x128xf32, #tpu.memory_space<hbm>>
      %dma_start3A_466 = arith.constant 0 : i32
      %dma_start3A_467 = tpu.memref_slice %arg5[%add3A_200, %dma_start3A_466] : memref<20224x128xf32, #tpu.memory_space<hbm>> -> memref<32x128xf32, #tpu.memory_space<hbm>>
      %dma_start3A_468 = arith.constant 0 : i32
      %dma_start3A_469 = arith.constant 0 : i32
      %dma_start3A_470 = tpu.memref_slice %arg12[%dma_start3A_468, %dma_start3A_469] : memref<32x128xf32, #tpu.memory_space<vmem>> -> memref<32x128xf32, #tpu.memory_space<vmem>>
      tpu.enqueue_dma source(%dma_start3A_470 : memref<32x128xf32, #tpu.memory_space<vmem>>) target(%dma_start3A_467 : memref<32x128xf32, #tpu.memory_space<hbm>>) target_semaphore(%run_scoped3A : memref<!tpu.dma_semaphore, #tpu.memory_space<semaphore_mem>>)
      %dma_wait3A_471 = arith.constant 0 : i32
      %dma_wait3A_472 = arith.constant 0 : i32
      %dma_wait3A_473 = tpu.memref_slice %arg12[%dma_wait3A_471, %dma_wait3A_472] : memref<32x128xf32, #tpu.memory_space<vmem>> -> memref<32x128xf32, #tpu.memory_space<vmem>>
      %dma_wait3A_474 = arith.constant 0 : i32
      %dma_wait3A_475 = tpu.memref_slice %arg5[%add3A_200, %dma_wait3A_474] : memref<20224x128xf32, #tpu.memory_space<hbm>> -> memref<32x128xf32, #tpu.memory_space<hbm>>
      %dma_wait3A_476 = arith.constant 0 : i32
      %dma_wait3A_477 = tpu.memref_slice %arg5[%add3A_200, %dma_wait3A_476] : memref<20224x128xf32, #tpu.memory_space<hbm>> -> memref<32x128xf32, #tpu.memory_space<hbm>>
      %dma_wait3A_478 = arith.constant 0 : i32
      %dma_wait3A_479 = arith.constant 0 : i32
      %dma_wait3A_480 = tpu.memref_slice %arg12[%dma_wait3A_478, %dma_wait3A_479] : memref<32x128xf32, #tpu.memory_space<vmem>> -> memref<32x128xf32, #tpu.memory_space<vmem>>
      tpu.wait_dma2 semaphore(%run_scoped3A : memref<!tpu.dma_semaphore, #tpu.memory_space<semaphore_mem>>) src(%dma_wait3A_480 : memref<32x128xf32, #tpu.memory_space<vmem>>) dst(%dma_wait3A_477 : memref<32x128xf32, #tpu.memory_space<hbm>>)
      tpu.yield
    }) : () -> ()
    %add3A_201 = arith.constant 128 : i32
    %add3A_202 = arith.addi %mul3A_2, %add3A_201 : i32
    "tpu.region"() ({
      %run_scoped3A = tpu.sem_alloc : memref<!tpu.dma_semaphore, #tpu.memory_space<semaphore_mem>>
      %dma_start3A_461 = arith.constant 0 : i32
      %dma_start3A_462 = arith.constant 0 : i32
      %dma_start3A_463 = tpu.memref_slice %arg12[%dma_start3A_461, %dma_start3A_462] : memref<32x128xf32, #tpu.memory_space<vmem>> -> memref<32x128xf32, #tpu.memory_space<vmem>>
      %dma_start3A_464 = arith.constant 0 : i32
      %dma_start3A_465 = tpu.memref_slice %arg7[%add3A_202, %dma_start3A_464] : memref<10112x128xf32, #tpu.memory_space<vmem_shared>> -> memref<32x128xf32, #tpu.memory_space<vmem_shared>>
      %dma_start3A_466 = arith.constant 0 : i32
      %dma_start3A_467 = arith.constant 0 : i32
      %dma_start3A_468 = tpu.memref_slice %arg12[%dma_start3A_466, %dma_start3A_467] : memref<32x128xf32, #tpu.memory_space<vmem>> -> memref<32x128xf32, #tpu.memory_space<vmem>>
      %dma_start3A_469 = arith.constant 0 : i32
      %dma_start3A_470 = tpu.memref_slice %arg7[%add3A_202, %dma_start3A_469] : memref<10112x128xf32, #tpu.memory_space<vmem_shared>> -> memref<32x128xf32, #tpu.memory_space<vmem_shared>>
      tpu.enqueue_dma source(%dma_start3A_470 : memref<32x128xf32, #tpu.memory_space<vmem_shared>>) target(%dma_start3A_468 : memref<32x128xf32, #tpu.memory_space<vmem>>) target_semaphore(%run_scoped3A : memref<!tpu.dma_semaphore, #tpu.memory_space<semaphore_mem>>)
      %dma_wait3A_471 = arith.constant 0 : i32
      %dma_wait3A_472 = arith.constant 0 : i32
      %dma_wait3A_473 = tpu.memref_slice %arg12[%dma_wait3A_471, %dma_wait3A_472] : memref<32x128xf32, #tpu.memory_space<vmem>> -> memref<32x128xf32, #tpu.memory_space<vmem>>
      %dma_wait3A_474 = arith.constant 0 : i32
      %dma_wait3A_475 = tpu.memref_slice %arg7[%add3A_202, %dma_wait3A_474] : memref<10112x128xf32, #tpu.memory_space<vmem_shared>> -> memref<32x128xf32, #tpu.memory_space<vmem_shared>>
      %dma_wait3A_476 = arith.constant 0 : i32
      %dma_wait3A_477 = arith.constant 0 : i32
      %dma_wait3A_478 = tpu.memref_slice %arg12[%dma_wait3A_476, %dma_wait3A_477] : memref<32x128xf32, #tpu.memory_space<vmem>> -> memref<32x128xf32, #tpu.memory_space<vmem>>
      %dma_wait3A_479 = arith.constant 0 : i32
      %dma_wait3A_480 = tpu.memref_slice %arg7[%add3A_202, %dma_wait3A_479] : memref<10112x128xf32, #tpu.memory_space<vmem_shared>> -> memref<32x128xf32, #tpu.memory_space<vmem_shared>>
      tpu.wait_dma2 semaphore(%run_scoped3A : memref<!tpu.dma_semaphore, #tpu.memory_space<semaphore_mem>>) src(%dma_wait3A_480 : memref<32x128xf32, #tpu.memory_space<vmem_shared>>) dst(%dma_wait3A_478 : memref<32x128xf32, #tpu.memory_space<vmem>>)
      tpu.yield
    }) : () -> ()
    %add3A_203 = arith.constant 128 : i32
    %add3A_204 = arith.addi %add3A_5, %add3A_203 : i32
    "tpu.region"() ({
      %run_scoped3A = tpu.sem_alloc : memref<!tpu.dma_semaphore, #tpu.memory_space<semaphore_mem>>
      %dma_start3A_461 = arith.constant 0 : i32
      %dma_start3A_462 = arith.constant 0 : i32
      %dma_start3A_463 = tpu.memref_slice %arg12[%dma_start3A_461, %dma_start3A_462] : memref<32x128xf32, #tpu.memory_space<vmem>> -> memref<32x128xf32, #tpu.memory_space<vmem>>
      %dma_start3A_464 = arith.constant 0 : i32
      %dma_start3A_465 = tpu.memref_slice %arg5[%add3A_204, %dma_start3A_464] : memref<20224x128xf32, #tpu.memory_space<hbm>> -> memref<32x128xf32, #tpu.memory_space<hbm>>
      %dma_start3A_466 = arith.constant 0 : i32
      %dma_start3A_467 = tpu.memref_slice %arg5[%add3A_204, %dma_start3A_466] : memref<20224x128xf32, #tpu.memory_space<hbm>> -> memref<32x128xf32, #tpu.memory_space<hbm>>
      %dma_start3A_468 = arith.constant 0 : i32
      %dma_start3A_469 = arith.constant 0 : i32
      %dma_start3A_470 = tpu.memref_slice %arg12[%dma_start3A_468, %dma_start3A_469] : memref<32x128xf32, #tpu.memory_space<vmem>> -> memref<32x128xf32, #tpu.memory_space<vmem>>
      tpu.enqueue_dma source(%dma_start3A_470 : memref<32x128xf32, #tpu.memory_space<vmem>>) target(%dma_start3A_467 : memref<32x128xf32, #tpu.memory_space<hbm>>) target_semaphore(%run_scoped3A : memref<!tpu.dma_semaphore, #tpu.memory_space<semaphore_mem>>)
      %dma_wait3A_471 = arith.constant 0 : i32
      %dma_wait3A_472 = arith.constant 0 : i32
      %dma_wait3A_473 = tpu.memref_slice %arg12[%dma_wait3A_471, %dma_wait3A_472] : memref<32x128xf32, #tpu.memory_space<vmem>> -> memref<32x128xf32, #tpu.memory_space<vmem>>
      %dma_wait3A_474 = arith.constant 0 : i32
      %dma_wait3A_475 = tpu.memref_slice %arg5[%add3A_204, %dma_wait3A_474] : memref<20224x128xf32, #tpu.memory_space<hbm>> -> memref<32x128xf32, #tpu.memory_space<hbm>>
      %dma_wait3A_476 = arith.constant 0 : i32
      %dma_wait3A_477 = tpu.memref_slice %arg5[%add3A_204, %dma_wait3A_476] : memref<20224x128xf32, #tpu.memory_space<hbm>> -> memref<32x128xf32, #tpu.memory_space<hbm>>
      %dma_wait3A_478 = arith.constant 0 : i32
      %dma_wait3A_479 = arith.constant 0 : i32
      %dma_wait3A_480 = tpu.memref_slice %arg12[%dma_wait3A_478, %dma_wait3A_479] : memref<32x128xf32, #tpu.memory_space<vmem>> -> memref<32x128xf32, #tpu.memory_space<vmem>>
      tpu.wait_dma2 semaphore(%run_scoped3A : memref<!tpu.dma_semaphore, #tpu.memory_space<semaphore_mem>>) src(%dma_wait3A_480 : memref<32x128xf32, #tpu.memory_space<vmem>>) dst(%dma_wait3A_477 : memref<32x128xf32, #tpu.memory_space<hbm>>)
      tpu.yield
    }) : () -> ()
    %add3A_205 = arith.constant 160 : i32
    %add3A_206 = arith.addi %mul3A_2, %add3A_205 : i32
    "tpu.region"() ({
      %run_scoped3A = tpu.sem_alloc : memref<!tpu.dma_semaphore, #tpu.memory_space<semaphore_mem>>
      %dma_start3A_461 = arith.constant 0 : i32
      %dma_start3A_462 = arith.constant 0 : i32
      %dma_start3A_463 = tpu.memref_slice %arg12[%dma_start3A_461, %dma_start3A_462] : memref<32x128xf32, #tpu.memory_space<vmem>> -> memref<32x128xf32, #tpu.memory_space<vmem>>
      %dma_start3A_464 = arith.constant 0 : i32
      %dma_start3A_465 = tpu.memref_slice %arg7[%add3A_206, %dma_start3A_464] : memref<10112x128xf32, #tpu.memory_space<vmem_shared>> -> memref<32x128xf32, #tpu.memory_space<vmem_shared>>
      %dma_start3A_466 = arith.constant 0 : i32
      %dma_start3A_467 = arith.constant 0 : i32
      %dma_start3A_468 = tpu.memref_slice %arg12[%dma_start3A_466, %dma_start3A_467] : memref<32x128xf32, #tpu.memory_space<vmem>> -> memref<32x128xf32, #tpu.memory_space<vmem>>
      %dma_start3A_469 = arith.constant 0 : i32
      %dma_start3A_470 = tpu.memref_slice %arg7[%add3A_206, %dma_start3A_469] : memref<10112x128xf32, #tpu.memory_space<vmem_shared>> -> memref<32x128xf32, #tpu.memory_space<vmem_shared>>
      tpu.enqueue_dma source(%dma_start3A_470 : memref<32x128xf32, #tpu.memory_space<vmem_shared>>) target(%dma_start3A_468 : memref<32x128xf32, #tpu.memory_space<vmem>>) target_semaphore(%run_scoped3A : memref<!tpu.dma_semaphore, #tpu.memory_space<semaphore_mem>>)
      %dma_wait3A_471 = arith.constant 0 : i32
      %dma_wait3A_472 = arith.constant 0 : i32
      %dma_wait3A_473 = tpu.memref_slice %arg12[%dma_wait3A_471, %dma_wait3A_472] : memref<32x128xf32, #tpu.memory_space<vmem>> -> memref<32x128xf32, #tpu.memory_space<vmem>>
      %dma_wait3A_474 = arith.constant 0 : i32
      %dma_wait3A_475 = tpu.memref_slice %arg7[%add3A_206, %dma_wait3A_474] : memref<10112x128xf32, #tpu.memory_space<vmem_shared>> -> memref<32x128xf32, #tpu.memory_space<vmem_shared>>
      %dma_wait3A_476 = arith.constant 0 : i32
      %dma_wait3A_477 = arith.constant 0 : i32
      %dma_wait3A_478 = tpu.memref_slice %arg12[%dma_wait3A_476, %dma_wait3A_477] : memref<32x128xf32, #tpu.memory_space<vmem>> -> memref<32x128xf32, #tpu.memory_space<vmem>>
      %dma_wait3A_479 = arith.constant 0 : i32
      %dma_wait3A_480 = tpu.memref_slice %arg7[%add3A_206, %dma_wait3A_479] : memref<10112x128xf32, #tpu.memory_space<vmem_shared>> -> memref<32x128xf32, #tpu.memory_space<vmem_shared>>
      tpu.wait_dma2 semaphore(%run_scoped3A : memref<!tpu.dma_semaphore, #tpu.memory_space<semaphore_mem>>) src(%dma_wait3A_480 : memref<32x128xf32, #tpu.memory_space<vmem_shared>>) dst(%dma_wait3A_478 : memref<32x128xf32, #tpu.memory_space<vmem>>)
      tpu.yield
    }) : () -> ()
    %add3A_207 = arith.constant 160 : i32
    %add3A_208 = arith.addi %add3A_5, %add3A_207 : i32
    "tpu.region"() ({
      %run_scoped3A = tpu.sem_alloc : memref<!tpu.dma_semaphore, #tpu.memory_space<semaphore_mem>>
      %dma_start3A_461 = arith.constant 0 : i32
      %dma_start3A_462 = arith.constant 0 : i32
      %dma_start3A_463 = tpu.memref_slice %arg12[%dma_start3A_461, %dma_start3A_462] : memref<32x128xf32, #tpu.memory_space<vmem>> -> memref<32x128xf32, #tpu.memory_space<vmem>>
      %dma_start3A_464 = arith.constant 0 : i32
      %dma_start3A_465 = tpu.memref_slice %arg5[%add3A_208, %dma_start3A_464] : memref<20224x128xf32, #tpu.memory_space<hbm>> -> memref<32x128xf32, #tpu.memory_space<hbm>>
      %dma_start3A_466 = arith.constant 0 : i32
      %dma_start3A_467 = tpu.memref_slice %arg5[%add3A_208, %dma_start3A_466] : memref<20224x128xf32, #tpu.memory_space<hbm>> -> memref<32x128xf32, #tpu.memory_space<hbm>>
      %dma_start3A_468 = arith.constant 0 : i32
      %dma_start3A_469 = arith.constant 0 : i32
      %dma_start3A_470 = tpu.memref_slice %arg12[%dma_start3A_468, %dma_start3A_469] : memref<32x128xf32, #tpu.memory_space<vmem>> -> memref<32x128xf32, #tpu.memory_space<vmem>>
      tpu.enqueue_dma source(%dma_start3A_470 : memref<32x128xf32, #tpu.memory_space<vmem>>) target(%dma_start3A_467 : memref<32x128xf32, #tpu.memory_space<hbm>>) target_semaphore(%run_scoped3A : memref<!tpu.dma_semaphore, #tpu.memory_space<semaphore_mem>>)
      %dma_wait3A_471 = arith.constant 0 : i32
      %dma_wait3A_472 = arith.constant 0 : i32
      %dma_wait3A_473 = tpu.memref_slice %arg12[%dma_wait3A_471, %dma_wait3A_472] : memref<32x128xf32, #tpu.memory_space<vmem>> -> memref<32x128xf32, #tpu.memory_space<vmem>>
      %dma_wait3A_474 = arith.constant 0 : i32
      %dma_wait3A_475 = tpu.memref_slice %arg5[%add3A_208, %dma_wait3A_474] : memref<20224x128xf32, #tpu.memory_space<hbm>> -> memref<32x128xf32, #tpu.memory_space<hbm>>
      %dma_wait3A_476 = arith.constant 0 : i32
      %dma_wait3A_477 = tpu.memref_slice %arg5[%add3A_208, %dma_wait3A_476] : memref<20224x128xf32, #tpu.memory_space<hbm>> -> memref<32x128xf32, #tpu.memory_space<hbm>>
      %dma_wait3A_478 = arith.constant 0 : i32
      %dma_wait3A_479 = arith.constant 0 : i32
      %dma_wait3A_480 = tpu.memref_slice %arg12[%dma_wait3A_478, %dma_wait3A_479] : memref<32x128xf32, #tpu.memory_space<vmem>> -> memref<32x128xf32, #tpu.memory_space<vmem>>
      tpu.wait_dma2 semaphore(%run_scoped3A : memref<!tpu.dma_semaphore, #tpu.memory_space<semaphore_mem>>) src(%dma_wait3A_480 : memref<32x128xf32, #tpu.memory_space<vmem>>) dst(%dma_wait3A_477 : memref<32x128xf32, #tpu.memory_space<hbm>>)
      tpu.yield
    }) : () -> ()
    %add3A_209 = arith.constant 192 : i32
    %add3A_210 = arith.addi %mul3A_2, %add3A_209 : i32
    "tpu.region"() ({
      %run_scoped3A = tpu.sem_alloc : memref<!tpu.dma_semaphore, #tpu.memory_space<semaphore_mem>>
      %dma_start3A_461 = arith.constant 0 : i32
      %dma_start3A_462 = arith.constant 0 : i32
      %dma_start3A_463 = tpu.memref_slice %arg12[%dma_start3A_461, %dma_start3A_462] : memref<32x128xf32, #tpu.memory_space<vmem>> -> memref<32x128xf32, #tpu.memory_space<vmem>>
      %dma_start3A_464 = arith.constant 0 : i32
      %dma_start3A_465 = tpu.memref_slice %arg7[%add3A_210, %dma_start3A_464] : memref<10112x128xf32, #tpu.memory_space<vmem_shared>> -> memref<32x128xf32, #tpu.memory_space<vmem_shared>>
      %dma_start3A_466 = arith.constant 0 : i32
      %dma_start3A_467 = arith.constant 0 : i32
      %dma_start3A_468 = tpu.memref_slice %arg12[%dma_start3A_466, %dma_start3A_467] : memref<32x128xf32, #tpu.memory_space<vmem>> -> memref<32x128xf32, #tpu.memory_space<vmem>>
      %dma_start3A_469 = arith.constant 0 : i32
      %dma_start3A_470 = tpu.memref_slice %arg7[%add3A_210, %dma_start3A_469] : memref<10112x128xf32, #tpu.memory_space<vmem_shared>> -> memref<32x128xf32, #tpu.memory_space<vmem_shared>>
      tpu.enqueue_dma source(%dma_start3A_470 : memref<32x128xf32, #tpu.memory_space<vmem_shared>>) target(%dma_start3A_468 : memref<32x128xf32, #tpu.memory_space<vmem>>) target_semaphore(%run_scoped3A : memref<!tpu.dma_semaphore, #tpu.memory_space<semaphore_mem>>)
      %dma_wait3A_471 = arith.constant 0 : i32
      %dma_wait3A_472 = arith.constant 0 : i32
      %dma_wait3A_473 = tpu.memref_slice %arg12[%dma_wait3A_471, %dma_wait3A_472] : memref<32x128xf32, #tpu.memory_space<vmem>> -> memref<32x128xf32, #tpu.memory_space<vmem>>
      %dma_wait3A_474 = arith.constant 0 : i32
      %dma_wait3A_475 = tpu.memref_slice %arg7[%add3A_210, %dma_wait3A_474] : memref<10112x128xf32, #tpu.memory_space<vmem_shared>> -> memref<32x128xf32, #tpu.memory_space<vmem_shared>>
      %dma_wait3A_476 = arith.constant 0 : i32
      %dma_wait3A_477 = arith.constant 0 : i32
      %dma_wait3A_478 = tpu.memref_slice %arg12[%dma_wait3A_476, %dma_wait3A_477] : memref<32x128xf32, #tpu.memory_space<vmem>> -> memref<32x128xf32, #tpu.memory_space<vmem>>
      %dma_wait3A_479 = arith.constant 0 : i32
      %dma_wait3A_480 = tpu.memref_slice %arg7[%add3A_210, %dma_wait3A_479] : memref<10112x128xf32, #tpu.memory_space<vmem_shared>> -> memref<32x128xf32, #tpu.memory_space<vmem_shared>>
      tpu.wait_dma2 semaphore(%run_scoped3A : memref<!tpu.dma_semaphore, #tpu.memory_space<semaphore_mem>>) src(%dma_wait3A_480 : memref<32x128xf32, #tpu.memory_space<vmem_shared>>) dst(%dma_wait3A_478 : memref<32x128xf32, #tpu.memory_space<vmem>>)
      tpu.yield
    }) : () -> ()
    %add3A_211 = arith.constant 192 : i32
    %add3A_212 = arith.addi %add3A_5, %add3A_211 : i32
    "tpu.region"() ({
      %run_scoped3A = tpu.sem_alloc : memref<!tpu.dma_semaphore, #tpu.memory_space<semaphore_mem>>
      %dma_start3A_461 = arith.constant 0 : i32
      %dma_start3A_462 = arith.constant 0 : i32
      %dma_start3A_463 = tpu.memref_slice %arg12[%dma_start3A_461, %dma_start3A_462] : memref<32x128xf32, #tpu.memory_space<vmem>> -> memref<32x128xf32, #tpu.memory_space<vmem>>
      %dma_start3A_464 = arith.constant 0 : i32
      %dma_start3A_465 = tpu.memref_slice %arg5[%add3A_212, %dma_start3A_464] : memref<20224x128xf32, #tpu.memory_space<hbm>> -> memref<32x128xf32, #tpu.memory_space<hbm>>
      %dma_start3A_466 = arith.constant 0 : i32
      %dma_start3A_467 = tpu.memref_slice %arg5[%add3A_212, %dma_start3A_466] : memref<20224x128xf32, #tpu.memory_space<hbm>> -> memref<32x128xf32, #tpu.memory_space<hbm>>
      %dma_start3A_468 = arith.constant 0 : i32
      %dma_start3A_469 = arith.constant 0 : i32
      %dma_start3A_470 = tpu.memref_slice %arg12[%dma_start3A_468, %dma_start3A_469] : memref<32x128xf32, #tpu.memory_space<vmem>> -> memref<32x128xf32, #tpu.memory_space<vmem>>
      tpu.enqueue_dma source(%dma_start3A_470 : memref<32x128xf32, #tpu.memory_space<vmem>>) target(%dma_start3A_467 : memref<32x128xf32, #tpu.memory_space<hbm>>) target_semaphore(%run_scoped3A : memref<!tpu.dma_semaphore, #tpu.memory_space<semaphore_mem>>)
      %dma_wait3A_471 = arith.constant 0 : i32
      %dma_wait3A_472 = arith.constant 0 : i32
      %dma_wait3A_473 = tpu.memref_slice %arg12[%dma_wait3A_471, %dma_wait3A_472] : memref<32x128xf32, #tpu.memory_space<vmem>> -> memref<32x128xf32, #tpu.memory_space<vmem>>
      %dma_wait3A_474 = arith.constant 0 : i32
      %dma_wait3A_475 = tpu.memref_slice %arg5[%add3A_212, %dma_wait3A_474] : memref<20224x128xf32, #tpu.memory_space<hbm>> -> memref<32x128xf32, #tpu.memory_space<hbm>>
      %dma_wait3A_476 = arith.constant 0 : i32
      %dma_wait3A_477 = tpu.memref_slice %arg5[%add3A_212, %dma_wait3A_476] : memref<20224x128xf32, #tpu.memory_space<hbm>> -> memref<32x128xf32, #tpu.memory_space<hbm>>
      %dma_wait3A_478 = arith.constant 0 : i32
      %dma_wait3A_479 = arith.constant 0 : i32
      %dma_wait3A_480 = tpu.memref_slice %arg12[%dma_wait3A_478, %dma_wait3A_479] : memref<32x128xf32, #tpu.memory_space<vmem>> -> memref<32x128xf32, #tpu.memory_space<vmem>>
      tpu.wait_dma2 semaphore(%run_scoped3A : memref<!tpu.dma_semaphore, #tpu.memory_space<semaphore_mem>>) src(%dma_wait3A_480 : memref<32x128xf32, #tpu.memory_space<vmem>>) dst(%dma_wait3A_477 : memref<32x128xf32, #tpu.memory_space<hbm>>)
      tpu.yield
    }) : () -> ()
    %add3A_213 = arith.constant 224 : i32
    %add3A_214 = arith.addi %mul3A_2, %add3A_213 : i32
    "tpu.region"() ({
      %run_scoped3A = tpu.sem_alloc : memref<!tpu.dma_semaphore, #tpu.memory_space<semaphore_mem>>
      %dma_start3A_461 = arith.constant 0 : i32
      %dma_start3A_462 = arith.constant 0 : i32
      %dma_start3A_463 = tpu.memref_slice %arg12[%dma_start3A_461, %dma_start3A_462] : memref<32x128xf32, #tpu.memory_space<vmem>> -> memref<32x128xf32, #tpu.memory_space<vmem>>
      %dma_start3A_464 = arith.constant 0 : i32
      %dma_start3A_465 = tpu.memref_slice %arg7[%add3A_214, %dma_start3A_464] : memref<10112x128xf32, #tpu.memory_space<vmem_shared>> -> memref<32x128xf32, #tpu.memory_space<vmem_shared>>
      %dma_start3A_466 = arith.constant 0 : i32
      %dma_start3A_467 = arith.constant 0 : i32
      %dma_start3A_468 = tpu.memref_slice %arg12[%dma_start3A_466, %dma_start3A_467] : memref<32x128xf32, #tpu.memory_space<vmem>> -> memref<32x128xf32, #tpu.memory_space<vmem>>
      %dma_start3A_469 = arith.constant 0 : i32
      %dma_start3A_470 = tpu.memref_slice %arg7[%add3A_214, %dma_start3A_469] : memref<10112x128xf32, #tpu.memory_space<vmem_shared>> -> memref<32x128xf32, #tpu.memory_space<vmem_shared>>
      tpu.enqueue_dma source(%dma_start3A_470 : memref<32x128xf32, #tpu.memory_space<vmem_shared>>) target(%dma_start3A_468 : memref<32x128xf32, #tpu.memory_space<vmem>>) target_semaphore(%run_scoped3A : memref<!tpu.dma_semaphore, #tpu.memory_space<semaphore_mem>>)
      %dma_wait3A_471 = arith.constant 0 : i32
      %dma_wait3A_472 = arith.constant 0 : i32
      %dma_wait3A_473 = tpu.memref_slice %arg12[%dma_wait3A_471, %dma_wait3A_472] : memref<32x128xf32, #tpu.memory_space<vmem>> -> memref<32x128xf32, #tpu.memory_space<vmem>>
      %dma_wait3A_474 = arith.constant 0 : i32
      %dma_wait3A_475 = tpu.memref_slice %arg7[%add3A_214, %dma_wait3A_474] : memref<10112x128xf32, #tpu.memory_space<vmem_shared>> -> memref<32x128xf32, #tpu.memory_space<vmem_shared>>
      %dma_wait3A_476 = arith.constant 0 : i32
      %dma_wait3A_477 = arith.constant 0 : i32
      %dma_wait3A_478 = tpu.memref_slice %arg12[%dma_wait3A_476, %dma_wait3A_477] : memref<32x128xf32, #tpu.memory_space<vmem>> -> memref<32x128xf32, #tpu.memory_space<vmem>>
      %dma_wait3A_479 = arith.constant 0 : i32
      %dma_wait3A_480 = tpu.memref_slice %arg7[%add3A_214, %dma_wait3A_479] : memref<10112x128xf32, #tpu.memory_space<vmem_shared>> -> memref<32x128xf32, #tpu.memory_space<vmem_shared>>
      tpu.wait_dma2 semaphore(%run_scoped3A : memref<!tpu.dma_semaphore, #tpu.memory_space<semaphore_mem>>) src(%dma_wait3A_480 : memref<32x128xf32, #tpu.memory_space<vmem_shared>>) dst(%dma_wait3A_478 : memref<32x128xf32, #tpu.memory_space<vmem>>)
      tpu.yield
    }) : () -> ()
    %add3A_215 = arith.constant 224 : i32
    %add3A_216 = arith.addi %add3A_5, %add3A_215 : i32
    "tpu.region"() ({
      %run_scoped3A = tpu.sem_alloc : memref<!tpu.dma_semaphore, #tpu.memory_space<semaphore_mem>>
      %dma_start3A_461 = arith.constant 0 : i32
      %dma_start3A_462 = arith.constant 0 : i32
      %dma_start3A_463 = tpu.memref_slice %arg12[%dma_start3A_461, %dma_start3A_462] : memref<32x128xf32, #tpu.memory_space<vmem>> -> memref<32x128xf32, #tpu.memory_space<vmem>>
      %dma_start3A_464 = arith.constant 0 : i32
      %dma_start3A_465 = tpu.memref_slice %arg5[%add3A_216, %dma_start3A_464] : memref<20224x128xf32, #tpu.memory_space<hbm>> -> memref<32x128xf32, #tpu.memory_space<hbm>>
      %dma_start3A_466 = arith.constant 0 : i32
      %dma_start3A_467 = tpu.memref_slice %arg5[%add3A_216, %dma_start3A_466] : memref<20224x128xf32, #tpu.memory_space<hbm>> -> memref<32x128xf32, #tpu.memory_space<hbm>>
      %dma_start3A_468 = arith.constant 0 : i32
      %dma_start3A_469 = arith.constant 0 : i32
      %dma_start3A_470 = tpu.memref_slice %arg12[%dma_start3A_468, %dma_start3A_469] : memref<32x128xf32, #tpu.memory_space<vmem>> -> memref<32x128xf32, #tpu.memory_space<vmem>>
      tpu.enqueue_dma source(%dma_start3A_470 : memref<32x128xf32, #tpu.memory_space<vmem>>) target(%dma_start3A_467 : memref<32x128xf32, #tpu.memory_space<hbm>>) target_semaphore(%run_scoped3A : memref<!tpu.dma_semaphore, #tpu.memory_space<semaphore_mem>>)
      %dma_wait3A_471 = arith.constant 0 : i32
      %dma_wait3A_472 = arith.constant 0 : i32
      %dma_wait3A_473 = tpu.memref_slice %arg12[%dma_wait3A_471, %dma_wait3A_472] : memref<32x128xf32, #tpu.memory_space<vmem>> -> memref<32x128xf32, #tpu.memory_space<vmem>>
      %dma_wait3A_474 = arith.constant 0 : i32
      %dma_wait3A_475 = tpu.memref_slice %arg5[%add3A_216, %dma_wait3A_474] : memref<20224x128xf32, #tpu.memory_space<hbm>> -> memref<32x128xf32, #tpu.memory_space<hbm>>
      %dma_wait3A_476 = arith.constant 0 : i32
      %dma_wait3A_477 = tpu.memref_slice %arg5[%add3A_216, %dma_wait3A_476] : memref<20224x128xf32, #tpu.memory_space<hbm>> -> memref<32x128xf32, #tpu.memory_space<hbm>>
      %dma_wait3A_478 = arith.constant 0 : i32
      %dma_wait3A_479 = arith.constant 0 : i32
      %dma_wait3A_480 = tpu.memref_slice %arg12[%dma_wait3A_478, %dma_wait3A_479] : memref<32x128xf32, #tpu.memory_space<vmem>> -> memref<32x128xf32, #tpu.memory_space<vmem>>
      tpu.wait_dma2 semaphore(%run_scoped3A : memref<!tpu.dma_semaphore, #tpu.memory_space<semaphore_mem>>) src(%dma_wait3A_480 : memref<32x128xf32, #tpu.memory_space<vmem>>) dst(%dma_wait3A_477 : memref<32x128xf32, #tpu.memory_space<hbm>>)
      tpu.yield
    }) : () -> ()
    %add3A_217 = arith.constant 256 : i32
    %add3A_218 = arith.addi %mul3A_2, %add3A_217 : i32
    "tpu.region"() ({
      %run_scoped3A = tpu.sem_alloc : memref<!tpu.dma_semaphore, #tpu.memory_space<semaphore_mem>>
      %dma_start3A_461 = arith.constant 0 : i32
      %dma_start3A_462 = arith.constant 0 : i32
      %dma_start3A_463 = tpu.memref_slice %arg12[%dma_start3A_461, %dma_start3A_462] : memref<32x128xf32, #tpu.memory_space<vmem>> -> memref<32x128xf32, #tpu.memory_space<vmem>>
      %dma_start3A_464 = arith.constant 0 : i32
      %dma_start3A_465 = tpu.memref_slice %arg7[%add3A_218, %dma_start3A_464] : memref<10112x128xf32, #tpu.memory_space<vmem_shared>> -> memref<32x128xf32, #tpu.memory_space<vmem_shared>>
      %dma_start3A_466 = arith.constant 0 : i32
      %dma_start3A_467 = arith.constant 0 : i32
      %dma_start3A_468 = tpu.memref_slice %arg12[%dma_start3A_466, %dma_start3A_467] : memref<32x128xf32, #tpu.memory_space<vmem>> -> memref<32x128xf32, #tpu.memory_space<vmem>>
      %dma_start3A_469 = arith.constant 0 : i32
      %dma_start3A_470 = tpu.memref_slice %arg7[%add3A_218, %dma_start3A_469] : memref<10112x128xf32, #tpu.memory_space<vmem_shared>> -> memref<32x128xf32, #tpu.memory_space<vmem_shared>>
      tpu.enqueue_dma source(%dma_start3A_470 : memref<32x128xf32, #tpu.memory_space<vmem_shared>>) target(%dma_start3A_468 : memref<32x128xf32, #tpu.memory_space<vmem>>) target_semaphore(%run_scoped3A : memref<!tpu.dma_semaphore, #tpu.memory_space<semaphore_mem>>)
      %dma_wait3A_471 = arith.constant 0 : i32
      %dma_wait3A_472 = arith.constant 0 : i32
      %dma_wait3A_473 = tpu.memref_slice %arg12[%dma_wait3A_471, %dma_wait3A_472] : memref<32x128xf32, #tpu.memory_space<vmem>> -> memref<32x128xf32, #tpu.memory_space<vmem>>
      %dma_wait3A_474 = arith.constant 0 : i32
      %dma_wait3A_475 = tpu.memref_slice %arg7[%add3A_218, %dma_wait3A_474] : memref<10112x128xf32, #tpu.memory_space<vmem_shared>> -> memref<32x128xf32, #tpu.memory_space<vmem_shared>>
      %dma_wait3A_476 = arith.constant 0 : i32
      %dma_wait3A_477 = arith.constant 0 : i32
      %dma_wait3A_478 = tpu.memref_slice %arg12[%dma_wait3A_476, %dma_wait3A_477] : memref<32x128xf32, #tpu.memory_space<vmem>> -> memref<32x128xf32, #tpu.memory_space<vmem>>
      %dma_wait3A_479 = arith.constant 0 : i32
      %dma_wait3A_480 = tpu.memref_slice %arg7[%add3A_218, %dma_wait3A_479] : memref<10112x128xf32, #tpu.memory_space<vmem_shared>> -> memref<32x128xf32, #tpu.memory_space<vmem_shared>>
      tpu.wait_dma2 semaphore(%run_scoped3A : memref<!tpu.dma_semaphore, #tpu.memory_space<semaphore_mem>>) src(%dma_wait3A_480 : memref<32x128xf32, #tpu.memory_space<vmem_shared>>) dst(%dma_wait3A_478 : memref<32x128xf32, #tpu.memory_space<vmem>>)
      tpu.yield
    }) : () -> ()
    %add3A_219 = arith.constant 256 : i32
    %add3A_220 = arith.addi %add3A_5, %add3A_219 : i32
    "tpu.region"() ({
      %run_scoped3A = tpu.sem_alloc : memref<!tpu.dma_semaphore, #tpu.memory_space<semaphore_mem>>
      %dma_start3A_461 = arith.constant 0 : i32
      %dma_start3A_462 = arith.constant 0 : i32
      %dma_start3A_463 = tpu.memref_slice %arg12[%dma_start3A_461, %dma_start3A_462] : memref<32x128xf32, #tpu.memory_space<vmem>> -> memref<32x128xf32, #tpu.memory_space<vmem>>
      %dma_start3A_464 = arith.constant 0 : i32
      %dma_start3A_465 = tpu.memref_slice %arg5[%add3A_220, %dma_start3A_464] : memref<20224x128xf32, #tpu.memory_space<hbm>> -> memref<32x128xf32, #tpu.memory_space<hbm>>
      %dma_start3A_466 = arith.constant 0 : i32
      %dma_start3A_467 = tpu.memref_slice %arg5[%add3A_220, %dma_start3A_466] : memref<20224x128xf32, #tpu.memory_space<hbm>> -> memref<32x128xf32, #tpu.memory_space<hbm>>
      %dma_start3A_468 = arith.constant 0 : i32
      %dma_start3A_469 = arith.constant 0 : i32
      %dma_start3A_470 = tpu.memref_slice %arg12[%dma_start3A_468, %dma_start3A_469] : memref<32x128xf32, #tpu.memory_space<vmem>> -> memref<32x128xf32, #tpu.memory_space<vmem>>
      tpu.enqueue_dma source(%dma_start3A_470 : memref<32x128xf32, #tpu.memory_space<vmem>>) target(%dma_start3A_467 : memref<32x128xf32, #tpu.memory_space<hbm>>) target_semaphore(%run_scoped3A : memref<!tpu.dma_semaphore, #tpu.memory_space<semaphore_mem>>)
      %dma_wait3A_471 = arith.constant 0 : i32
      %dma_wait3A_472 = arith.constant 0 : i32
      %dma_wait3A_473 = tpu.memref_slice %arg12[%dma_wait3A_471, %dma_wait3A_472] : memref<32x128xf32, #tpu.memory_space<vmem>> -> memref<32x128xf32, #tpu.memory_space<vmem>>
      %dma_wait3A_474 = arith.constant 0 : i32
      %dma_wait3A_475 = tpu.memref_slice %arg5[%add3A_220, %dma_wait3A_474] : memref<20224x128xf32, #tpu.memory_space<hbm>> -> memref<32x128xf32, #tpu.memory_space<hbm>>
      %dma_wait3A_476 = arith.constant 0 : i32
      %dma_wait3A_477 = tpu.memref_slice %arg5[%add3A_220, %dma_wait3A_476] : memref<20224x128xf32, #tpu.memory_space<hbm>> -> memref<32x128xf32, #tpu.memory_space<hbm>>
      %dma_wait3A_478 = arith.constant 0 : i32
      %dma_wait3A_479 = arith.constant 0 : i32
      %dma_wait3A_480 = tpu.memref_slice %arg12[%dma_wait3A_478, %dma_wait3A_479] : memref<32x128xf32, #tpu.memory_space<vmem>> -> memref<32x128xf32, #tpu.memory_space<vmem>>
      tpu.wait_dma2 semaphore(%run_scoped3A : memref<!tpu.dma_semaphore, #tpu.memory_space<semaphore_mem>>) src(%dma_wait3A_480 : memref<32x128xf32, #tpu.memory_space<vmem>>) dst(%dma_wait3A_477 : memref<32x128xf32, #tpu.memory_space<hbm>>)
      tpu.yield
    }) : () -> ()
    %add3A_221 = arith.constant 288 : i32
    %add3A_222 = arith.addi %mul3A_2, %add3A_221 : i32
    "tpu.region"() ({
      %run_scoped3A = tpu.sem_alloc : memref<!tpu.dma_semaphore, #tpu.memory_space<semaphore_mem>>
      %dma_start3A_461 = arith.constant 0 : i32
      %dma_start3A_462 = arith.constant 0 : i32
      %dma_start3A_463 = tpu.memref_slice %arg12[%dma_start3A_461, %dma_start3A_462] : memref<32x128xf32, #tpu.memory_space<vmem>> -> memref<32x128xf32, #tpu.memory_space<vmem>>
      %dma_start3A_464 = arith.constant 0 : i32
      %dma_start3A_465 = tpu.memref_slice %arg7[%add3A_222, %dma_start3A_464] : memref<10112x128xf32, #tpu.memory_space<vmem_shared>> -> memref<32x128xf32, #tpu.memory_space<vmem_shared>>
      %dma_start3A_466 = arith.constant 0 : i32
      %dma_start3A_467 = arith.constant 0 : i32
      %dma_start3A_468 = tpu.memref_slice %arg12[%dma_start3A_466, %dma_start3A_467] : memref<32x128xf32, #tpu.memory_space<vmem>> -> memref<32x128xf32, #tpu.memory_space<vmem>>
      %dma_start3A_469 = arith.constant 0 : i32
      %dma_start3A_470 = tpu.memref_slice %arg7[%add3A_222, %dma_start3A_469] : memref<10112x128xf32, #tpu.memory_space<vmem_shared>> -> memref<32x128xf32, #tpu.memory_space<vmem_shared>>
      tpu.enqueue_dma source(%dma_start3A_470 : memref<32x128xf32, #tpu.memory_space<vmem_shared>>) target(%dma_start3A_468 : memref<32x128xf32, #tpu.memory_space<vmem>>) target_semaphore(%run_scoped3A : memref<!tpu.dma_semaphore, #tpu.memory_space<semaphore_mem>>)
      %dma_wait3A_471 = arith.constant 0 : i32
      %dma_wait3A_472 = arith.constant 0 : i32
      %dma_wait3A_473 = tpu.memref_slice %arg12[%dma_wait3A_471, %dma_wait3A_472] : memref<32x128xf32, #tpu.memory_space<vmem>> -> memref<32x128xf32, #tpu.memory_space<vmem>>
      %dma_wait3A_474 = arith.constant 0 : i32
      %dma_wait3A_475 = tpu.memref_slice %arg7[%add3A_222, %dma_wait3A_474] : memref<10112x128xf32, #tpu.memory_space<vmem_shared>> -> memref<32x128xf32, #tpu.memory_space<vmem_shared>>
      %dma_wait3A_476 = arith.constant 0 : i32
      %dma_wait3A_477 = arith.constant 0 : i32
      %dma_wait3A_478 = tpu.memref_slice %arg12[%dma_wait3A_476, %dma_wait3A_477] : memref<32x128xf32, #tpu.memory_space<vmem>> -> memref<32x128xf32, #tpu.memory_space<vmem>>
      %dma_wait3A_479 = arith.constant 0 : i32
      %dma_wait3A_480 = tpu.memref_slice %arg7[%add3A_222, %dma_wait3A_479] : memref<10112x128xf32, #tpu.memory_space<vmem_shared>> -> memref<32x128xf32, #tpu.memory_space<vmem_shared>>
      tpu.wait_dma2 semaphore(%run_scoped3A : memref<!tpu.dma_semaphore, #tpu.memory_space<semaphore_mem>>) src(%dma_wait3A_480 : memref<32x128xf32, #tpu.memory_space<vmem_shared>>) dst(%dma_wait3A_478 : memref<32x128xf32, #tpu.memory_space<vmem>>)
      tpu.yield
    }) : () -> ()
    %add3A_223 = arith.constant 288 : i32
    %add3A_224 = arith.addi %add3A_5, %add3A_223 : i32
    "tpu.region"() ({
      %run_scoped3A = tpu.sem_alloc : memref<!tpu.dma_semaphore, #tpu.memory_space<semaphore_mem>>
      %dma_start3A_461 = arith.constant 0 : i32
      %dma_start3A_462 = arith.constant 0 : i32
      %dma_start3A_463 = tpu.memref_slice %arg12[%dma_start3A_461, %dma_start3A_462] : memref<32x128xf32, #tpu.memory_space<vmem>> -> memref<32x128xf32, #tpu.memory_space<vmem>>
      %dma_start3A_464 = arith.constant 0 : i32
      %dma_start3A_465 = tpu.memref_slice %arg5[%add3A_224, %dma_start3A_464] : memref<20224x128xf32, #tpu.memory_space<hbm>> -> memref<32x128xf32, #tpu.memory_space<hbm>>
      %dma_start3A_466 = arith.constant 0 : i32
      %dma_start3A_467 = tpu.memref_slice %arg5[%add3A_224, %dma_start3A_466] : memref<20224x128xf32, #tpu.memory_space<hbm>> -> memref<32x128xf32, #tpu.memory_space<hbm>>
      %dma_start3A_468 = arith.constant 0 : i32
      %dma_start3A_469 = arith.constant 0 : i32
      %dma_start3A_470 = tpu.memref_slice %arg12[%dma_start3A_468, %dma_start3A_469] : memref<32x128xf32, #tpu.memory_space<vmem>> -> memref<32x128xf32, #tpu.memory_space<vmem>>
      tpu.enqueue_dma source(%dma_start3A_470 : memref<32x128xf32, #tpu.memory_space<vmem>>) target(%dma_start3A_467 : memref<32x128xf32, #tpu.memory_space<hbm>>) target_semaphore(%run_scoped3A : memref<!tpu.dma_semaphore, #tpu.memory_space<semaphore_mem>>)
      %dma_wait3A_471 = arith.constant 0 : i32
      %dma_wait3A_472 = arith.constant 0 : i32
      %dma_wait3A_473 = tpu.memref_slice %arg12[%dma_wait3A_471, %dma_wait3A_472] : memref<32x128xf32, #tpu.memory_space<vmem>> -> memref<32x128xf32, #tpu.memory_space<vmem>>
      %dma_wait3A_474 = arith.constant 0 : i32
      %dma_wait3A_475 = tpu.memref_slice %arg5[%add3A_224, %dma_wait3A_474] : memref<20224x128xf32, #tpu.memory_space<hbm>> -> memref<32x128xf32, #tpu.memory_space<hbm>>
      %dma_wait3A_476 = arith.constant 0 : i32
      %dma_wait3A_477 = tpu.memref_slice %arg5[%add3A_224, %dma_wait3A_476] : memref<20224x128xf32, #tpu.memory_space<hbm>> -> memref<32x128xf32, #tpu.memory_space<hbm>>
      %dma_wait3A_478 = arith.constant 0 : i32
      %dma_wait3A_479 = arith.constant 0 : i32
      %dma_wait3A_480 = tpu.memref_slice %arg12[%dma_wait3A_478, %dma_wait3A_479] : memref<32x128xf32, #tpu.memory_space<vmem>> -> memref<32x128xf32, #tpu.memory_space<vmem>>
      tpu.wait_dma2 semaphore(%run_scoped3A : memref<!tpu.dma_semaphore, #tpu.memory_space<semaphore_mem>>) src(%dma_wait3A_480 : memref<32x128xf32, #tpu.memory_space<vmem>>) dst(%dma_wait3A_477 : memref<32x128xf32, #tpu.memory_space<hbm>>)
      tpu.yield
    }) : () -> ()
    %add3A_225 = arith.constant 320 : i32
    %add3A_226 = arith.addi %mul3A_2, %add3A_225 : i32
    "tpu.region"() ({
      %run_scoped3A = tpu.sem_alloc : memref<!tpu.dma_semaphore, #tpu.memory_space<semaphore_mem>>
      %dma_start3A_461 = arith.constant 0 : i32
      %dma_start3A_462 = arith.constant 0 : i32
      %dma_start3A_463 = tpu.memref_slice %arg12[%dma_start3A_461, %dma_start3A_462] : memref<32x128xf32, #tpu.memory_space<vmem>> -> memref<32x128xf32, #tpu.memory_space<vmem>>
      %dma_start3A_464 = arith.constant 0 : i32
      %dma_start3A_465 = tpu.memref_slice %arg7[%add3A_226, %dma_start3A_464] : memref<10112x128xf32, #tpu.memory_space<vmem_shared>> -> memref<32x128xf32, #tpu.memory_space<vmem_shared>>
      %dma_start3A_466 = arith.constant 0 : i32
      %dma_start3A_467 = arith.constant 0 : i32
      %dma_start3A_468 = tpu.memref_slice %arg12[%dma_start3A_466, %dma_start3A_467] : memref<32x128xf32, #tpu.memory_space<vmem>> -> memref<32x128xf32, #tpu.memory_space<vmem>>
      %dma_start3A_469 = arith.constant 0 : i32
      %dma_start3A_470 = tpu.memref_slice %arg7[%add3A_226, %dma_start3A_469] : memref<10112x128xf32, #tpu.memory_space<vmem_shared>> -> memref<32x128xf32, #tpu.memory_space<vmem_shared>>
      tpu.enqueue_dma source(%dma_start3A_470 : memref<32x128xf32, #tpu.memory_space<vmem_shared>>) target(%dma_start3A_468 : memref<32x128xf32, #tpu.memory_space<vmem>>) target_semaphore(%run_scoped3A : memref<!tpu.dma_semaphore, #tpu.memory_space<semaphore_mem>>)
      %dma_wait3A_471 = arith.constant 0 : i32
      %dma_wait3A_472 = arith.constant 0 : i32
      %dma_wait3A_473 = tpu.memref_slice %arg12[%dma_wait3A_471, %dma_wait3A_472] : memref<32x128xf32, #tpu.memory_space<vmem>> -> memref<32x128xf32, #tpu.memory_space<vmem>>
      %dma_wait3A_474 = arith.constant 0 : i32
      %dma_wait3A_475 = tpu.memref_slice %arg7[%add3A_226, %dma_wait3A_474] : memref<10112x128xf32, #tpu.memory_space<vmem_shared>> -> memref<32x128xf32, #tpu.memory_space<vmem_shared>>
      %dma_wait3A_476 = arith.constant 0 : i32
      %dma_wait3A_477 = arith.constant 0 : i32
      %dma_wait3A_478 = tpu.memref_slice %arg12[%dma_wait3A_476, %dma_wait3A_477] : memref<32x128xf32, #tpu.memory_space<vmem>> -> memref<32x128xf32, #tpu.memory_space<vmem>>
      %dma_wait3A_479 = arith.constant 0 : i32
      %dma_wait3A_480 = tpu.memref_slice %arg7[%add3A_226, %dma_wait3A_479] : memref<10112x128xf32, #tpu.memory_space<vmem_shared>> -> memref<32x128xf32, #tpu.memory_space<vmem_shared>>
      tpu.wait_dma2 semaphore(%run_scoped3A : memref<!tpu.dma_semaphore, #tpu.memory_space<semaphore_mem>>) src(%dma_wait3A_480 : memref<32x128xf32, #tpu.memory_space<vmem_shared>>) dst(%dma_wait3A_478 : memref<32x128xf32, #tpu.memory_space<vmem>>)
      tpu.yield
    }) : () -> ()
    %add3A_227 = arith.constant 320 : i32
    %add3A_228 = arith.addi %add3A_5, %add3A_227 : i32
    "tpu.region"() ({
      %run_scoped3A = tpu.sem_alloc : memref<!tpu.dma_semaphore, #tpu.memory_space<semaphore_mem>>
      %dma_start3A_461 = arith.constant 0 : i32
      %dma_start3A_462 = arith.constant 0 : i32
      %dma_start3A_463 = tpu.memref_slice %arg12[%dma_start3A_461, %dma_start3A_462] : memref<32x128xf32, #tpu.memory_space<vmem>> -> memref<32x128xf32, #tpu.memory_space<vmem>>
      %dma_start3A_464 = arith.constant 0 : i32
      %dma_start3A_465 = tpu.memref_slice %arg5[%add3A_228, %dma_start3A_464] : memref<20224x128xf32, #tpu.memory_space<hbm>> -> memref<32x128xf32, #tpu.memory_space<hbm>>
      %dma_start3A_466 = arith.constant 0 : i32
      %dma_start3A_467 = tpu.memref_slice %arg5[%add3A_228, %dma_start3A_466] : memref<20224x128xf32, #tpu.memory_space<hbm>> -> memref<32x128xf32, #tpu.memory_space<hbm>>
      %dma_start3A_468 = arith.constant 0 : i32
      %dma_start3A_469 = arith.constant 0 : i32
      %dma_start3A_470 = tpu.memref_slice %arg12[%dma_start3A_468, %dma_start3A_469] : memref<32x128xf32, #tpu.memory_space<vmem>> -> memref<32x128xf32, #tpu.memory_space<vmem>>
      tpu.enqueue_dma source(%dma_start3A_470 : memref<32x128xf32, #tpu.memory_space<vmem>>) target(%dma_start3A_467 : memref<32x128xf32, #tpu.memory_space<hbm>>) target_semaphore(%run_scoped3A : memref<!tpu.dma_semaphore, #tpu.memory_space<semaphore_mem>>)
      %dma_wait3A_471 = arith.constant 0 : i32
      %dma_wait3A_472 = arith.constant 0 : i32
      %dma_wait3A_473 = tpu.memref_slice %arg12[%dma_wait3A_471, %dma_wait3A_472] : memref<32x128xf32, #tpu.memory_space<vmem>> -> memref<32x128xf32, #tpu.memory_space<vmem>>
      %dma_wait3A_474 = arith.constant 0 : i32
      %dma_wait3A_475 = tpu.memref_slice %arg5[%add3A_228, %dma_wait3A_474] : memref<20224x128xf32, #tpu.memory_space<hbm>> -> memref<32x128xf32, #tpu.memory_space<hbm>>
      %dma_wait3A_476 = arith.constant 0 : i32
      %dma_wait3A_477 = tpu.memref_slice %arg5[%add3A_228, %dma_wait3A_476] : memref<20224x128xf32, #tpu.memory_space<hbm>> -> memref<32x128xf32, #tpu.memory_space<hbm>>
      %dma_wait3A_478 = arith.constant 0 : i32
      %dma_wait3A_479 = arith.constant 0 : i32
      %dma_wait3A_480 = tpu.memref_slice %arg12[%dma_wait3A_478, %dma_wait3A_479] : memref<32x128xf32, #tpu.memory_space<vmem>> -> memref<32x128xf32, #tpu.memory_space<vmem>>
      tpu.wait_dma2 semaphore(%run_scoped3A : memref<!tpu.dma_semaphore, #tpu.memory_space<semaphore_mem>>) src(%dma_wait3A_480 : memref<32x128xf32, #tpu.memory_space<vmem>>) dst(%dma_wait3A_477 : memref<32x128xf32, #tpu.memory_space<hbm>>)
      tpu.yield
    }) : () -> ()
    %add3A_229 = arith.constant 352 : i32
    %add3A_230 = arith.addi %mul3A_2, %add3A_229 : i32
    "tpu.region"() ({
      %run_scoped3A = tpu.sem_alloc : memref<!tpu.dma_semaphore, #tpu.memory_space<semaphore_mem>>
      %dma_start3A_461 = arith.constant 0 : i32
      %dma_start3A_462 = arith.constant 0 : i32
      %dma_start3A_463 = tpu.memref_slice %arg12[%dma_start3A_461, %dma_start3A_462] : memref<32x128xf32, #tpu.memory_space<vmem>> -> memref<32x128xf32, #tpu.memory_space<vmem>>
      %dma_start3A_464 = arith.constant 0 : i32
      %dma_start3A_465 = tpu.memref_slice %arg7[%add3A_230, %dma_start3A_464] : memref<10112x128xf32, #tpu.memory_space<vmem_shared>> -> memref<32x128xf32, #tpu.memory_space<vmem_shared>>
      %dma_start3A_466 = arith.constant 0 : i32
      %dma_start3A_467 = arith.constant 0 : i32
      %dma_start3A_468 = tpu.memref_slice %arg12[%dma_start3A_466, %dma_start3A_467] : memref<32x128xf32, #tpu.memory_space<vmem>> -> memref<32x128xf32, #tpu.memory_space<vmem>>
      %dma_start3A_469 = arith.constant 0 : i32
      %dma_start3A_470 = tpu.memref_slice %arg7[%add3A_230, %dma_start3A_469] : memref<10112x128xf32, #tpu.memory_space<vmem_shared>> -> memref<32x128xf32, #tpu.memory_space<vmem_shared>>
      tpu.enqueue_dma source(%dma_start3A_470 : memref<32x128xf32, #tpu.memory_space<vmem_shared>>) target(%dma_start3A_468 : memref<32x128xf32, #tpu.memory_space<vmem>>) target_semaphore(%run_scoped3A : memref<!tpu.dma_semaphore, #tpu.memory_space<semaphore_mem>>)
      %dma_wait3A_471 = arith.constant 0 : i32
      %dma_wait3A_472 = arith.constant 0 : i32
      %dma_wait3A_473 = tpu.memref_slice %arg12[%dma_wait3A_471, %dma_wait3A_472] : memref<32x128xf32, #tpu.memory_space<vmem>> -> memref<32x128xf32, #tpu.memory_space<vmem>>
      %dma_wait3A_474 = arith.constant 0 : i32
      %dma_wait3A_475 = tpu.memref_slice %arg7[%add3A_230, %dma_wait3A_474] : memref<10112x128xf32, #tpu.memory_space<vmem_shared>> -> memref<32x128xf32, #tpu.memory_space<vmem_shared>>
      %dma_wait3A_476 = arith.constant 0 : i32
      %dma_wait3A_477 = arith.constant 0 : i32
      %dma_wait3A_478 = tpu.memref_slice %arg12[%dma_wait3A_476, %dma_wait3A_477] : memref<32x128xf32, #tpu.memory_space<vmem>> -> memref<32x128xf32, #tpu.memory_space<vmem>>
      %dma_wait3A_479 = arith.constant 0 : i32
      %dma_wait3A_480 = tpu.memref_slice %arg7[%add3A_230, %dma_wait3A_479] : memref<10112x128xf32, #tpu.memory_space<vmem_shared>> -> memref<32x128xf32, #tpu.memory_space<vmem_shared>>
      tpu.wait_dma2 semaphore(%run_scoped3A : memref<!tpu.dma_semaphore, #tpu.memory_space<semaphore_mem>>) src(%dma_wait3A_480 : memref<32x128xf32, #tpu.memory_space<vmem_shared>>) dst(%dma_wait3A_478 : memref<32x128xf32, #tpu.memory_space<vmem>>)
      tpu.yield
    }) : () -> ()
    %add3A_231 = arith.constant 352 : i32
    %add3A_232 = arith.addi %add3A_5, %add3A_231 : i32
    "tpu.region"() ({
      %run_scoped3A = tpu.sem_alloc : memref<!tpu.dma_semaphore, #tpu.memory_space<semaphore_mem>>
      %dma_start3A_461 = arith.constant 0 : i32
      %dma_start3A_462 = arith.constant 0 : i32
      %dma_start3A_463 = tpu.memref_slice %arg12[%dma_start3A_461, %dma_start3A_462] : memref<32x128xf32, #tpu.memory_space<vmem>> -> memref<32x128xf32, #tpu.memory_space<vmem>>
      %dma_start3A_464 = arith.constant 0 : i32
      %dma_start3A_465 = tpu.memref_slice %arg5[%add3A_232, %dma_start3A_464] : memref<20224x128xf32, #tpu.memory_space<hbm>> -> memref<32x128xf32, #tpu.memory_space<hbm>>
      %dma_start3A_466 = arith.constant 0 : i32
      %dma_start3A_467 = tpu.memref_slice %arg5[%add3A_232, %dma_start3A_466] : memref<20224x128xf32, #tpu.memory_space<hbm>> -> memref<32x128xf32, #tpu.memory_space<hbm>>
      %dma_start3A_468 = arith.constant 0 : i32
      %dma_start3A_469 = arith.constant 0 : i32
      %dma_start3A_470 = tpu.memref_slice %arg12[%dma_start3A_468, %dma_start3A_469] : memref<32x128xf32, #tpu.memory_space<vmem>> -> memref<32x128xf32, #tpu.memory_space<vmem>>
      tpu.enqueue_dma source(%dma_start3A_470 : memref<32x128xf32, #tpu.memory_space<vmem>>) target(%dma_start3A_467 : memref<32x128xf32, #tpu.memory_space<hbm>>) target_semaphore(%run_scoped3A : memref<!tpu.dma_semaphore, #tpu.memory_space<semaphore_mem>>)
      %dma_wait3A_471 = arith.constant 0 : i32
      %dma_wait3A_472 = arith.constant 0 : i32
      %dma_wait3A_473 = tpu.memref_slice %arg12[%dma_wait3A_471, %dma_wait3A_472] : memref<32x128xf32, #tpu.memory_space<vmem>> -> memref<32x128xf32, #tpu.memory_space<vmem>>
      %dma_wait3A_474 = arith.constant 0 : i32
      %dma_wait3A_475 = tpu.memref_slice %arg5[%add3A_232, %dma_wait3A_474] : memref<20224x128xf32, #tpu.memory_space<hbm>> -> memref<32x128xf32, #tpu.memory_space<hbm>>
      %dma_wait3A_476 = arith.constant 0 : i32
      %dma_wait3A_477 = tpu.memref_slice %arg5[%add3A_232, %dma_wait3A_476] : memref<20224x128xf32, #tpu.memory_space<hbm>> -> memref<32x128xf32, #tpu.memory_space<hbm>>
      %dma_wait3A_478 = arith.constant 0 : i32
      %dma_wait3A_479 = arith.constant 0 : i32
      %dma_wait3A_480 = tpu.memref_slice %arg12[%dma_wait3A_478, %dma_wait3A_479] : memref<32x128xf32, #tpu.memory_space<vmem>> -> memref<32x128xf32, #tpu.memory_space<vmem>>
      tpu.wait_dma2 semaphore(%run_scoped3A : memref<!tpu.dma_semaphore, #tpu.memory_space<semaphore_mem>>) src(%dma_wait3A_480 : memref<32x128xf32, #tpu.memory_space<vmem>>) dst(%dma_wait3A_477 : memref<32x128xf32, #tpu.memory_space<hbm>>)
      tpu.yield
    }) : () -> ()
    %add3A_233 = arith.constant 384 : i32
    %add3A_234 = arith.addi %mul3A_2, %add3A_233 : i32
    "tpu.region"() ({
      %run_scoped3A = tpu.sem_alloc : memref<!tpu.dma_semaphore, #tpu.memory_space<semaphore_mem>>
      %dma_start3A_461 = arith.constant 0 : i32
      %dma_start3A_462 = arith.constant 0 : i32
      %dma_start3A_463 = tpu.memref_slice %arg12[%dma_start3A_461, %dma_start3A_462] : memref<32x128xf32, #tpu.memory_space<vmem>> -> memref<32x128xf32, #tpu.memory_space<vmem>>
      %dma_start3A_464 = arith.constant 0 : i32
      %dma_start3A_465 = tpu.memref_slice %arg7[%add3A_234, %dma_start3A_464] : memref<10112x128xf32, #tpu.memory_space<vmem_shared>> -> memref<32x128xf32, #tpu.memory_space<vmem_shared>>
      %dma_start3A_466 = arith.constant 0 : i32
      %dma_start3A_467 = arith.constant 0 : i32
      %dma_start3A_468 = tpu.memref_slice %arg12[%dma_start3A_466, %dma_start3A_467] : memref<32x128xf32, #tpu.memory_space<vmem>> -> memref<32x128xf32, #tpu.memory_space<vmem>>
      %dma_start3A_469 = arith.constant 0 : i32
      %dma_start3A_470 = tpu.memref_slice %arg7[%add3A_234, %dma_start3A_469] : memref<10112x128xf32, #tpu.memory_space<vmem_shared>> -> memref<32x128xf32, #tpu.memory_space<vmem_shared>>
      tpu.enqueue_dma source(%dma_start3A_470 : memref<32x128xf32, #tpu.memory_space<vmem_shared>>) target(%dma_start3A_468 : memref<32x128xf32, #tpu.memory_space<vmem>>) target_semaphore(%run_scoped3A : memref<!tpu.dma_semaphore, #tpu.memory_space<semaphore_mem>>)
      %dma_wait3A_471 = arith.constant 0 : i32
      %dma_wait3A_472 = arith.constant 0 : i32
      %dma_wait3A_473 = tpu.memref_slice %arg12[%dma_wait3A_471, %dma_wait3A_472] : memref<32x128xf32, #tpu.memory_space<vmem>> -> memref<32x128xf32, #tpu.memory_space<vmem>>
      %dma_wait3A_474 = arith.constant 0 : i32
      %dma_wait3A_475 = tpu.memref_slice %arg7[%add3A_234, %dma_wait3A_474] : memref<10112x128xf32, #tpu.memory_space<vmem_shared>> -> memref<32x128xf32, #tpu.memory_space<vmem_shared>>
      %dma_wait3A_476 = arith.constant 0 : i32
      %dma_wait3A_477 = arith.constant 0 : i32
      %dma_wait3A_478 = tpu.memref_slice %arg12[%dma_wait3A_476, %dma_wait3A_477] : memref<32x128xf32, #tpu.memory_space<vmem>> -> memref<32x128xf32, #tpu.memory_space<vmem>>
      %dma_wait3A_479 = arith.constant 0 : i32
      %dma_wait3A_480 = tpu.memref_slice %arg7[%add3A_234, %dma_wait3A_479] : memref<10112x128xf32, #tpu.memory_space<vmem_shared>> -> memref<32x128xf32, #tpu.memory_space<vmem_shared>>
      tpu.wait_dma2 semaphore(%run_scoped3A : memref<!tpu.dma_semaphore, #tpu.memory_space<semaphore_mem>>) src(%dma_wait3A_480 : memref<32x128xf32, #tpu.memory_space<vmem_shared>>) dst(%dma_wait3A_478 : memref<32x128xf32, #tpu.memory_space<vmem>>)
      tpu.yield
    }) : () -> ()
    %add3A_235 = arith.constant 384 : i32
    %add3A_236 = arith.addi %add3A_5, %add3A_235 : i32
    "tpu.region"() ({
      %run_scoped3A = tpu.sem_alloc : memref<!tpu.dma_semaphore, #tpu.memory_space<semaphore_mem>>
      %dma_start3A_461 = arith.constant 0 : i32
      %dma_start3A_462 = arith.constant 0 : i32
      %dma_start3A_463 = tpu.memref_slice %arg12[%dma_start3A_461, %dma_start3A_462] : memref<32x128xf32, #tpu.memory_space<vmem>> -> memref<32x128xf32, #tpu.memory_space<vmem>>
      %dma_start3A_464 = arith.constant 0 : i32
      %dma_start3A_465 = tpu.memref_slice %arg5[%add3A_236, %dma_start3A_464] : memref<20224x128xf32, #tpu.memory_space<hbm>> -> memref<32x128xf32, #tpu.memory_space<hbm>>
      %dma_start3A_466 = arith.constant 0 : i32
      %dma_start3A_467 = tpu.memref_slice %arg5[%add3A_236, %dma_start3A_466] : memref<20224x128xf32, #tpu.memory_space<hbm>> -> memref<32x128xf32, #tpu.memory_space<hbm>>
      %dma_start3A_468 = arith.constant 0 : i32
      %dma_start3A_469 = arith.constant 0 : i32
      %dma_start3A_470 = tpu.memref_slice %arg12[%dma_start3A_468, %dma_start3A_469] : memref<32x128xf32, #tpu.memory_space<vmem>> -> memref<32x128xf32, #tpu.memory_space<vmem>>
      tpu.enqueue_dma source(%dma_start3A_470 : memref<32x128xf32, #tpu.memory_space<vmem>>) target(%dma_start3A_467 : memref<32x128xf32, #tpu.memory_space<hbm>>) target_semaphore(%run_scoped3A : memref<!tpu.dma_semaphore, #tpu.memory_space<semaphore_mem>>)
      %dma_wait3A_471 = arith.constant 0 : i32
      %dma_wait3A_472 = arith.constant 0 : i32
      %dma_wait3A_473 = tpu.memref_slice %arg12[%dma_wait3A_471, %dma_wait3A_472] : memref<32x128xf32, #tpu.memory_space<vmem>> -> memref<32x128xf32, #tpu.memory_space<vmem>>
      %dma_wait3A_474 = arith.constant 0 : i32
      %dma_wait3A_475 = tpu.memref_slice %arg5[%add3A_236, %dma_wait3A_474] : memref<20224x128xf32, #tpu.memory_space<hbm>> -> memref<32x128xf32, #tpu.memory_space<hbm>>
      %dma_wait3A_476 = arith.constant 0 : i32
      %dma_wait3A_477 = tpu.memref_slice %arg5[%add3A_236, %dma_wait3A_476] : memref<20224x128xf32, #tpu.memory_space<hbm>> -> memref<32x128xf32, #tpu.memory_space<hbm>>
      %dma_wait3A_478 = arith.constant 0 : i32
      %dma_wait3A_479 = arith.constant 0 : i32
      %dma_wait3A_480 = tpu.memref_slice %arg12[%dma_wait3A_478, %dma_wait3A_479] : memref<32x128xf32, #tpu.memory_space<vmem>> -> memref<32x128xf32, #tpu.memory_space<vmem>>
      tpu.wait_dma2 semaphore(%run_scoped3A : memref<!tpu.dma_semaphore, #tpu.memory_space<semaphore_mem>>) src(%dma_wait3A_480 : memref<32x128xf32, #tpu.memory_space<vmem>>) dst(%dma_wait3A_477 : memref<32x128xf32, #tpu.memory_space<hbm>>)
      tpu.yield
    }) : () -> ()
    %add3A_237 = arith.constant 416 : i32
    %add3A_238 = arith.addi %mul3A_2, %add3A_237 : i32
    "tpu.region"() ({
      %run_scoped3A = tpu.sem_alloc : memref<!tpu.dma_semaphore, #tpu.memory_space<semaphore_mem>>
      %dma_start3A_461 = arith.constant 0 : i32
      %dma_start3A_462 = arith.constant 0 : i32
      %dma_start3A_463 = tpu.memref_slice %arg12[%dma_start3A_461, %dma_start3A_462] : memref<32x128xf32, #tpu.memory_space<vmem>> -> memref<32x128xf32, #tpu.memory_space<vmem>>
      %dma_start3A_464 = arith.constant 0 : i32
      %dma_start3A_465 = tpu.memref_slice %arg7[%add3A_238, %dma_start3A_464] : memref<10112x128xf32, #tpu.memory_space<vmem_shared>> -> memref<32x128xf32, #tpu.memory_space<vmem_shared>>
      %dma_start3A_466 = arith.constant 0 : i32
      %dma_start3A_467 = arith.constant 0 : i32
      %dma_start3A_468 = tpu.memref_slice %arg12[%dma_start3A_466, %dma_start3A_467] : memref<32x128xf32, #tpu.memory_space<vmem>> -> memref<32x128xf32, #tpu.memory_space<vmem>>
      %dma_start3A_469 = arith.constant 0 : i32
      %dma_start3A_470 = tpu.memref_slice %arg7[%add3A_238, %dma_start3A_469] : memref<10112x128xf32, #tpu.memory_space<vmem_shared>> -> memref<32x128xf32, #tpu.memory_space<vmem_shared>>
      tpu.enqueue_dma source(%dma_start3A_470 : memref<32x128xf32, #tpu.memory_space<vmem_shared>>) target(%dma_start3A_468 : memref<32x128xf32, #tpu.memory_space<vmem>>) target_semaphore(%run_scoped3A : memref<!tpu.dma_semaphore, #tpu.memory_space<semaphore_mem>>)
      %dma_wait3A_471 = arith.constant 0 : i32
      %dma_wait3A_472 = arith.constant 0 : i32
      %dma_wait3A_473 = tpu.memref_slice %arg12[%dma_wait3A_471, %dma_wait3A_472] : memref<32x128xf32, #tpu.memory_space<vmem>> -> memref<32x128xf32, #tpu.memory_space<vmem>>
      %dma_wait3A_474 = arith.constant 0 : i32
      %dma_wait3A_475 = tpu.memref_slice %arg7[%add3A_238, %dma_wait3A_474] : memref<10112x128xf32, #tpu.memory_space<vmem_shared>> -> memref<32x128xf32, #tpu.memory_space<vmem_shared>>
      %dma_wait3A_476 = arith.constant 0 : i32
      %dma_wait3A_477 = arith.constant 0 : i32
      %dma_wait3A_478 = tpu.memref_slice %arg12[%dma_wait3A_476, %dma_wait3A_477] : memref<32x128xf32, #tpu.memory_space<vmem>> -> memref<32x128xf32, #tpu.memory_space<vmem>>
      %dma_wait3A_479 = arith.constant 0 : i32
      %dma_wait3A_480 = tpu.memref_slice %arg7[%add3A_238, %dma_wait3A_479] : memref<10112x128xf32, #tpu.memory_space<vmem_shared>> -> memref<32x128xf32, #tpu.memory_space<vmem_shared>>
      tpu.wait_dma2 semaphore(%run_scoped3A : memref<!tpu.dma_semaphore, #tpu.memory_space<semaphore_mem>>) src(%dma_wait3A_480 : memref<32x128xf32, #tpu.memory_space<vmem_shared>>) dst(%dma_wait3A_478 : memref<32x128xf32, #tpu.memory_space<vmem>>)
      tpu.yield
    }) : () -> ()
    %add3A_239 = arith.constant 416 : i32
    %add3A_240 = arith.addi %add3A_5, %add3A_239 : i32
    "tpu.region"() ({
      %run_scoped3A = tpu.sem_alloc : memref<!tpu.dma_semaphore, #tpu.memory_space<semaphore_mem>>
      %dma_start3A_461 = arith.constant 0 : i32
      %dma_start3A_462 = arith.constant 0 : i32
      %dma_start3A_463 = tpu.memref_slice %arg12[%dma_start3A_461, %dma_start3A_462] : memref<32x128xf32, #tpu.memory_space<vmem>> -> memref<32x128xf32, #tpu.memory_space<vmem>>
      %dma_start3A_464 = arith.constant 0 : i32
      %dma_start3A_465 = tpu.memref_slice %arg5[%add3A_240, %dma_start3A_464] : memref<20224x128xf32, #tpu.memory_space<hbm>> -> memref<32x128xf32, #tpu.memory_space<hbm>>
      %dma_start3A_466 = arith.constant 0 : i32
      %dma_start3A_467 = tpu.memref_slice %arg5[%add3A_240, %dma_start3A_466] : memref<20224x128xf32, #tpu.memory_space<hbm>> -> memref<32x128xf32, #tpu.memory_space<hbm>>
      %dma_start3A_468 = arith.constant 0 : i32
      %dma_start3A_469 = arith.constant 0 : i32
      %dma_start3A_470 = tpu.memref_slice %arg12[%dma_start3A_468, %dma_start3A_469] : memref<32x128xf32, #tpu.memory_space<vmem>> -> memref<32x128xf32, #tpu.memory_space<vmem>>
      tpu.enqueue_dma source(%dma_start3A_470 : memref<32x128xf32, #tpu.memory_space<vmem>>) target(%dma_start3A_467 : memref<32x128xf32, #tpu.memory_space<hbm>>) target_semaphore(%run_scoped3A : memref<!tpu.dma_semaphore, #tpu.memory_space<semaphore_mem>>)
      %dma_wait3A_471 = arith.constant 0 : i32
      %dma_wait3A_472 = arith.constant 0 : i32
      %dma_wait3A_473 = tpu.memref_slice %arg12[%dma_wait3A_471, %dma_wait3A_472] : memref<32x128xf32, #tpu.memory_space<vmem>> -> memref<32x128xf32, #tpu.memory_space<vmem>>
      %dma_wait3A_474 = arith.constant 0 : i32
      %dma_wait3A_475 = tpu.memref_slice %arg5[%add3A_240, %dma_wait3A_474] : memref<20224x128xf32, #tpu.memory_space<hbm>> -> memref<32x128xf32, #tpu.memory_space<hbm>>
      %dma_wait3A_476 = arith.constant 0 : i32
      %dma_wait3A_477 = tpu.memref_slice %arg5[%add3A_240, %dma_wait3A_476] : memref<20224x128xf32, #tpu.memory_space<hbm>> -> memref<32x128xf32, #tpu.memory_space<hbm>>
      %dma_wait3A_478 = arith.constant 0 : i32
      %dma_wait3A_479 = arith.constant 0 : i32
      %dma_wait3A_480 = tpu.memref_slice %arg12[%dma_wait3A_478, %dma_wait3A_479] : memref<32x128xf32, #tpu.memory_space<vmem>> -> memref<32x128xf32, #tpu.memory_space<vmem>>
      tpu.wait_dma2 semaphore(%run_scoped3A : memref<!tpu.dma_semaphore, #tpu.memory_space<semaphore_mem>>) src(%dma_wait3A_480 : memref<32x128xf32, #tpu.memory_space<vmem>>) dst(%dma_wait3A_477 : memref<32x128xf32, #tpu.memory_space<hbm>>)
      tpu.yield
    }) : () -> ()
    %add3A_241 = arith.constant 448 : i32
    %add3A_242 = arith.addi %mul3A_2, %add3A_241 : i32
    "tpu.region"() ({
      %run_scoped3A = tpu.sem_alloc : memref<!tpu.dma_semaphore, #tpu.memory_space<semaphore_mem>>
      %dma_start3A_461 = arith.constant 0 : i32
      %dma_start3A_462 = arith.constant 0 : i32
      %dma_start3A_463 = tpu.memref_slice %arg12[%dma_start3A_461, %dma_start3A_462] : memref<32x128xf32, #tpu.memory_space<vmem>> -> memref<32x128xf32, #tpu.memory_space<vmem>>
      %dma_start3A_464 = arith.constant 0 : i32
      %dma_start3A_465 = tpu.memref_slice %arg7[%add3A_242, %dma_start3A_464] : memref<10112x128xf32, #tpu.memory_space<vmem_shared>> -> memref<32x128xf32, #tpu.memory_space<vmem_shared>>
      %dma_start3A_466 = arith.constant 0 : i32
      %dma_start3A_467 = arith.constant 0 : i32
      %dma_start3A_468 = tpu.memref_slice %arg12[%dma_start3A_466, %dma_start3A_467] : memref<32x128xf32, #tpu.memory_space<vmem>> -> memref<32x128xf32, #tpu.memory_space<vmem>>
      %dma_start3A_469 = arith.constant 0 : i32
      %dma_start3A_470 = tpu.memref_slice %arg7[%add3A_242, %dma_start3A_469] : memref<10112x128xf32, #tpu.memory_space<vmem_shared>> -> memref<32x128xf32, #tpu.memory_space<vmem_shared>>
      tpu.enqueue_dma source(%dma_start3A_470 : memref<32x128xf32, #tpu.memory_space<vmem_shared>>) target(%dma_start3A_468 : memref<32x128xf32, #tpu.memory_space<vmem>>) target_semaphore(%run_scoped3A : memref<!tpu.dma_semaphore, #tpu.memory_space<semaphore_mem>>)
      %dma_wait3A_471 = arith.constant 0 : i32
      %dma_wait3A_472 = arith.constant 0 : i32
      %dma_wait3A_473 = tpu.memref_slice %arg12[%dma_wait3A_471, %dma_wait3A_472] : memref<32x128xf32, #tpu.memory_space<vmem>> -> memref<32x128xf32, #tpu.memory_space<vmem>>
      %dma_wait3A_474 = arith.constant 0 : i32
      %dma_wait3A_475 = tpu.memref_slice %arg7[%add3A_242, %dma_wait3A_474] : memref<10112x128xf32, #tpu.memory_space<vmem_shared>> -> memref<32x128xf32, #tpu.memory_space<vmem_shared>>
      %dma_wait3A_476 = arith.constant 0 : i32
      %dma_wait3A_477 = arith.constant 0 : i32
      %dma_wait3A_478 = tpu.memref_slice %arg12[%dma_wait3A_476, %dma_wait3A_477] : memref<32x128xf32, #tpu.memory_space<vmem>> -> memref<32x128xf32, #tpu.memory_space<vmem>>
      %dma_wait3A_479 = arith.constant 0 : i32
      %dma_wait3A_480 = tpu.memref_slice %arg7[%add3A_242, %dma_wait3A_479] : memref<10112x128xf32, #tpu.memory_space<vmem_shared>> -> memref<32x128xf32, #tpu.memory_space<vmem_shared>>
      tpu.wait_dma2 semaphore(%run_scoped3A : memref<!tpu.dma_semaphore, #tpu.memory_space<semaphore_mem>>) src(%dma_wait3A_480 : memref<32x128xf32, #tpu.memory_space<vmem_shared>>) dst(%dma_wait3A_478 : memref<32x128xf32, #tpu.memory_space<vmem>>)
      tpu.yield
    }) : () -> ()
    %add3A_243 = arith.constant 448 : i32
    %add3A_244 = arith.addi %add3A_5, %add3A_243 : i32
    "tpu.region"() ({
      %run_scoped3A = tpu.sem_alloc : memref<!tpu.dma_semaphore, #tpu.memory_space<semaphore_mem>>
      %dma_start3A_461 = arith.constant 0 : i32
      %dma_start3A_462 = arith.constant 0 : i32
      %dma_start3A_463 = tpu.memref_slice %arg12[%dma_start3A_461, %dma_start3A_462] : memref<32x128xf32, #tpu.memory_space<vmem>> -> memref<32x128xf32, #tpu.memory_space<vmem>>
      %dma_start3A_464 = arith.constant 0 : i32
      %dma_start3A_465 = tpu.memref_slice %arg5[%add3A_244, %dma_start3A_464] : memref<20224x128xf32, #tpu.memory_space<hbm>> -> memref<32x128xf32, #tpu.memory_space<hbm>>
      %dma_start3A_466 = arith.constant 0 : i32
      %dma_start3A_467 = tpu.memref_slice %arg5[%add3A_244, %dma_start3A_466] : memref<20224x128xf32, #tpu.memory_space<hbm>> -> memref<32x128xf32, #tpu.memory_space<hbm>>
      %dma_start3A_468 = arith.constant 0 : i32
      %dma_start3A_469 = arith.constant 0 : i32
      %dma_start3A_470 = tpu.memref_slice %arg12[%dma_start3A_468, %dma_start3A_469] : memref<32x128xf32, #tpu.memory_space<vmem>> -> memref<32x128xf32, #tpu.memory_space<vmem>>
      tpu.enqueue_dma source(%dma_start3A_470 : memref<32x128xf32, #tpu.memory_space<vmem>>) target(%dma_start3A_467 : memref<32x128xf32, #tpu.memory_space<hbm>>) target_semaphore(%run_scoped3A : memref<!tpu.dma_semaphore, #tpu.memory_space<semaphore_mem>>)
      %dma_wait3A_471 = arith.constant 0 : i32
      %dma_wait3A_472 = arith.constant 0 : i32
      %dma_wait3A_473 = tpu.memref_slice %arg12[%dma_wait3A_471, %dma_wait3A_472] : memref<32x128xf32, #tpu.memory_space<vmem>> -> memref<32x128xf32, #tpu.memory_space<vmem>>
      %dma_wait3A_474 = arith.constant 0 : i32
      %dma_wait3A_475 = tpu.memref_slice %arg5[%add3A_244, %dma_wait3A_474] : memref<20224x128xf32, #tpu.memory_space<hbm>> -> memref<32x128xf32, #tpu.memory_space<hbm>>
      %dma_wait3A_476 = arith.constant 0 : i32
      %dma_wait3A_477 = tpu.memref_slice %arg5[%add3A_244, %dma_wait3A_476] : memref<20224x128xf32, #tpu.memory_space<hbm>> -> memref<32x128xf32, #tpu.memory_space<hbm>>
      %dma_wait3A_478 = arith.constant 0 : i32
      %dma_wait3A_479 = arith.constant 0 : i32
      %dma_wait3A_480 = tpu.memref_slice %arg12[%dma_wait3A_478, %dma_wait3A_479] : memref<32x128xf32, #tpu.memory_space<vmem>> -> memref<32x128xf32, #tpu.memory_space<vmem>>
      tpu.wait_dma2 semaphore(%run_scoped3A : memref<!tpu.dma_semaphore, #tpu.memory_space<semaphore_mem>>) src(%dma_wait3A_480 : memref<32x128xf32, #tpu.memory_space<vmem>>) dst(%dma_wait3A_477 : memref<32x128xf32, #tpu.memory_space<hbm>>)
      tpu.yield
    }) : () -> ()
    %add3A_245 = arith.constant 480 : i32
    %add3A_246 = arith.addi %mul3A_2, %add3A_245 : i32
    "tpu.region"() ({
      %run_scoped3A = tpu.sem_alloc : memref<!tpu.dma_semaphore, #tpu.memory_space<semaphore_mem>>
      %dma_start3A_461 = arith.constant 0 : i32
      %dma_start3A_462 = arith.constant 0 : i32
      %dma_start3A_463 = tpu.memref_slice %arg12[%dma_start3A_461, %dma_start3A_462] : memref<32x128xf32, #tpu.memory_space<vmem>> -> memref<32x128xf32, #tpu.memory_space<vmem>>
      %dma_start3A_464 = arith.constant 0 : i32
      %dma_start3A_465 = tpu.memref_slice %arg7[%add3A_246, %dma_start3A_464] : memref<10112x128xf32, #tpu.memory_space<vmem_shared>> -> memref<32x128xf32, #tpu.memory_space<vmem_shared>>
      %dma_start3A_466 = arith.constant 0 : i32
      %dma_start3A_467 = arith.constant 0 : i32
      %dma_start3A_468 = tpu.memref_slice %arg12[%dma_start3A_466, %dma_start3A_467] : memref<32x128xf32, #tpu.memory_space<vmem>> -> memref<32x128xf32, #tpu.memory_space<vmem>>
      %dma_start3A_469 = arith.constant 0 : i32
      %dma_start3A_470 = tpu.memref_slice %arg7[%add3A_246, %dma_start3A_469] : memref<10112x128xf32, #tpu.memory_space<vmem_shared>> -> memref<32x128xf32, #tpu.memory_space<vmem_shared>>
      tpu.enqueue_dma source(%dma_start3A_470 : memref<32x128xf32, #tpu.memory_space<vmem_shared>>) target(%dma_start3A_468 : memref<32x128xf32, #tpu.memory_space<vmem>>) target_semaphore(%run_scoped3A : memref<!tpu.dma_semaphore, #tpu.memory_space<semaphore_mem>>)
      %dma_wait3A_471 = arith.constant 0 : i32
      %dma_wait3A_472 = arith.constant 0 : i32
      %dma_wait3A_473 = tpu.memref_slice %arg12[%dma_wait3A_471, %dma_wait3A_472] : memref<32x128xf32, #tpu.memory_space<vmem>> -> memref<32x128xf32, #tpu.memory_space<vmem>>
      %dma_wait3A_474 = arith.constant 0 : i32
      %dma_wait3A_475 = tpu.memref_slice %arg7[%add3A_246, %dma_wait3A_474] : memref<10112x128xf32, #tpu.memory_space<vmem_shared>> -> memref<32x128xf32, #tpu.memory_space<vmem_shared>>
      %dma_wait3A_476 = arith.constant 0 : i32
      %dma_wait3A_477 = arith.constant 0 : i32
      %dma_wait3A_478 = tpu.memref_slice %arg12[%dma_wait3A_476, %dma_wait3A_477] : memref<32x128xf32, #tpu.memory_space<vmem>> -> memref<32x128xf32, #tpu.memory_space<vmem>>
      %dma_wait3A_479 = arith.constant 0 : i32
      %dma_wait3A_480 = tpu.memref_slice %arg7[%add3A_246, %dma_wait3A_479] : memref<10112x128xf32, #tpu.memory_space<vmem_shared>> -> memref<32x128xf32, #tpu.memory_space<vmem_shared>>
      tpu.wait_dma2 semaphore(%run_scoped3A : memref<!tpu.dma_semaphore, #tpu.memory_space<semaphore_mem>>) src(%dma_wait3A_480 : memref<32x128xf32, #tpu.memory_space<vmem_shared>>) dst(%dma_wait3A_478 : memref<32x128xf32, #tpu.memory_space<vmem>>)
      tpu.yield
    }) : () -> ()
    %add3A_247 = arith.constant 480 : i32
    %add3A_248 = arith.addi %add3A_5, %add3A_247 : i32
    "tpu.region"() ({
      %run_scoped3A = tpu.sem_alloc : memref<!tpu.dma_semaphore, #tpu.memory_space<semaphore_mem>>
      %dma_start3A_461 = arith.constant 0 : i32
      %dma_start3A_462 = arith.constant 0 : i32
      %dma_start3A_463 = tpu.memref_slice %arg12[%dma_start3A_461, %dma_start3A_462] : memref<32x128xf32, #tpu.memory_space<vmem>> -> memref<32x128xf32, #tpu.memory_space<vmem>>
      %dma_start3A_464 = arith.constant 0 : i32
      %dma_start3A_465 = tpu.memref_slice %arg5[%add3A_248, %dma_start3A_464] : memref<20224x128xf32, #tpu.memory_space<hbm>> -> memref<32x128xf32, #tpu.memory_space<hbm>>
      %dma_start3A_466 = arith.constant 0 : i32
      %dma_start3A_467 = tpu.memref_slice %arg5[%add3A_248, %dma_start3A_466] : memref<20224x128xf32, #tpu.memory_space<hbm>> -> memref<32x128xf32, #tpu.memory_space<hbm>>
      %dma_start3A_468 = arith.constant 0 : i32
      %dma_start3A_469 = arith.constant 0 : i32
      %dma_start3A_470 = tpu.memref_slice %arg12[%dma_start3A_468, %dma_start3A_469] : memref<32x128xf32, #tpu.memory_space<vmem>> -> memref<32x128xf32, #tpu.memory_space<vmem>>
      tpu.enqueue_dma source(%dma_start3A_470 : memref<32x128xf32, #tpu.memory_space<vmem>>) target(%dma_start3A_467 : memref<32x128xf32, #tpu.memory_space<hbm>>) target_semaphore(%run_scoped3A : memref<!tpu.dma_semaphore, #tpu.memory_space<semaphore_mem>>)
      %dma_wait3A_471 = arith.constant 0 : i32
      %dma_wait3A_472 = arith.constant 0 : i32
      %dma_wait3A_473 = tpu.memref_slice %arg12[%dma_wait3A_471, %dma_wait3A_472] : memref<32x128xf32, #tpu.memory_space<vmem>> -> memref<32x128xf32, #tpu.memory_space<vmem>>
      %dma_wait3A_474 = arith.constant 0 : i32
      %dma_wait3A_475 = tpu.memref_slice %arg5[%add3A_248, %dma_wait3A_474] : memref<20224x128xf32, #tpu.memory_space<hbm>> -> memref<32x128xf32, #tpu.memory_space<hbm>>
      %dma_wait3A_476 = arith.constant 0 : i32
      %dma_wait3A_477 = tpu.memref_slice %arg5[%add3A_248, %dma_wait3A_476] : memref<20224x128xf32, #tpu.memory_space<hbm>> -> memref<32x128xf32, #tpu.memory_space<hbm>>
      %dma_wait3A_478 = arith.constant 0 : i32
      %dma_wait3A_479 = arith.constant 0 : i32
      %dma_wait3A_480 = tpu.memref_slice %arg12[%dma_wait3A_478, %dma_wait3A_479] : memref<32x128xf32, #tpu.memory_space<vmem>> -> memref<32x128xf32, #tpu.memory_space<vmem>>
      tpu.wait_dma2 semaphore(%run_scoped3A : memref<!tpu.dma_semaphore, #tpu.memory_space<semaphore_mem>>) src(%dma_wait3A_480 : memref<32x128xf32, #tpu.memory_space<vmem>>) dst(%dma_wait3A_477 : memref<32x128xf32, #tpu.memory_space<hbm>>)
      tpu.yield
    }) : () -> ()
    %add3A_249 = arith.constant 512 : i32
    %add3A_250 = arith.addi %mul3A_2, %add3A_249 : i32
    "tpu.region"() ({
      %run_scoped3A = tpu.sem_alloc : memref<!tpu.dma_semaphore, #tpu.memory_space<semaphore_mem>>
      %dma_start3A_461 = arith.constant 0 : i32
      %dma_start3A_462 = arith.constant 0 : i32
      %dma_start3A_463 = tpu.memref_slice %arg12[%dma_start3A_461, %dma_start3A_462] : memref<32x128xf32, #tpu.memory_space<vmem>> -> memref<32x128xf32, #tpu.memory_space<vmem>>
      %dma_start3A_464 = arith.constant 0 : i32
      %dma_start3A_465 = tpu.memref_slice %arg7[%add3A_250, %dma_start3A_464] : memref<10112x128xf32, #tpu.memory_space<vmem_shared>> -> memref<32x128xf32, #tpu.memory_space<vmem_shared>>
      %dma_start3A_466 = arith.constant 0 : i32
      %dma_start3A_467 = arith.constant 0 : i32
      %dma_start3A_468 = tpu.memref_slice %arg12[%dma_start3A_466, %dma_start3A_467] : memref<32x128xf32, #tpu.memory_space<vmem>> -> memref<32x128xf32, #tpu.memory_space<vmem>>
      %dma_start3A_469 = arith.constant 0 : i32
      %dma_start3A_470 = tpu.memref_slice %arg7[%add3A_250, %dma_start3A_469] : memref<10112x128xf32, #tpu.memory_space<vmem_shared>> -> memref<32x128xf32, #tpu.memory_space<vmem_shared>>
      tpu.enqueue_dma source(%dma_start3A_470 : memref<32x128xf32, #tpu.memory_space<vmem_shared>>) target(%dma_start3A_468 : memref<32x128xf32, #tpu.memory_space<vmem>>) target_semaphore(%run_scoped3A : memref<!tpu.dma_semaphore, #tpu.memory_space<semaphore_mem>>)
      %dma_wait3A_471 = arith.constant 0 : i32
      %dma_wait3A_472 = arith.constant 0 : i32
      %dma_wait3A_473 = tpu.memref_slice %arg12[%dma_wait3A_471, %dma_wait3A_472] : memref<32x128xf32, #tpu.memory_space<vmem>> -> memref<32x128xf32, #tpu.memory_space<vmem>>
      %dma_wait3A_474 = arith.constant 0 : i32
      %dma_wait3A_475 = tpu.memref_slice %arg7[%add3A_250, %dma_wait3A_474] : memref<10112x128xf32, #tpu.memory_space<vmem_shared>> -> memref<32x128xf32, #tpu.memory_space<vmem_shared>>
      %dma_wait3A_476 = arith.constant 0 : i32
      %dma_wait3A_477 = arith.constant 0 : i32
      %dma_wait3A_478 = tpu.memref_slice %arg12[%dma_wait3A_476, %dma_wait3A_477] : memref<32x128xf32, #tpu.memory_space<vmem>> -> memref<32x128xf32, #tpu.memory_space<vmem>>
      %dma_wait3A_479 = arith.constant 0 : i32
      %dma_wait3A_480 = tpu.memref_slice %arg7[%add3A_250, %dma_wait3A_479] : memref<10112x128xf32, #tpu.memory_space<vmem_shared>> -> memref<32x128xf32, #tpu.memory_space<vmem_shared>>
      tpu.wait_dma2 semaphore(%run_scoped3A : memref<!tpu.dma_semaphore, #tpu.memory_space<semaphore_mem>>) src(%dma_wait3A_480 : memref<32x128xf32, #tpu.memory_space<vmem_shared>>) dst(%dma_wait3A_478 : memref<32x128xf32, #tpu.memory_space<vmem>>)
      tpu.yield
    }) : () -> ()
    %add3A_251 = arith.constant 512 : i32
    %add3A_252 = arith.addi %add3A_5, %add3A_251 : i32
    "tpu.region"() ({
      %run_scoped3A = tpu.sem_alloc : memref<!tpu.dma_semaphore, #tpu.memory_space<semaphore_mem>>
      %dma_start3A_461 = arith.constant 0 : i32
      %dma_start3A_462 = arith.constant 0 : i32
      %dma_start3A_463 = tpu.memref_slice %arg12[%dma_start3A_461, %dma_start3A_462] : memref<32x128xf32, #tpu.memory_space<vmem>> -> memref<32x128xf32, #tpu.memory_space<vmem>>
      %dma_start3A_464 = arith.constant 0 : i32
      %dma_start3A_465 = tpu.memref_slice %arg5[%add3A_252, %dma_start3A_464] : memref<20224x128xf32, #tpu.memory_space<hbm>> -> memref<32x128xf32, #tpu.memory_space<hbm>>
      %dma_start3A_466 = arith.constant 0 : i32
      %dma_start3A_467 = tpu.memref_slice %arg5[%add3A_252, %dma_start3A_466] : memref<20224x128xf32, #tpu.memory_space<hbm>> -> memref<32x128xf32, #tpu.memory_space<hbm>>
      %dma_start3A_468 = arith.constant 0 : i32
      %dma_start3A_469 = arith.constant 0 : i32
      %dma_start3A_470 = tpu.memref_slice %arg12[%dma_start3A_468, %dma_start3A_469] : memref<32x128xf32, #tpu.memory_space<vmem>> -> memref<32x128xf32, #tpu.memory_space<vmem>>
      tpu.enqueue_dma source(%dma_start3A_470 : memref<32x128xf32, #tpu.memory_space<vmem>>) target(%dma_start3A_467 : memref<32x128xf32, #tpu.memory_space<hbm>>) target_semaphore(%run_scoped3A : memref<!tpu.dma_semaphore, #tpu.memory_space<semaphore_mem>>)
      %dma_wait3A_471 = arith.constant 0 : i32
      %dma_wait3A_472 = arith.constant 0 : i32
      %dma_wait3A_473 = tpu.memref_slice %arg12[%dma_wait3A_471, %dma_wait3A_472] : memref<32x128xf32, #tpu.memory_space<vmem>> -> memref<32x128xf32, #tpu.memory_space<vmem>>
      %dma_wait3A_474 = arith.constant 0 : i32
      %dma_wait3A_475 = tpu.memref_slice %arg5[%add3A_252, %dma_wait3A_474] : memref<20224x128xf32, #tpu.memory_space<hbm>> -> memref<32x128xf32, #tpu.memory_space<hbm>>
      %dma_wait3A_476 = arith.constant 0 : i32
      %dma_wait3A_477 = tpu.memref_slice %arg5[%add3A_252, %dma_wait3A_476] : memref<20224x128xf32, #tpu.memory_space<hbm>> -> memref<32x128xf32, #tpu.memory_space<hbm>>
      %dma_wait3A_478 = arith.constant 0 : i32
      %dma_wait3A_479 = arith.constant 0 : i32
      %dma_wait3A_480 = tpu.memref_slice %arg12[%dma_wait3A_478, %dma_wait3A_479] : memref<32x128xf32, #tpu.memory_space<vmem>> -> memref<32x128xf32, #tpu.memory_space<vmem>>
      tpu.wait_dma2 semaphore(%run_scoped3A : memref<!tpu.dma_semaphore, #tpu.memory_space<semaphore_mem>>) src(%dma_wait3A_480 : memref<32x128xf32, #tpu.memory_space<vmem>>) dst(%dma_wait3A_477 : memref<32x128xf32, #tpu.memory_space<hbm>>)
      tpu.yield
    }) : () -> ()
    %add3A_253 = arith.constant 544 : i32
    %add3A_254 = arith.addi %mul3A_2, %add3A_253 : i32
    "tpu.region"() ({
      %run_scoped3A = tpu.sem_alloc : memref<!tpu.dma_semaphore, #tpu.memory_space<semaphore_mem>>
      %dma_start3A_461 = arith.constant 0 : i32
      %dma_start3A_462 = arith.constant 0 : i32
      %dma_start3A_463 = tpu.memref_slice %arg12[%dma_start3A_461, %dma_start3A_462] : memref<32x128xf32, #tpu.memory_space<vmem>> -> memref<32x128xf32, #tpu.memory_space<vmem>>
      %dma_start3A_464 = arith.constant 0 : i32
      %dma_start3A_465 = tpu.memref_slice %arg7[%add3A_254, %dma_start3A_464] : memref<10112x128xf32, #tpu.memory_space<vmem_shared>> -> memref<32x128xf32, #tpu.memory_space<vmem_shared>>
      %dma_start3A_466 = arith.constant 0 : i32
      %dma_start3A_467 = arith.constant 0 : i32
      %dma_start3A_468 = tpu.memref_slice %arg12[%dma_start3A_466, %dma_start3A_467] : memref<32x128xf32, #tpu.memory_space<vmem>> -> memref<32x128xf32, #tpu.memory_space<vmem>>
      %dma_start3A_469 = arith.constant 0 : i32
      %dma_start3A_470 = tpu.memref_slice %arg7[%add3A_254, %dma_start3A_469] : memref<10112x128xf32, #tpu.memory_space<vmem_shared>> -> memref<32x128xf32, #tpu.memory_space<vmem_shared>>
      tpu.enqueue_dma source(%dma_start3A_470 : memref<32x128xf32, #tpu.memory_space<vmem_shared>>) target(%dma_start3A_468 : memref<32x128xf32, #tpu.memory_space<vmem>>) target_semaphore(%run_scoped3A : memref<!tpu.dma_semaphore, #tpu.memory_space<semaphore_mem>>)
      %dma_wait3A_471 = arith.constant 0 : i32
      %dma_wait3A_472 = arith.constant 0 : i32
      %dma_wait3A_473 = tpu.memref_slice %arg12[%dma_wait3A_471, %dma_wait3A_472] : memref<32x128xf32, #tpu.memory_space<vmem>> -> memref<32x128xf32, #tpu.memory_space<vmem>>
      %dma_wait3A_474 = arith.constant 0 : i32
      %dma_wait3A_475 = tpu.memref_slice %arg7[%add3A_254, %dma_wait3A_474] : memref<10112x128xf32, #tpu.memory_space<vmem_shared>> -> memref<32x128xf32, #tpu.memory_space<vmem_shared>>
      %dma_wait3A_476 = arith.constant 0 : i32
      %dma_wait3A_477 = arith.constant 0 : i32
      %dma_wait3A_478 = tpu.memref_slice %arg12[%dma_wait3A_476, %dma_wait3A_477] : memref<32x128xf32, #tpu.memory_space<vmem>> -> memref<32x128xf32, #tpu.memory_space<vmem>>
      %dma_wait3A_479 = arith.constant 0 : i32
      %dma_wait3A_480 = tpu.memref_slice %arg7[%add3A_254, %dma_wait3A_479] : memref<10112x128xf32, #tpu.memory_space<vmem_shared>> -> memref<32x128xf32, #tpu.memory_space<vmem_shared>>
      tpu.wait_dma2 semaphore(%run_scoped3A : memref<!tpu.dma_semaphore, #tpu.memory_space<semaphore_mem>>) src(%dma_wait3A_480 : memref<32x128xf32, #tpu.memory_space<vmem_shared>>) dst(%dma_wait3A_478 : memref<32x128xf32, #tpu.memory_space<vmem>>)
      tpu.yield
    }) : () -> ()
    %add3A_255 = arith.constant 544 : i32
    %add3A_256 = arith.addi %add3A_5, %add3A_255 : i32
    "tpu.region"() ({
      %run_scoped3A = tpu.sem_alloc : memref<!tpu.dma_semaphore, #tpu.memory_space<semaphore_mem>>
      %dma_start3A_461 = arith.constant 0 : i32
      %dma_start3A_462 = arith.constant 0 : i32
      %dma_start3A_463 = tpu.memref_slice %arg12[%dma_start3A_461, %dma_start3A_462] : memref<32x128xf32, #tpu.memory_space<vmem>> -> memref<32x128xf32, #tpu.memory_space<vmem>>
      %dma_start3A_464 = arith.constant 0 : i32
      %dma_start3A_465 = tpu.memref_slice %arg5[%add3A_256, %dma_start3A_464] : memref<20224x128xf32, #tpu.memory_space<hbm>> -> memref<32x128xf32, #tpu.memory_space<hbm>>
      %dma_start3A_466 = arith.constant 0 : i32
      %dma_start3A_467 = tpu.memref_slice %arg5[%add3A_256, %dma_start3A_466] : memref<20224x128xf32, #tpu.memory_space<hbm>> -> memref<32x128xf32, #tpu.memory_space<hbm>>
      %dma_start3A_468 = arith.constant 0 : i32
      %dma_start3A_469 = arith.constant 0 : i32
      %dma_start3A_470 = tpu.memref_slice %arg12[%dma_start3A_468, %dma_start3A_469] : memref<32x128xf32, #tpu.memory_space<vmem>> -> memref<32x128xf32, #tpu.memory_space<vmem>>
      tpu.enqueue_dma source(%dma_start3A_470 : memref<32x128xf32, #tpu.memory_space<vmem>>) target(%dma_start3A_467 : memref<32x128xf32, #tpu.memory_space<hbm>>) target_semaphore(%run_scoped3A : memref<!tpu.dma_semaphore, #tpu.memory_space<semaphore_mem>>)
      %dma_wait3A_471 = arith.constant 0 : i32
      %dma_wait3A_472 = arith.constant 0 : i32
      %dma_wait3A_473 = tpu.memref_slice %arg12[%dma_wait3A_471, %dma_wait3A_472] : memref<32x128xf32, #tpu.memory_space<vmem>> -> memref<32x128xf32, #tpu.memory_space<vmem>>
      %dma_wait3A_474 = arith.constant 0 : i32
      %dma_wait3A_475 = tpu.memref_slice %arg5[%add3A_256, %dma_wait3A_474] : memref<20224x128xf32, #tpu.memory_space<hbm>> -> memref<32x128xf32, #tpu.memory_space<hbm>>
      %dma_wait3A_476 = arith.constant 0 : i32
      %dma_wait3A_477 = tpu.memref_slice %arg5[%add3A_256, %dma_wait3A_476] : memref<20224x128xf32, #tpu.memory_space<hbm>> -> memref<32x128xf32, #tpu.memory_space<hbm>>
      %dma_wait3A_478 = arith.constant 0 : i32
      %dma_wait3A_479 = arith.constant 0 : i32
      %dma_wait3A_480 = tpu.memref_slice %arg12[%dma_wait3A_478, %dma_wait3A_479] : memref<32x128xf32, #tpu.memory_space<vmem>> -> memref<32x128xf32, #tpu.memory_space<vmem>>
      tpu.wait_dma2 semaphore(%run_scoped3A : memref<!tpu.dma_semaphore, #tpu.memory_space<semaphore_mem>>) src(%dma_wait3A_480 : memref<32x128xf32, #tpu.memory_space<vmem>>) dst(%dma_wait3A_477 : memref<32x128xf32, #tpu.memory_space<hbm>>)
      tpu.yield
    }) : () -> ()
    %add3A_257 = arith.constant 576 : i32
    %add3A_258 = arith.addi %mul3A_2, %add3A_257 : i32
    "tpu.region"() ({
      %run_scoped3A = tpu.sem_alloc : memref<!tpu.dma_semaphore, #tpu.memory_space<semaphore_mem>>
      %dma_start3A_461 = arith.constant 0 : i32
      %dma_start3A_462 = arith.constant 0 : i32
      %dma_start3A_463 = tpu.memref_slice %arg12[%dma_start3A_461, %dma_start3A_462] : memref<32x128xf32, #tpu.memory_space<vmem>> -> memref<32x128xf32, #tpu.memory_space<vmem>>
      %dma_start3A_464 = arith.constant 0 : i32
      %dma_start3A_465 = tpu.memref_slice %arg7[%add3A_258, %dma_start3A_464] : memref<10112x128xf32, #tpu.memory_space<vmem_shared>> -> memref<32x128xf32, #tpu.memory_space<vmem_shared>>
      %dma_start3A_466 = arith.constant 0 : i32
      %dma_start3A_467 = arith.constant 0 : i32
      %dma_start3A_468 = tpu.memref_slice %arg12[%dma_start3A_466, %dma_start3A_467] : memref<32x128xf32, #tpu.memory_space<vmem>> -> memref<32x128xf32, #tpu.memory_space<vmem>>
      %dma_start3A_469 = arith.constant 0 : i32
      %dma_start3A_470 = tpu.memref_slice %arg7[%add3A_258, %dma_start3A_469] : memref<10112x128xf32, #tpu.memory_space<vmem_shared>> -> memref<32x128xf32, #tpu.memory_space<vmem_shared>>
      tpu.enqueue_dma source(%dma_start3A_470 : memref<32x128xf32, #tpu.memory_space<vmem_shared>>) target(%dma_start3A_468 : memref<32x128xf32, #tpu.memory_space<vmem>>) target_semaphore(%run_scoped3A : memref<!tpu.dma_semaphore, #tpu.memory_space<semaphore_mem>>)
      %dma_wait3A_471 = arith.constant 0 : i32
      %dma_wait3A_472 = arith.constant 0 : i32
      %dma_wait3A_473 = tpu.memref_slice %arg12[%dma_wait3A_471, %dma_wait3A_472] : memref<32x128xf32, #tpu.memory_space<vmem>> -> memref<32x128xf32, #tpu.memory_space<vmem>>
      %dma_wait3A_474 = arith.constant 0 : i32
      %dma_wait3A_475 = tpu.memref_slice %arg7[%add3A_258, %dma_wait3A_474] : memref<10112x128xf32, #tpu.memory_space<vmem_shared>> -> memref<32x128xf32, #tpu.memory_space<vmem_shared>>
      %dma_wait3A_476 = arith.constant 0 : i32
      %dma_wait3A_477 = arith.constant 0 : i32
      %dma_wait3A_478 = tpu.memref_slice %arg12[%dma_wait3A_476, %dma_wait3A_477] : memref<32x128xf32, #tpu.memory_space<vmem>> -> memref<32x128xf32, #tpu.memory_space<vmem>>
      %dma_wait3A_479 = arith.constant 0 : i32
      %dma_wait3A_480 = tpu.memref_slice %arg7[%add3A_258, %dma_wait3A_479] : memref<10112x128xf32, #tpu.memory_space<vmem_shared>> -> memref<32x128xf32, #tpu.memory_space<vmem_shared>>
      tpu.wait_dma2 semaphore(%run_scoped3A : memref<!tpu.dma_semaphore, #tpu.memory_space<semaphore_mem>>) src(%dma_wait3A_480 : memref<32x128xf32, #tpu.memory_space<vmem_shared>>) dst(%dma_wait3A_478 : memref<32x128xf32, #tpu.memory_space<vmem>>)
      tpu.yield
    }) : () -> ()
    %add3A_259 = arith.constant 576 : i32
    %add3A_260 = arith.addi %add3A_5, %add3A_259 : i32
    "tpu.region"() ({
      %run_scoped3A = tpu.sem_alloc : memref<!tpu.dma_semaphore, #tpu.memory_space<semaphore_mem>>
      %dma_start3A_461 = arith.constant 0 : i32
      %dma_start3A_462 = arith.constant 0 : i32
      %dma_start3A_463 = tpu.memref_slice %arg12[%dma_start3A_461, %dma_start3A_462] : memref<32x128xf32, #tpu.memory_space<vmem>> -> memref<32x128xf32, #tpu.memory_space<vmem>>
      %dma_start3A_464 = arith.constant 0 : i32
      %dma_start3A_465 = tpu.memref_slice %arg5[%add3A_260, %dma_start3A_464] : memref<20224x128xf32, #tpu.memory_space<hbm>> -> memref<32x128xf32, #tpu.memory_space<hbm>>
      %dma_start3A_466 = arith.constant 0 : i32
      %dma_start3A_467 = tpu.memref_slice %arg5[%add3A_260, %dma_start3A_466] : memref<20224x128xf32, #tpu.memory_space<hbm>> -> memref<32x128xf32, #tpu.memory_space<hbm>>
      %dma_start3A_468 = arith.constant 0 : i32
      %dma_start3A_469 = arith.constant 0 : i32
      %dma_start3A_470 = tpu.memref_slice %arg12[%dma_start3A_468, %dma_start3A_469] : memref<32x128xf32, #tpu.memory_space<vmem>> -> memref<32x128xf32, #tpu.memory_space<vmem>>
      tpu.enqueue_dma source(%dma_start3A_470 : memref<32x128xf32, #tpu.memory_space<vmem>>) target(%dma_start3A_467 : memref<32x128xf32, #tpu.memory_space<hbm>>) target_semaphore(%run_scoped3A : memref<!tpu.dma_semaphore, #tpu.memory_space<semaphore_mem>>)
      %dma_wait3A_471 = arith.constant 0 : i32
      %dma_wait3A_472 = arith.constant 0 : i32
      %dma_wait3A_473 = tpu.memref_slice %arg12[%dma_wait3A_471, %dma_wait3A_472] : memref<32x128xf32, #tpu.memory_space<vmem>> -> memref<32x128xf32, #tpu.memory_space<vmem>>
      %dma_wait3A_474 = arith.constant 0 : i32
      %dma_wait3A_475 = tpu.memref_slice %arg5[%add3A_260, %dma_wait3A_474] : memref<20224x128xf32, #tpu.memory_space<hbm>> -> memref<32x128xf32, #tpu.memory_space<hbm>>
      %dma_wait3A_476 = arith.constant 0 : i32
      %dma_wait3A_477 = tpu.memref_slice %arg5[%add3A_260, %dma_wait3A_476] : memref<20224x128xf32, #tpu.memory_space<hbm>> -> memref<32x128xf32, #tpu.memory_space<hbm>>
      %dma_wait3A_478 = arith.constant 0 : i32
      %dma_wait3A_479 = arith.constant 0 : i32
      %dma_wait3A_480 = tpu.memref_slice %arg12[%dma_wait3A_478, %dma_wait3A_479] : memref<32x128xf32, #tpu.memory_space<vmem>> -> memref<32x128xf32, #tpu.memory_space<vmem>>
      tpu.wait_dma2 semaphore(%run_scoped3A : memref<!tpu.dma_semaphore, #tpu.memory_space<semaphore_mem>>) src(%dma_wait3A_480 : memref<32x128xf32, #tpu.memory_space<vmem>>) dst(%dma_wait3A_477 : memref<32x128xf32, #tpu.memory_space<hbm>>)
      tpu.yield
    }) : () -> ()
    %add3A_261 = arith.constant 608 : i32
    %add3A_262 = arith.addi %mul3A_2, %add3A_261 : i32
    "tpu.region"() ({
      %run_scoped3A = tpu.sem_alloc : memref<!tpu.dma_semaphore, #tpu.memory_space<semaphore_mem>>
      %dma_start3A_461 = arith.constant 0 : i32
      %dma_start3A_462 = arith.constant 0 : i32
      %dma_start3A_463 = tpu.memref_slice %arg12[%dma_start3A_461, %dma_start3A_462] : memref<32x128xf32, #tpu.memory_space<vmem>> -> memref<24x128xf32, #tpu.memory_space<vmem>>
      %dma_start3A_464 = arith.constant 0 : i32
      %dma_start3A_465 = tpu.memref_slice %arg7[%add3A_262, %dma_start3A_464] : memref<10112x128xf32, #tpu.memory_space<vmem_shared>> -> memref<24x128xf32, #tpu.memory_space<vmem_shared>>
      %dma_start3A_466 = arith.constant 0 : i32
      %dma_start3A_467 = arith.constant 0 : i32
      %dma_start3A_468 = tpu.memref_slice %arg12[%dma_start3A_466, %dma_start3A_467] : memref<32x128xf32, #tpu.memory_space<vmem>> -> memref<24x128xf32, #tpu.memory_space<vmem>>
      %dma_start3A_469 = arith.constant 0 : i32
      %dma_start3A_470 = tpu.memref_slice %arg7[%add3A_262, %dma_start3A_469] : memref<10112x128xf32, #tpu.memory_space<vmem_shared>> -> memref<24x128xf32, #tpu.memory_space<vmem_shared>>
      tpu.enqueue_dma source(%dma_start3A_470 : memref<24x128xf32, #tpu.memory_space<vmem_shared>>) target(%dma_start3A_468 : memref<24x128xf32, #tpu.memory_space<vmem>>) target_semaphore(%run_scoped3A : memref<!tpu.dma_semaphore, #tpu.memory_space<semaphore_mem>>)
      %dma_wait3A_471 = arith.constant 0 : i32
      %dma_wait3A_472 = arith.constant 0 : i32
      %dma_wait3A_473 = tpu.memref_slice %arg12[%dma_wait3A_471, %dma_wait3A_472] : memref<32x128xf32, #tpu.memory_space<vmem>> -> memref<24x128xf32, #tpu.memory_space<vmem>>
      %dma_wait3A_474 = arith.constant 0 : i32
      %dma_wait3A_475 = tpu.memref_slice %arg7[%add3A_262, %dma_wait3A_474] : memref<10112x128xf32, #tpu.memory_space<vmem_shared>> -> memref<24x128xf32, #tpu.memory_space<vmem_shared>>
      %dma_wait3A_476 = arith.constant 0 : i32
      %dma_wait3A_477 = arith.constant 0 : i32
      %dma_wait3A_478 = tpu.memref_slice %arg12[%dma_wait3A_476, %dma_wait3A_477] : memref<32x128xf32, #tpu.memory_space<vmem>> -> memref<24x128xf32, #tpu.memory_space<vmem>>
      %dma_wait3A_479 = arith.constant 0 : i32
      %dma_wait3A_480 = tpu.memref_slice %arg7[%add3A_262, %dma_wait3A_479] : memref<10112x128xf32, #tpu.memory_space<vmem_shared>> -> memref<24x128xf32, #tpu.memory_space<vmem_shared>>
      tpu.wait_dma2 semaphore(%run_scoped3A : memref<!tpu.dma_semaphore, #tpu.memory_space<semaphore_mem>>) src(%dma_wait3A_480 : memref<24x128xf32, #tpu.memory_space<vmem_shared>>) dst(%dma_wait3A_478 : memref<24x128xf32, #tpu.memory_space<vmem>>)
      tpu.yield
    }) : () -> ()
    %add3A_263 = arith.constant 608 : i32
    %add3A_264 = arith.addi %add3A_5, %add3A_263 : i32
    "tpu.region"() ({
      %run_scoped3A = tpu.sem_alloc : memref<!tpu.dma_semaphore, #tpu.memory_space<semaphore_mem>>
      %dma_start3A_461 = arith.constant 0 : i32
      %dma_start3A_462 = arith.constant 0 : i32
      %dma_start3A_463 = tpu.memref_slice %arg12[%dma_start3A_461, %dma_start3A_462] : memref<32x128xf32, #tpu.memory_space<vmem>> -> memref<24x128xf32, #tpu.memory_space<vmem>>
      %dma_start3A_464 = arith.constant 0 : i32
      %dma_start3A_465 = tpu.memref_slice %arg5[%add3A_264, %dma_start3A_464] : memref<20224x128xf32, #tpu.memory_space<hbm>> -> memref<24x128xf32, #tpu.memory_space<hbm>>
      %dma_start3A_466 = arith.constant 0 : i32
      %dma_start3A_467 = tpu.memref_slice %arg5[%add3A_264, %dma_start3A_466] : memref<20224x128xf32, #tpu.memory_space<hbm>> -> memref<24x128xf32, #tpu.memory_space<hbm>>
      %dma_start3A_468 = arith.constant 0 : i32
      %dma_start3A_469 = arith.constant 0 : i32
      %dma_start3A_470 = tpu.memref_slice %arg12[%dma_start3A_468, %dma_start3A_469] : memref<32x128xf32, #tpu.memory_space<vmem>> -> memref<24x128xf32, #tpu.memory_space<vmem>>
      tpu.enqueue_dma source(%dma_start3A_470 : memref<24x128xf32, #tpu.memory_space<vmem>>) target(%dma_start3A_467 : memref<24x128xf32, #tpu.memory_space<hbm>>) target_semaphore(%run_scoped3A : memref<!tpu.dma_semaphore, #tpu.memory_space<semaphore_mem>>)
      %dma_wait3A_471 = arith.constant 0 : i32
      %dma_wait3A_472 = arith.constant 0 : i32
      %dma_wait3A_473 = tpu.memref_slice %arg12[%dma_wait3A_471, %dma_wait3A_472] : memref<32x128xf32, #tpu.memory_space<vmem>> -> memref<24x128xf32, #tpu.memory_space<vmem>>
      %dma_wait3A_474 = arith.constant 0 : i32
      %dma_wait3A_475 = tpu.memref_slice %arg5[%add3A_264, %dma_wait3A_474] : memref<20224x128xf32, #tpu.memory_space<hbm>> -> memref<24x128xf32, #tpu.memory_space<hbm>>
      %dma_wait3A_476 = arith.constant 0 : i32
      %dma_wait3A_477 = tpu.memref_slice %arg5[%add3A_264, %dma_wait3A_476] : memref<20224x128xf32, #tpu.memory_space<hbm>> -> memref<24x128xf32, #tpu.memory_space<hbm>>
      %dma_wait3A_478 = arith.constant 0 : i32
      %dma_wait3A_479 = arith.constant 0 : i32
      %dma_wait3A_480 = tpu.memref_slice %arg12[%dma_wait3A_478, %dma_wait3A_479] : memref<32x128xf32, #tpu.memory_space<vmem>> -> memref<24x128xf32, #tpu.memory_space<vmem>>
      tpu.wait_dma2 semaphore(%run_scoped3A : memref<!tpu.dma_semaphore, #tpu.memory_space<semaphore_mem>>) src(%dma_wait3A_480 : memref<24x128xf32, #tpu.memory_space<vmem>>) dst(%dma_wait3A_477 : memref<24x128xf32, #tpu.memory_space<hbm>>)
      tpu.yield
    }) : () -> ()
    "tpu.trace_stop"() : () -> ()
    "tpu.trace_start"() <{level = 10 : i32, message = "sc_zero2"}> : () -> ()
    %scan3A_265 = arith.constant 0 : i32
    %scan3A_266 = arith.constant 0 : i32
    %scan3A_267 = arith.constant 32 : i32
    %scan3A_268 = arith.addi %scan3A_266, %scan3A_267 : i32
    %scan3A_269 = arith.constant 1 : i32
    scf.for %scan3A_461 = %scan3A_266 to %scan3A_268 step %scan3A_269  : i32 {
      %swap3A = arith.index_cast %scan3A_461 : i32 to index
      %swap3A_462 = arith.constant 0 : index
      %swap3A_463 = tpu.vector_load %arg12[%swap3A, %swap3A_462] {strides = array<i32>} : memref<32x128xf32, #tpu.memory_space<vmem>>, vector<1x16xf32>,
      %swap3A_464 = vector.shape_cast %swap3A_463 : vector<1x16xf32> to vector<16xf32>
      %swap3A_465 = vector.shape_cast %broadcast_in_dim3A_6 : vector<16xf32> to vector<1x16xf32>
      tpu.vector_store %arg12[%swap3A, %swap3A_462], %swap3A_465 {strides = array<i32>} : memref<32x128xf32, #tpu.memory_space<vmem>>, vector<1x16xf32>,
      %swap3A_466 = arith.index_cast %scan3A_461 : i32 to index
      %swap3A_467 = arith.constant 16 : index
      %swap3A_468 = tpu.vector_load %arg12[%swap3A_466, %swap3A_467] {strides = array<i32>} : memref<32x128xf32, #tpu.memory_space<vmem>>, vector<1x16xf32>,
      %swap3A_469 = vector.shape_cast %swap3A_468 : vector<1x16xf32> to vector<16xf32>
      %swap3A_470 = vector.shape_cast %broadcast_in_dim3A_6 : vector<16xf32> to vector<1x16xf32>
      tpu.vector_store %arg12[%swap3A_466, %swap3A_467], %swap3A_470 {strides = array<i32>} : memref<32x128xf32, #tpu.memory_space<vmem>>, vector<1x16xf32>,
      %swap3A_471 = arith.index_cast %scan3A_461 : i32 to index
      %swap3A_472 = arith.constant 32 : index
      %swap3A_473 = tpu.vector_load %arg12[%swap3A_471, %swap3A_472] {strides = array<i32>} : memref<32x128xf32, #tpu.memory_space<vmem>>, vector<1x16xf32>,
      %swap3A_474 = vector.shape_cast %swap3A_473 : vector<1x16xf32> to vector<16xf32>
      %swap3A_475 = vector.shape_cast %broadcast_in_dim3A_6 : vector<16xf32> to vector<1x16xf32>
      tpu.vector_store %arg12[%swap3A_471, %swap3A_472], %swap3A_475 {strides = array<i32>} : memref<32x128xf32, #tpu.memory_space<vmem>>, vector<1x16xf32>,
      %swap3A_476 = arith.index_cast %scan3A_461 : i32 to index
      %swap3A_477 = arith.constant 48 : index
      %swap3A_478 = tpu.vector_load %arg12[%swap3A_476, %swap3A_477] {strides = array<i32>} : memref<32x128xf32, #tpu.memory_space<vmem>>, vector<1x16xf32>,
      %swap3A_479 = vector.shape_cast %swap3A_478 : vector<1x16xf32> to vector<16xf32>
      %swap3A_480 = vector.shape_cast %broadcast_in_dim3A_6 : vector<16xf32> to vector<1x16xf32>
      tpu.vector_store %arg12[%swap3A_476, %swap3A_477], %swap3A_480 {strides = array<i32>} : memref<32x128xf32, #tpu.memory_space<vmem>>, vector<1x16xf32>,
      %swap3A_481 = arith.index_cast %scan3A_461 : i32 to index
      %swap3A_482 = arith.constant 64 : index
      %swap3A_483 = tpu.vector_load %arg12[%swap3A_481, %swap3A_482] {strides = array<i32>} : memref<32x128xf32, #tpu.memory_space<vmem>>, vector<1x16xf32>,
      %swap3A_484 = vector.shape_cast %swap3A_483 : vector<1x16xf32> to vector<16xf32>
      %swap3A_485 = vector.shape_cast %broadcast_in_dim3A_6 : vector<16xf32> to vector<1x16xf32>
      tpu.vector_store %arg12[%swap3A_481, %swap3A_482], %swap3A_485 {strides = array<i32>} : memref<32x128xf32, #tpu.memory_space<vmem>>, vector<1x16xf32>,
      %swap3A_486 = arith.index_cast %scan3A_461 : i32 to index
      %swap3A_487 = arith.constant 80 : index
      %swap3A_488 = tpu.vector_load %arg12[%swap3A_486, %swap3A_487] {strides = array<i32>} : memref<32x128xf32, #tpu.memory_space<vmem>>, vector<1x16xf32>,
      %swap3A_489 = vector.shape_cast %swap3A_488 : vector<1x16xf32> to vector<16xf32>
      %swap3A_490 = vector.shape_cast %broadcast_in_dim3A_6 : vector<16xf32> to vector<1x16xf32>
      tpu.vector_store %arg12[%swap3A_486, %swap3A_487], %swap3A_490 {strides = array<i32>} : memref<32x128xf32, #tpu.memory_space<vmem>>, vector<1x16xf32>,
      %swap3A_491 = arith.index_cast %scan3A_461 : i32 to index
      %swap3A_492 = arith.constant 96 : index
      %swap3A_493 = tpu.vector_load %arg12[%swap3A_491, %swap3A_492] {strides = array<i32>} : memref<32x128xf32, #tpu.memory_space<vmem>>, vector<1x16xf32>,
      %swap3A_494 = vector.shape_cast %swap3A_493 : vector<1x16xf32> to vector<16xf32>
      %swap3A_495 = vector.shape_cast %broadcast_in_dim3A_6 : vector<16xf32> to vector<1x16xf32>
      tpu.vector_store %arg12[%swap3A_491, %swap3A_492], %swap3A_495 {strides = array<i32>} : memref<32x128xf32, #tpu.memory_space<vmem>>, vector<1x16xf32>,
      %swap3A_496 = arith.index_cast %scan3A_461 : i32 to index
      %swap3A_497 = arith.constant 112 : index
      %swap3A_498 = tpu.vector_load %arg12[%swap3A_496, %swap3A_497] {strides = array<i32>} : memref<32x128xf32, #tpu.memory_space<vmem>>, vector<1x16xf32>,
      %swap3A_499 = vector.shape_cast %swap3A_498 : vector<1x16xf32> to vector<16xf32>
      %swap3A_500 = vector.shape_cast %broadcast_in_dim3A_6 : vector<16xf32> to vector<1x16xf32>
      tpu.vector_store %arg12[%swap3A_496, %swap3A_497], %swap3A_500 {strides = array<i32>} : memref<32x128xf32, #tpu.memory_space<vmem>>, vector<1x16xf32>,
    }
    %scan3A_270 = arith.constant 32 : i32
    %add3A_271 = arith.constant 0 : i32
    %add3A_272 = arith.addi %mul3A_2, %add3A_271 : i32
    "tpu.region"() ({
      %run_scoped3A = tpu.sem_alloc : memref<!tpu.dma_semaphore, #tpu.memory_space<semaphore_mem>>
      %dma_start3A_461 = arith.constant 0 : i32
      %dma_start3A_462 = arith.constant 0 : i32
      %dma_start3A_463 = tpu.memref_slice %arg12[%dma_start3A_461, %dma_start3A_462] : memref<32x128xf32, #tpu.memory_space<vmem>> -> memref<32x128xf32, #tpu.memory_space<vmem>>
      %dma_start3A_464 = arith.constant 0 : i32
      %dma_start3A_465 = tpu.memref_slice %arg7[%add3A_272, %dma_start3A_464] : memref<10112x128xf32, #tpu.memory_space<vmem_shared>> -> memref<32x128xf32, #tpu.memory_space<vmem_shared>>
      %dma_start3A_466 = arith.constant 0 : i32
      %dma_start3A_467 = tpu.memref_slice %arg7[%add3A_272, %dma_start3A_466] : memref<10112x128xf32, #tpu.memory_space<vmem_shared>> -> memref<32x128xf32, #tpu.memory_space<vmem_shared>>
      %dma_start3A_468 = arith.constant 0 : i32
      %dma_start3A_469 = arith.constant 0 : i32
      %dma_start3A_470 = tpu.memref_slice %arg12[%dma_start3A_468, %dma_start3A_469] : memref<32x128xf32, #tpu.memory_space<vmem>> -> memref<32x128xf32, #tpu.memory_space<vmem>>
      tpu.enqueue_dma source(%dma_start3A_470 : memref<32x128xf32, #tpu.memory_space<vmem>>) target(%dma_start3A_467 : memref<32x128xf32, #tpu.memory_space<vmem_shared>>) target_semaphore(%run_scoped3A : memref<!tpu.dma_semaphore, #tpu.memory_space<semaphore_mem>>)
      %dma_wait3A_471 = arith.constant 0 : i32
      %dma_wait3A_472 = arith.constant 0 : i32
      %dma_wait3A_473 = tpu.memref_slice %arg12[%dma_wait3A_471, %dma_wait3A_472] : memref<32x128xf32, #tpu.memory_space<vmem>> -> memref<32x128xf32, #tpu.memory_space<vmem>>
      %dma_wait3A_474 = arith.constant 0 : i32
      %dma_wait3A_475 = tpu.memref_slice %arg7[%add3A_272, %dma_wait3A_474] : memref<10112x128xf32, #tpu.memory_space<vmem_shared>> -> memref<32x128xf32, #tpu.memory_space<vmem_shared>>
      %dma_wait3A_476 = arith.constant 0 : i32
      %dma_wait3A_477 = tpu.memref_slice %arg7[%add3A_272, %dma_wait3A_476] : memref<10112x128xf32, #tpu.memory_space<vmem_shared>> -> memref<32x128xf32, #tpu.memory_space<vmem_shared>>
      %dma_wait3A_478 = arith.constant 0 : i32
      %dma_wait3A_479 = arith.constant 0 : i32
      %dma_wait3A_480 = tpu.memref_slice %arg12[%dma_wait3A_478, %dma_wait3A_479] : memref<32x128xf32, #tpu.memory_space<vmem>> -> memref<32x128xf32, #tpu.memory_space<vmem>>
      tpu.wait_dma2 semaphore(%run_scoped3A : memref<!tpu.dma_semaphore, #tpu.memory_space<semaphore_mem>>) src(%dma_wait3A_480 : memref<32x128xf32, #tpu.memory_space<vmem>>) dst(%dma_wait3A_477 : memref<32x128xf32, #tpu.memory_space<vmem_shared>>)
      tpu.yield
    }) : () -> ()
    %add3A_273 = arith.constant 32 : i32
    %add3A_274 = arith.addi %mul3A_2, %add3A_273 : i32
    "tpu.region"() ({
      %run_scoped3A = tpu.sem_alloc : memref<!tpu.dma_semaphore, #tpu.memory_space<semaphore_mem>>
      %dma_start3A_461 = arith.constant 0 : i32
      %dma_start3A_462 = arith.constant 0 : i32
      %dma_start3A_463 = tpu.memref_slice %arg12[%dma_start3A_461, %dma_start3A_462] : memref<32x128xf32, #tpu.memory_space<vmem>> -> memref<32x128xf32, #tpu.memory_space<vmem>>
      %dma_start3A_464 = arith.constant 0 : i32
      %dma_start3A_465 = tpu.memref_slice %arg7[%add3A_274, %dma_start3A_464] : memref<10112x128xf32, #tpu.memory_space<vmem_shared>> -> memref<32x128xf32, #tpu.memory_space<vmem_shared>>
      %dma_start3A_466 = arith.constant 0 : i32
      %dma_start3A_467 = tpu.memref_slice %arg7[%add3A_274, %dma_start3A_466] : memref<10112x128xf32, #tpu.memory_space<vmem_shared>> -> memref<32x128xf32, #tpu.memory_space<vmem_shared>>
      %dma_start3A_468 = arith.constant 0 : i32
      %dma_start3A_469 = arith.constant 0 : i32
      %dma_start3A_470 = tpu.memref_slice %arg12[%dma_start3A_468, %dma_start3A_469] : memref<32x128xf32, #tpu.memory_space<vmem>> -> memref<32x128xf32, #tpu.memory_space<vmem>>
      tpu.enqueue_dma source(%dma_start3A_470 : memref<32x128xf32, #tpu.memory_space<vmem>>) target(%dma_start3A_467 : memref<32x128xf32, #tpu.memory_space<vmem_shared>>) target_semaphore(%run_scoped3A : memref<!tpu.dma_semaphore, #tpu.memory_space<semaphore_mem>>)
      %dma_wait3A_471 = arith.constant 0 : i32
      %dma_wait3A_472 = arith.constant 0 : i32
      %dma_wait3A_473 = tpu.memref_slice %arg12[%dma_wait3A_471, %dma_wait3A_472] : memref<32x128xf32, #tpu.memory_space<vmem>> -> memref<32x128xf32, #tpu.memory_space<vmem>>
      %dma_wait3A_474 = arith.constant 0 : i32
      %dma_wait3A_475 = tpu.memref_slice %arg7[%add3A_274, %dma_wait3A_474] : memref<10112x128xf32, #tpu.memory_space<vmem_shared>> -> memref<32x128xf32, #tpu.memory_space<vmem_shared>>
      %dma_wait3A_476 = arith.constant 0 : i32
      %dma_wait3A_477 = tpu.memref_slice %arg7[%add3A_274, %dma_wait3A_476] : memref<10112x128xf32, #tpu.memory_space<vmem_shared>> -> memref<32x128xf32, #tpu.memory_space<vmem_shared>>
      %dma_wait3A_478 = arith.constant 0 : i32
      %dma_wait3A_479 = arith.constant 0 : i32
      %dma_wait3A_480 = tpu.memref_slice %arg12[%dma_wait3A_478, %dma_wait3A_479] : memref<32x128xf32, #tpu.memory_space<vmem>> -> memref<32x128xf32, #tpu.memory_space<vmem>>
      tpu.wait_dma2 semaphore(%run_scoped3A : memref<!tpu.dma_semaphore, #tpu.memory_space<semaphore_mem>>) src(%dma_wait3A_480 : memref<32x128xf32, #tpu.memory_space<vmem>>) dst(%dma_wait3A_477 : memref<32x128xf32, #tpu.memory_space<vmem_shared>>)
      tpu.yield
    }) : () -> ()
    %add3A_275 = arith.constant 64 : i32
    %add3A_276 = arith.addi %mul3A_2, %add3A_275 : i32
    "tpu.region"() ({
      %run_scoped3A = tpu.sem_alloc : memref<!tpu.dma_semaphore, #tpu.memory_space<semaphore_mem>>
      %dma_start3A_461 = arith.constant 0 : i32
      %dma_start3A_462 = arith.constant 0 : i32
      %dma_start3A_463 = tpu.memref_slice %arg12[%dma_start3A_461, %dma_start3A_462] : memref<32x128xf32, #tpu.memory_space<vmem>> -> memref<32x128xf32, #tpu.memory_space<vmem>>
      %dma_start3A_464 = arith.constant 0 : i32
      %dma_start3A_465 = tpu.memref_slice %arg7[%add3A_276, %dma_start3A_464] : memref<10112x128xf32, #tpu.memory_space<vmem_shared>> -> memref<32x128xf32, #tpu.memory_space<vmem_shared>>
      %dma_start3A_466 = arith.constant 0 : i32
      %dma_start3A_467 = tpu.memref_slice %arg7[%add3A_276, %dma_start3A_466] : memref<10112x128xf32, #tpu.memory_space<vmem_shared>> -> memref<32x128xf32, #tpu.memory_space<vmem_shared>>
      %dma_start3A_468 = arith.constant 0 : i32
      %dma_start3A_469 = arith.constant 0 : i32
      %dma_start3A_470 = tpu.memref_slice %arg12[%dma_start3A_468, %dma_start3A_469] : memref<32x128xf32, #tpu.memory_space<vmem>> -> memref<32x128xf32, #tpu.memory_space<vmem>>
      tpu.enqueue_dma source(%dma_start3A_470 : memref<32x128xf32, #tpu.memory_space<vmem>>) target(%dma_start3A_467 : memref<32x128xf32, #tpu.memory_space<vmem_shared>>) target_semaphore(%run_scoped3A : memref<!tpu.dma_semaphore, #tpu.memory_space<semaphore_mem>>)
      %dma_wait3A_471 = arith.constant 0 : i32
      %dma_wait3A_472 = arith.constant 0 : i32
      %dma_wait3A_473 = tpu.memref_slice %arg12[%dma_wait3A_471, %dma_wait3A_472] : memref<32x128xf32, #tpu.memory_space<vmem>> -> memref<32x128xf32, #tpu.memory_space<vmem>>
      %dma_wait3A_474 = arith.constant 0 : i32
      %dma_wait3A_475 = tpu.memref_slice %arg7[%add3A_276, %dma_wait3A_474] : memref<10112x128xf32, #tpu.memory_space<vmem_shared>> -> memref<32x128xf32, #tpu.memory_space<vmem_shared>>
      %dma_wait3A_476 = arith.constant 0 : i32
      %dma_wait3A_477 = tpu.memref_slice %arg7[%add3A_276, %dma_wait3A_476] : memref<10112x128xf32, #tpu.memory_space<vmem_shared>> -> memref<32x128xf32, #tpu.memory_space<vmem_shared>>
      %dma_wait3A_478 = arith.constant 0 : i32
      %dma_wait3A_479 = arith.constant 0 : i32
      %dma_wait3A_480 = tpu.memref_slice %arg12[%dma_wait3A_478, %dma_wait3A_479] : memref<32x128xf32, #tpu.memory_space<vmem>> -> memref<32x128xf32, #tpu.memory_space<vmem>>
      tpu.wait_dma2 semaphore(%run_scoped3A : memref<!tpu.dma_semaphore, #tpu.memory_space<semaphore_mem>>) src(%dma_wait3A_480 : memref<32x128xf32, #tpu.memory_space<vmem>>) dst(%dma_wait3A_477 : memref<32x128xf32, #tpu.memory_space<vmem_shared>>)
      tpu.yield
    }) : () -> ()
    %add3A_277 = arith.constant 96 : i32
    %add3A_278 = arith.addi %mul3A_2, %add3A_277 : i32
    "tpu.region"() ({
      %run_scoped3A = tpu.sem_alloc : memref<!tpu.dma_semaphore, #tpu.memory_space<semaphore_mem>>
      %dma_start3A_461 = arith.constant 0 : i32
      %dma_start3A_462 = arith.constant 0 : i32
      %dma_start3A_463 = tpu.memref_slice %arg12[%dma_start3A_461, %dma_start3A_462] : memref<32x128xf32, #tpu.memory_space<vmem>> -> memref<32x128xf32, #tpu.memory_space<vmem>>
      %dma_start3A_464 = arith.constant 0 : i32
      %dma_start3A_465 = tpu.memref_slice %arg7[%add3A_278, %dma_start3A_464] : memref<10112x128xf32, #tpu.memory_space<vmem_shared>> -> memref<32x128xf32, #tpu.memory_space<vmem_shared>>
      %dma_start3A_466 = arith.constant 0 : i32
      %dma_start3A_467 = tpu.memref_slice %arg7[%add3A_278, %dma_start3A_466] : memref<10112x128xf32, #tpu.memory_space<vmem_shared>> -> memref<32x128xf32, #tpu.memory_space<vmem_shared>>
      %dma_start3A_468 = arith.constant 0 : i32
      %dma_start3A_469 = arith.constant 0 : i32
      %dma_start3A_470 = tpu.memref_slice %arg12[%dma_start3A_468, %dma_start3A_469] : memref<32x128xf32, #tpu.memory_space<vmem>> -> memref<32x128xf32, #tpu.memory_space<vmem>>
      tpu.enqueue_dma source(%dma_start3A_470 : memref<32x128xf32, #tpu.memory_space<vmem>>) target(%dma_start3A_467 : memref<32x128xf32, #tpu.memory_space<vmem_shared>>) target_semaphore(%run_scoped3A : memref<!tpu.dma_semaphore, #tpu.memory_space<semaphore_mem>>)
      %dma_wait3A_471 = arith.constant 0 : i32
      %dma_wait3A_472 = arith.constant 0 : i32
      %dma_wait3A_473 = tpu.memref_slice %arg12[%dma_wait3A_471, %dma_wait3A_472] : memref<32x128xf32, #tpu.memory_space<vmem>> -> memref<32x128xf32, #tpu.memory_space<vmem>>
      %dma_wait3A_474 = arith.constant 0 : i32
      %dma_wait3A_475 = tpu.memref_slice %arg7[%add3A_278, %dma_wait3A_474] : memref<10112x128xf32, #tpu.memory_space<vmem_shared>> -> memref<32x128xf32, #tpu.memory_space<vmem_shared>>
      %dma_wait3A_476 = arith.constant 0 : i32
      %dma_wait3A_477 = tpu.memref_slice %arg7[%add3A_278, %dma_wait3A_476] : memref<10112x128xf32, #tpu.memory_space<vmem_shared>> -> memref<32x128xf32, #tpu.memory_space<vmem_shared>>
      %dma_wait3A_478 = arith.constant 0 : i32
      %dma_wait3A_479 = arith.constant 0 : i32
      %dma_wait3A_480 = tpu.memref_slice %arg12[%dma_wait3A_478, %dma_wait3A_479] : memref<32x128xf32, #tpu.memory_space<vmem>> -> memref<32x128xf32, #tpu.memory_space<vmem>>
      tpu.wait_dma2 semaphore(%run_scoped3A : memref<!tpu.dma_semaphore, #tpu.memory_space<semaphore_mem>>) src(%dma_wait3A_480 : memref<32x128xf32, #tpu.memory_space<vmem>>) dst(%dma_wait3A_477 : memref<32x128xf32, #tpu.memory_space<vmem_shared>>)
      tpu.yield
    }) : () -> ()
    %add3A_279 = arith.constant 128 : i32
    %add3A_280 = arith.addi %mul3A_2, %add3A_279 : i32
    "tpu.region"() ({
      %run_scoped3A = tpu.sem_alloc : memref<!tpu.dma_semaphore, #tpu.memory_space<semaphore_mem>>
      %dma_start3A_461 = arith.constant 0 : i32
      %dma_start3A_462 = arith.constant 0 : i32
      %dma_start3A_463 = tpu.memref_slice %arg12[%dma_start3A_461, %dma_start3A_462] : memref<32x128xf32, #tpu.memory_space<vmem>> -> memref<32x128xf32, #tpu.memory_space<vmem>>
      %dma_start3A_464 = arith.constant 0 : i32
      %dma_start3A_465 = tpu.memref_slice %arg7[%add3A_280, %dma_start3A_464] : memref<10112x128xf32, #tpu.memory_space<vmem_shared>> -> memref<32x128xf32, #tpu.memory_space<vmem_shared>>
      %dma_start3A_466 = arith.constant 0 : i32
      %dma_start3A_467 = tpu.memref_slice %arg7[%add3A_280, %dma_start3A_466] : memref<10112x128xf32, #tpu.memory_space<vmem_shared>> -> memref<32x128xf32, #tpu.memory_space<vmem_shared>>
      %dma_start3A_468 = arith.constant 0 : i32
      %dma_start3A_469 = arith.constant 0 : i32
      %dma_start3A_470 = tpu.memref_slice %arg12[%dma_start3A_468, %dma_start3A_469] : memref<32x128xf32, #tpu.memory_space<vmem>> -> memref<32x128xf32, #tpu.memory_space<vmem>>
      tpu.enqueue_dma source(%dma_start3A_470 : memref<32x128xf32, #tpu.memory_space<vmem>>) target(%dma_start3A_467 : memref<32x128xf32, #tpu.memory_space<vmem_shared>>) target_semaphore(%run_scoped3A : memref<!tpu.dma_semaphore, #tpu.memory_space<semaphore_mem>>)
      %dma_wait3A_471 = arith.constant 0 : i32
      %dma_wait3A_472 = arith.constant 0 : i32
      %dma_wait3A_473 = tpu.memref_slice %arg12[%dma_wait3A_471, %dma_wait3A_472] : memref<32x128xf32, #tpu.memory_space<vmem>> -> memref<32x128xf32, #tpu.memory_space<vmem>>
      %dma_wait3A_474 = arith.constant 0 : i32
      %dma_wait3A_475 = tpu.memref_slice %arg7[%add3A_280, %dma_wait3A_474] : memref<10112x128xf32, #tpu.memory_space<vmem_shared>> -> memref<32x128xf32, #tpu.memory_space<vmem_shared>>
      %dma_wait3A_476 = arith.constant 0 : i32
      %dma_wait3A_477 = tpu.memref_slice %arg7[%add3A_280, %dma_wait3A_476] : memref<10112x128xf32, #tpu.memory_space<vmem_shared>> -> memref<32x128xf32, #tpu.memory_space<vmem_shared>>
      %dma_wait3A_478 = arith.constant 0 : i32
      %dma_wait3A_479 = arith.constant 0 : i32
      %dma_wait3A_480 = tpu.memref_slice %arg12[%dma_wait3A_478, %dma_wait3A_479] : memref<32x128xf32, #tpu.memory_space<vmem>> -> memref<32x128xf32, #tpu.memory_space<vmem>>
      tpu.wait_dma2 semaphore(%run_scoped3A : memref<!tpu.dma_semaphore, #tpu.memory_space<semaphore_mem>>) src(%dma_wait3A_480 : memref<32x128xf32, #tpu.memory_space<vmem>>) dst(%dma_wait3A_477 : memref<32x128xf32, #tpu.memory_space<vmem_shared>>)
      tpu.yield
    }) : () -> ()
    %add3A_281 = arith.constant 160 : i32
    %add3A_282 = arith.addi %mul3A_2, %add3A_281 : i32
    "tpu.region"() ({
      %run_scoped3A = tpu.sem_alloc : memref<!tpu.dma_semaphore, #tpu.memory_space<semaphore_mem>>
      %dma_start3A_461 = arith.constant 0 : i32
      %dma_start3A_462 = arith.constant 0 : i32
      %dma_start3A_463 = tpu.memref_slice %arg12[%dma_start3A_461, %dma_start3A_462] : memref<32x128xf32, #tpu.memory_space<vmem>> -> memref<32x128xf32, #tpu.memory_space<vmem>>
      %dma_start3A_464 = arith.constant 0 : i32
      %dma_start3A_465 = tpu.memref_slice %arg7[%add3A_282, %dma_start3A_464] : memref<10112x128xf32, #tpu.memory_space<vmem_shared>> -> memref<32x128xf32, #tpu.memory_space<vmem_shared>>
      %dma_start3A_466 = arith.constant 0 : i32
      %dma_start3A_467 = tpu.memref_slice %arg7[%add3A_282, %dma_start3A_466] : memref<10112x128xf32, #tpu.memory_space<vmem_shared>> -> memref<32x128xf32, #tpu.memory_space<vmem_shared>>
      %dma_start3A_468 = arith.constant 0 : i32
      %dma_start3A_469 = arith.constant 0 : i32
      %dma_start3A_470 = tpu.memref_slice %arg12[%dma_start3A_468, %dma_start3A_469] : memref<32x128xf32, #tpu.memory_space<vmem>> -> memref<32x128xf32, #tpu.memory_space<vmem>>
      tpu.enqueue_dma source(%dma_start3A_470 : memref<32x128xf32, #tpu.memory_space<vmem>>) target(%dma_start3A_467 : memref<32x128xf32, #tpu.memory_space<vmem_shared>>) target_semaphore(%run_scoped3A : memref<!tpu.dma_semaphore, #tpu.memory_space<semaphore_mem>>)
      %dma_wait3A_471 = arith.constant 0 : i32
      %dma_wait3A_472 = arith.constant 0 : i32
      %dma_wait3A_473 = tpu.memref_slice %arg12[%dma_wait3A_471, %dma_wait3A_472] : memref<32x128xf32, #tpu.memory_space<vmem>> -> memref<32x128xf32, #tpu.memory_space<vmem>>
      %dma_wait3A_474 = arith.constant 0 : i32
      %dma_wait3A_475 = tpu.memref_slice %arg7[%add3A_282, %dma_wait3A_474] : memref<10112x128xf32, #tpu.memory_space<vmem_shared>> -> memref<32x128xf32, #tpu.memory_space<vmem_shared>>
      %dma_wait3A_476 = arith.constant 0 : i32
      %dma_wait3A_477 = tpu.memref_slice %arg7[%add3A_282, %dma_wait3A_476] : memref<10112x128xf32, #tpu.memory_space<vmem_shared>> -> memref<32x128xf32, #tpu.memory_space<vmem_shared>>
      %dma_wait3A_478 = arith.constant 0 : i32
      %dma_wait3A_479 = arith.constant 0 : i32
      %dma_wait3A_480 = tpu.memref_slice %arg12[%dma_wait3A_478, %dma_wait3A_479] : memref<32x128xf32, #tpu.memory_space<vmem>> -> memref<32x128xf32, #tpu.memory_space<vmem>>
      tpu.wait_dma2 semaphore(%run_scoped3A : memref<!tpu.dma_semaphore, #tpu.memory_space<semaphore_mem>>) src(%dma_wait3A_480 : memref<32x128xf32, #tpu.memory_space<vmem>>) dst(%dma_wait3A_477 : memref<32x128xf32, #tpu.memory_space<vmem_shared>>)
      tpu.yield
    }) : () -> ()
    %add3A_283 = arith.constant 192 : i32
    %add3A_284 = arith.addi %mul3A_2, %add3A_283 : i32
    "tpu.region"() ({
      %run_scoped3A = tpu.sem_alloc : memref<!tpu.dma_semaphore, #tpu.memory_space<semaphore_mem>>
      %dma_start3A_461 = arith.constant 0 : i32
      %dma_start3A_462 = arith.constant 0 : i32
      %dma_start3A_463 = tpu.memref_slice %arg12[%dma_start3A_461, %dma_start3A_462] : memref<32x128xf32, #tpu.memory_space<vmem>> -> memref<32x128xf32, #tpu.memory_space<vmem>>
      %dma_start3A_464 = arith.constant 0 : i32
      %dma_start3A_465 = tpu.memref_slice %arg7[%add3A_284, %dma_start3A_464] : memref<10112x128xf32, #tpu.memory_space<vmem_shared>> -> memref<32x128xf32, #tpu.memory_space<vmem_shared>>
      %dma_start3A_466 = arith.constant 0 : i32
      %dma_start3A_467 = tpu.memref_slice %arg7[%add3A_284, %dma_start3A_466] : memref<10112x128xf32, #tpu.memory_space<vmem_shared>> -> memref<32x128xf32, #tpu.memory_space<vmem_shared>>
      %dma_start3A_468 = arith.constant 0 : i32
      %dma_start3A_469 = arith.constant 0 : i32
      %dma_start3A_470 = tpu.memref_slice %arg12[%dma_start3A_468, %dma_start3A_469] : memref<32x128xf32, #tpu.memory_space<vmem>> -> memref<32x128xf32, #tpu.memory_space<vmem>>
      tpu.enqueue_dma source(%dma_start3A_470 : memref<32x128xf32, #tpu.memory_space<vmem>>) target(%dma_start3A_467 : memref<32x128xf32, #tpu.memory_space<vmem_shared>>) target_semaphore(%run_scoped3A : memref<!tpu.dma_semaphore, #tpu.memory_space<semaphore_mem>>)
      %dma_wait3A_471 = arith.constant 0 : i32
      %dma_wait3A_472 = arith.constant 0 : i32
      %dma_wait3A_473 = tpu.memref_slice %arg12[%dma_wait3A_471, %dma_wait3A_472] : memref<32x128xf32, #tpu.memory_space<vmem>> -> memref<32x128xf32, #tpu.memory_space<vmem>>
      %dma_wait3A_474 = arith.constant 0 : i32
      %dma_wait3A_475 = tpu.memref_slice %arg7[%add3A_284, %dma_wait3A_474] : memref<10112x128xf32, #tpu.memory_space<vmem_shared>> -> memref<32x128xf32, #tpu.memory_space<vmem_shared>>
      %dma_wait3A_476 = arith.constant 0 : i32
      %dma_wait3A_477 = tpu.memref_slice %arg7[%add3A_284, %dma_wait3A_476] : memref<10112x128xf32, #tpu.memory_space<vmem_shared>> -> memref<32x128xf32, #tpu.memory_space<vmem_shared>>
      %dma_wait3A_478 = arith.constant 0 : i32
      %dma_wait3A_479 = arith.constant 0 : i32
      %dma_wait3A_480 = tpu.memref_slice %arg12[%dma_wait3A_478, %dma_wait3A_479] : memref<32x128xf32, #tpu.memory_space<vmem>> -> memref<32x128xf32, #tpu.memory_space<vmem>>
      tpu.wait_dma2 semaphore(%run_scoped3A : memref<!tpu.dma_semaphore, #tpu.memory_space<semaphore_mem>>) src(%dma_wait3A_480 : memref<32x128xf32, #tpu.memory_space<vmem>>) dst(%dma_wait3A_477 : memref<32x128xf32, #tpu.memory_space<vmem_shared>>)
      tpu.yield
    }) : () -> ()
    %add3A_285 = arith.constant 224 : i32
    %add3A_286 = arith.addi %mul3A_2, %add3A_285 : i32
    "tpu.region"() ({
      %run_scoped3A = tpu.sem_alloc : memref<!tpu.dma_semaphore, #tpu.memory_space<semaphore_mem>>
      %dma_start3A_461 = arith.constant 0 : i32
      %dma_start3A_462 = arith.constant 0 : i32
      %dma_start3A_463 = tpu.memref_slice %arg12[%dma_start3A_461, %dma_start3A_462] : memref<32x128xf32, #tpu.memory_space<vmem>> -> memref<32x128xf32, #tpu.memory_space<vmem>>
      %dma_start3A_464 = arith.constant 0 : i32
      %dma_start3A_465 = tpu.memref_slice %arg7[%add3A_286, %dma_start3A_464] : memref<10112x128xf32, #tpu.memory_space<vmem_shared>> -> memref<32x128xf32, #tpu.memory_space<vmem_shared>>
      %dma_start3A_466 = arith.constant 0 : i32
      %dma_start3A_467 = tpu.memref_slice %arg7[%add3A_286, %dma_start3A_466] : memref<10112x128xf32, #tpu.memory_space<vmem_shared>> -> memref<32x128xf32, #tpu.memory_space<vmem_shared>>
      %dma_start3A_468 = arith.constant 0 : i32
      %dma_start3A_469 = arith.constant 0 : i32
      %dma_start3A_470 = tpu.memref_slice %arg12[%dma_start3A_468, %dma_start3A_469] : memref<32x128xf32, #tpu.memory_space<vmem>> -> memref<32x128xf32, #tpu.memory_space<vmem>>
      tpu.enqueue_dma source(%dma_start3A_470 : memref<32x128xf32, #tpu.memory_space<vmem>>) target(%dma_start3A_467 : memref<32x128xf32, #tpu.memory_space<vmem_shared>>) target_semaphore(%run_scoped3A : memref<!tpu.dma_semaphore, #tpu.memory_space<semaphore_mem>>)
      %dma_wait3A_471 = arith.constant 0 : i32
      %dma_wait3A_472 = arith.constant 0 : i32
      %dma_wait3A_473 = tpu.memref_slice %arg12[%dma_wait3A_471, %dma_wait3A_472] : memref<32x128xf32, #tpu.memory_space<vmem>> -> memref<32x128xf32, #tpu.memory_space<vmem>>
      %dma_wait3A_474 = arith.constant 0 : i32
      %dma_wait3A_475 = tpu.memref_slice %arg7[%add3A_286, %dma_wait3A_474] : memref<10112x128xf32, #tpu.memory_space<vmem_shared>> -> memref<32x128xf32, #tpu.memory_space<vmem_shared>>
      %dma_wait3A_476 = arith.constant 0 : i32
      %dma_wait3A_477 = tpu.memref_slice %arg7[%add3A_286, %dma_wait3A_476] : memref<10112x128xf32, #tpu.memory_space<vmem_shared>> -> memref<32x128xf32, #tpu.memory_space<vmem_shared>>
      %dma_wait3A_478 = arith.constant 0 : i32
      %dma_wait3A_479 = arith.constant 0 : i32
      %dma_wait3A_480 = tpu.memref_slice %arg12[%dma_wait3A_478, %dma_wait3A_479] : memref<32x128xf32, #tpu.memory_space<vmem>> -> memref<32x128xf32, #tpu.memory_space<vmem>>
      tpu.wait_dma2 semaphore(%run_scoped3A : memref<!tpu.dma_semaphore, #tpu.memory_space<semaphore_mem>>) src(%dma_wait3A_480 : memref<32x128xf32, #tpu.memory_space<vmem>>) dst(%dma_wait3A_477 : memref<32x128xf32, #tpu.memory_space<vmem_shared>>)
      tpu.yield
    }) : () -> ()
    %add3A_287 = arith.constant 256 : i32
    %add3A_288 = arith.addi %mul3A_2, %add3A_287 : i32
    "tpu.region"() ({
      %run_scoped3A = tpu.sem_alloc : memref<!tpu.dma_semaphore, #tpu.memory_space<semaphore_mem>>
      %dma_start3A_461 = arith.constant 0 : i32
      %dma_start3A_462 = arith.constant 0 : i32
      %dma_start3A_463 = tpu.memref_slice %arg12[%dma_start3A_461, %dma_start3A_462] : memref<32x128xf32, #tpu.memory_space<vmem>> -> memref<32x128xf32, #tpu.memory_space<vmem>>
      %dma_start3A_464 = arith.constant 0 : i32
      %dma_start3A_465 = tpu.memref_slice %arg7[%add3A_288, %dma_start3A_464] : memref<10112x128xf32, #tpu.memory_space<vmem_shared>> -> memref<32x128xf32, #tpu.memory_space<vmem_shared>>
      %dma_start3A_466 = arith.constant 0 : i32
      %dma_start3A_467 = tpu.memref_slice %arg7[%add3A_288, %dma_start3A_466] : memref<10112x128xf32, #tpu.memory_space<vmem_shared>> -> memref<32x128xf32, #tpu.memory_space<vmem_shared>>
      %dma_start3A_468 = arith.constant 0 : i32
      %dma_start3A_469 = arith.constant 0 : i32
      %dma_start3A_470 = tpu.memref_slice %arg12[%dma_start3A_468, %dma_start3A_469] : memref<32x128xf32, #tpu.memory_space<vmem>> -> memref<32x128xf32, #tpu.memory_space<vmem>>
      tpu.enqueue_dma source(%dma_start3A_470 : memref<32x128xf32, #tpu.memory_space<vmem>>) target(%dma_start3A_467 : memref<32x128xf32, #tpu.memory_space<vmem_shared>>) target_semaphore(%run_scoped3A : memref<!tpu.dma_semaphore, #tpu.memory_space<semaphore_mem>>)
      %dma_wait3A_471 = arith.constant 0 : i32
      %dma_wait3A_472 = arith.constant 0 : i32
      %dma_wait3A_473 = tpu.memref_slice %arg12[%dma_wait3A_471, %dma_wait3A_472] : memref<32x128xf32, #tpu.memory_space<vmem>> -> memref<32x128xf32, #tpu.memory_space<vmem>>
      %dma_wait3A_474 = arith.constant 0 : i32
      %dma_wait3A_475 = tpu.memref_slice %arg7[%add3A_288, %dma_wait3A_474] : memref<10112x128xf32, #tpu.memory_space<vmem_shared>> -> memref<32x128xf32, #tpu.memory_space<vmem_shared>>
      %dma_wait3A_476 = arith.constant 0 : i32
      %dma_wait3A_477 = tpu.memref_slice %arg7[%add3A_288, %dma_wait3A_476] : memref<10112x128xf32, #tpu.memory_space<vmem_shared>> -> memref<32x128xf32, #tpu.memory_space<vmem_shared>>
      %dma_wait3A_478 = arith.constant 0 : i32
      %dma_wait3A_479 = arith.constant 0 : i32
      %dma_wait3A_480 = tpu.memref_slice %arg12[%dma_wait3A_478, %dma_wait3A_479] : memref<32x128xf32, #tpu.memory_space<vmem>> -> memref<32x128xf32, #tpu.memory_space<vmem>>
      tpu.wait_dma2 semaphore(%run_scoped3A : memref<!tpu.dma_semaphore, #tpu.memory_space<semaphore_mem>>) src(%dma_wait3A_480 : memref<32x128xf32, #tpu.memory_space<vmem>>) dst(%dma_wait3A_477 : memref<32x128xf32, #tpu.memory_space<vmem_shared>>)
      tpu.yield
    }) : () -> ()
    %add3A_289 = arith.constant 288 : i32
    %add3A_290 = arith.addi %mul3A_2, %add3A_289 : i32
    "tpu.region"() ({
      %run_scoped3A = tpu.sem_alloc : memref<!tpu.dma_semaphore, #tpu.memory_space<semaphore_mem>>
      %dma_start3A_461 = arith.constant 0 : i32
      %dma_start3A_462 = arith.constant 0 : i32
      %dma_start3A_463 = tpu.memref_slice %arg12[%dma_start3A_461, %dma_start3A_462] : memref<32x128xf32, #tpu.memory_space<vmem>> -> memref<32x128xf32, #tpu.memory_space<vmem>>
      %dma_start3A_464 = arith.constant 0 : i32
      %dma_start3A_465 = tpu.memref_slice %arg7[%add3A_290, %dma_start3A_464] : memref<10112x128xf32, #tpu.memory_space<vmem_shared>> -> memref<32x128xf32, #tpu.memory_space<vmem_shared>>
      %dma_start3A_466 = arith.constant 0 : i32
      %dma_start3A_467 = tpu.memref_slice %arg7[%add3A_290, %dma_start3A_466] : memref<10112x128xf32, #tpu.memory_space<vmem_shared>> -> memref<32x128xf32, #tpu.memory_space<vmem_shared>>
      %dma_start3A_468 = arith.constant 0 : i32
      %dma_start3A_469 = arith.constant 0 : i32
      %dma_start3A_470 = tpu.memref_slice %arg12[%dma_start3A_468, %dma_start3A_469] : memref<32x128xf32, #tpu.memory_space<vmem>> -> memref<32x128xf32, #tpu.memory_space<vmem>>
      tpu.enqueue_dma source(%dma_start3A_470 : memref<32x128xf32, #tpu.memory_space<vmem>>) target(%dma_start3A_467 : memref<32x128xf32, #tpu.memory_space<vmem_shared>>) target_semaphore(%run_scoped3A : memref<!tpu.dma_semaphore, #tpu.memory_space<semaphore_mem>>)
      %dma_wait3A_471 = arith.constant 0 : i32
      %dma_wait3A_472 = arith.constant 0 : i32
      %dma_wait3A_473 = tpu.memref_slice %arg12[%dma_wait3A_471, %dma_wait3A_472] : memref<32x128xf32, #tpu.memory_space<vmem>> -> memref<32x128xf32, #tpu.memory_space<vmem>>
      %dma_wait3A_474 = arith.constant 0 : i32
      %dma_wait3A_475 = tpu.memref_slice %arg7[%add3A_290, %dma_wait3A_474] : memref<10112x128xf32, #tpu.memory_space<vmem_shared>> -> memref<32x128xf32, #tpu.memory_space<vmem_shared>>
      %dma_wait3A_476 = arith.constant 0 : i32
      %dma_wait3A_477 = tpu.memref_slice %arg7[%add3A_290, %dma_wait3A_476] : memref<10112x128xf32, #tpu.memory_space<vmem_shared>> -> memref<32x128xf32, #tpu.memory_space<vmem_shared>>
      %dma_wait3A_478 = arith.constant 0 : i32
      %dma_wait3A_479 = arith.constant 0 : i32
      %dma_wait3A_480 = tpu.memref_slice %arg12[%dma_wait3A_478, %dma_wait3A_479] : memref<32x128xf32, #tpu.memory_space<vmem>> -> memref<32x128xf32, #tpu.memory_space<vmem>>
      tpu.wait_dma2 semaphore(%run_scoped3A : memref<!tpu.dma_semaphore, #tpu.memory_space<semaphore_mem>>) src(%dma_wait3A_480 : memref<32x128xf32, #tpu.memory_space<vmem>>) dst(%dma_wait3A_477 : memref<32x128xf32, #tpu.memory_space<vmem_shared>>)
      tpu.yield
    }) : () -> ()
    %add3A_291 = arith.constant 320 : i32
    %add3A_292 = arith.addi %mul3A_2, %add3A_291 : i32
    "tpu.region"() ({
      %run_scoped3A = tpu.sem_alloc : memref<!tpu.dma_semaphore, #tpu.memory_space<semaphore_mem>>
      %dma_start3A_461 = arith.constant 0 : i32
      %dma_start3A_462 = arith.constant 0 : i32
      %dma_start3A_463 = tpu.memref_slice %arg12[%dma_start3A_461, %dma_start3A_462] : memref<32x128xf32, #tpu.memory_space<vmem>> -> memref<32x128xf32, #tpu.memory_space<vmem>>
      %dma_start3A_464 = arith.constant 0 : i32
      %dma_start3A_465 = tpu.memref_slice %arg7[%add3A_292, %dma_start3A_464] : memref<10112x128xf32, #tpu.memory_space<vmem_shared>> -> memref<32x128xf32, #tpu.memory_space<vmem_shared>>
      %dma_start3A_466 = arith.constant 0 : i32
      %dma_start3A_467 = tpu.memref_slice %arg7[%add3A_292, %dma_start3A_466] : memref<10112x128xf32, #tpu.memory_space<vmem_shared>> -> memref<32x128xf32, #tpu.memory_space<vmem_shared>>
      %dma_start3A_468 = arith.constant 0 : i32
      %dma_start3A_469 = arith.constant 0 : i32
      %dma_start3A_470 = tpu.memref_slice %arg12[%dma_start3A_468, %dma_start3A_469] : memref<32x128xf32, #tpu.memory_space<vmem>> -> memref<32x128xf32, #tpu.memory_space<vmem>>
      tpu.enqueue_dma source(%dma_start3A_470 : memref<32x128xf32, #tpu.memory_space<vmem>>) target(%dma_start3A_467 : memref<32x128xf32, #tpu.memory_space<vmem_shared>>) target_semaphore(%run_scoped3A : memref<!tpu.dma_semaphore, #tpu.memory_space<semaphore_mem>>)
      %dma_wait3A_471 = arith.constant 0 : i32
      %dma_wait3A_472 = arith.constant 0 : i32
      %dma_wait3A_473 = tpu.memref_slice %arg12[%dma_wait3A_471, %dma_wait3A_472] : memref<32x128xf32, #tpu.memory_space<vmem>> -> memref<32x128xf32, #tpu.memory_space<vmem>>
      %dma_wait3A_474 = arith.constant 0 : i32
      %dma_wait3A_475 = tpu.memref_slice %arg7[%add3A_292, %dma_wait3A_474] : memref<10112x128xf32, #tpu.memory_space<vmem_shared>> -> memref<32x128xf32, #tpu.memory_space<vmem_shared>>
      %dma_wait3A_476 = arith.constant 0 : i32
      %dma_wait3A_477 = tpu.memref_slice %arg7[%add3A_292, %dma_wait3A_476] : memref<10112x128xf32, #tpu.memory_space<vmem_shared>> -> memref<32x128xf32, #tpu.memory_space<vmem_shared>>
      %dma_wait3A_478 = arith.constant 0 : i32
      %dma_wait3A_479 = arith.constant 0 : i32
      %dma_wait3A_480 = tpu.memref_slice %arg12[%dma_wait3A_478, %dma_wait3A_479] : memref<32x128xf32, #tpu.memory_space<vmem>> -> memref<32x128xf32, #tpu.memory_space<vmem>>
      tpu.wait_dma2 semaphore(%run_scoped3A : memref<!tpu.dma_semaphore, #tpu.memory_space<semaphore_mem>>) src(%dma_wait3A_480 : memref<32x128xf32, #tpu.memory_space<vmem>>) dst(%dma_wait3A_477 : memref<32x128xf32, #tpu.memory_space<vmem_shared>>)
      tpu.yield
    }) : () -> ()
    %add3A_293 = arith.constant 352 : i32
    %add3A_294 = arith.addi %mul3A_2, %add3A_293 : i32
    "tpu.region"() ({
      %run_scoped3A = tpu.sem_alloc : memref<!tpu.dma_semaphore, #tpu.memory_space<semaphore_mem>>
      %dma_start3A_461 = arith.constant 0 : i32
      %dma_start3A_462 = arith.constant 0 : i32
      %dma_start3A_463 = tpu.memref_slice %arg12[%dma_start3A_461, %dma_start3A_462] : memref<32x128xf32, #tpu.memory_space<vmem>> -> memref<32x128xf32, #tpu.memory_space<vmem>>
      %dma_start3A_464 = arith.constant 0 : i32
      %dma_start3A_465 = tpu.memref_slice %arg7[%add3A_294, %dma_start3A_464] : memref<10112x128xf32, #tpu.memory_space<vmem_shared>> -> memref<32x128xf32, #tpu.memory_space<vmem_shared>>
      %dma_start3A_466 = arith.constant 0 : i32
      %dma_start3A_467 = tpu.memref_slice %arg7[%add3A_294, %dma_start3A_466] : memref<10112x128xf32, #tpu.memory_space<vmem_shared>> -> memref<32x128xf32, #tpu.memory_space<vmem_shared>>
      %dma_start3A_468 = arith.constant 0 : i32
      %dma_start3A_469 = arith.constant 0 : i32
      %dma_start3A_470 = tpu.memref_slice %arg12[%dma_start3A_468, %dma_start3A_469] : memref<32x128xf32, #tpu.memory_space<vmem>> -> memref<32x128xf32, #tpu.memory_space<vmem>>
      tpu.enqueue_dma source(%dma_start3A_470 : memref<32x128xf32, #tpu.memory_space<vmem>>) target(%dma_start3A_467 : memref<32x128xf32, #tpu.memory_space<vmem_shared>>) target_semaphore(%run_scoped3A : memref<!tpu.dma_semaphore, #tpu.memory_space<semaphore_mem>>)
      %dma_wait3A_471 = arith.constant 0 : i32
      %dma_wait3A_472 = arith.constant 0 : i32
      %dma_wait3A_473 = tpu.memref_slice %arg12[%dma_wait3A_471, %dma_wait3A_472] : memref<32x128xf32, #tpu.memory_space<vmem>> -> memref<32x128xf32, #tpu.memory_space<vmem>>
      %dma_wait3A_474 = arith.constant 0 : i32
      %dma_wait3A_475 = tpu.memref_slice %arg7[%add3A_294, %dma_wait3A_474] : memref<10112x128xf32, #tpu.memory_space<vmem_shared>> -> memref<32x128xf32, #tpu.memory_space<vmem_shared>>
      %dma_wait3A_476 = arith.constant 0 : i32
      %dma_wait3A_477 = tpu.memref_slice %arg7[%add3A_294, %dma_wait3A_476] : memref<10112x128xf32, #tpu.memory_space<vmem_shared>> -> memref<32x128xf32, #tpu.memory_space<vmem_shared>>
      %dma_wait3A_478 = arith.constant 0 : i32
      %dma_wait3A_479 = arith.constant 0 : i32
      %dma_wait3A_480 = tpu.memref_slice %arg12[%dma_wait3A_478, %dma_wait3A_479] : memref<32x128xf32, #tpu.memory_space<vmem>> -> memref<32x128xf32, #tpu.memory_space<vmem>>
      tpu.wait_dma2 semaphore(%run_scoped3A : memref<!tpu.dma_semaphore, #tpu.memory_space<semaphore_mem>>) src(%dma_wait3A_480 : memref<32x128xf32, #tpu.memory_space<vmem>>) dst(%dma_wait3A_477 : memref<32x128xf32, #tpu.memory_space<vmem_shared>>)
      tpu.yield
    }) : () -> ()
    %add3A_295 = arith.constant 384 : i32
    %add3A_296 = arith.addi %mul3A_2, %add3A_295 : i32
    "tpu.region"() ({
      %run_scoped3A = tpu.sem_alloc : memref<!tpu.dma_semaphore, #tpu.memory_space<semaphore_mem>>
      %dma_start3A_461 = arith.constant 0 : i32
      %dma_start3A_462 = arith.constant 0 : i32
      %dma_start3A_463 = tpu.memref_slice %arg12[%dma_start3A_461, %dma_start3A_462] : memref<32x128xf32, #tpu.memory_space<vmem>> -> memref<32x128xf32, #tpu.memory_space<vmem>>
      %dma_start3A_464 = arith.constant 0 : i32
      %dma_start3A_465 = tpu.memref_slice %arg7[%add3A_296, %dma_start3A_464] : memref<10112x128xf32, #tpu.memory_space<vmem_shared>> -> memref<32x128xf32, #tpu.memory_space<vmem_shared>>
      %dma_start3A_466 = arith.constant 0 : i32
      %dma_start3A_467 = tpu.memref_slice %arg7[%add3A_296, %dma_start3A_466] : memref<10112x128xf32, #tpu.memory_space<vmem_shared>> -> memref<32x128xf32, #tpu.memory_space<vmem_shared>>
      %dma_start3A_468 = arith.constant 0 : i32
      %dma_start3A_469 = arith.constant 0 : i32
      %dma_start3A_470 = tpu.memref_slice %arg12[%dma_start3A_468, %dma_start3A_469] : memref<32x128xf32, #tpu.memory_space<vmem>> -> memref<32x128xf32, #tpu.memory_space<vmem>>
      tpu.enqueue_dma source(%dma_start3A_470 : memref<32x128xf32, #tpu.memory_space<vmem>>) target(%dma_start3A_467 : memref<32x128xf32, #tpu.memory_space<vmem_shared>>) target_semaphore(%run_scoped3A : memref<!tpu.dma_semaphore, #tpu.memory_space<semaphore_mem>>)
      %dma_wait3A_471 = arith.constant 0 : i32
      %dma_wait3A_472 = arith.constant 0 : i32
      %dma_wait3A_473 = tpu.memref_slice %arg12[%dma_wait3A_471, %dma_wait3A_472] : memref<32x128xf32, #tpu.memory_space<vmem>> -> memref<32x128xf32, #tpu.memory_space<vmem>>
      %dma_wait3A_474 = arith.constant 0 : i32
      %dma_wait3A_475 = tpu.memref_slice %arg7[%add3A_296, %dma_wait3A_474] : memref<10112x128xf32, #tpu.memory_space<vmem_shared>> -> memref<32x128xf32, #tpu.memory_space<vmem_shared>>
      %dma_wait3A_476 = arith.constant 0 : i32
      %dma_wait3A_477 = tpu.memref_slice %arg7[%add3A_296, %dma_wait3A_476] : memref<10112x128xf32, #tpu.memory_space<vmem_shared>> -> memref<32x128xf32, #tpu.memory_space<vmem_shared>>
      %dma_wait3A_478 = arith.constant 0 : i32
      %dma_wait3A_479 = arith.constant 0 : i32
      %dma_wait3A_480 = tpu.memref_slice %arg12[%dma_wait3A_478, %dma_wait3A_479] : memref<32x128xf32, #tpu.memory_space<vmem>> -> memref<32x128xf32, #tpu.memory_space<vmem>>
      tpu.wait_dma2 semaphore(%run_scoped3A : memref<!tpu.dma_semaphore, #tpu.memory_space<semaphore_mem>>) src(%dma_wait3A_480 : memref<32x128xf32, #tpu.memory_space<vmem>>) dst(%dma_wait3A_477 : memref<32x128xf32, #tpu.memory_space<vmem_shared>>)
      tpu.yield
    }) : () -> ()
    %add3A_297 = arith.constant 416 : i32
    %add3A_298 = arith.addi %mul3A_2, %add3A_297 : i32
    "tpu.region"() ({
      %run_scoped3A = tpu.sem_alloc : memref<!tpu.dma_semaphore, #tpu.memory_space<semaphore_mem>>
      %dma_start3A_461 = arith.constant 0 : i32
      %dma_start3A_462 = arith.constant 0 : i32
      %dma_start3A_463 = tpu.memref_slice %arg12[%dma_start3A_461, %dma_start3A_462] : memref<32x128xf32, #tpu.memory_space<vmem>> -> memref<32x128xf32, #tpu.memory_space<vmem>>
      %dma_start3A_464 = arith.constant 0 : i32
      %dma_start3A_465 = tpu.memref_slice %arg7[%add3A_298, %dma_start3A_464] : memref<10112x128xf32, #tpu.memory_space<vmem_shared>> -> memref<32x128xf32, #tpu.memory_space<vmem_shared>>
      %dma_start3A_466 = arith.constant 0 : i32
      %dma_start3A_467 = tpu.memref_slice %arg7[%add3A_298, %dma_start3A_466] : memref<10112x128xf32, #tpu.memory_space<vmem_shared>> -> memref<32x128xf32, #tpu.memory_space<vmem_shared>>
      %dma_start3A_468 = arith.constant 0 : i32
      %dma_start3A_469 = arith.constant 0 : i32
      %dma_start3A_470 = tpu.memref_slice %arg12[%dma_start3A_468, %dma_start3A_469] : memref<32x128xf32, #tpu.memory_space<vmem>> -> memref<32x128xf32, #tpu.memory_space<vmem>>
      tpu.enqueue_dma source(%dma_start3A_470 : memref<32x128xf32, #tpu.memory_space<vmem>>) target(%dma_start3A_467 : memref<32x128xf32, #tpu.memory_space<vmem_shared>>) target_semaphore(%run_scoped3A : memref<!tpu.dma_semaphore, #tpu.memory_space<semaphore_mem>>)
      %dma_wait3A_471 = arith.constant 0 : i32
      %dma_wait3A_472 = arith.constant 0 : i32
      %dma_wait3A_473 = tpu.memref_slice %arg12[%dma_wait3A_471, %dma_wait3A_472] : memref<32x128xf32, #tpu.memory_space<vmem>> -> memref<32x128xf32, #tpu.memory_space<vmem>>
      %dma_wait3A_474 = arith.constant 0 : i32
      %dma_wait3A_475 = tpu.memref_slice %arg7[%add3A_298, %dma_wait3A_474] : memref<10112x128xf32, #tpu.memory_space<vmem_shared>> -> memref<32x128xf32, #tpu.memory_space<vmem_shared>>
      %dma_wait3A_476 = arith.constant 0 : i32
      %dma_wait3A_477 = tpu.memref_slice %arg7[%add3A_298, %dma_wait3A_476] : memref<10112x128xf32, #tpu.memory_space<vmem_shared>> -> memref<32x128xf32, #tpu.memory_space<vmem_shared>>
      %dma_wait3A_478 = arith.constant 0 : i32
      %dma_wait3A_479 = arith.constant 0 : i32
      %dma_wait3A_480 = tpu.memref_slice %arg12[%dma_wait3A_478, %dma_wait3A_479] : memref<32x128xf32, #tpu.memory_space<vmem>> -> memref<32x128xf32, #tpu.memory_space<vmem>>
      tpu.wait_dma2 semaphore(%run_scoped3A : memref<!tpu.dma_semaphore, #tpu.memory_space<semaphore_mem>>) src(%dma_wait3A_480 : memref<32x128xf32, #tpu.memory_space<vmem>>) dst(%dma_wait3A_477 : memref<32x128xf32, #tpu.memory_space<vmem_shared>>)
      tpu.yield
    }) : () -> ()
    %add3A_299 = arith.constant 448 : i32
    %add3A_300 = arith.addi %mul3A_2, %add3A_299 : i32
    "tpu.region"() ({
      %run_scoped3A = tpu.sem_alloc : memref<!tpu.dma_semaphore, #tpu.memory_space<semaphore_mem>>
      %dma_start3A_461 = arith.constant 0 : i32
      %dma_start3A_462 = arith.constant 0 : i32
      %dma_start3A_463 = tpu.memref_slice %arg12[%dma_start3A_461, %dma_start3A_462] : memref<32x128xf32, #tpu.memory_space<vmem>> -> memref<32x128xf32, #tpu.memory_space<vmem>>
      %dma_start3A_464 = arith.constant 0 : i32
      %dma_start3A_465 = tpu.memref_slice %arg7[%add3A_300, %dma_start3A_464] : memref<10112x128xf32, #tpu.memory_space<vmem_shared>> -> memref<32x128xf32, #tpu.memory_space<vmem_shared>>
      %dma_start3A_466 = arith.constant 0 : i32
      %dma_start3A_467 = tpu.memref_slice %arg7[%add3A_300, %dma_start3A_466] : memref<10112x128xf32, #tpu.memory_space<vmem_shared>> -> memref<32x128xf32, #tpu.memory_space<vmem_shared>>
      %dma_start3A_468 = arith.constant 0 : i32
      %dma_start3A_469 = arith.constant 0 : i32
      %dma_start3A_470 = tpu.memref_slice %arg12[%dma_start3A_468, %dma_start3A_469] : memref<32x128xf32, #tpu.memory_space<vmem>> -> memref<32x128xf32, #tpu.memory_space<vmem>>
      tpu.enqueue_dma source(%dma_start3A_470 : memref<32x128xf32, #tpu.memory_space<vmem>>) target(%dma_start3A_467 : memref<32x128xf32, #tpu.memory_space<vmem_shared>>) target_semaphore(%run_scoped3A : memref<!tpu.dma_semaphore, #tpu.memory_space<semaphore_mem>>)
      %dma_wait3A_471 = arith.constant 0 : i32
      %dma_wait3A_472 = arith.constant 0 : i32
      %dma_wait3A_473 = tpu.memref_slice %arg12[%dma_wait3A_471, %dma_wait3A_472] : memref<32x128xf32, #tpu.memory_space<vmem>> -> memref<32x128xf32, #tpu.memory_space<vmem>>
      %dma_wait3A_474 = arith.constant 0 : i32
      %dma_wait3A_475 = tpu.memref_slice %arg7[%add3A_300, %dma_wait3A_474] : memref<10112x128xf32, #tpu.memory_space<vmem_shared>> -> memref<32x128xf32, #tpu.memory_space<vmem_shared>>
      %dma_wait3A_476 = arith.constant 0 : i32
      %dma_wait3A_477 = tpu.memref_slice %arg7[%add3A_300, %dma_wait3A_476] : memref<10112x128xf32, #tpu.memory_space<vmem_shared>> -> memref<32x128xf32, #tpu.memory_space<vmem_shared>>
      %dma_wait3A_478 = arith.constant 0 : i32
      %dma_wait3A_479 = arith.constant 0 : i32
      %dma_wait3A_480 = tpu.memref_slice %arg12[%dma_wait3A_478, %dma_wait3A_479] : memref<32x128xf32, #tpu.memory_space<vmem>> -> memref<32x128xf32, #tpu.memory_space<vmem>>
      tpu.wait_dma2 semaphore(%run_scoped3A : memref<!tpu.dma_semaphore, #tpu.memory_space<semaphore_mem>>) src(%dma_wait3A_480 : memref<32x128xf32, #tpu.memory_space<vmem>>) dst(%dma_wait3A_477 : memref<32x128xf32, #tpu.memory_space<vmem_shared>>)
      tpu.yield
    }) : () -> ()
    %add3A_301 = arith.constant 480 : i32
    %add3A_302 = arith.addi %mul3A_2, %add3A_301 : i32
    "tpu.region"() ({
      %run_scoped3A = tpu.sem_alloc : memref<!tpu.dma_semaphore, #tpu.memory_space<semaphore_mem>>
      %dma_start3A_461 = arith.constant 0 : i32
      %dma_start3A_462 = arith.constant 0 : i32
      %dma_start3A_463 = tpu.memref_slice %arg12[%dma_start3A_461, %dma_start3A_462] : memref<32x128xf32, #tpu.memory_space<vmem>> -> memref<32x128xf32, #tpu.memory_space<vmem>>
      %dma_start3A_464 = arith.constant 0 : i32
      %dma_start3A_465 = tpu.memref_slice %arg7[%add3A_302, %dma_start3A_464] : memref<10112x128xf32, #tpu.memory_space<vmem_shared>> -> memref<32x128xf32, #tpu.memory_space<vmem_shared>>
      %dma_start3A_466 = arith.constant 0 : i32
      %dma_start3A_467 = tpu.memref_slice %arg7[%add3A_302, %dma_start3A_466] : memref<10112x128xf32, #tpu.memory_space<vmem_shared>> -> memref<32x128xf32, #tpu.memory_space<vmem_shared>>
      %dma_start3A_468 = arith.constant 0 : i32
      %dma_start3A_469 = arith.constant 0 : i32
      %dma_start3A_470 = tpu.memref_slice %arg12[%dma_start3A_468, %dma_start3A_469] : memref<32x128xf32, #tpu.memory_space<vmem>> -> memref<32x128xf32, #tpu.memory_space<vmem>>
      tpu.enqueue_dma source(%dma_start3A_470 : memref<32x128xf32, #tpu.memory_space<vmem>>) target(%dma_start3A_467 : memref<32x128xf32, #tpu.memory_space<vmem_shared>>) target_semaphore(%run_scoped3A : memref<!tpu.dma_semaphore, #tpu.memory_space<semaphore_mem>>)
      %dma_wait3A_471 = arith.constant 0 : i32
      %dma_wait3A_472 = arith.constant 0 : i32
      %dma_wait3A_473 = tpu.memref_slice %arg12[%dma_wait3A_471, %dma_wait3A_472] : memref<32x128xf32, #tpu.memory_space<vmem>> -> memref<32x128xf32, #tpu.memory_space<vmem>>
      %dma_wait3A_474 = arith.constant 0 : i32
      %dma_wait3A_475 = tpu.memref_slice %arg7[%add3A_302, %dma_wait3A_474] : memref<10112x128xf32, #tpu.memory_space<vmem_shared>> -> memref<32x128xf32, #tpu.memory_space<vmem_shared>>
      %dma_wait3A_476 = arith.constant 0 : i32
      %dma_wait3A_477 = tpu.memref_slice %arg7[%add3A_302, %dma_wait3A_476] : memref<10112x128xf32, #tpu.memory_space<vmem_shared>> -> memref<32x128xf32, #tpu.memory_space<vmem_shared>>
      %dma_wait3A_478 = arith.constant 0 : i32
      %dma_wait3A_479 = arith.constant 0 : i32
      %dma_wait3A_480 = tpu.memref_slice %arg12[%dma_wait3A_478, %dma_wait3A_479] : memref<32x128xf32, #tpu.memory_space<vmem>> -> memref<32x128xf32, #tpu.memory_space<vmem>>
      tpu.wait_dma2 semaphore(%run_scoped3A : memref<!tpu.dma_semaphore, #tpu.memory_space<semaphore_mem>>) src(%dma_wait3A_480 : memref<32x128xf32, #tpu.memory_space<vmem>>) dst(%dma_wait3A_477 : memref<32x128xf32, #tpu.memory_space<vmem_shared>>)
      tpu.yield
    }) : () -> ()
    %add3A_303 = arith.constant 512 : i32
    %add3A_304 = arith.addi %mul3A_2, %add3A_303 : i32
    "tpu.region"() ({
      %run_scoped3A = tpu.sem_alloc : memref<!tpu.dma_semaphore, #tpu.memory_space<semaphore_mem>>
      %dma_start3A_461 = arith.constant 0 : i32
      %dma_start3A_462 = arith.constant 0 : i32
      %dma_start3A_463 = tpu.memref_slice %arg12[%dma_start3A_461, %dma_start3A_462] : memref<32x128xf32, #tpu.memory_space<vmem>> -> memref<32x128xf32, #tpu.memory_space<vmem>>
      %dma_start3A_464 = arith.constant 0 : i32
      %dma_start3A_465 = tpu.memref_slice %arg7[%add3A_304, %dma_start3A_464] : memref<10112x128xf32, #tpu.memory_space<vmem_shared>> -> memref<32x128xf32, #tpu.memory_space<vmem_shared>>
      %dma_start3A_466 = arith.constant 0 : i32
      %dma_start3A_467 = tpu.memref_slice %arg7[%add3A_304, %dma_start3A_466] : memref<10112x128xf32, #tpu.memory_space<vmem_shared>> -> memref<32x128xf32, #tpu.memory_space<vmem_shared>>
      %dma_start3A_468 = arith.constant 0 : i32
      %dma_start3A_469 = arith.constant 0 : i32
      %dma_start3A_470 = tpu.memref_slice %arg12[%dma_start3A_468, %dma_start3A_469] : memref<32x128xf32, #tpu.memory_space<vmem>> -> memref<32x128xf32, #tpu.memory_space<vmem>>
      tpu.enqueue_dma source(%dma_start3A_470 : memref<32x128xf32, #tpu.memory_space<vmem>>) target(%dma_start3A_467 : memref<32x128xf32, #tpu.memory_space<vmem_shared>>) target_semaphore(%run_scoped3A : memref<!tpu.dma_semaphore, #tpu.memory_space<semaphore_mem>>)
      %dma_wait3A_471 = arith.constant 0 : i32
      %dma_wait3A_472 = arith.constant 0 : i32
      %dma_wait3A_473 = tpu.memref_slice %arg12[%dma_wait3A_471, %dma_wait3A_472] : memref<32x128xf32, #tpu.memory_space<vmem>> -> memref<32x128xf32, #tpu.memory_space<vmem>>
      %dma_wait3A_474 = arith.constant 0 : i32
      %dma_wait3A_475 = tpu.memref_slice %arg7[%add3A_304, %dma_wait3A_474] : memref<10112x128xf32, #tpu.memory_space<vmem_shared>> -> memref<32x128xf32, #tpu.memory_space<vmem_shared>>
      %dma_wait3A_476 = arith.constant 0 : i32
      %dma_wait3A_477 = tpu.memref_slice %arg7[%add3A_304, %dma_wait3A_476] : memref<10112x128xf32, #tpu.memory_space<vmem_shared>> -> memref<32x128xf32, #tpu.memory_space<vmem_shared>>
      %dma_wait3A_478 = arith.constant 0 : i32
      %dma_wait3A_479 = arith.constant 0 : i32
      %dma_wait3A_480 = tpu.memref_slice %arg12[%dma_wait3A_478, %dma_wait3A_479] : memref<32x128xf32, #tpu.memory_space<vmem>> -> memref<32x128xf32, #tpu.memory_space<vmem>>
      tpu.wait_dma2 semaphore(%run_scoped3A : memref<!tpu.dma_semaphore, #tpu.memory_space<semaphore_mem>>) src(%dma_wait3A_480 : memref<32x128xf32, #tpu.memory_space<vmem>>) dst(%dma_wait3A_477 : memref<32x128xf32, #tpu.memory_space<vmem_shared>>)
      tpu.yield
    }) : () -> ()
    %add3A_305 = arith.constant 544 : i32
    %add3A_306 = arith.addi %mul3A_2, %add3A_305 : i32
    "tpu.region"() ({
      %run_scoped3A = tpu.sem_alloc : memref<!tpu.dma_semaphore, #tpu.memory_space<semaphore_mem>>
      %dma_start3A_461 = arith.constant 0 : i32
      %dma_start3A_462 = arith.constant 0 : i32
      %dma_start3A_463 = tpu.memref_slice %arg12[%dma_start3A_461, %dma_start3A_462] : memref<32x128xf32, #tpu.memory_space<vmem>> -> memref<32x128xf32, #tpu.memory_space<vmem>>
      %dma_start3A_464 = arith.constant 0 : i32
      %dma_start3A_465 = tpu.memref_slice %arg7[%add3A_306, %dma_start3A_464] : memref<10112x128xf32, #tpu.memory_space<vmem_shared>> -> memref<32x128xf32, #tpu.memory_space<vmem_shared>>
      %dma_start3A_466 = arith.constant 0 : i32
      %dma_start3A_467 = tpu.memref_slice %arg7[%add3A_306, %dma_start3A_466] : memref<10112x128xf32, #tpu.memory_space<vmem_shared>> -> memref<32x128xf32, #tpu.memory_space<vmem_shared>>
      %dma_start3A_468 = arith.constant 0 : i32
      %dma_start3A_469 = arith.constant 0 : i32
      %dma_start3A_470 = tpu.memref_slice %arg12[%dma_start3A_468, %dma_start3A_469] : memref<32x128xf32, #tpu.memory_space<vmem>> -> memref<32x128xf32, #tpu.memory_space<vmem>>
      tpu.enqueue_dma source(%dma_start3A_470 : memref<32x128xf32, #tpu.memory_space<vmem>>) target(%dma_start3A_467 : memref<32x128xf32, #tpu.memory_space<vmem_shared>>) target_semaphore(%run_scoped3A : memref<!tpu.dma_semaphore, #tpu.memory_space<semaphore_mem>>)
      %dma_wait3A_471 = arith.constant 0 : i32
      %dma_wait3A_472 = arith.constant 0 : i32
      %dma_wait3A_473 = tpu.memref_slice %arg12[%dma_wait3A_471, %dma_wait3A_472] : memref<32x128xf32, #tpu.memory_space<vmem>> -> memref<32x128xf32, #tpu.memory_space<vmem>>
      %dma_wait3A_474 = arith.constant 0 : i32
      %dma_wait3A_475 = tpu.memref_slice %arg7[%add3A_306, %dma_wait3A_474] : memref<10112x128xf32, #tpu.memory_space<vmem_shared>> -> memref<32x128xf32, #tpu.memory_space<vmem_shared>>
      %dma_wait3A_476 = arith.constant 0 : i32
      %dma_wait3A_477 = tpu.memref_slice %arg7[%add3A_306, %dma_wait3A_476] : memref<10112x128xf32, #tpu.memory_space<vmem_shared>> -> memref<32x128xf32, #tpu.memory_space<vmem_shared>>
      %dma_wait3A_478 = arith.constant 0 : i32
      %dma_wait3A_479 = arith.constant 0 : i32
      %dma_wait3A_480 = tpu.memref_slice %arg12[%dma_wait3A_478, %dma_wait3A_479] : memref<32x128xf32, #tpu.memory_space<vmem>> -> memref<32x128xf32, #tpu.memory_space<vmem>>
      tpu.wait_dma2 semaphore(%run_scoped3A : memref<!tpu.dma_semaphore, #tpu.memory_space<semaphore_mem>>) src(%dma_wait3A_480 : memref<32x128xf32, #tpu.memory_space<vmem>>) dst(%dma_wait3A_477 : memref<32x128xf32, #tpu.memory_space<vmem_shared>>)
      tpu.yield
    }) : () -> ()
    %add3A_307 = arith.constant 576 : i32
    %add3A_308 = arith.addi %mul3A_2, %add3A_307 : i32
    "tpu.region"() ({
      %run_scoped3A = tpu.sem_alloc : memref<!tpu.dma_semaphore, #tpu.memory_space<semaphore_mem>>
      %dma_start3A_461 = arith.constant 0 : i32
      %dma_start3A_462 = arith.constant 0 : i32
      %dma_start3A_463 = tpu.memref_slice %arg12[%dma_start3A_461, %dma_start3A_462] : memref<32x128xf32, #tpu.memory_space<vmem>> -> memref<32x128xf32, #tpu.memory_space<vmem>>
      %dma_start3A_464 = arith.constant 0 : i32
      %dma_start3A_465 = tpu.memref_slice %arg7[%add3A_308, %dma_start3A_464] : memref<10112x128xf32, #tpu.memory_space<vmem_shared>> -> memref<32x128xf32, #tpu.memory_space<vmem_shared>>
      %dma_start3A_466 = arith.constant 0 : i32
      %dma_start3A_467 = tpu.memref_slice %arg7[%add3A_308, %dma_start3A_466] : memref<10112x128xf32, #tpu.memory_space<vmem_shared>> -> memref<32x128xf32, #tpu.memory_space<vmem_shared>>
      %dma_start3A_468 = arith.constant 0 : i32
      %dma_start3A_469 = arith.constant 0 : i32
      %dma_start3A_470 = tpu.memref_slice %arg12[%dma_start3A_468, %dma_start3A_469] : memref<32x128xf32, #tpu.memory_space<vmem>> -> memref<32x128xf32, #tpu.memory_space<vmem>>
      tpu.enqueue_dma source(%dma_start3A_470 : memref<32x128xf32, #tpu.memory_space<vmem>>) target(%dma_start3A_467 : memref<32x128xf32, #tpu.memory_space<vmem_shared>>) target_semaphore(%run_scoped3A : memref<!tpu.dma_semaphore, #tpu.memory_space<semaphore_mem>>)
      %dma_wait3A_471 = arith.constant 0 : i32
      %dma_wait3A_472 = arith.constant 0 : i32
      %dma_wait3A_473 = tpu.memref_slice %arg12[%dma_wait3A_471, %dma_wait3A_472] : memref<32x128xf32, #tpu.memory_space<vmem>> -> memref<32x128xf32, #tpu.memory_space<vmem>>
      %dma_wait3A_474 = arith.constant 0 : i32
      %dma_wait3A_475 = tpu.memref_slice %arg7[%add3A_308, %dma_wait3A_474] : memref<10112x128xf32, #tpu.memory_space<vmem_shared>> -> memref<32x128xf32, #tpu.memory_space<vmem_shared>>
      %dma_wait3A_476 = arith.constant 0 : i32
      %dma_wait3A_477 = tpu.memref_slice %arg7[%add3A_308, %dma_wait3A_476] : memref<10112x128xf32, #tpu.memory_space<vmem_shared>> -> memref<32x128xf32, #tpu.memory_space<vmem_shared>>
      %dma_wait3A_478 = arith.constant 0 : i32
      %dma_wait3A_479 = arith.constant 0 : i32
      %dma_wait3A_480 = tpu.memref_slice %arg12[%dma_wait3A_478, %dma_wait3A_479] : memref<32x128xf32, #tpu.memory_space<vmem>> -> memref<32x128xf32, #tpu.memory_space<vmem>>
      tpu.wait_dma2 semaphore(%run_scoped3A : memref<!tpu.dma_semaphore, #tpu.memory_space<semaphore_mem>>) src(%dma_wait3A_480 : memref<32x128xf32, #tpu.memory_space<vmem>>) dst(%dma_wait3A_477 : memref<32x128xf32, #tpu.memory_space<vmem_shared>>)
      tpu.yield
    }) : () -> ()
    %add3A_309 = arith.constant 608 : i32
    %add3A_310 = arith.addi %mul3A_2, %add3A_309 : i32
    "tpu.region"() ({
      %run_scoped3A = tpu.sem_alloc : memref<!tpu.dma_semaphore, #tpu.memory_space<semaphore_mem>>
      %dma_start3A_461 = arith.constant 0 : i32
      %dma_start3A_462 = arith.constant 0 : i32
      %dma_start3A_463 = tpu.memref_slice %arg12[%dma_start3A_461, %dma_start3A_462] : memref<32x128xf32, #tpu.memory_space<vmem>> -> memref<24x128xf32, #tpu.memory_space<vmem>>
      %dma_start3A_464 = arith.constant 0 : i32
      %dma_start3A_465 = tpu.memref_slice %arg7[%add3A_310, %dma_start3A_464] : memref<10112x128xf32, #tpu.memory_space<vmem_shared>> -> memref<24x128xf32, #tpu.memory_space<vmem_shared>>
      %dma_start3A_466 = arith.constant 0 : i32
      %dma_start3A_467 = tpu.memref_slice %arg7[%add3A_310, %dma_start3A_466] : memref<10112x128xf32, #tpu.memory_space<vmem_shared>> -> memref<24x128xf32, #tpu.memory_space<vmem_shared>>
      %dma_start3A_468 = arith.constant 0 : i32
      %dma_start3A_469 = arith.constant 0 : i32
      %dma_start3A_470 = tpu.memref_slice %arg12[%dma_start3A_468, %dma_start3A_469] : memref<32x128xf32, #tpu.memory_space<vmem>> -> memref<24x128xf32, #tpu.memory_space<vmem>>
      tpu.enqueue_dma source(%dma_start3A_470 : memref<24x128xf32, #tpu.memory_space<vmem>>) target(%dma_start3A_467 : memref<24x128xf32, #tpu.memory_space<vmem_shared>>) target_semaphore(%run_scoped3A : memref<!tpu.dma_semaphore, #tpu.memory_space<semaphore_mem>>)
      %dma_wait3A_471 = arith.constant 0 : i32
      %dma_wait3A_472 = arith.constant 0 : i32
      %dma_wait3A_473 = tpu.memref_slice %arg12[%dma_wait3A_471, %dma_wait3A_472] : memref<32x128xf32, #tpu.memory_space<vmem>> -> memref<24x128xf32, #tpu.memory_space<vmem>>
      %dma_wait3A_474 = arith.constant 0 : i32
      %dma_wait3A_475 = tpu.memref_slice %arg7[%add3A_310, %dma_wait3A_474] : memref<10112x128xf32, #tpu.memory_space<vmem_shared>> -> memref<24x128xf32, #tpu.memory_space<vmem_shared>>
      %dma_wait3A_476 = arith.constant 0 : i32
      %dma_wait3A_477 = tpu.memref_slice %arg7[%add3A_310, %dma_wait3A_476] : memref<10112x128xf32, #tpu.memory_space<vmem_shared>> -> memref<24x128xf32, #tpu.memory_space<vmem_shared>>
      %dma_wait3A_478 = arith.constant 0 : i32
      %dma_wait3A_479 = arith.constant 0 : i32
      %dma_wait3A_480 = tpu.memref_slice %arg12[%dma_wait3A_478, %dma_wait3A_479] : memref<32x128xf32, #tpu.memory_space<vmem>> -> memref<24x128xf32, #tpu.memory_space<vmem>>
      tpu.wait_dma2 semaphore(%run_scoped3A : memref<!tpu.dma_semaphore, #tpu.memory_space<semaphore_mem>>) src(%dma_wait3A_480 : memref<24x128xf32, #tpu.memory_space<vmem>>) dst(%dma_wait3A_477 : memref<24x128xf32, #tpu.memory_space<vmem_shared>>)
      tpu.yield
    }) : () -> ()
    %scan3A_311 = arith.constant 0 : i32
    %scan3A_312 = arith.constant 0 : i32
    %scan3A_313 = arith.constant 32 : i32
    %scan3A_314 = arith.addi %scan3A_312, %scan3A_313 : i32
    %scan3A_315 = arith.constant 1 : i32
    scf.for %scan3A_461 = %scan3A_312 to %scan3A_314 step %scan3A_315  : i32 {
      %swap3A = arith.index_cast %scan3A_461 : i32 to index
      %swap3A_462 = arith.constant 0 : index
      %swap3A_463 = tpu.vector_load %arg13[%swap3A, %swap3A_462] {strides = array<i32>} : memref<32x128xf32, #tpu.memory_space<vmem>>, vector<1x16xf32>,
      %swap3A_464 = vector.shape_cast %swap3A_463 : vector<1x16xf32> to vector<16xf32>
      %swap3A_465 = vector.shape_cast %broadcast_in_dim3A_8 : vector<16xf32> to vector<1x16xf32>
      tpu.vector_store %arg13[%swap3A, %swap3A_462], %swap3A_465 {strides = array<i32>} : memref<32x128xf32, #tpu.memory_space<vmem>>, vector<1x16xf32>,
      %swap3A_466 = arith.index_cast %scan3A_461 : i32 to index
      %swap3A_467 = arith.constant 16 : index
      %swap3A_468 = tpu.vector_load %arg13[%swap3A_466, %swap3A_467] {strides = array<i32>} : memref<32x128xf32, #tpu.memory_space<vmem>>, vector<1x16xf32>,
      %swap3A_469 = vector.shape_cast %swap3A_468 : vector<1x16xf32> to vector<16xf32>
      %swap3A_470 = vector.shape_cast %broadcast_in_dim3A_8 : vector<16xf32> to vector<1x16xf32>
      tpu.vector_store %arg13[%swap3A_466, %swap3A_467], %swap3A_470 {strides = array<i32>} : memref<32x128xf32, #tpu.memory_space<vmem>>, vector<1x16xf32>,
      %swap3A_471 = arith.index_cast %scan3A_461 : i32 to index
      %swap3A_472 = arith.constant 32 : index
      %swap3A_473 = tpu.vector_load %arg13[%swap3A_471, %swap3A_472] {strides = array<i32>} : memref<32x128xf32, #tpu.memory_space<vmem>>, vector<1x16xf32>,
      %swap3A_474 = vector.shape_cast %swap3A_473 : vector<1x16xf32> to vector<16xf32>
      %swap3A_475 = vector.shape_cast %broadcast_in_dim3A_8 : vector<16xf32> to vector<1x16xf32>
      tpu.vector_store %arg13[%swap3A_471, %swap3A_472], %swap3A_475 {strides = array<i32>} : memref<32x128xf32, #tpu.memory_space<vmem>>, vector<1x16xf32>,
      %swap3A_476 = arith.index_cast %scan3A_461 : i32 to index
      %swap3A_477 = arith.constant 48 : index
      %swap3A_478 = tpu.vector_load %arg13[%swap3A_476, %swap3A_477] {strides = array<i32>} : memref<32x128xf32, #tpu.memory_space<vmem>>, vector<1x16xf32>,
      %swap3A_479 = vector.shape_cast %swap3A_478 : vector<1x16xf32> to vector<16xf32>
      %swap3A_480 = vector.shape_cast %broadcast_in_dim3A_8 : vector<16xf32> to vector<1x16xf32>
      tpu.vector_store %arg13[%swap3A_476, %swap3A_477], %swap3A_480 {strides = array<i32>} : memref<32x128xf32, #tpu.memory_space<vmem>>, vector<1x16xf32>,
      %swap3A_481 = arith.index_cast %scan3A_461 : i32 to index
      %swap3A_482 = arith.constant 64 : index
      %swap3A_483 = tpu.vector_load %arg13[%swap3A_481, %swap3A_482] {strides = array<i32>} : memref<32x128xf32, #tpu.memory_space<vmem>>, vector<1x16xf32>,
      %swap3A_484 = vector.shape_cast %swap3A_483 : vector<1x16xf32> to vector<16xf32>
      %swap3A_485 = vector.shape_cast %broadcast_in_dim3A_8 : vector<16xf32> to vector<1x16xf32>
      tpu.vector_store %arg13[%swap3A_481, %swap3A_482], %swap3A_485 {strides = array<i32>} : memref<32x128xf32, #tpu.memory_space<vmem>>, vector<1x16xf32>,
      %swap3A_486 = arith.index_cast %scan3A_461 : i32 to index
      %swap3A_487 = arith.constant 80 : index
      %swap3A_488 = tpu.vector_load %arg13[%swap3A_486, %swap3A_487] {strides = array<i32>} : memref<32x128xf32, #tpu.memory_space<vmem>>, vector<1x16xf32>,
      %swap3A_489 = vector.shape_cast %swap3A_488 : vector<1x16xf32> to vector<16xf32>
      %swap3A_490 = vector.shape_cast %broadcast_in_dim3A_8 : vector<16xf32> to vector<1x16xf32>
      tpu.vector_store %arg13[%swap3A_486, %swap3A_487], %swap3A_490 {strides = array<i32>} : memref<32x128xf32, #tpu.memory_space<vmem>>, vector<1x16xf32>,
      %swap3A_491 = arith.index_cast %scan3A_461 : i32 to index
      %swap3A_492 = arith.constant 96 : index
      %swap3A_493 = tpu.vector_load %arg13[%swap3A_491, %swap3A_492] {strides = array<i32>} : memref<32x128xf32, #tpu.memory_space<vmem>>, vector<1x16xf32>,
      %swap3A_494 = vector.shape_cast %swap3A_493 : vector<1x16xf32> to vector<16xf32>
      %swap3A_495 = vector.shape_cast %broadcast_in_dim3A_8 : vector<16xf32> to vector<1x16xf32>
      tpu.vector_store %arg13[%swap3A_491, %swap3A_492], %swap3A_495 {strides = array<i32>} : memref<32x128xf32, #tpu.memory_space<vmem>>, vector<1x16xf32>,
      %swap3A_496 = arith.index_cast %scan3A_461 : i32 to index
      %swap3A_497 = arith.constant 112 : index
      %swap3A_498 = tpu.vector_load %arg13[%swap3A_496, %swap3A_497] {strides = array<i32>} : memref<32x128xf32, #tpu.memory_space<vmem>>, vector<1x16xf32>,
      %swap3A_499 = vector.shape_cast %swap3A_498 : vector<1x16xf32> to vector<16xf32>
      %swap3A_500 = vector.shape_cast %broadcast_in_dim3A_8 : vector<16xf32> to vector<1x16xf32>
      tpu.vector_store %arg13[%swap3A_496, %swap3A_497], %swap3A_500 {strides = array<i32>} : memref<32x128xf32, #tpu.memory_space<vmem>>, vector<1x16xf32>,
    }
    %scan3A_316 = arith.constant 32 : i32
    %barrier3A_317 = arith.constant 0 : index
    tpu.barrier barrier_id(%barrier3A_317)
    %dma_start3A_318 = arith.constant 0 : i32
    %dma_start3A_319 = arith.constant 0 : i32
    "tpu.trace_stop"() : () -> ()
    %dma_start3A_320 = arith.constant 0 : i32
    %dma_start3A_321 = tpu.memref_slice %arg10[%dma_start3A_319, %dma_start3A_320] : memref<1x32xi32, #tpu.memory_space<vmem>> -> memref<1x32xi32, #tpu.memory_space<vmem>>
    %dma_start3A_322 = tpu.memref_squeeze %dma_start3A_321 : memref<1x32xi32, #tpu.memory_space<vmem>> -> memref<32xi32, #tpu.memory_space<vmem>>
    %dma_start3A_323 = arith.constant 0 : i32
    %dma_start3A_324 = tpu.memref_slice %arg4[%add3A, %dma_start3A_318, %dma_start3A_323] : memref<32x316x32xi32, #tpu.memory_space<hbm>> -> memref<1x1x32xi32, #tpu.memory_space<hbm>>
    %dma_start3A_325 = tpu.memref_squeeze %dma_start3A_324 : memref<1x1x32xi32, #tpu.memory_space<hbm>> -> memref<32xi32, #tpu.memory_space<hbm>>
    %dma_start3A_326 = arith.constant 0 : i32
    %dma_start3A_327 = tpu.memref_slice %arg10[%dma_start3A_319, %dma_start3A_326] : memref<1x32xi32, #tpu.memory_space<vmem>> -> memref<1x32xi32, #tpu.memory_space<vmem>>
    %dma_start3A_328 = tpu.memref_squeeze %dma_start3A_327 : memref<1x32xi32, #tpu.memory_space<vmem>> -> memref<32xi32, #tpu.memory_space<vmem>>
    %dma_start3A_329 = arith.constant 0 : i32
    %dma_start3A_330 = tpu.memref_slice %arg4[%add3A, %dma_start3A_318, %dma_start3A_329] : memref<32x316x32xi32, #tpu.memory_space<hbm>> -> memref<1x1x32xi32, #tpu.memory_space<hbm>>
    %dma_start3A_331 = tpu.memref_squeeze %dma_start3A_330 : memref<1x1x32xi32, #tpu.memory_space<hbm>> -> memref<32xi32, #tpu.memory_space<hbm>>
    tpu.enqueue_dma source(%dma_start3A_331 : memref<32xi32, #tpu.memory_space<hbm>>) target(%dma_start3A_328 : memref<32xi32, #tpu.memory_space<vmem>>) target_semaphore(%arg16 : memref<!tpu.dma_semaphore, #tpu.memory_space<semaphore_mem>>)
    %dma_start3A_332 = arith.constant 1 : i32
    %dma_start3A_333 = arith.constant 0 : i32
    %dma_start3A_334 = arith.constant 0 : i32
    %dma_start3A_335 = tpu.memref_slice %arg11[%dma_start3A_333, %dma_start3A_334] : memref<1x32xi32, #tpu.memory_space<vmem>> -> memref<1x32xi32, #tpu.memory_space<vmem>>
    %dma_start3A_336 = tpu.memref_squeeze %dma_start3A_335 : memref<1x32xi32, #tpu.memory_space<vmem>> -> memref<32xi32, #tpu.memory_space<vmem>>
    %dma_start3A_337 = arith.constant 0 : i32
    %dma_start3A_338 = tpu.memref_slice %arg4[%add3A, %dma_start3A_332, %dma_start3A_337] : memref<32x316x32xi32, #tpu.memory_space<hbm>> -> memref<1x1x32xi32, #tpu.memory_space<hbm>>
    %dma_start3A_339 = tpu.memref_squeeze %dma_start3A_338 : memref<1x1x32xi32, #tpu.memory_space<hbm>> -> memref<32xi32, #tpu.memory_space<hbm>>
    %dma_start3A_340 = arith.constant 0 : i32
    %dma_start3A_341 = tpu.memref_slice %arg11[%dma_start3A_333, %dma_start3A_340] : memref<1x32xi32, #tpu.memory_space<vmem>> -> memref<1x32xi32, #tpu.memory_space<vmem>>
    %dma_start3A_342 = tpu.memref_squeeze %dma_start3A_341 : memref<1x32xi32, #tpu.memory_space<vmem>> -> memref<32xi32, #tpu.memory_space<vmem>>
    %dma_start3A_343 = arith.constant 0 : i32
    %dma_start3A_344 = tpu.memref_slice %arg4[%add3A, %dma_start3A_332, %dma_start3A_343] : memref<32x316x32xi32, #tpu.memory_space<hbm>> -> memref<1x1x32xi32, #tpu.memory_space<hbm>>
    %dma_start3A_345 = tpu.memref_squeeze %dma_start3A_344 : memref<1x1x32xi32, #tpu.memory_space<hbm>> -> memref<32xi32, #tpu.memory_space<hbm>>
    tpu.enqueue_dma source(%dma_start3A_345 : memref<32xi32, #tpu.memory_space<hbm>>) target(%dma_start3A_342 : memref<32xi32, #tpu.memory_space<vmem>>) target_semaphore(%arg17 : memref<!tpu.dma_semaphore, #tpu.memory_space<semaphore_mem>>)
    "tpu.trace_start"() <{level = 10 : i32, message = "sc_p2"}> : () -> ()
    %scan3A_346 = arith.constant 0 : i32
    %scan3A_347 = arith.constant 0 : i32
    %scan3A_348 = arith.constant 157 : i32
    %scan3A_349 = arith.addi %scan3A_347, %scan3A_348 : i32
    %scan3A_350 = arith.constant 1 : i32
    scf.for %scan3A_461 = %scan3A_347 to %scan3A_349 step %scan3A_350  : i32 {
      %mul3A_462 = arith.constant 2 : i32
      %mul3A_463 = arith.muli %mul3A_462, %scan3A_461 : i32
      %add3A_464 = arith.constant 2 : i32
      %add3A_465 = arith.addi %mul3A_463, %add3A_464 : i32
      %mul3A_466 = arith.constant 2 : i32
      %mul3A_467 = arith.muli %mul3A_466, %scan3A_461 : i32
      %add3A_468 = arith.constant 3 : i32
      %add3A_469 = arith.addi %mul3A_467, %add3A_468 : i32
      %dma_wait3A_470 = arith.constant 0 : i32
      %dma_wait3A_471 = arith.constant 0 : i32
      %dma_wait3A_472 = arith.constant 0 : i32
      %dma_wait3A_473 = tpu.memref_slice %arg10[%dma_wait3A_471, %dma_wait3A_472] : memref<1x32xi32, #tpu.memory_space<vmem>> -> memref<1x32xi32, #tpu.memory_space<vmem>>
      %dma_wait3A_474 = tpu.memref_squeeze %dma_wait3A_473 : memref<1x32xi32, #tpu.memory_space<vmem>> -> memref<32xi32, #tpu.memory_space<vmem>>
      %dma_wait3A_475 = arith.constant 0 : i32
      %dma_wait3A_476 = tpu.memref_slice %arg3[%add3A, %dma_wait3A_470, %dma_wait3A_475] : memref<32x316x32xi32, #tpu.memory_space<hbm>> -> memref<1x1x32xi32, #tpu.memory_space<hbm>>
      %dma_wait3A_477 = tpu.memref_squeeze %dma_wait3A_476 : memref<1x1x32xi32, #tpu.memory_space<hbm>> -> memref<32xi32, #tpu.memory_space<hbm>>
      %dma_wait3A_478 = arith.constant 0 : i32
      %dma_wait3A_479 = tpu.memref_slice %arg10[%dma_wait3A_471, %dma_wait3A_478] : memref<1x32xi32, #tpu.memory_space<vmem>> -> memref<1x32xi32, #tpu.memory_space<vmem>>
      %dma_wait3A_480 = tpu.memref_squeeze %dma_wait3A_479 : memref<1x32xi32, #tpu.memory_space<vmem>> -> memref<32xi32, #tpu.memory_space<vmem>>
      %dma_wait3A_481 = arith.constant 0 : i32
      %dma_wait3A_482 = tpu.memref_slice %arg3[%add3A, %dma_wait3A_470, %dma_wait3A_481] : memref<32x316x32xi32, #tpu.memory_space<hbm>> -> memref<1x1x32xi32, #tpu.memory_space<hbm>>
      %dma_wait3A_483 = tpu.memref_squeeze %dma_wait3A_482 : memref<1x1x32xi32, #tpu.memory_space<hbm>> -> memref<32xi32, #tpu.memory_space<hbm>>
      tpu.wait_dma2 semaphore(%arg16 : memref<!tpu.dma_semaphore, #tpu.memory_space<semaphore_mem>>) src(%dma_wait3A_483 : memref<32xi32, #tpu.memory_space<hbm>>) dst(%dma_wait3A_480 : memref<32xi32, #tpu.memory_space<vmem>>)
      %run_scoped3A = arith.constant 0 : i32
      "tpu.region"() ({
        %run_scoped3A_525 = tpu.sem_alloc : memref<!tpu.dma_semaphore, #tpu.memory_space<semaphore_mem>>
        %dma_start3A_526 = arith.constant 0 : i32
        %dma_start3A_527 = tpu.memref_slice %arg10[%run_scoped3A, %dma_start3A_526] : memref<1x32xi32, #tpu.memory_space<vmem>> -> memref<1x32xi32, #tpu.memory_space<vmem>>
        %dma_start3A_528 = tpu.memref_squeeze %dma_start3A_527 : memref<1x32xi32, #tpu.memory_space<vmem>> -> memref<32xi32, #tpu.memory_space<vmem>>
        %dma_start3A_529 = arith.constant 0 : i32
        %dma_start3A_530 = arith.constant 0 : i32
        %dma_start3A_531 = tpu.memref_slice %arg7[%dma_start3A_529, %dma_start3A_530] : memref<10112x128xf32, #tpu.memory_space<vmem_shared>> -> memref<10112x128xf32, #tpu.memory_space<vmem_shared>>
        tpu.enqueue_indirect_dma source(%arg13 : memref<32x128xf32, #tpu.memory_space<vmem>>) target(%dma_start3A_531 : memref<10112x128xf32, #tpu.memory_space<vmem_shared>>) offsets(%dma_start3A_528 : memref<32xi32, #tpu.memory_space<vmem>>) semaphore(%run_scoped3A_525 : memref<!tpu.dma_semaphore, #tpu.memory_space<semaphore_mem>>) {add = true}
        %dma_wait3A_532 = arith.constant 0 : i32
        %dma_wait3A_533 = tpu.memref_slice %arg10[%run_scoped3A, %dma_wait3A_532] : memref<1x32xi32, #tpu.memory_space<vmem>> -> memref<1x32xi32, #tpu.memory_space<vmem>>
        %dma_wait3A_534 = tpu.memref_squeeze %dma_wait3A_533 : memref<1x32xi32, #tpu.memory_space<vmem>> -> memref<32xi32, #tpu.memory_space<vmem>>
        %dma_wait3A_535 = arith.constant 0 : i32
        %dma_wait3A_536 = arith.constant 0 : i32
        %dma_wait3A_537 = tpu.memref_slice %arg7[%dma_wait3A_535, %dma_wait3A_536] : memref<10112x128xf32, #tpu.memory_space<vmem_shared>> -> memref<10112x128xf32, #tpu.memory_space<vmem_shared>>
        tpu.wait_indirect_dma semaphore(%run_scoped3A_525 : memref<!tpu.dma_semaphore, #tpu.memory_space<semaphore_mem>>) src(%arg13 : memref<32x128xf32, #tpu.memory_space<vmem>>) dst(%dma_wait3A_537 : memref<10112x128xf32, #tpu.memory_space<vmem_shared>>)
        tpu.yield
      }) : () -> ()
      %dma_start3A_484 = arith.constant 0 : i32
      %dma_start3A_485 = arith.constant 0 : i32
      %dma_start3A_486 = tpu.memref_slice %arg10[%dma_start3A_484, %dma_start3A_485] : memref<1x32xi32, #tpu.memory_space<vmem>> -> memref<1x32xi32, #tpu.memory_space<vmem>>
      %dma_start3A_487 = tpu.memref_squeeze %dma_start3A_486 : memref<1x32xi32, #tpu.memory_space<vmem>> -> memref<32xi32, #tpu.memory_space<vmem>>
      %dma_start3A_488 = arith.constant 0 : i32
      %dma_start3A_489 = tpu.memref_slice %arg4[%add3A, %add3A_465, %dma_start3A_488] : memref<32x316x32xi32, #tpu.memory_space<hbm>> -> memref<1x1x32xi32, #tpu.memory_space<hbm>>
      %dma_start3A_490 = tpu.memref_squeeze %dma_start3A_489 : memref<1x1x32xi32, #tpu.memory_space<hbm>> -> memref<32xi32, #tpu.memory_space<hbm>>
      %dma_start3A_491 = arith.constant 0 : i32
      %dma_start3A_492 = tpu.memref_slice %arg10[%dma_start3A_484, %dma_start3A_491] : memref<1x32xi32, #tpu.memory_space<vmem>> -> memref<1x32xi32, #tpu.memory_space<vmem>>
      %dma_start3A_493 = tpu.memref_squeeze %dma_start3A_492 : memref<1x32xi32, #tpu.memory_space<vmem>> -> memref<32xi32, #tpu.memory_space<vmem>>
      %dma_start3A_494 = arith.constant 0 : i32
      %dma_start3A_495 = tpu.memref_slice %arg4[%add3A, %add3A_465, %dma_start3A_494] : memref<32x316x32xi32, #tpu.memory_space<hbm>> -> memref<1x1x32xi32, #tpu.memory_space<hbm>>
      %dma_start3A_496 = tpu.memref_squeeze %dma_start3A_495 : memref<1x1x32xi32, #tpu.memory_space<hbm>> -> memref<32xi32, #tpu.memory_space<hbm>>
      tpu.enqueue_dma source(%dma_start3A_496 : memref<32xi32, #tpu.memory_space<hbm>>) target(%dma_start3A_493 : memref<32xi32, #tpu.memory_space<vmem>>) target_semaphore(%arg16 : memref<!tpu.dma_semaphore, #tpu.memory_space<semaphore_mem>>)
      %dma_wait3A_497 = arith.constant 0 : i32
      %dma_wait3A_498 = arith.constant 0 : i32
      %dma_wait3A_499 = arith.constant 0 : i32
      %dma_wait3A_500 = tpu.memref_slice %arg11[%dma_wait3A_498, %dma_wait3A_499] : memref<1x32xi32, #tpu.memory_space<vmem>> -> memref<1x32xi32, #tpu.memory_space<vmem>>
      %dma_wait3A_501 = tpu.memref_squeeze %dma_wait3A_500 : memref<1x32xi32, #tpu.memory_space<vmem>> -> memref<32xi32, #tpu.memory_space<vmem>>
      %dma_wait3A_502 = arith.constant 0 : i32
      %dma_wait3A_503 = tpu.memref_slice %arg3[%add3A, %dma_wait3A_497, %dma_wait3A_502] : memref<32x316x32xi32, #tpu.memory_space<hbm>> -> memref<1x1x32xi32, #tpu.memory_space<hbm>>
      %dma_wait3A_504 = tpu.memref_squeeze %dma_wait3A_503 : memref<1x1x32xi32, #tpu.memory_space<hbm>> -> memref<32xi32, #tpu.memory_space<hbm>>
      %dma_wait3A_505 = arith.constant 0 : i32
      %dma_wait3A_506 = tpu.memref_slice %arg11[%dma_wait3A_498, %dma_wait3A_505] : memref<1x32xi32, #tpu.memory_space<vmem>> -> memref<1x32xi32, #tpu.memory_space<vmem>>
      %dma_wait3A_507 = tpu.memref_squeeze %dma_wait3A_506 : memref<1x32xi32, #tpu.memory_space<vmem>> -> memref<32xi32, #tpu.memory_space<vmem>>
      %dma_wait3A_508 = arith.constant 0 : i32
      %dma_wait3A_509 = tpu.memref_slice %arg3[%add3A, %dma_wait3A_497, %dma_wait3A_508] : memref<32x316x32xi32, #tpu.memory_space<hbm>> -> memref<1x1x32xi32, #tpu.memory_space<hbm>>
      %dma_wait3A_510 = tpu.memref_squeeze %dma_wait3A_509 : memref<1x1x32xi32, #tpu.memory_space<hbm>> -> memref<32xi32, #tpu.memory_space<hbm>>
      tpu.wait_dma2 semaphore(%arg17 : memref<!tpu.dma_semaphore, #tpu.memory_space<semaphore_mem>>) src(%dma_wait3A_510 : memref<32xi32, #tpu.memory_space<hbm>>) dst(%dma_wait3A_507 : memref<32xi32, #tpu.memory_space<vmem>>)
      %run_scoped3A_511 = arith.constant 0 : i32
      "tpu.region"() ({
        %run_scoped3A_525 = tpu.sem_alloc : memref<!tpu.dma_semaphore, #tpu.memory_space<semaphore_mem>>
        %dma_start3A_526 = arith.constant 0 : i32
        %dma_start3A_527 = tpu.memref_slice %arg11[%run_scoped3A_511, %dma_start3A_526] : memref<1x32xi32, #tpu.memory_space<vmem>> -> memref<1x32xi32, #tpu.memory_space<vmem>>
        %dma_start3A_528 = tpu.memref_squeeze %dma_start3A_527 : memref<1x32xi32, #tpu.memory_space<vmem>> -> memref<32xi32, #tpu.memory_space<vmem>>
        %dma_start3A_529 = arith.constant 0 : i32
        %dma_start3A_530 = arith.constant 0 : i32
        %dma_start3A_531 = tpu.memref_slice %arg7[%dma_start3A_529, %dma_start3A_530] : memref<10112x128xf32, #tpu.memory_space<vmem_shared>> -> memref<10112x128xf32, #tpu.memory_space<vmem_shared>>
        tpu.enqueue_indirect_dma source(%arg13 : memref<32x128xf32, #tpu.memory_space<vmem>>) target(%dma_start3A_531 : memref<10112x128xf32, #tpu.memory_space<vmem_shared>>) offsets(%dma_start3A_528 : memref<32xi32, #tpu.memory_space<vmem>>) semaphore(%run_scoped3A_525 : memref<!tpu.dma_semaphore, #tpu.memory_space<semaphore_mem>>) {add = true}
        %dma_wait3A_532 = arith.constant 0 : i32
        %dma_wait3A_533 = tpu.memref_slice %arg11[%run_scoped3A_511, %dma_wait3A_532] : memref<1x32xi32, #tpu.memory_space<vmem>> -> memref<1x32xi32, #tpu.memory_space<vmem>>
        %dma_wait3A_534 = tpu.memref_squeeze %dma_wait3A_533 : memref<1x32xi32, #tpu.memory_space<vmem>> -> memref<32xi32, #tpu.memory_space<vmem>>
        %dma_wait3A_535 = arith.constant 0 : i32
        %dma_wait3A_536 = arith.constant 0 : i32
        %dma_wait3A_537 = tpu.memref_slice %arg7[%dma_wait3A_535, %dma_wait3A_536] : memref<10112x128xf32, #tpu.memory_space<vmem_shared>> -> memref<10112x128xf32, #tpu.memory_space<vmem_shared>>
        tpu.wait_indirect_dma semaphore(%run_scoped3A_525 : memref<!tpu.dma_semaphore, #tpu.memory_space<semaphore_mem>>) src(%arg13 : memref<32x128xf32, #tpu.memory_space<vmem>>) dst(%dma_wait3A_537 : memref<10112x128xf32, #tpu.memory_space<vmem_shared>>)
        tpu.yield
      }) : () -> ()
      %dma_start3A_512 = arith.constant 0 : i32
      %dma_start3A_513 = arith.constant 0 : i32
      %dma_start3A_514 = tpu.memref_slice %arg11[%dma_start3A_512, %dma_start3A_513] : memref<1x32xi32, #tpu.memory_space<vmem>> -> memref<1x32xi32, #tpu.memory_space<vmem>>
      %dma_start3A_515 = tpu.memref_squeeze %dma_start3A_514 : memref<1x32xi32, #tpu.memory_space<vmem>> -> memref<32xi32, #tpu.memory_space<vmem>>
      %dma_start3A_516 = arith.constant 0 : i32
      %dma_start3A_517 = tpu.memref_slice %arg4[%add3A, %add3A_469, %dma_start3A_516] : memref<32x316x32xi32, #tpu.memory_space<hbm>> -> memref<1x1x32xi32, #tpu.memory_space<hbm>>
      %dma_start3A_518 = tpu.memref_squeeze %dma_start3A_517 : memref<1x1x32xi32, #tpu.memory_space<hbm>> -> memref<32xi32, #tpu.memory_space<hbm>>
      %dma_start3A_519 = arith.constant 0 : i32
      %dma_start3A_520 = tpu.memref_slice %arg11[%dma_start3A_512, %dma_start3A_519] : memref<1x32xi32, #tpu.memory_space<vmem>> -> memref<1x32xi32, #tpu.memory_space<vmem>>
      %dma_start3A_521 = tpu.memref_squeeze %dma_start3A_520 : memref<1x32xi32, #tpu.memory_space<vmem>> -> memref<32xi32, #tpu.memory_space<vmem>>
      %dma_start3A_522 = arith.constant 0 : i32
      %dma_start3A_523 = tpu.memref_slice %arg4[%add3A, %add3A_469, %dma_start3A_522] : memref<32x316x32xi32, #tpu.memory_space<hbm>> -> memref<1x1x32xi32, #tpu.memory_space<hbm>>
      %dma_start3A_524 = tpu.memref_squeeze %dma_start3A_523 : memref<1x1x32xi32, #tpu.memory_space<hbm>> -> memref<32xi32, #tpu.memory_space<hbm>>
      tpu.enqueue_dma source(%dma_start3A_524 : memref<32xi32, #tpu.memory_space<hbm>>) target(%dma_start3A_521 : memref<32xi32, #tpu.memory_space<vmem>>) target_semaphore(%arg17 : memref<!tpu.dma_semaphore, #tpu.memory_space<semaphore_mem>>)
    }
    %scan3A_351 = arith.constant 157 : i32
    %dma_wait3A_352 = arith.constant 0 : i32
    %dma_wait3A_353 = arith.constant 0 : i32
    %dma_wait3A_354 = arith.constant 0 : i32
    %dma_wait3A_355 = tpu.memref_slice %arg10[%dma_wait3A_353, %dma_wait3A_354] : memref<1x32xi32, #tpu.memory_space<vmem>> -> memref<1x32xi32, #tpu.memory_space<vmem>>
    %dma_wait3A_356 = tpu.memref_squeeze %dma_wait3A_355 : memref<1x32xi32, #tpu.memory_space<vmem>> -> memref<32xi32, #tpu.memory_space<vmem>>
    %dma_wait3A_357 = arith.constant 0 : i32
    %dma_wait3A_358 = tpu.memref_slice %arg3[%add3A, %dma_wait3A_352, %dma_wait3A_357] : memref<32x316x32xi32, #tpu.memory_space<hbm>> -> memref<1x1x32xi32, #tpu.memory_space<hbm>>
    %dma_wait3A_359 = tpu.memref_squeeze %dma_wait3A_358 : memref<1x1x32xi32, #tpu.memory_space<hbm>> -> memref<32xi32, #tpu.memory_space<hbm>>
    %dma_wait3A_360 = arith.constant 0 : i32
    %dma_wait3A_361 = tpu.memref_slice %arg10[%dma_wait3A_353, %dma_wait3A_360] : memref<1x32xi32, #tpu.memory_space<vmem>> -> memref<1x32xi32, #tpu.memory_space<vmem>>
    %dma_wait3A_362 = tpu.memref_squeeze %dma_wait3A_361 : memref<1x32xi32, #tpu.memory_space<vmem>> -> memref<32xi32, #tpu.memory_space<vmem>>
    %dma_wait3A_363 = arith.constant 0 : i32
    %dma_wait3A_364 = tpu.memref_slice %arg3[%add3A, %dma_wait3A_352, %dma_wait3A_363] : memref<32x316x32xi32, #tpu.memory_space<hbm>> -> memref<1x1x32xi32, #tpu.memory_space<hbm>>
    %dma_wait3A_365 = tpu.memref_squeeze %dma_wait3A_364 : memref<1x1x32xi32, #tpu.memory_space<hbm>> -> memref<32xi32, #tpu.memory_space<hbm>>
    tpu.wait_dma2 semaphore(%arg16 : memref<!tpu.dma_semaphore, #tpu.memory_space<semaphore_mem>>) src(%dma_wait3A_365 : memref<32xi32, #tpu.memory_space<hbm>>) dst(%dma_wait3A_362 : memref<32xi32, #tpu.memory_space<vmem>>)
    %dma_wait3A_366 = arith.constant 0 : i32
    %dma_wait3A_367 = arith.constant 0 : i32
    %dma_wait3A_368 = arith.constant 0 : i32
    %dma_wait3A_369 = tpu.memref_slice %arg11[%dma_wait3A_367, %dma_wait3A_368] : memref<1x32xi32, #tpu.memory_space<vmem>> -> memref<1x32xi32, #tpu.memory_space<vmem>>
    %dma_wait3A_370 = tpu.memref_squeeze %dma_wait3A_369 : memref<1x32xi32, #tpu.memory_space<vmem>> -> memref<32xi32, #tpu.memory_space<vmem>>
    %dma_wait3A_371 = arith.constant 0 : i32
    %dma_wait3A_372 = tpu.memref_slice %arg3[%add3A, %dma_wait3A_366, %dma_wait3A_371] : memref<32x316x32xi32, #tpu.memory_space<hbm>> -> memref<1x1x32xi32, #tpu.memory_space<hbm>>
    %dma_wait3A_373 = tpu.memref_squeeze %dma_wait3A_372 : memref<1x1x32xi32, #tpu.memory_space<hbm>> -> memref<32xi32, #tpu.memory_space<hbm>>
    %dma_wait3A_374 = arith.constant 0 : i32
    %dma_wait3A_375 = tpu.memref_slice %arg11[%dma_wait3A_367, %dma_wait3A_374] : memref<1x32xi32, #tpu.memory_space<vmem>> -> memref<1x32xi32, #tpu.memory_space<vmem>>
    %dma_wait3A_376 = tpu.memref_squeeze %dma_wait3A_375 : memref<1x32xi32, #tpu.memory_space<vmem>> -> memref<32xi32, #tpu.memory_space<vmem>>
    %dma_wait3A_377 = arith.constant 0 : i32
    %dma_wait3A_378 = tpu.memref_slice %arg3[%add3A, %dma_wait3A_366, %dma_wait3A_377] : memref<32x316x32xi32, #tpu.memory_space<hbm>> -> memref<1x1x32xi32, #tpu.memory_space<hbm>>
    %dma_wait3A_379 = tpu.memref_squeeze %dma_wait3A_378 : memref<1x1x32xi32, #tpu.memory_space<hbm>> -> memref<32xi32, #tpu.memory_space<hbm>>
    tpu.wait_dma2 semaphore(%arg17 : memref<!tpu.dma_semaphore, #tpu.memory_space<semaphore_mem>>) src(%dma_wait3A_379 : memref<32xi32, #tpu.memory_space<hbm>>) dst(%dma_wait3A_376 : memref<32xi32, #tpu.memory_space<vmem>>)
    %barrier3A_380 = arith.constant 0 : index
    tpu.barrier barrier_id(%barrier3A_380)
    "tpu.trace_stop"() : () -> ()
    "tpu.trace_start"() <{level = 10 : i32, message = "sc_wo2"}> : () -> ()
    %add3A_381 = arith.constant 0 : i32
    %add3A_382 = arith.addi %mul3A_2, %add3A_381 : i32
    "tpu.region"() ({
      %run_scoped3A = tpu.sem_alloc : memref<!tpu.dma_semaphore, #tpu.memory_space<semaphore_mem>>
      %dma_start3A_461 = arith.constant 0 : i32
      %dma_start3A_462 = arith.constant 0 : i32
      %dma_start3A_463 = tpu.memref_slice %arg12[%dma_start3A_461, %dma_start3A_462] : memref<32x128xf32, #tpu.memory_space<vmem>> -> memref<32x128xf32, #tpu.memory_space<vmem>>
      %dma_start3A_464 = arith.constant 0 : i32
      %dma_start3A_465 = tpu.memref_slice %arg7[%add3A_382, %dma_start3A_464] : memref<10112x128xf32, #tpu.memory_space<vmem_shared>> -> memref<32x128xf32, #tpu.memory_space<vmem_shared>>
      %dma_start3A_466 = arith.constant 0 : i32
      %dma_start3A_467 = arith.constant 0 : i32
      %dma_start3A_468 = tpu.memref_slice %arg12[%dma_start3A_466, %dma_start3A_467] : memref<32x128xf32, #tpu.memory_space<vmem>> -> memref<32x128xf32, #tpu.memory_space<vmem>>
      %dma_start3A_469 = arith.constant 0 : i32
      %dma_start3A_470 = tpu.memref_slice %arg7[%add3A_382, %dma_start3A_469] : memref<10112x128xf32, #tpu.memory_space<vmem_shared>> -> memref<32x128xf32, #tpu.memory_space<vmem_shared>>
      tpu.enqueue_dma source(%dma_start3A_470 : memref<32x128xf32, #tpu.memory_space<vmem_shared>>) target(%dma_start3A_468 : memref<32x128xf32, #tpu.memory_space<vmem>>) target_semaphore(%run_scoped3A : memref<!tpu.dma_semaphore, #tpu.memory_space<semaphore_mem>>)
      %dma_wait3A_471 = arith.constant 0 : i32
      %dma_wait3A_472 = arith.constant 0 : i32
      %dma_wait3A_473 = tpu.memref_slice %arg12[%dma_wait3A_471, %dma_wait3A_472] : memref<32x128xf32, #tpu.memory_space<vmem>> -> memref<32x128xf32, #tpu.memory_space<vmem>>
      %dma_wait3A_474 = arith.constant 0 : i32
      %dma_wait3A_475 = tpu.memref_slice %arg7[%add3A_382, %dma_wait3A_474] : memref<10112x128xf32, #tpu.memory_space<vmem_shared>> -> memref<32x128xf32, #tpu.memory_space<vmem_shared>>
      %dma_wait3A_476 = arith.constant 0 : i32
      %dma_wait3A_477 = arith.constant 0 : i32
      %dma_wait3A_478 = tpu.memref_slice %arg12[%dma_wait3A_476, %dma_wait3A_477] : memref<32x128xf32, #tpu.memory_space<vmem>> -> memref<32x128xf32, #tpu.memory_space<vmem>>
      %dma_wait3A_479 = arith.constant 0 : i32
      %dma_wait3A_480 = tpu.memref_slice %arg7[%add3A_382, %dma_wait3A_479] : memref<10112x128xf32, #tpu.memory_space<vmem_shared>> -> memref<32x128xf32, #tpu.memory_space<vmem_shared>>
      tpu.wait_dma2 semaphore(%run_scoped3A : memref<!tpu.dma_semaphore, #tpu.memory_space<semaphore_mem>>) src(%dma_wait3A_480 : memref<32x128xf32, #tpu.memory_space<vmem_shared>>) dst(%dma_wait3A_478 : memref<32x128xf32, #tpu.memory_space<vmem>>)
      tpu.yield
    }) : () -> ()
    %add3A_383 = arith.constant 0 : i32
    %add3A_384 = arith.addi %add3A_5, %add3A_383 : i32
    "tpu.region"() ({
      %run_scoped3A = tpu.sem_alloc : memref<!tpu.dma_semaphore, #tpu.memory_space<semaphore_mem>>
      %dma_start3A_461 = arith.constant 0 : i32
      %dma_start3A_462 = arith.constant 0 : i32
      %dma_start3A_463 = tpu.memref_slice %arg12[%dma_start3A_461, %dma_start3A_462] : memref<32x128xf32, #tpu.memory_space<vmem>> -> memref<32x128xf32, #tpu.memory_space<vmem>>
      %dma_start3A_464 = arith.constant 0 : i32
      %dma_start3A_465 = tpu.memref_slice %arg6[%add3A_384, %dma_start3A_464] : memref<20224x128xf32, #tpu.memory_space<hbm>> -> memref<32x128xf32, #tpu.memory_space<hbm>>
      %dma_start3A_466 = arith.constant 0 : i32
      %dma_start3A_467 = tpu.memref_slice %arg6[%add3A_384, %dma_start3A_466] : memref<20224x128xf32, #tpu.memory_space<hbm>> -> memref<32x128xf32, #tpu.memory_space<hbm>>
      %dma_start3A_468 = arith.constant 0 : i32
      %dma_start3A_469 = arith.constant 0 : i32
      %dma_start3A_470 = tpu.memref_slice %arg12[%dma_start3A_468, %dma_start3A_469] : memref<32x128xf32, #tpu.memory_space<vmem>> -> memref<32x128xf32, #tpu.memory_space<vmem>>
      tpu.enqueue_dma source(%dma_start3A_470 : memref<32x128xf32, #tpu.memory_space<vmem>>) target(%dma_start3A_467 : memref<32x128xf32, #tpu.memory_space<hbm>>) target_semaphore(%run_scoped3A : memref<!tpu.dma_semaphore, #tpu.memory_space<semaphore_mem>>)
      %dma_wait3A_471 = arith.constant 0 : i32
      %dma_wait3A_472 = arith.constant 0 : i32
      %dma_wait3A_473 = tpu.memref_slice %arg12[%dma_wait3A_471, %dma_wait3A_472] : memref<32x128xf32, #tpu.memory_space<vmem>> -> memref<32x128xf32, #tpu.memory_space<vmem>>
      %dma_wait3A_474 = arith.constant 0 : i32
      %dma_wait3A_475 = tpu.memref_slice %arg6[%add3A_384, %dma_wait3A_474] : memref<20224x128xf32, #tpu.memory_space<hbm>> -> memref<32x128xf32, #tpu.memory_space<hbm>>
      %dma_wait3A_476 = arith.constant 0 : i32
      %dma_wait3A_477 = tpu.memref_slice %arg6[%add3A_384, %dma_wait3A_476] : memref<20224x128xf32, #tpu.memory_space<hbm>> -> memref<32x128xf32, #tpu.memory_space<hbm>>
      %dma_wait3A_478 = arith.constant 0 : i32
      %dma_wait3A_479 = arith.constant 0 : i32
      %dma_wait3A_480 = tpu.memref_slice %arg12[%dma_wait3A_478, %dma_wait3A_479] : memref<32x128xf32, #tpu.memory_space<vmem>> -> memref<32x128xf32, #tpu.memory_space<vmem>>
      tpu.wait_dma2 semaphore(%run_scoped3A : memref<!tpu.dma_semaphore, #tpu.memory_space<semaphore_mem>>) src(%dma_wait3A_480 : memref<32x128xf32, #tpu.memory_space<vmem>>) dst(%dma_wait3A_477 : memref<32x128xf32, #tpu.memory_space<hbm>>)
      tpu.yield
    }) : () -> ()
    %add3A_385 = arith.constant 32 : i32
    %add3A_386 = arith.addi %mul3A_2, %add3A_385 : i32
    "tpu.region"() ({
      %run_scoped3A = tpu.sem_alloc : memref<!tpu.dma_semaphore, #tpu.memory_space<semaphore_mem>>
      %dma_start3A_461 = arith.constant 0 : i32
      %dma_start3A_462 = arith.constant 0 : i32
      %dma_start3A_463 = tpu.memref_slice %arg12[%dma_start3A_461, %dma_start3A_462] : memref<32x128xf32, #tpu.memory_space<vmem>> -> memref<32x128xf32, #tpu.memory_space<vmem>>
      %dma_start3A_464 = arith.constant 0 : i32
      %dma_start3A_465 = tpu.memref_slice %arg7[%add3A_386, %dma_start3A_464] : memref<10112x128xf32, #tpu.memory_space<vmem_shared>> -> memref<32x128xf32, #tpu.memory_space<vmem_shared>>
      %dma_start3A_466 = arith.constant 0 : i32
      %dma_start3A_467 = arith.constant 0 : i32
      %dma_start3A_468 = tpu.memref_slice %arg12[%dma_start3A_466, %dma_start3A_467] : memref<32x128xf32, #tpu.memory_space<vmem>> -> memref<32x128xf32, #tpu.memory_space<vmem>>
      %dma_start3A_469 = arith.constant 0 : i32
      %dma_start3A_470 = tpu.memref_slice %arg7[%add3A_386, %dma_start3A_469] : memref<10112x128xf32, #tpu.memory_space<vmem_shared>> -> memref<32x128xf32, #tpu.memory_space<vmem_shared>>
      tpu.enqueue_dma source(%dma_start3A_470 : memref<32x128xf32, #tpu.memory_space<vmem_shared>>) target(%dma_start3A_468 : memref<32x128xf32, #tpu.memory_space<vmem>>) target_semaphore(%run_scoped3A : memref<!tpu.dma_semaphore, #tpu.memory_space<semaphore_mem>>)
      %dma_wait3A_471 = arith.constant 0 : i32
      %dma_wait3A_472 = arith.constant 0 : i32
      %dma_wait3A_473 = tpu.memref_slice %arg12[%dma_wait3A_471, %dma_wait3A_472] : memref<32x128xf32, #tpu.memory_space<vmem>> -> memref<32x128xf32, #tpu.memory_space<vmem>>
      %dma_wait3A_474 = arith.constant 0 : i32
      %dma_wait3A_475 = tpu.memref_slice %arg7[%add3A_386, %dma_wait3A_474] : memref<10112x128xf32, #tpu.memory_space<vmem_shared>> -> memref<32x128xf32, #tpu.memory_space<vmem_shared>>
      %dma_wait3A_476 = arith.constant 0 : i32
      %dma_wait3A_477 = arith.constant 0 : i32
      %dma_wait3A_478 = tpu.memref_slice %arg12[%dma_wait3A_476, %dma_wait3A_477] : memref<32x128xf32, #tpu.memory_space<vmem>> -> memref<32x128xf32, #tpu.memory_space<vmem>>
      %dma_wait3A_479 = arith.constant 0 : i32
      %dma_wait3A_480 = tpu.memref_slice %arg7[%add3A_386, %dma_wait3A_479] : memref<10112x128xf32, #tpu.memory_space<vmem_shared>> -> memref<32x128xf32, #tpu.memory_space<vmem_shared>>
      tpu.wait_dma2 semaphore(%run_scoped3A : memref<!tpu.dma_semaphore, #tpu.memory_space<semaphore_mem>>) src(%dma_wait3A_480 : memref<32x128xf32, #tpu.memory_space<vmem_shared>>) dst(%dma_wait3A_478 : memref<32x128xf32, #tpu.memory_space<vmem>>)
      tpu.yield
    }) : () -> ()
    %add3A_387 = arith.constant 32 : i32
    %add3A_388 = arith.addi %add3A_5, %add3A_387 : i32
    "tpu.region"() ({
      %run_scoped3A = tpu.sem_alloc : memref<!tpu.dma_semaphore, #tpu.memory_space<semaphore_mem>>
      %dma_start3A_461 = arith.constant 0 : i32
      %dma_start3A_462 = arith.constant 0 : i32
      %dma_start3A_463 = tpu.memref_slice %arg12[%dma_start3A_461, %dma_start3A_462] : memref<32x128xf32, #tpu.memory_space<vmem>> -> memref<32x128xf32, #tpu.memory_space<vmem>>
      %dma_start3A_464 = arith.constant 0 : i32
      %dma_start3A_465 = tpu.memref_slice %arg6[%add3A_388, %dma_start3A_464] : memref<20224x128xf32, #tpu.memory_space<hbm>> -> memref<32x128xf32, #tpu.memory_space<hbm>>
      %dma_start3A_466 = arith.constant 0 : i32
      %dma_start3A_467 = tpu.memref_slice %arg6[%add3A_388, %dma_start3A_466] : memref<20224x128xf32, #tpu.memory_space<hbm>> -> memref<32x128xf32, #tpu.memory_space<hbm>>
      %dma_start3A_468 = arith.constant 0 : i32
      %dma_start3A_469 = arith.constant 0 : i32
      %dma_start3A_470 = tpu.memref_slice %arg12[%dma_start3A_468, %dma_start3A_469] : memref<32x128xf32, #tpu.memory_space<vmem>> -> memref<32x128xf32, #tpu.memory_space<vmem>>
      tpu.enqueue_dma source(%dma_start3A_470 : memref<32x128xf32, #tpu.memory_space<vmem>>) target(%dma_start3A_467 : memref<32x128xf32, #tpu.memory_space<hbm>>) target_semaphore(%run_scoped3A : memref<!tpu.dma_semaphore, #tpu.memory_space<semaphore_mem>>)
      %dma_wait3A_471 = arith.constant 0 : i32
      %dma_wait3A_472 = arith.constant 0 : i32
      %dma_wait3A_473 = tpu.memref_slice %arg12[%dma_wait3A_471, %dma_wait3A_472] : memref<32x128xf32, #tpu.memory_space<vmem>> -> memref<32x128xf32, #tpu.memory_space<vmem>>
      %dma_wait3A_474 = arith.constant 0 : i32
      %dma_wait3A_475 = tpu.memref_slice %arg6[%add3A_388, %dma_wait3A_474] : memref<20224x128xf32, #tpu.memory_space<hbm>> -> memref<32x128xf32, #tpu.memory_space<hbm>>
      %dma_wait3A_476 = arith.constant 0 : i32
      %dma_wait3A_477 = tpu.memref_slice %arg6[%add3A_388, %dma_wait3A_476] : memref<20224x128xf32, #tpu.memory_space<hbm>> -> memref<32x128xf32, #tpu.memory_space<hbm>>
      %dma_wait3A_478 = arith.constant 0 : i32
      %dma_wait3A_479 = arith.constant 0 : i32
      %dma_wait3A_480 = tpu.memref_slice %arg12[%dma_wait3A_478, %dma_wait3A_479] : memref<32x128xf32, #tpu.memory_space<vmem>> -> memref<32x128xf32, #tpu.memory_space<vmem>>
      tpu.wait_dma2 semaphore(%run_scoped3A : memref<!tpu.dma_semaphore, #tpu.memory_space<semaphore_mem>>) src(%dma_wait3A_480 : memref<32x128xf32, #tpu.memory_space<vmem>>) dst(%dma_wait3A_477 : memref<32x128xf32, #tpu.memory_space<hbm>>)
      tpu.yield
    }) : () -> ()
    %add3A_389 = arith.constant 64 : i32
    %add3A_390 = arith.addi %mul3A_2, %add3A_389 : i32
    "tpu.region"() ({
      %run_scoped3A = tpu.sem_alloc : memref<!tpu.dma_semaphore, #tpu.memory_space<semaphore_mem>>
      %dma_start3A_461 = arith.constant 0 : i32
      %dma_start3A_462 = arith.constant 0 : i32
      %dma_start3A_463 = tpu.memref_slice %arg12[%dma_start3A_461, %dma_start3A_462] : memref<32x128xf32, #tpu.memory_space<vmem>> -> memref<32x128xf32, #tpu.memory_space<vmem>>
      %dma_start3A_464 = arith.constant 0 : i32
      %dma_start3A_465 = tpu.memref_slice %arg7[%add3A_390, %dma_start3A_464] : memref<10112x128xf32, #tpu.memory_space<vmem_shared>> -> memref<32x128xf32, #tpu.memory_space<vmem_shared>>
      %dma_start3A_466 = arith.constant 0 : i32
      %dma_start3A_467 = arith.constant 0 : i32
      %dma_start3A_468 = tpu.memref_slice %arg12[%dma_start3A_466, %dma_start3A_467] : memref<32x128xf32, #tpu.memory_space<vmem>> -> memref<32x128xf32, #tpu.memory_space<vmem>>
      %dma_start3A_469 = arith.constant 0 : i32
      %dma_start3A_470 = tpu.memref_slice %arg7[%add3A_390, %dma_start3A_469] : memref<10112x128xf32, #tpu.memory_space<vmem_shared>> -> memref<32x128xf32, #tpu.memory_space<vmem_shared>>
      tpu.enqueue_dma source(%dma_start3A_470 : memref<32x128xf32, #tpu.memory_space<vmem_shared>>) target(%dma_start3A_468 : memref<32x128xf32, #tpu.memory_space<vmem>>) target_semaphore(%run_scoped3A : memref<!tpu.dma_semaphore, #tpu.memory_space<semaphore_mem>>)
      %dma_wait3A_471 = arith.constant 0 : i32
      %dma_wait3A_472 = arith.constant 0 : i32
      %dma_wait3A_473 = tpu.memref_slice %arg12[%dma_wait3A_471, %dma_wait3A_472] : memref<32x128xf32, #tpu.memory_space<vmem>> -> memref<32x128xf32, #tpu.memory_space<vmem>>
      %dma_wait3A_474 = arith.constant 0 : i32
      %dma_wait3A_475 = tpu.memref_slice %arg7[%add3A_390, %dma_wait3A_474] : memref<10112x128xf32, #tpu.memory_space<vmem_shared>> -> memref<32x128xf32, #tpu.memory_space<vmem_shared>>
      %dma_wait3A_476 = arith.constant 0 : i32
      %dma_wait3A_477 = arith.constant 0 : i32
      %dma_wait3A_478 = tpu.memref_slice %arg12[%dma_wait3A_476, %dma_wait3A_477] : memref<32x128xf32, #tpu.memory_space<vmem>> -> memref<32x128xf32, #tpu.memory_space<vmem>>
      %dma_wait3A_479 = arith.constant 0 : i32
      %dma_wait3A_480 = tpu.memref_slice %arg7[%add3A_390, %dma_wait3A_479] : memref<10112x128xf32, #tpu.memory_space<vmem_shared>> -> memref<32x128xf32, #tpu.memory_space<vmem_shared>>
      tpu.wait_dma2 semaphore(%run_scoped3A : memref<!tpu.dma_semaphore, #tpu.memory_space<semaphore_mem>>) src(%dma_wait3A_480 : memref<32x128xf32, #tpu.memory_space<vmem_shared>>) dst(%dma_wait3A_478 : memref<32x128xf32, #tpu.memory_space<vmem>>)
      tpu.yield
    }) : () -> ()
    %add3A_391 = arith.constant 64 : i32
    %add3A_392 = arith.addi %add3A_5, %add3A_391 : i32
    "tpu.region"() ({
      %run_scoped3A = tpu.sem_alloc : memref<!tpu.dma_semaphore, #tpu.memory_space<semaphore_mem>>
      %dma_start3A_461 = arith.constant 0 : i32
      %dma_start3A_462 = arith.constant 0 : i32
      %dma_start3A_463 = tpu.memref_slice %arg12[%dma_start3A_461, %dma_start3A_462] : memref<32x128xf32, #tpu.memory_space<vmem>> -> memref<32x128xf32, #tpu.memory_space<vmem>>
      %dma_start3A_464 = arith.constant 0 : i32
      %dma_start3A_465 = tpu.memref_slice %arg6[%add3A_392, %dma_start3A_464] : memref<20224x128xf32, #tpu.memory_space<hbm>> -> memref<32x128xf32, #tpu.memory_space<hbm>>
      %dma_start3A_466 = arith.constant 0 : i32
      %dma_start3A_467 = tpu.memref_slice %arg6[%add3A_392, %dma_start3A_466] : memref<20224x128xf32, #tpu.memory_space<hbm>> -> memref<32x128xf32, #tpu.memory_space<hbm>>
      %dma_start3A_468 = arith.constant 0 : i32
      %dma_start3A_469 = arith.constant 0 : i32
      %dma_start3A_470 = tpu.memref_slice %arg12[%dma_start3A_468, %dma_start3A_469] : memref<32x128xf32, #tpu.memory_space<vmem>> -> memref<32x128xf32, #tpu.memory_space<vmem>>
      tpu.enqueue_dma source(%dma_start3A_470 : memref<32x128xf32, #tpu.memory_space<vmem>>) target(%dma_start3A_467 : memref<32x128xf32, #tpu.memory_space<hbm>>) target_semaphore(%run_scoped3A : memref<!tpu.dma_semaphore, #tpu.memory_space<semaphore_mem>>)
      %dma_wait3A_471 = arith.constant 0 : i32
      %dma_wait3A_472 = arith.constant 0 : i32
      %dma_wait3A_473 = tpu.memref_slice %arg12[%dma_wait3A_471, %dma_wait3A_472] : memref<32x128xf32, #tpu.memory_space<vmem>> -> memref<32x128xf32, #tpu.memory_space<vmem>>
      %dma_wait3A_474 = arith.constant 0 : i32
      %dma_wait3A_475 = tpu.memref_slice %arg6[%add3A_392, %dma_wait3A_474] : memref<20224x128xf32, #tpu.memory_space<hbm>> -> memref<32x128xf32, #tpu.memory_space<hbm>>
      %dma_wait3A_476 = arith.constant 0 : i32
      %dma_wait3A_477 = tpu.memref_slice %arg6[%add3A_392, %dma_wait3A_476] : memref<20224x128xf32, #tpu.memory_space<hbm>> -> memref<32x128xf32, #tpu.memory_space<hbm>>
      %dma_wait3A_478 = arith.constant 0 : i32
      %dma_wait3A_479 = arith.constant 0 : i32
      %dma_wait3A_480 = tpu.memref_slice %arg12[%dma_wait3A_478, %dma_wait3A_479] : memref<32x128xf32, #tpu.memory_space<vmem>> -> memref<32x128xf32, #tpu.memory_space<vmem>>
      tpu.wait_dma2 semaphore(%run_scoped3A : memref<!tpu.dma_semaphore, #tpu.memory_space<semaphore_mem>>) src(%dma_wait3A_480 : memref<32x128xf32, #tpu.memory_space<vmem>>) dst(%dma_wait3A_477 : memref<32x128xf32, #tpu.memory_space<hbm>>)
      tpu.yield
    }) : () -> ()
    %add3A_393 = arith.constant 96 : i32
    %add3A_394 = arith.addi %mul3A_2, %add3A_393 : i32
    "tpu.region"() ({
      %run_scoped3A = tpu.sem_alloc : memref<!tpu.dma_semaphore, #tpu.memory_space<semaphore_mem>>
      %dma_start3A_461 = arith.constant 0 : i32
      %dma_start3A_462 = arith.constant 0 : i32
      %dma_start3A_463 = tpu.memref_slice %arg12[%dma_start3A_461, %dma_start3A_462] : memref<32x128xf32, #tpu.memory_space<vmem>> -> memref<32x128xf32, #tpu.memory_space<vmem>>
      %dma_start3A_464 = arith.constant 0 : i32
      %dma_start3A_465 = tpu.memref_slice %arg7[%add3A_394, %dma_start3A_464] : memref<10112x128xf32, #tpu.memory_space<vmem_shared>> -> memref<32x128xf32, #tpu.memory_space<vmem_shared>>
      %dma_start3A_466 = arith.constant 0 : i32
      %dma_start3A_467 = arith.constant 0 : i32
      %dma_start3A_468 = tpu.memref_slice %arg12[%dma_start3A_466, %dma_start3A_467] : memref<32x128xf32, #tpu.memory_space<vmem>> -> memref<32x128xf32, #tpu.memory_space<vmem>>
      %dma_start3A_469 = arith.constant 0 : i32
      %dma_start3A_470 = tpu.memref_slice %arg7[%add3A_394, %dma_start3A_469] : memref<10112x128xf32, #tpu.memory_space<vmem_shared>> -> memref<32x128xf32, #tpu.memory_space<vmem_shared>>
      tpu.enqueue_dma source(%dma_start3A_470 : memref<32x128xf32, #tpu.memory_space<vmem_shared>>) target(%dma_start3A_468 : memref<32x128xf32, #tpu.memory_space<vmem>>) target_semaphore(%run_scoped3A : memref<!tpu.dma_semaphore, #tpu.memory_space<semaphore_mem>>)
      %dma_wait3A_471 = arith.constant 0 : i32
      %dma_wait3A_472 = arith.constant 0 : i32
      %dma_wait3A_473 = tpu.memref_slice %arg12[%dma_wait3A_471, %dma_wait3A_472] : memref<32x128xf32, #tpu.memory_space<vmem>> -> memref<32x128xf32, #tpu.memory_space<vmem>>
      %dma_wait3A_474 = arith.constant 0 : i32
      %dma_wait3A_475 = tpu.memref_slice %arg7[%add3A_394, %dma_wait3A_474] : memref<10112x128xf32, #tpu.memory_space<vmem_shared>> -> memref<32x128xf32, #tpu.memory_space<vmem_shared>>
      %dma_wait3A_476 = arith.constant 0 : i32
      %dma_wait3A_477 = arith.constant 0 : i32
      %dma_wait3A_478 = tpu.memref_slice %arg12[%dma_wait3A_476, %dma_wait3A_477] : memref<32x128xf32, #tpu.memory_space<vmem>> -> memref<32x128xf32, #tpu.memory_space<vmem>>
      %dma_wait3A_479 = arith.constant 0 : i32
      %dma_wait3A_480 = tpu.memref_slice %arg7[%add3A_394, %dma_wait3A_479] : memref<10112x128xf32, #tpu.memory_space<vmem_shared>> -> memref<32x128xf32, #tpu.memory_space<vmem_shared>>
      tpu.wait_dma2 semaphore(%run_scoped3A : memref<!tpu.dma_semaphore, #tpu.memory_space<semaphore_mem>>) src(%dma_wait3A_480 : memref<32x128xf32, #tpu.memory_space<vmem_shared>>) dst(%dma_wait3A_478 : memref<32x128xf32, #tpu.memory_space<vmem>>)
      tpu.yield
    }) : () -> ()
    %add3A_395 = arith.constant 96 : i32
    %add3A_396 = arith.addi %add3A_5, %add3A_395 : i32
    "tpu.region"() ({
      %run_scoped3A = tpu.sem_alloc : memref<!tpu.dma_semaphore, #tpu.memory_space<semaphore_mem>>
      %dma_start3A_461 = arith.constant 0 : i32
      %dma_start3A_462 = arith.constant 0 : i32
      %dma_start3A_463 = tpu.memref_slice %arg12[%dma_start3A_461, %dma_start3A_462] : memref<32x128xf32, #tpu.memory_space<vmem>> -> memref<32x128xf32, #tpu.memory_space<vmem>>
      %dma_start3A_464 = arith.constant 0 : i32
      %dma_start3A_465 = tpu.memref_slice %arg6[%add3A_396, %dma_start3A_464] : memref<20224x128xf32, #tpu.memory_space<hbm>> -> memref<32x128xf32, #tpu.memory_space<hbm>>
      %dma_start3A_466 = arith.constant 0 : i32
      %dma_start3A_467 = tpu.memref_slice %arg6[%add3A_396, %dma_start3A_466] : memref<20224x128xf32, #tpu.memory_space<hbm>> -> memref<32x128xf32, #tpu.memory_space<hbm>>
      %dma_start3A_468 = arith.constant 0 : i32
      %dma_start3A_469 = arith.constant 0 : i32
      %dma_start3A_470 = tpu.memref_slice %arg12[%dma_start3A_468, %dma_start3A_469] : memref<32x128xf32, #tpu.memory_space<vmem>> -> memref<32x128xf32, #tpu.memory_space<vmem>>
      tpu.enqueue_dma source(%dma_start3A_470 : memref<32x128xf32, #tpu.memory_space<vmem>>) target(%dma_start3A_467 : memref<32x128xf32, #tpu.memory_space<hbm>>) target_semaphore(%run_scoped3A : memref<!tpu.dma_semaphore, #tpu.memory_space<semaphore_mem>>)
      %dma_wait3A_471 = arith.constant 0 : i32
      %dma_wait3A_472 = arith.constant 0 : i32
      %dma_wait3A_473 = tpu.memref_slice %arg12[%dma_wait3A_471, %dma_wait3A_472] : memref<32x128xf32, #tpu.memory_space<vmem>> -> memref<32x128xf32, #tpu.memory_space<vmem>>
      %dma_wait3A_474 = arith.constant 0 : i32
      %dma_wait3A_475 = tpu.memref_slice %arg6[%add3A_396, %dma_wait3A_474] : memref<20224x128xf32, #tpu.memory_space<hbm>> -> memref<32x128xf32, #tpu.memory_space<hbm>>
      %dma_wait3A_476 = arith.constant 0 : i32
      %dma_wait3A_477 = tpu.memref_slice %arg6[%add3A_396, %dma_wait3A_476] : memref<20224x128xf32, #tpu.memory_space<hbm>> -> memref<32x128xf32, #tpu.memory_space<hbm>>
      %dma_wait3A_478 = arith.constant 0 : i32
      %dma_wait3A_479 = arith.constant 0 : i32
      %dma_wait3A_480 = tpu.memref_slice %arg12[%dma_wait3A_478, %dma_wait3A_479] : memref<32x128xf32, #tpu.memory_space<vmem>> -> memref<32x128xf32, #tpu.memory_space<vmem>>
      tpu.wait_dma2 semaphore(%run_scoped3A : memref<!tpu.dma_semaphore, #tpu.memory_space<semaphore_mem>>) src(%dma_wait3A_480 : memref<32x128xf32, #tpu.memory_space<vmem>>) dst(%dma_wait3A_477 : memref<32x128xf32, #tpu.memory_space<hbm>>)
      tpu.yield
    }) : () -> ()
    %add3A_397 = arith.constant 128 : i32
    %add3A_398 = arith.addi %mul3A_2, %add3A_397 : i32
    "tpu.region"() ({
      %run_scoped3A = tpu.sem_alloc : memref<!tpu.dma_semaphore, #tpu.memory_space<semaphore_mem>>
      %dma_start3A_461 = arith.constant 0 : i32
      %dma_start3A_462 = arith.constant 0 : i32
      %dma_start3A_463 = tpu.memref_slice %arg12[%dma_start3A_461, %dma_start3A_462] : memref<32x128xf32, #tpu.memory_space<vmem>> -> memref<32x128xf32, #tpu.memory_space<vmem>>
      %dma_start3A_464 = arith.constant 0 : i32
      %dma_start3A_465 = tpu.memref_slice %arg7[%add3A_398, %dma_start3A_464] : memref<10112x128xf32, #tpu.memory_space<vmem_shared>> -> memref<32x128xf32, #tpu.memory_space<vmem_shared>>
      %dma_start3A_466 = arith.constant 0 : i32
      %dma_start3A_467 = arith.constant 0 : i32
      %dma_start3A_468 = tpu.memref_slice %arg12[%dma_start3A_466, %dma_start3A_467] : memref<32x128xf32, #tpu.memory_space<vmem>> -> memref<32x128xf32, #tpu.memory_space<vmem>>
      %dma_start3A_469 = arith.constant 0 : i32
      %dma_start3A_470 = tpu.memref_slice %arg7[%add3A_398, %dma_start3A_469] : memref<10112x128xf32, #tpu.memory_space<vmem_shared>> -> memref<32x128xf32, #tpu.memory_space<vmem_shared>>
      tpu.enqueue_dma source(%dma_start3A_470 : memref<32x128xf32, #tpu.memory_space<vmem_shared>>) target(%dma_start3A_468 : memref<32x128xf32, #tpu.memory_space<vmem>>) target_semaphore(%run_scoped3A : memref<!tpu.dma_semaphore, #tpu.memory_space<semaphore_mem>>)
      %dma_wait3A_471 = arith.constant 0 : i32
      %dma_wait3A_472 = arith.constant 0 : i32
      %dma_wait3A_473 = tpu.memref_slice %arg12[%dma_wait3A_471, %dma_wait3A_472] : memref<32x128xf32, #tpu.memory_space<vmem>> -> memref<32x128xf32, #tpu.memory_space<vmem>>
      %dma_wait3A_474 = arith.constant 0 : i32
      %dma_wait3A_475 = tpu.memref_slice %arg7[%add3A_398, %dma_wait3A_474] : memref<10112x128xf32, #tpu.memory_space<vmem_shared>> -> memref<32x128xf32, #tpu.memory_space<vmem_shared>>
      %dma_wait3A_476 = arith.constant 0 : i32
      %dma_wait3A_477 = arith.constant 0 : i32
      %dma_wait3A_478 = tpu.memref_slice %arg12[%dma_wait3A_476, %dma_wait3A_477] : memref<32x128xf32, #tpu.memory_space<vmem>> -> memref<32x128xf32, #tpu.memory_space<vmem>>
      %dma_wait3A_479 = arith.constant 0 : i32
      %dma_wait3A_480 = tpu.memref_slice %arg7[%add3A_398, %dma_wait3A_479] : memref<10112x128xf32, #tpu.memory_space<vmem_shared>> -> memref<32x128xf32, #tpu.memory_space<vmem_shared>>
      tpu.wait_dma2 semaphore(%run_scoped3A : memref<!tpu.dma_semaphore, #tpu.memory_space<semaphore_mem>>) src(%dma_wait3A_480 : memref<32x128xf32, #tpu.memory_space<vmem_shared>>) dst(%dma_wait3A_478 : memref<32x128xf32, #tpu.memory_space<vmem>>)
      tpu.yield
    }) : () -> ()
    %add3A_399 = arith.constant 128 : i32
    %add3A_400 = arith.addi %add3A_5, %add3A_399 : i32
    "tpu.region"() ({
      %run_scoped3A = tpu.sem_alloc : memref<!tpu.dma_semaphore, #tpu.memory_space<semaphore_mem>>
      %dma_start3A_461 = arith.constant 0 : i32
      %dma_start3A_462 = arith.constant 0 : i32
      %dma_start3A_463 = tpu.memref_slice %arg12[%dma_start3A_461, %dma_start3A_462] : memref<32x128xf32, #tpu.memory_space<vmem>> -> memref<32x128xf32, #tpu.memory_space<vmem>>
      %dma_start3A_464 = arith.constant 0 : i32
      %dma_start3A_465 = tpu.memref_slice %arg6[%add3A_400, %dma_start3A_464] : memref<20224x128xf32, #tpu.memory_space<hbm>> -> memref<32x128xf32, #tpu.memory_space<hbm>>
      %dma_start3A_466 = arith.constant 0 : i32
      %dma_start3A_467 = tpu.memref_slice %arg6[%add3A_400, %dma_start3A_466] : memref<20224x128xf32, #tpu.memory_space<hbm>> -> memref<32x128xf32, #tpu.memory_space<hbm>>
      %dma_start3A_468 = arith.constant 0 : i32
      %dma_start3A_469 = arith.constant 0 : i32
      %dma_start3A_470 = tpu.memref_slice %arg12[%dma_start3A_468, %dma_start3A_469] : memref<32x128xf32, #tpu.memory_space<vmem>> -> memref<32x128xf32, #tpu.memory_space<vmem>>
      tpu.enqueue_dma source(%dma_start3A_470 : memref<32x128xf32, #tpu.memory_space<vmem>>) target(%dma_start3A_467 : memref<32x128xf32, #tpu.memory_space<hbm>>) target_semaphore(%run_scoped3A : memref<!tpu.dma_semaphore, #tpu.memory_space<semaphore_mem>>)
      %dma_wait3A_471 = arith.constant 0 : i32
      %dma_wait3A_472 = arith.constant 0 : i32
      %dma_wait3A_473 = tpu.memref_slice %arg12[%dma_wait3A_471, %dma_wait3A_472] : memref<32x128xf32, #tpu.memory_space<vmem>> -> memref<32x128xf32, #tpu.memory_space<vmem>>
      %dma_wait3A_474 = arith.constant 0 : i32
      %dma_wait3A_475 = tpu.memref_slice %arg6[%add3A_400, %dma_wait3A_474] : memref<20224x128xf32, #tpu.memory_space<hbm>> -> memref<32x128xf32, #tpu.memory_space<hbm>>
      %dma_wait3A_476 = arith.constant 0 : i32
      %dma_wait3A_477 = tpu.memref_slice %arg6[%add3A_400, %dma_wait3A_476] : memref<20224x128xf32, #tpu.memory_space<hbm>> -> memref<32x128xf32, #tpu.memory_space<hbm>>
      %dma_wait3A_478 = arith.constant 0 : i32
      %dma_wait3A_479 = arith.constant 0 : i32
      %dma_wait3A_480 = tpu.memref_slice %arg12[%dma_wait3A_478, %dma_wait3A_479] : memref<32x128xf32, #tpu.memory_space<vmem>> -> memref<32x128xf32, #tpu.memory_space<vmem>>
      tpu.wait_dma2 semaphore(%run_scoped3A : memref<!tpu.dma_semaphore, #tpu.memory_space<semaphore_mem>>) src(%dma_wait3A_480 : memref<32x128xf32, #tpu.memory_space<vmem>>) dst(%dma_wait3A_477 : memref<32x128xf32, #tpu.memory_space<hbm>>)
      tpu.yield
    }) : () -> ()
    %add3A_401 = arith.constant 160 : i32
    %add3A_402 = arith.addi %mul3A_2, %add3A_401 : i32
    "tpu.region"() ({
      %run_scoped3A = tpu.sem_alloc : memref<!tpu.dma_semaphore, #tpu.memory_space<semaphore_mem>>
      %dma_start3A_461 = arith.constant 0 : i32
      %dma_start3A_462 = arith.constant 0 : i32
      %dma_start3A_463 = tpu.memref_slice %arg12[%dma_start3A_461, %dma_start3A_462] : memref<32x128xf32, #tpu.memory_space<vmem>> -> memref<32x128xf32, #tpu.memory_space<vmem>>
      %dma_start3A_464 = arith.constant 0 : i32
      %dma_start3A_465 = tpu.memref_slice %arg7[%add3A_402, %dma_start3A_464] : memref<10112x128xf32, #tpu.memory_space<vmem_shared>> -> memref<32x128xf32, #tpu.memory_space<vmem_shared>>
      %dma_start3A_466 = arith.constant 0 : i32
      %dma_start3A_467 = arith.constant 0 : i32
      %dma_start3A_468 = tpu.memref_slice %arg12[%dma_start3A_466, %dma_start3A_467] : memref<32x128xf32, #tpu.memory_space<vmem>> -> memref<32x128xf32, #tpu.memory_space<vmem>>
      %dma_start3A_469 = arith.constant 0 : i32
      %dma_start3A_470 = tpu.memref_slice %arg7[%add3A_402, %dma_start3A_469] : memref<10112x128xf32, #tpu.memory_space<vmem_shared>> -> memref<32x128xf32, #tpu.memory_space<vmem_shared>>
      tpu.enqueue_dma source(%dma_start3A_470 : memref<32x128xf32, #tpu.memory_space<vmem_shared>>) target(%dma_start3A_468 : memref<32x128xf32, #tpu.memory_space<vmem>>) target_semaphore(%run_scoped3A : memref<!tpu.dma_semaphore, #tpu.memory_space<semaphore_mem>>)
      %dma_wait3A_471 = arith.constant 0 : i32
      %dma_wait3A_472 = arith.constant 0 : i32
      %dma_wait3A_473 = tpu.memref_slice %arg12[%dma_wait3A_471, %dma_wait3A_472] : memref<32x128xf32, #tpu.memory_space<vmem>> -> memref<32x128xf32, #tpu.memory_space<vmem>>
      %dma_wait3A_474 = arith.constant 0 : i32
      %dma_wait3A_475 = tpu.memref_slice %arg7[%add3A_402, %dma_wait3A_474] : memref<10112x128xf32, #tpu.memory_space<vmem_shared>> -> memref<32x128xf32, #tpu.memory_space<vmem_shared>>
      %dma_wait3A_476 = arith.constant 0 : i32
      %dma_wait3A_477 = arith.constant 0 : i32
      %dma_wait3A_478 = tpu.memref_slice %arg12[%dma_wait3A_476, %dma_wait3A_477] : memref<32x128xf32, #tpu.memory_space<vmem>> -> memref<32x128xf32, #tpu.memory_space<vmem>>
      %dma_wait3A_479 = arith.constant 0 : i32
      %dma_wait3A_480 = tpu.memref_slice %arg7[%add3A_402, %dma_wait3A_479] : memref<10112x128xf32, #tpu.memory_space<vmem_shared>> -> memref<32x128xf32, #tpu.memory_space<vmem_shared>>
      tpu.wait_dma2 semaphore(%run_scoped3A : memref<!tpu.dma_semaphore, #tpu.memory_space<semaphore_mem>>) src(%dma_wait3A_480 : memref<32x128xf32, #tpu.memory_space<vmem_shared>>) dst(%dma_wait3A_478 : memref<32x128xf32, #tpu.memory_space<vmem>>)
      tpu.yield
    }) : () -> ()
    %add3A_403 = arith.constant 160 : i32
    %add3A_404 = arith.addi %add3A_5, %add3A_403 : i32
    "tpu.region"() ({
      %run_scoped3A = tpu.sem_alloc : memref<!tpu.dma_semaphore, #tpu.memory_space<semaphore_mem>>
      %dma_start3A_461 = arith.constant 0 : i32
      %dma_start3A_462 = arith.constant 0 : i32
      %dma_start3A_463 = tpu.memref_slice %arg12[%dma_start3A_461, %dma_start3A_462] : memref<32x128xf32, #tpu.memory_space<vmem>> -> memref<32x128xf32, #tpu.memory_space<vmem>>
      %dma_start3A_464 = arith.constant 0 : i32
      %dma_start3A_465 = tpu.memref_slice %arg6[%add3A_404, %dma_start3A_464] : memref<20224x128xf32, #tpu.memory_space<hbm>> -> memref<32x128xf32, #tpu.memory_space<hbm>>
      %dma_start3A_466 = arith.constant 0 : i32
      %dma_start3A_467 = tpu.memref_slice %arg6[%add3A_404, %dma_start3A_466] : memref<20224x128xf32, #tpu.memory_space<hbm>> -> memref<32x128xf32, #tpu.memory_space<hbm>>
      %dma_start3A_468 = arith.constant 0 : i32
      %dma_start3A_469 = arith.constant 0 : i32
      %dma_start3A_470 = tpu.memref_slice %arg12[%dma_start3A_468, %dma_start3A_469] : memref<32x128xf32, #tpu.memory_space<vmem>> -> memref<32x128xf32, #tpu.memory_space<vmem>>
      tpu.enqueue_dma source(%dma_start3A_470 : memref<32x128xf32, #tpu.memory_space<vmem>>) target(%dma_start3A_467 : memref<32x128xf32, #tpu.memory_space<hbm>>) target_semaphore(%run_scoped3A : memref<!tpu.dma_semaphore, #tpu.memory_space<semaphore_mem>>)
      %dma_wait3A_471 = arith.constant 0 : i32
      %dma_wait3A_472 = arith.constant 0 : i32
      %dma_wait3A_473 = tpu.memref_slice %arg12[%dma_wait3A_471, %dma_wait3A_472] : memref<32x128xf32, #tpu.memory_space<vmem>> -> memref<32x128xf32, #tpu.memory_space<vmem>>
      %dma_wait3A_474 = arith.constant 0 : i32
      %dma_wait3A_475 = tpu.memref_slice %arg6[%add3A_404, %dma_wait3A_474] : memref<20224x128xf32, #tpu.memory_space<hbm>> -> memref<32x128xf32, #tpu.memory_space<hbm>>
      %dma_wait3A_476 = arith.constant 0 : i32
      %dma_wait3A_477 = tpu.memref_slice %arg6[%add3A_404, %dma_wait3A_476] : memref<20224x128xf32, #tpu.memory_space<hbm>> -> memref<32x128xf32, #tpu.memory_space<hbm>>
      %dma_wait3A_478 = arith.constant 0 : i32
      %dma_wait3A_479 = arith.constant 0 : i32
      %dma_wait3A_480 = tpu.memref_slice %arg12[%dma_wait3A_478, %dma_wait3A_479] : memref<32x128xf32, #tpu.memory_space<vmem>> -> memref<32x128xf32, #tpu.memory_space<vmem>>
      tpu.wait_dma2 semaphore(%run_scoped3A : memref<!tpu.dma_semaphore, #tpu.memory_space<semaphore_mem>>) src(%dma_wait3A_480 : memref<32x128xf32, #tpu.memory_space<vmem>>) dst(%dma_wait3A_477 : memref<32x128xf32, #tpu.memory_space<hbm>>)
      tpu.yield
    }) : () -> ()
    %add3A_405 = arith.constant 192 : i32
    %add3A_406 = arith.addi %mul3A_2, %add3A_405 : i32
    "tpu.region"() ({
      %run_scoped3A = tpu.sem_alloc : memref<!tpu.dma_semaphore, #tpu.memory_space<semaphore_mem>>
      %dma_start3A_461 = arith.constant 0 : i32
      %dma_start3A_462 = arith.constant 0 : i32
      %dma_start3A_463 = tpu.memref_slice %arg12[%dma_start3A_461, %dma_start3A_462] : memref<32x128xf32, #tpu.memory_space<vmem>> -> memref<32x128xf32, #tpu.memory_space<vmem>>
      %dma_start3A_464 = arith.constant 0 : i32
      %dma_start3A_465 = tpu.memref_slice %arg7[%add3A_406, %dma_start3A_464] : memref<10112x128xf32, #tpu.memory_space<vmem_shared>> -> memref<32x128xf32, #tpu.memory_space<vmem_shared>>
      %dma_start3A_466 = arith.constant 0 : i32
      %dma_start3A_467 = arith.constant 0 : i32
      %dma_start3A_468 = tpu.memref_slice %arg12[%dma_start3A_466, %dma_start3A_467] : memref<32x128xf32, #tpu.memory_space<vmem>> -> memref<32x128xf32, #tpu.memory_space<vmem>>
      %dma_start3A_469 = arith.constant 0 : i32
      %dma_start3A_470 = tpu.memref_slice %arg7[%add3A_406, %dma_start3A_469] : memref<10112x128xf32, #tpu.memory_space<vmem_shared>> -> memref<32x128xf32, #tpu.memory_space<vmem_shared>>
      tpu.enqueue_dma source(%dma_start3A_470 : memref<32x128xf32, #tpu.memory_space<vmem_shared>>) target(%dma_start3A_468 : memref<32x128xf32, #tpu.memory_space<vmem>>) target_semaphore(%run_scoped3A : memref<!tpu.dma_semaphore, #tpu.memory_space<semaphore_mem>>)
      %dma_wait3A_471 = arith.constant 0 : i32
      %dma_wait3A_472 = arith.constant 0 : i32
      %dma_wait3A_473 = tpu.memref_slice %arg12[%dma_wait3A_471, %dma_wait3A_472] : memref<32x128xf32, #tpu.memory_space<vmem>> -> memref<32x128xf32, #tpu.memory_space<vmem>>
      %dma_wait3A_474 = arith.constant 0 : i32
      %dma_wait3A_475 = tpu.memref_slice %arg7[%add3A_406, %dma_wait3A_474] : memref<10112x128xf32, #tpu.memory_space<vmem_shared>> -> memref<32x128xf32, #tpu.memory_space<vmem_shared>>
      %dma_wait3A_476 = arith.constant 0 : i32
      %dma_wait3A_477 = arith.constant 0 : i32
      %dma_wait3A_478 = tpu.memref_slice %arg12[%dma_wait3A_476, %dma_wait3A_477] : memref<32x128xf32, #tpu.memory_space<vmem>> -> memref<32x128xf32, #tpu.memory_space<vmem>>
      %dma_wait3A_479 = arith.constant 0 : i32
      %dma_wait3A_480 = tpu.memref_slice %arg7[%add3A_406, %dma_wait3A_479] : memref<10112x128xf32, #tpu.memory_space<vmem_shared>> -> memref<32x128xf32, #tpu.memory_space<vmem_shared>>
      tpu.wait_dma2 semaphore(%run_scoped3A : memref<!tpu.dma_semaphore, #tpu.memory_space<semaphore_mem>>) src(%dma_wait3A_480 : memref<32x128xf32, #tpu.memory_space<vmem_shared>>) dst(%dma_wait3A_478 : memref<32x128xf32, #tpu.memory_space<vmem>>)
      tpu.yield
    }) : () -> ()
    %add3A_407 = arith.constant 192 : i32
    %add3A_408 = arith.addi %add3A_5, %add3A_407 : i32
    "tpu.region"() ({
      %run_scoped3A = tpu.sem_alloc : memref<!tpu.dma_semaphore, #tpu.memory_space<semaphore_mem>>
      %dma_start3A_461 = arith.constant 0 : i32
      %dma_start3A_462 = arith.constant 0 : i32
      %dma_start3A_463 = tpu.memref_slice %arg12[%dma_start3A_461, %dma_start3A_462] : memref<32x128xf32, #tpu.memory_space<vmem>> -> memref<32x128xf32, #tpu.memory_space<vmem>>
      %dma_start3A_464 = arith.constant 0 : i32
      %dma_start3A_465 = tpu.memref_slice %arg6[%add3A_408, %dma_start3A_464] : memref<20224x128xf32, #tpu.memory_space<hbm>> -> memref<32x128xf32, #tpu.memory_space<hbm>>
      %dma_start3A_466 = arith.constant 0 : i32
      %dma_start3A_467 = tpu.memref_slice %arg6[%add3A_408, %dma_start3A_466] : memref<20224x128xf32, #tpu.memory_space<hbm>> -> memref<32x128xf32, #tpu.memory_space<hbm>>
      %dma_start3A_468 = arith.constant 0 : i32
      %dma_start3A_469 = arith.constant 0 : i32
      %dma_start3A_470 = tpu.memref_slice %arg12[%dma_start3A_468, %dma_start3A_469] : memref<32x128xf32, #tpu.memory_space<vmem>> -> memref<32x128xf32, #tpu.memory_space<vmem>>
      tpu.enqueue_dma source(%dma_start3A_470 : memref<32x128xf32, #tpu.memory_space<vmem>>) target(%dma_start3A_467 : memref<32x128xf32, #tpu.memory_space<hbm>>) target_semaphore(%run_scoped3A : memref<!tpu.dma_semaphore, #tpu.memory_space<semaphore_mem>>)
      %dma_wait3A_471 = arith.constant 0 : i32
      %dma_wait3A_472 = arith.constant 0 : i32
      %dma_wait3A_473 = tpu.memref_slice %arg12[%dma_wait3A_471, %dma_wait3A_472] : memref<32x128xf32, #tpu.memory_space<vmem>> -> memref<32x128xf32, #tpu.memory_space<vmem>>
      %dma_wait3A_474 = arith.constant 0 : i32
      %dma_wait3A_475 = tpu.memref_slice %arg6[%add3A_408, %dma_wait3A_474] : memref<20224x128xf32, #tpu.memory_space<hbm>> -> memref<32x128xf32, #tpu.memory_space<hbm>>
      %dma_wait3A_476 = arith.constant 0 : i32
      %dma_wait3A_477 = tpu.memref_slice %arg6[%add3A_408, %dma_wait3A_476] : memref<20224x128xf32, #tpu.memory_space<hbm>> -> memref<32x128xf32, #tpu.memory_space<hbm>>
      %dma_wait3A_478 = arith.constant 0 : i32
      %dma_wait3A_479 = arith.constant 0 : i32
      %dma_wait3A_480 = tpu.memref_slice %arg12[%dma_wait3A_478, %dma_wait3A_479] : memref<32x128xf32, #tpu.memory_space<vmem>> -> memref<32x128xf32, #tpu.memory_space<vmem>>
      tpu.wait_dma2 semaphore(%run_scoped3A : memref<!tpu.dma_semaphore, #tpu.memory_space<semaphore_mem>>) src(%dma_wait3A_480 : memref<32x128xf32, #tpu.memory_space<vmem>>) dst(%dma_wait3A_477 : memref<32x128xf32, #tpu.memory_space<hbm>>)
      tpu.yield
    }) : () -> ()
    %add3A_409 = arith.constant 224 : i32
    %add3A_410 = arith.addi %mul3A_2, %add3A_409 : i32
    "tpu.region"() ({
      %run_scoped3A = tpu.sem_alloc : memref<!tpu.dma_semaphore, #tpu.memory_space<semaphore_mem>>
      %dma_start3A_461 = arith.constant 0 : i32
      %dma_start3A_462 = arith.constant 0 : i32
      %dma_start3A_463 = tpu.memref_slice %arg12[%dma_start3A_461, %dma_start3A_462] : memref<32x128xf32, #tpu.memory_space<vmem>> -> memref<32x128xf32, #tpu.memory_space<vmem>>
      %dma_start3A_464 = arith.constant 0 : i32
      %dma_start3A_465 = tpu.memref_slice %arg7[%add3A_410, %dma_start3A_464] : memref<10112x128xf32, #tpu.memory_space<vmem_shared>> -> memref<32x128xf32, #tpu.memory_space<vmem_shared>>
      %dma_start3A_466 = arith.constant 0 : i32
      %dma_start3A_467 = arith.constant 0 : i32
      %dma_start3A_468 = tpu.memref_slice %arg12[%dma_start3A_466, %dma_start3A_467] : memref<32x128xf32, #tpu.memory_space<vmem>> -> memref<32x128xf32, #tpu.memory_space<vmem>>
      %dma_start3A_469 = arith.constant 0 : i32
      %dma_start3A_470 = tpu.memref_slice %arg7[%add3A_410, %dma_start3A_469] : memref<10112x128xf32, #tpu.memory_space<vmem_shared>> -> memref<32x128xf32, #tpu.memory_space<vmem_shared>>
      tpu.enqueue_dma source(%dma_start3A_470 : memref<32x128xf32, #tpu.memory_space<vmem_shared>>) target(%dma_start3A_468 : memref<32x128xf32, #tpu.memory_space<vmem>>) target_semaphore(%run_scoped3A : memref<!tpu.dma_semaphore, #tpu.memory_space<semaphore_mem>>)
      %dma_wait3A_471 = arith.constant 0 : i32
      %dma_wait3A_472 = arith.constant 0 : i32
      %dma_wait3A_473 = tpu.memref_slice %arg12[%dma_wait3A_471, %dma_wait3A_472] : memref<32x128xf32, #tpu.memory_space<vmem>> -> memref<32x128xf32, #tpu.memory_space<vmem>>
      %dma_wait3A_474 = arith.constant 0 : i32
      %dma_wait3A_475 = tpu.memref_slice %arg7[%add3A_410, %dma_wait3A_474] : memref<10112x128xf32, #tpu.memory_space<vmem_shared>> -> memref<32x128xf32, #tpu.memory_space<vmem_shared>>
      %dma_wait3A_476 = arith.constant 0 : i32
      %dma_wait3A_477 = arith.constant 0 : i32
      %dma_wait3A_478 = tpu.memref_slice %arg12[%dma_wait3A_476, %dma_wait3A_477] : memref<32x128xf32, #tpu.memory_space<vmem>> -> memref<32x128xf32, #tpu.memory_space<vmem>>
      %dma_wait3A_479 = arith.constant 0 : i32
      %dma_wait3A_480 = tpu.memref_slice %arg7[%add3A_410, %dma_wait3A_479] : memref<10112x128xf32, #tpu.memory_space<vmem_shared>> -> memref<32x128xf32, #tpu.memory_space<vmem_shared>>
      tpu.wait_dma2 semaphore(%run_scoped3A : memref<!tpu.dma_semaphore, #tpu.memory_space<semaphore_mem>>) src(%dma_wait3A_480 : memref<32x128xf32, #tpu.memory_space<vmem_shared>>) dst(%dma_wait3A_478 : memref<32x128xf32, #tpu.memory_space<vmem>>)
      tpu.yield
    }) : () -> ()
    %add3A_411 = arith.constant 224 : i32
    %add3A_412 = arith.addi %add3A_5, %add3A_411 : i32
    "tpu.region"() ({
      %run_scoped3A = tpu.sem_alloc : memref<!tpu.dma_semaphore, #tpu.memory_space<semaphore_mem>>
      %dma_start3A_461 = arith.constant 0 : i32
      %dma_start3A_462 = arith.constant 0 : i32
      %dma_start3A_463 = tpu.memref_slice %arg12[%dma_start3A_461, %dma_start3A_462] : memref<32x128xf32, #tpu.memory_space<vmem>> -> memref<32x128xf32, #tpu.memory_space<vmem>>
      %dma_start3A_464 = arith.constant 0 : i32
      %dma_start3A_465 = tpu.memref_slice %arg6[%add3A_412, %dma_start3A_464] : memref<20224x128xf32, #tpu.memory_space<hbm>> -> memref<32x128xf32, #tpu.memory_space<hbm>>
      %dma_start3A_466 = arith.constant 0 : i32
      %dma_start3A_467 = tpu.memref_slice %arg6[%add3A_412, %dma_start3A_466] : memref<20224x128xf32, #tpu.memory_space<hbm>> -> memref<32x128xf32, #tpu.memory_space<hbm>>
      %dma_start3A_468 = arith.constant 0 : i32
      %dma_start3A_469 = arith.constant 0 : i32
      %dma_start3A_470 = tpu.memref_slice %arg12[%dma_start3A_468, %dma_start3A_469] : memref<32x128xf32, #tpu.memory_space<vmem>> -> memref<32x128xf32, #tpu.memory_space<vmem>>
      tpu.enqueue_dma source(%dma_start3A_470 : memref<32x128xf32, #tpu.memory_space<vmem>>) target(%dma_start3A_467 : memref<32x128xf32, #tpu.memory_space<hbm>>) target_semaphore(%run_scoped3A : memref<!tpu.dma_semaphore, #tpu.memory_space<semaphore_mem>>)
      %dma_wait3A_471 = arith.constant 0 : i32
      %dma_wait3A_472 = arith.constant 0 : i32
      %dma_wait3A_473 = tpu.memref_slice %arg12[%dma_wait3A_471, %dma_wait3A_472] : memref<32x128xf32, #tpu.memory_space<vmem>> -> memref<32x128xf32, #tpu.memory_space<vmem>>
      %dma_wait3A_474 = arith.constant 0 : i32
      %dma_wait3A_475 = tpu.memref_slice %arg6[%add3A_412, %dma_wait3A_474] : memref<20224x128xf32, #tpu.memory_space<hbm>> -> memref<32x128xf32, #tpu.memory_space<hbm>>
      %dma_wait3A_476 = arith.constant 0 : i32
      %dma_wait3A_477 = tpu.memref_slice %arg6[%add3A_412, %dma_wait3A_476] : memref<20224x128xf32, #tpu.memory_space<hbm>> -> memref<32x128xf32, #tpu.memory_space<hbm>>
      %dma_wait3A_478 = arith.constant 0 : i32
      %dma_wait3A_479 = arith.constant 0 : i32
      %dma_wait3A_480 = tpu.memref_slice %arg12[%dma_wait3A_478, %dma_wait3A_479] : memref<32x128xf32, #tpu.memory_space<vmem>> -> memref<32x128xf32, #tpu.memory_space<vmem>>
      tpu.wait_dma2 semaphore(%run_scoped3A : memref<!tpu.dma_semaphore, #tpu.memory_space<semaphore_mem>>) src(%dma_wait3A_480 : memref<32x128xf32, #tpu.memory_space<vmem>>) dst(%dma_wait3A_477 : memref<32x128xf32, #tpu.memory_space<hbm>>)
      tpu.yield
    }) : () -> ()
    %add3A_413 = arith.constant 256 : i32
    %add3A_414 = arith.addi %mul3A_2, %add3A_413 : i32
    "tpu.region"() ({
      %run_scoped3A = tpu.sem_alloc : memref<!tpu.dma_semaphore, #tpu.memory_space<semaphore_mem>>
      %dma_start3A_461 = arith.constant 0 : i32
      %dma_start3A_462 = arith.constant 0 : i32
      %dma_start3A_463 = tpu.memref_slice %arg12[%dma_start3A_461, %dma_start3A_462] : memref<32x128xf32, #tpu.memory_space<vmem>> -> memref<32x128xf32, #tpu.memory_space<vmem>>
      %dma_start3A_464 = arith.constant 0 : i32
      %dma_start3A_465 = tpu.memref_slice %arg7[%add3A_414, %dma_start3A_464] : memref<10112x128xf32, #tpu.memory_space<vmem_shared>> -> memref<32x128xf32, #tpu.memory_space<vmem_shared>>
      %dma_start3A_466 = arith.constant 0 : i32
      %dma_start3A_467 = arith.constant 0 : i32
      %dma_start3A_468 = tpu.memref_slice %arg12[%dma_start3A_466, %dma_start3A_467] : memref<32x128xf32, #tpu.memory_space<vmem>> -> memref<32x128xf32, #tpu.memory_space<vmem>>
      %dma_start3A_469 = arith.constant 0 : i32
      %dma_start3A_470 = tpu.memref_slice %arg7[%add3A_414, %dma_start3A_469] : memref<10112x128xf32, #tpu.memory_space<vmem_shared>> -> memref<32x128xf32, #tpu.memory_space<vmem_shared>>
      tpu.enqueue_dma source(%dma_start3A_470 : memref<32x128xf32, #tpu.memory_space<vmem_shared>>) target(%dma_start3A_468 : memref<32x128xf32, #tpu.memory_space<vmem>>) target_semaphore(%run_scoped3A : memref<!tpu.dma_semaphore, #tpu.memory_space<semaphore_mem>>)
      %dma_wait3A_471 = arith.constant 0 : i32
      %dma_wait3A_472 = arith.constant 0 : i32
      %dma_wait3A_473 = tpu.memref_slice %arg12[%dma_wait3A_471, %dma_wait3A_472] : memref<32x128xf32, #tpu.memory_space<vmem>> -> memref<32x128xf32, #tpu.memory_space<vmem>>
      %dma_wait3A_474 = arith.constant 0 : i32
      %dma_wait3A_475 = tpu.memref_slice %arg7[%add3A_414, %dma_wait3A_474] : memref<10112x128xf32, #tpu.memory_space<vmem_shared>> -> memref<32x128xf32, #tpu.memory_space<vmem_shared>>
      %dma_wait3A_476 = arith.constant 0 : i32
      %dma_wait3A_477 = arith.constant 0 : i32
      %dma_wait3A_478 = tpu.memref_slice %arg12[%dma_wait3A_476, %dma_wait3A_477] : memref<32x128xf32, #tpu.memory_space<vmem>> -> memref<32x128xf32, #tpu.memory_space<vmem>>
      %dma_wait3A_479 = arith.constant 0 : i32
      %dma_wait3A_480 = tpu.memref_slice %arg7[%add3A_414, %dma_wait3A_479] : memref<10112x128xf32, #tpu.memory_space<vmem_shared>> -> memref<32x128xf32, #tpu.memory_space<vmem_shared>>
      tpu.wait_dma2 semaphore(%run_scoped3A : memref<!tpu.dma_semaphore, #tpu.memory_space<semaphore_mem>>) src(%dma_wait3A_480 : memref<32x128xf32, #tpu.memory_space<vmem_shared>>) dst(%dma_wait3A_478 : memref<32x128xf32, #tpu.memory_space<vmem>>)
      tpu.yield
    }) : () -> ()
    %add3A_415 = arith.constant 256 : i32
    %add3A_416 = arith.addi %add3A_5, %add3A_415 : i32
    "tpu.region"() ({
      %run_scoped3A = tpu.sem_alloc : memref<!tpu.dma_semaphore, #tpu.memory_space<semaphore_mem>>
      %dma_start3A_461 = arith.constant 0 : i32
      %dma_start3A_462 = arith.constant 0 : i32
      %dma_start3A_463 = tpu.memref_slice %arg12[%dma_start3A_461, %dma_start3A_462] : memref<32x128xf32, #tpu.memory_space<vmem>> -> memref<32x128xf32, #tpu.memory_space<vmem>>
      %dma_start3A_464 = arith.constant 0 : i32
      %dma_start3A_465 = tpu.memref_slice %arg6[%add3A_416, %dma_start3A_464] : memref<20224x128xf32, #tpu.memory_space<hbm>> -> memref<32x128xf32, #tpu.memory_space<hbm>>
      %dma_start3A_466 = arith.constant 0 : i32
      %dma_start3A_467 = tpu.memref_slice %arg6[%add3A_416, %dma_start3A_466] : memref<20224x128xf32, #tpu.memory_space<hbm>> -> memref<32x128xf32, #tpu.memory_space<hbm>>
      %dma_start3A_468 = arith.constant 0 : i32
      %dma_start3A_469 = arith.constant 0 : i32
      %dma_start3A_470 = tpu.memref_slice %arg12[%dma_start3A_468, %dma_start3A_469] : memref<32x128xf32, #tpu.memory_space<vmem>> -> memref<32x128xf32, #tpu.memory_space<vmem>>
      tpu.enqueue_dma source(%dma_start3A_470 : memref<32x128xf32, #tpu.memory_space<vmem>>) target(%dma_start3A_467 : memref<32x128xf32, #tpu.memory_space<hbm>>) target_semaphore(%run_scoped3A : memref<!tpu.dma_semaphore, #tpu.memory_space<semaphore_mem>>)
      %dma_wait3A_471 = arith.constant 0 : i32
      %dma_wait3A_472 = arith.constant 0 : i32
      %dma_wait3A_473 = tpu.memref_slice %arg12[%dma_wait3A_471, %dma_wait3A_472] : memref<32x128xf32, #tpu.memory_space<vmem>> -> memref<32x128xf32, #tpu.memory_space<vmem>>
      %dma_wait3A_474 = arith.constant 0 : i32
      %dma_wait3A_475 = tpu.memref_slice %arg6[%add3A_416, %dma_wait3A_474] : memref<20224x128xf32, #tpu.memory_space<hbm>> -> memref<32x128xf32, #tpu.memory_space<hbm>>
      %dma_wait3A_476 = arith.constant 0 : i32
      %dma_wait3A_477 = tpu.memref_slice %arg6[%add3A_416, %dma_wait3A_476] : memref<20224x128xf32, #tpu.memory_space<hbm>> -> memref<32x128xf32, #tpu.memory_space<hbm>>
      %dma_wait3A_478 = arith.constant 0 : i32
      %dma_wait3A_479 = arith.constant 0 : i32
      %dma_wait3A_480 = tpu.memref_slice %arg12[%dma_wait3A_478, %dma_wait3A_479] : memref<32x128xf32, #tpu.memory_space<vmem>> -> memref<32x128xf32, #tpu.memory_space<vmem>>
      tpu.wait_dma2 semaphore(%run_scoped3A : memref<!tpu.dma_semaphore, #tpu.memory_space<semaphore_mem>>) src(%dma_wait3A_480 : memref<32x128xf32, #tpu.memory_space<vmem>>) dst(%dma_wait3A_477 : memref<32x128xf32, #tpu.memory_space<hbm>>)
      tpu.yield
    }) : () -> ()
    %add3A_417 = arith.constant 288 : i32
    %add3A_418 = arith.addi %mul3A_2, %add3A_417 : i32
    "tpu.region"() ({
      %run_scoped3A = tpu.sem_alloc : memref<!tpu.dma_semaphore, #tpu.memory_space<semaphore_mem>>
      %dma_start3A_461 = arith.constant 0 : i32
      %dma_start3A_462 = arith.constant 0 : i32
      %dma_start3A_463 = tpu.memref_slice %arg12[%dma_start3A_461, %dma_start3A_462] : memref<32x128xf32, #tpu.memory_space<vmem>> -> memref<32x128xf32, #tpu.memory_space<vmem>>
      %dma_start3A_464 = arith.constant 0 : i32
      %dma_start3A_465 = tpu.memref_slice %arg7[%add3A_418, %dma_start3A_464] : memref<10112x128xf32, #tpu.memory_space<vmem_shared>> -> memref<32x128xf32, #tpu.memory_space<vmem_shared>>
      %dma_start3A_466 = arith.constant 0 : i32
      %dma_start3A_467 = arith.constant 0 : i32
      %dma_start3A_468 = tpu.memref_slice %arg12[%dma_start3A_466, %dma_start3A_467] : memref<32x128xf32, #tpu.memory_space<vmem>> -> memref<32x128xf32, #tpu.memory_space<vmem>>
      %dma_start3A_469 = arith.constant 0 : i32
      %dma_start3A_470 = tpu.memref_slice %arg7[%add3A_418, %dma_start3A_469] : memref<10112x128xf32, #tpu.memory_space<vmem_shared>> -> memref<32x128xf32, #tpu.memory_space<vmem_shared>>
      tpu.enqueue_dma source(%dma_start3A_470 : memref<32x128xf32, #tpu.memory_space<vmem_shared>>) target(%dma_start3A_468 : memref<32x128xf32, #tpu.memory_space<vmem>>) target_semaphore(%run_scoped3A : memref<!tpu.dma_semaphore, #tpu.memory_space<semaphore_mem>>)
      %dma_wait3A_471 = arith.constant 0 : i32
      %dma_wait3A_472 = arith.constant 0 : i32
      %dma_wait3A_473 = tpu.memref_slice %arg12[%dma_wait3A_471, %dma_wait3A_472] : memref<32x128xf32, #tpu.memory_space<vmem>> -> memref<32x128xf32, #tpu.memory_space<vmem>>
      %dma_wait3A_474 = arith.constant 0 : i32
      %dma_wait3A_475 = tpu.memref_slice %arg7[%add3A_418, %dma_wait3A_474] : memref<10112x128xf32, #tpu.memory_space<vmem_shared>> -> memref<32x128xf32, #tpu.memory_space<vmem_shared>>
      %dma_wait3A_476 = arith.constant 0 : i32
      %dma_wait3A_477 = arith.constant 0 : i32
      %dma_wait3A_478 = tpu.memref_slice %arg12[%dma_wait3A_476, %dma_wait3A_477] : memref<32x128xf32, #tpu.memory_space<vmem>> -> memref<32x128xf32, #tpu.memory_space<vmem>>
      %dma_wait3A_479 = arith.constant 0 : i32
      %dma_wait3A_480 = tpu.memref_slice %arg7[%add3A_418, %dma_wait3A_479] : memref<10112x128xf32, #tpu.memory_space<vmem_shared>> -> memref<32x128xf32, #tpu.memory_space<vmem_shared>>
      tpu.wait_dma2 semaphore(%run_scoped3A : memref<!tpu.dma_semaphore, #tpu.memory_space<semaphore_mem>>) src(%dma_wait3A_480 : memref<32x128xf32, #tpu.memory_space<vmem_shared>>) dst(%dma_wait3A_478 : memref<32x128xf32, #tpu.memory_space<vmem>>)
      tpu.yield
    }) : () -> ()
    %add3A_419 = arith.constant 288 : i32
    %add3A_420 = arith.addi %add3A_5, %add3A_419 : i32
    "tpu.region"() ({
      %run_scoped3A = tpu.sem_alloc : memref<!tpu.dma_semaphore, #tpu.memory_space<semaphore_mem>>
      %dma_start3A_461 = arith.constant 0 : i32
      %dma_start3A_462 = arith.constant 0 : i32
      %dma_start3A_463 = tpu.memref_slice %arg12[%dma_start3A_461, %dma_start3A_462] : memref<32x128xf32, #tpu.memory_space<vmem>> -> memref<32x128xf32, #tpu.memory_space<vmem>>
      %dma_start3A_464 = arith.constant 0 : i32
      %dma_start3A_465 = tpu.memref_slice %arg6[%add3A_420, %dma_start3A_464] : memref<20224x128xf32, #tpu.memory_space<hbm>> -> memref<32x128xf32, #tpu.memory_space<hbm>>
      %dma_start3A_466 = arith.constant 0 : i32
      %dma_start3A_467 = tpu.memref_slice %arg6[%add3A_420, %dma_start3A_466] : memref<20224x128xf32, #tpu.memory_space<hbm>> -> memref<32x128xf32, #tpu.memory_space<hbm>>
      %dma_start3A_468 = arith.constant 0 : i32
      %dma_start3A_469 = arith.constant 0 : i32
      %dma_start3A_470 = tpu.memref_slice %arg12[%dma_start3A_468, %dma_start3A_469] : memref<32x128xf32, #tpu.memory_space<vmem>> -> memref<32x128xf32, #tpu.memory_space<vmem>>
      tpu.enqueue_dma source(%dma_start3A_470 : memref<32x128xf32, #tpu.memory_space<vmem>>) target(%dma_start3A_467 : memref<32x128xf32, #tpu.memory_space<hbm>>) target_semaphore(%run_scoped3A : memref<!tpu.dma_semaphore, #tpu.memory_space<semaphore_mem>>)
      %dma_wait3A_471 = arith.constant 0 : i32
      %dma_wait3A_472 = arith.constant 0 : i32
      %dma_wait3A_473 = tpu.memref_slice %arg12[%dma_wait3A_471, %dma_wait3A_472] : memref<32x128xf32, #tpu.memory_space<vmem>> -> memref<32x128xf32, #tpu.memory_space<vmem>>
      %dma_wait3A_474 = arith.constant 0 : i32
      %dma_wait3A_475 = tpu.memref_slice %arg6[%add3A_420, %dma_wait3A_474] : memref<20224x128xf32, #tpu.memory_space<hbm>> -> memref<32x128xf32, #tpu.memory_space<hbm>>
      %dma_wait3A_476 = arith.constant 0 : i32
      %dma_wait3A_477 = tpu.memref_slice %arg6[%add3A_420, %dma_wait3A_476] : memref<20224x128xf32, #tpu.memory_space<hbm>> -> memref<32x128xf32, #tpu.memory_space<hbm>>
      %dma_wait3A_478 = arith.constant 0 : i32
      %dma_wait3A_479 = arith.constant 0 : i32
      %dma_wait3A_480 = tpu.memref_slice %arg12[%dma_wait3A_478, %dma_wait3A_479] : memref<32x128xf32, #tpu.memory_space<vmem>> -> memref<32x128xf32, #tpu.memory_space<vmem>>
      tpu.wait_dma2 semaphore(%run_scoped3A : memref<!tpu.dma_semaphore, #tpu.memory_space<semaphore_mem>>) src(%dma_wait3A_480 : memref<32x128xf32, #tpu.memory_space<vmem>>) dst(%dma_wait3A_477 : memref<32x128xf32, #tpu.memory_space<hbm>>)
      tpu.yield
    }) : () -> ()
    %add3A_421 = arith.constant 320 : i32
    %add3A_422 = arith.addi %mul3A_2, %add3A_421 : i32
    "tpu.region"() ({
      %run_scoped3A = tpu.sem_alloc : memref<!tpu.dma_semaphore, #tpu.memory_space<semaphore_mem>>
      %dma_start3A_461 = arith.constant 0 : i32
      %dma_start3A_462 = arith.constant 0 : i32
      %dma_start3A_463 = tpu.memref_slice %arg12[%dma_start3A_461, %dma_start3A_462] : memref<32x128xf32, #tpu.memory_space<vmem>> -> memref<32x128xf32, #tpu.memory_space<vmem>>
      %dma_start3A_464 = arith.constant 0 : i32
      %dma_start3A_465 = tpu.memref_slice %arg7[%add3A_422, %dma_start3A_464] : memref<10112x128xf32, #tpu.memory_space<vmem_shared>> -> memref<32x128xf32, #tpu.memory_space<vmem_shared>>
      %dma_start3A_466 = arith.constant 0 : i32
      %dma_start3A_467 = arith.constant 0 : i32
      %dma_start3A_468 = tpu.memref_slice %arg12[%dma_start3A_466, %dma_start3A_467] : memref<32x128xf32, #tpu.memory_space<vmem>> -> memref<32x128xf32, #tpu.memory_space<vmem>>
      %dma_start3A_469 = arith.constant 0 : i32
      %dma_start3A_470 = tpu.memref_slice %arg7[%add3A_422, %dma_start3A_469] : memref<10112x128xf32, #tpu.memory_space<vmem_shared>> -> memref<32x128xf32, #tpu.memory_space<vmem_shared>>
      tpu.enqueue_dma source(%dma_start3A_470 : memref<32x128xf32, #tpu.memory_space<vmem_shared>>) target(%dma_start3A_468 : memref<32x128xf32, #tpu.memory_space<vmem>>) target_semaphore(%run_scoped3A : memref<!tpu.dma_semaphore, #tpu.memory_space<semaphore_mem>>)
      %dma_wait3A_471 = arith.constant 0 : i32
      %dma_wait3A_472 = arith.constant 0 : i32
      %dma_wait3A_473 = tpu.memref_slice %arg12[%dma_wait3A_471, %dma_wait3A_472] : memref<32x128xf32, #tpu.memory_space<vmem>> -> memref<32x128xf32, #tpu.memory_space<vmem>>
      %dma_wait3A_474 = arith.constant 0 : i32
      %dma_wait3A_475 = tpu.memref_slice %arg7[%add3A_422, %dma_wait3A_474] : memref<10112x128xf32, #tpu.memory_space<vmem_shared>> -> memref<32x128xf32, #tpu.memory_space<vmem_shared>>
      %dma_wait3A_476 = arith.constant 0 : i32
      %dma_wait3A_477 = arith.constant 0 : i32
      %dma_wait3A_478 = tpu.memref_slice %arg12[%dma_wait3A_476, %dma_wait3A_477] : memref<32x128xf32, #tpu.memory_space<vmem>> -> memref<32x128xf32, #tpu.memory_space<vmem>>
      %dma_wait3A_479 = arith.constant 0 : i32
      %dma_wait3A_480 = tpu.memref_slice %arg7[%add3A_422, %dma_wait3A_479] : memref<10112x128xf32, #tpu.memory_space<vmem_shared>> -> memref<32x128xf32, #tpu.memory_space<vmem_shared>>
      tpu.wait_dma2 semaphore(%run_scoped3A : memref<!tpu.dma_semaphore, #tpu.memory_space<semaphore_mem>>) src(%dma_wait3A_480 : memref<32x128xf32, #tpu.memory_space<vmem_shared>>) dst(%dma_wait3A_478 : memref<32x128xf32, #tpu.memory_space<vmem>>)
      tpu.yield
    }) : () -> ()
    %add3A_423 = arith.constant 320 : i32
    %add3A_424 = arith.addi %add3A_5, %add3A_423 : i32
    "tpu.region"() ({
      %run_scoped3A = tpu.sem_alloc : memref<!tpu.dma_semaphore, #tpu.memory_space<semaphore_mem>>
      %dma_start3A_461 = arith.constant 0 : i32
      %dma_start3A_462 = arith.constant 0 : i32
      %dma_start3A_463 = tpu.memref_slice %arg12[%dma_start3A_461, %dma_start3A_462] : memref<32x128xf32, #tpu.memory_space<vmem>> -> memref<32x128xf32, #tpu.memory_space<vmem>>
      %dma_start3A_464 = arith.constant 0 : i32
      %dma_start3A_465 = tpu.memref_slice %arg6[%add3A_424, %dma_start3A_464] : memref<20224x128xf32, #tpu.memory_space<hbm>> -> memref<32x128xf32, #tpu.memory_space<hbm>>
      %dma_start3A_466 = arith.constant 0 : i32
      %dma_start3A_467 = tpu.memref_slice %arg6[%add3A_424, %dma_start3A_466] : memref<20224x128xf32, #tpu.memory_space<hbm>> -> memref<32x128xf32, #tpu.memory_space<hbm>>
      %dma_start3A_468 = arith.constant 0 : i32
      %dma_start3A_469 = arith.constant 0 : i32
      %dma_start3A_470 = tpu.memref_slice %arg12[%dma_start3A_468, %dma_start3A_469] : memref<32x128xf32, #tpu.memory_space<vmem>> -> memref<32x128xf32, #tpu.memory_space<vmem>>
      tpu.enqueue_dma source(%dma_start3A_470 : memref<32x128xf32, #tpu.memory_space<vmem>>) target(%dma_start3A_467 : memref<32x128xf32, #tpu.memory_space<hbm>>) target_semaphore(%run_scoped3A : memref<!tpu.dma_semaphore, #tpu.memory_space<semaphore_mem>>)
      %dma_wait3A_471 = arith.constant 0 : i32
      %dma_wait3A_472 = arith.constant 0 : i32
      %dma_wait3A_473 = tpu.memref_slice %arg12[%dma_wait3A_471, %dma_wait3A_472] : memref<32x128xf32, #tpu.memory_space<vmem>> -> memref<32x128xf32, #tpu.memory_space<vmem>>
      %dma_wait3A_474 = arith.constant 0 : i32
      %dma_wait3A_475 = tpu.memref_slice %arg6[%add3A_424, %dma_wait3A_474] : memref<20224x128xf32, #tpu.memory_space<hbm>> -> memref<32x128xf32, #tpu.memory_space<hbm>>
      %dma_wait3A_476 = arith.constant 0 : i32
      %dma_wait3A_477 = tpu.memref_slice %arg6[%add3A_424, %dma_wait3A_476] : memref<20224x128xf32, #tpu.memory_space<hbm>> -> memref<32x128xf32, #tpu.memory_space<hbm>>
      %dma_wait3A_478 = arith.constant 0 : i32
      %dma_wait3A_479 = arith.constant 0 : i32
      %dma_wait3A_480 = tpu.memref_slice %arg12[%dma_wait3A_478, %dma_wait3A_479] : memref<32x128xf32, #tpu.memory_space<vmem>> -> memref<32x128xf32, #tpu.memory_space<vmem>>
      tpu.wait_dma2 semaphore(%run_scoped3A : memref<!tpu.dma_semaphore, #tpu.memory_space<semaphore_mem>>) src(%dma_wait3A_480 : memref<32x128xf32, #tpu.memory_space<vmem>>) dst(%dma_wait3A_477 : memref<32x128xf32, #tpu.memory_space<hbm>>)
      tpu.yield
    }) : () -> ()
    %add3A_425 = arith.constant 352 : i32
    %add3A_426 = arith.addi %mul3A_2, %add3A_425 : i32
    "tpu.region"() ({
      %run_scoped3A = tpu.sem_alloc : memref<!tpu.dma_semaphore, #tpu.memory_space<semaphore_mem>>
      %dma_start3A_461 = arith.constant 0 : i32
      %dma_start3A_462 = arith.constant 0 : i32
      %dma_start3A_463 = tpu.memref_slice %arg12[%dma_start3A_461, %dma_start3A_462] : memref<32x128xf32, #tpu.memory_space<vmem>> -> memref<32x128xf32, #tpu.memory_space<vmem>>
      %dma_start3A_464 = arith.constant 0 : i32
      %dma_start3A_465 = tpu.memref_slice %arg7[%add3A_426, %dma_start3A_464] : memref<10112x128xf32, #tpu.memory_space<vmem_shared>> -> memref<32x128xf32, #tpu.memory_space<vmem_shared>>
      %dma_start3A_466 = arith.constant 0 : i32
      %dma_start3A_467 = arith.constant 0 : i32
      %dma_start3A_468 = tpu.memref_slice %arg12[%dma_start3A_466, %dma_start3A_467] : memref<32x128xf32, #tpu.memory_space<vmem>> -> memref<32x128xf32, #tpu.memory_space<vmem>>
      %dma_start3A_469 = arith.constant 0 : i32
      %dma_start3A_470 = tpu.memref_slice %arg7[%add3A_426, %dma_start3A_469] : memref<10112x128xf32, #tpu.memory_space<vmem_shared>> -> memref<32x128xf32, #tpu.memory_space<vmem_shared>>
      tpu.enqueue_dma source(%dma_start3A_470 : memref<32x128xf32, #tpu.memory_space<vmem_shared>>) target(%dma_start3A_468 : memref<32x128xf32, #tpu.memory_space<vmem>>) target_semaphore(%run_scoped3A : memref<!tpu.dma_semaphore, #tpu.memory_space<semaphore_mem>>)
      %dma_wait3A_471 = arith.constant 0 : i32
      %dma_wait3A_472 = arith.constant 0 : i32
      %dma_wait3A_473 = tpu.memref_slice %arg12[%dma_wait3A_471, %dma_wait3A_472] : memref<32x128xf32, #tpu.memory_space<vmem>> -> memref<32x128xf32, #tpu.memory_space<vmem>>
      %dma_wait3A_474 = arith.constant 0 : i32
      %dma_wait3A_475 = tpu.memref_slice %arg7[%add3A_426, %dma_wait3A_474] : memref<10112x128xf32, #tpu.memory_space<vmem_shared>> -> memref<32x128xf32, #tpu.memory_space<vmem_shared>>
      %dma_wait3A_476 = arith.constant 0 : i32
      %dma_wait3A_477 = arith.constant 0 : i32
      %dma_wait3A_478 = tpu.memref_slice %arg12[%dma_wait3A_476, %dma_wait3A_477] : memref<32x128xf32, #tpu.memory_space<vmem>> -> memref<32x128xf32, #tpu.memory_space<vmem>>
      %dma_wait3A_479 = arith.constant 0 : i32
      %dma_wait3A_480 = tpu.memref_slice %arg7[%add3A_426, %dma_wait3A_479] : memref<10112x128xf32, #tpu.memory_space<vmem_shared>> -> memref<32x128xf32, #tpu.memory_space<vmem_shared>>
      tpu.wait_dma2 semaphore(%run_scoped3A : memref<!tpu.dma_semaphore, #tpu.memory_space<semaphore_mem>>) src(%dma_wait3A_480 : memref<32x128xf32, #tpu.memory_space<vmem_shared>>) dst(%dma_wait3A_478 : memref<32x128xf32, #tpu.memory_space<vmem>>)
      tpu.yield
    }) : () -> ()
    %add3A_427 = arith.constant 352 : i32
    %add3A_428 = arith.addi %add3A_5, %add3A_427 : i32
    "tpu.region"() ({
      %run_scoped3A = tpu.sem_alloc : memref<!tpu.dma_semaphore, #tpu.memory_space<semaphore_mem>>
      %dma_start3A_461 = arith.constant 0 : i32
      %dma_start3A_462 = arith.constant 0 : i32
      %dma_start3A_463 = tpu.memref_slice %arg12[%dma_start3A_461, %dma_start3A_462] : memref<32x128xf32, #tpu.memory_space<vmem>> -> memref<32x128xf32, #tpu.memory_space<vmem>>
      %dma_start3A_464 = arith.constant 0 : i32
      %dma_start3A_465 = tpu.memref_slice %arg6[%add3A_428, %dma_start3A_464] : memref<20224x128xf32, #tpu.memory_space<hbm>> -> memref<32x128xf32, #tpu.memory_space<hbm>>
      %dma_start3A_466 = arith.constant 0 : i32
      %dma_start3A_467 = tpu.memref_slice %arg6[%add3A_428, %dma_start3A_466] : memref<20224x128xf32, #tpu.memory_space<hbm>> -> memref<32x128xf32, #tpu.memory_space<hbm>>
      %dma_start3A_468 = arith.constant 0 : i32
      %dma_start3A_469 = arith.constant 0 : i32
      %dma_start3A_470 = tpu.memref_slice %arg12[%dma_start3A_468, %dma_start3A_469] : memref<32x128xf32, #tpu.memory_space<vmem>> -> memref<32x128xf32, #tpu.memory_space<vmem>>
      tpu.enqueue_dma source(%dma_start3A_470 : memref<32x128xf32, #tpu.memory_space<vmem>>) target(%dma_start3A_467 : memref<32x128xf32, #tpu.memory_space<hbm>>) target_semaphore(%run_scoped3A : memref<!tpu.dma_semaphore, #tpu.memory_space<semaphore_mem>>)
      %dma_wait3A_471 = arith.constant 0 : i32
      %dma_wait3A_472 = arith.constant 0 : i32
      %dma_wait3A_473 = tpu.memref_slice %arg12[%dma_wait3A_471, %dma_wait3A_472] : memref<32x128xf32, #tpu.memory_space<vmem>> -> memref<32x128xf32, #tpu.memory_space<vmem>>
      %dma_wait3A_474 = arith.constant 0 : i32
      %dma_wait3A_475 = tpu.memref_slice %arg6[%add3A_428, %dma_wait3A_474] : memref<20224x128xf32, #tpu.memory_space<hbm>> -> memref<32x128xf32, #tpu.memory_space<hbm>>
      %dma_wait3A_476 = arith.constant 0 : i32
      %dma_wait3A_477 = tpu.memref_slice %arg6[%add3A_428, %dma_wait3A_476] : memref<20224x128xf32, #tpu.memory_space<hbm>> -> memref<32x128xf32, #tpu.memory_space<hbm>>
      %dma_wait3A_478 = arith.constant 0 : i32
      %dma_wait3A_479 = arith.constant 0 : i32
      %dma_wait3A_480 = tpu.memref_slice %arg12[%dma_wait3A_478, %dma_wait3A_479] : memref<32x128xf32, #tpu.memory_space<vmem>> -> memref<32x128xf32, #tpu.memory_space<vmem>>
      tpu.wait_dma2 semaphore(%run_scoped3A : memref<!tpu.dma_semaphore, #tpu.memory_space<semaphore_mem>>) src(%dma_wait3A_480 : memref<32x128xf32, #tpu.memory_space<vmem>>) dst(%dma_wait3A_477 : memref<32x128xf32, #tpu.memory_space<hbm>>)
      tpu.yield
    }) : () -> ()
    %add3A_429 = arith.constant 384 : i32
    %add3A_430 = arith.addi %mul3A_2, %add3A_429 : i32
    "tpu.region"() ({
      %run_scoped3A = tpu.sem_alloc : memref<!tpu.dma_semaphore, #tpu.memory_space<semaphore_mem>>
      %dma_start3A_461 = arith.constant 0 : i32
      %dma_start3A_462 = arith.constant 0 : i32
      %dma_start3A_463 = tpu.memref_slice %arg12[%dma_start3A_461, %dma_start3A_462] : memref<32x128xf32, #tpu.memory_space<vmem>> -> memref<32x128xf32, #tpu.memory_space<vmem>>
      %dma_start3A_464 = arith.constant 0 : i32
      %dma_start3A_465 = tpu.memref_slice %arg7[%add3A_430, %dma_start3A_464] : memref<10112x128xf32, #tpu.memory_space<vmem_shared>> -> memref<32x128xf32, #tpu.memory_space<vmem_shared>>
      %dma_start3A_466 = arith.constant 0 : i32
      %dma_start3A_467 = arith.constant 0 : i32
      %dma_start3A_468 = tpu.memref_slice %arg12[%dma_start3A_466, %dma_start3A_467] : memref<32x128xf32, #tpu.memory_space<vmem>> -> memref<32x128xf32, #tpu.memory_space<vmem>>
      %dma_start3A_469 = arith.constant 0 : i32
      %dma_start3A_470 = tpu.memref_slice %arg7[%add3A_430, %dma_start3A_469] : memref<10112x128xf32, #tpu.memory_space<vmem_shared>> -> memref<32x128xf32, #tpu.memory_space<vmem_shared>>
      tpu.enqueue_dma source(%dma_start3A_470 : memref<32x128xf32, #tpu.memory_space<vmem_shared>>) target(%dma_start3A_468 : memref<32x128xf32, #tpu.memory_space<vmem>>) target_semaphore(%run_scoped3A : memref<!tpu.dma_semaphore, #tpu.memory_space<semaphore_mem>>)
      %dma_wait3A_471 = arith.constant 0 : i32
      %dma_wait3A_472 = arith.constant 0 : i32
      %dma_wait3A_473 = tpu.memref_slice %arg12[%dma_wait3A_471, %dma_wait3A_472] : memref<32x128xf32, #tpu.memory_space<vmem>> -> memref<32x128xf32, #tpu.memory_space<vmem>>
      %dma_wait3A_474 = arith.constant 0 : i32
      %dma_wait3A_475 = tpu.memref_slice %arg7[%add3A_430, %dma_wait3A_474] : memref<10112x128xf32, #tpu.memory_space<vmem_shared>> -> memref<32x128xf32, #tpu.memory_space<vmem_shared>>
      %dma_wait3A_476 = arith.constant 0 : i32
      %dma_wait3A_477 = arith.constant 0 : i32
      %dma_wait3A_478 = tpu.memref_slice %arg12[%dma_wait3A_476, %dma_wait3A_477] : memref<32x128xf32, #tpu.memory_space<vmem>> -> memref<32x128xf32, #tpu.memory_space<vmem>>
      %dma_wait3A_479 = arith.constant 0 : i32
      %dma_wait3A_480 = tpu.memref_slice %arg7[%add3A_430, %dma_wait3A_479] : memref<10112x128xf32, #tpu.memory_space<vmem_shared>> -> memref<32x128xf32, #tpu.memory_space<vmem_shared>>
      tpu.wait_dma2 semaphore(%run_scoped3A : memref<!tpu.dma_semaphore, #tpu.memory_space<semaphore_mem>>) src(%dma_wait3A_480 : memref<32x128xf32, #tpu.memory_space<vmem_shared>>) dst(%dma_wait3A_478 : memref<32x128xf32, #tpu.memory_space<vmem>>)
      tpu.yield
    }) : () -> ()
    %add3A_431 = arith.constant 384 : i32
    %add3A_432 = arith.addi %add3A_5, %add3A_431 : i32
    "tpu.region"() ({
      %run_scoped3A = tpu.sem_alloc : memref<!tpu.dma_semaphore, #tpu.memory_space<semaphore_mem>>
      %dma_start3A_461 = arith.constant 0 : i32
      %dma_start3A_462 = arith.constant 0 : i32
      %dma_start3A_463 = tpu.memref_slice %arg12[%dma_start3A_461, %dma_start3A_462] : memref<32x128xf32, #tpu.memory_space<vmem>> -> memref<32x128xf32, #tpu.memory_space<vmem>>
      %dma_start3A_464 = arith.constant 0 : i32
      %dma_start3A_465 = tpu.memref_slice %arg6[%add3A_432, %dma_start3A_464] : memref<20224x128xf32, #tpu.memory_space<hbm>> -> memref<32x128xf32, #tpu.memory_space<hbm>>
      %dma_start3A_466 = arith.constant 0 : i32
      %dma_start3A_467 = tpu.memref_slice %arg6[%add3A_432, %dma_start3A_466] : memref<20224x128xf32, #tpu.memory_space<hbm>> -> memref<32x128xf32, #tpu.memory_space<hbm>>
      %dma_start3A_468 = arith.constant 0 : i32
      %dma_start3A_469 = arith.constant 0 : i32
      %dma_start3A_470 = tpu.memref_slice %arg12[%dma_start3A_468, %dma_start3A_469] : memref<32x128xf32, #tpu.memory_space<vmem>> -> memref<32x128xf32, #tpu.memory_space<vmem>>
      tpu.enqueue_dma source(%dma_start3A_470 : memref<32x128xf32, #tpu.memory_space<vmem>>) target(%dma_start3A_467 : memref<32x128xf32, #tpu.memory_space<hbm>>) target_semaphore(%run_scoped3A : memref<!tpu.dma_semaphore, #tpu.memory_space<semaphore_mem>>)
      %dma_wait3A_471 = arith.constant 0 : i32
      %dma_wait3A_472 = arith.constant 0 : i32
      %dma_wait3A_473 = tpu.memref_slice %arg12[%dma_wait3A_471, %dma_wait3A_472] : memref<32x128xf32, #tpu.memory_space<vmem>> -> memref<32x128xf32, #tpu.memory_space<vmem>>
      %dma_wait3A_474 = arith.constant 0 : i32
      %dma_wait3A_475 = tpu.memref_slice %arg6[%add3A_432, %dma_wait3A_474] : memref<20224x128xf32, #tpu.memory_space<hbm>> -> memref<32x128xf32, #tpu.memory_space<hbm>>
      %dma_wait3A_476 = arith.constant 0 : i32
      %dma_wait3A_477 = tpu.memref_slice %arg6[%add3A_432, %dma_wait3A_476] : memref<20224x128xf32, #tpu.memory_space<hbm>> -> memref<32x128xf32, #tpu.memory_space<hbm>>
      %dma_wait3A_478 = arith.constant 0 : i32
      %dma_wait3A_479 = arith.constant 0 : i32
      %dma_wait3A_480 = tpu.memref_slice %arg12[%dma_wait3A_478, %dma_wait3A_479] : memref<32x128xf32, #tpu.memory_space<vmem>> -> memref<32x128xf32, #tpu.memory_space<vmem>>
      tpu.wait_dma2 semaphore(%run_scoped3A : memref<!tpu.dma_semaphore, #tpu.memory_space<semaphore_mem>>) src(%dma_wait3A_480 : memref<32x128xf32, #tpu.memory_space<vmem>>) dst(%dma_wait3A_477 : memref<32x128xf32, #tpu.memory_space<hbm>>)
      tpu.yield
    }) : () -> ()
    %add3A_433 = arith.constant 416 : i32
    %add3A_434 = arith.addi %mul3A_2, %add3A_433 : i32
    "tpu.region"() ({
      %run_scoped3A = tpu.sem_alloc : memref<!tpu.dma_semaphore, #tpu.memory_space<semaphore_mem>>
      %dma_start3A_461 = arith.constant 0 : i32
      %dma_start3A_462 = arith.constant 0 : i32
      %dma_start3A_463 = tpu.memref_slice %arg12[%dma_start3A_461, %dma_start3A_462] : memref<32x128xf32, #tpu.memory_space<vmem>> -> memref<32x128xf32, #tpu.memory_space<vmem>>
      %dma_start3A_464 = arith.constant 0 : i32
      %dma_start3A_465 = tpu.memref_slice %arg7[%add3A_434, %dma_start3A_464] : memref<10112x128xf32, #tpu.memory_space<vmem_shared>> -> memref<32x128xf32, #tpu.memory_space<vmem_shared>>
      %dma_start3A_466 = arith.constant 0 : i32
      %dma_start3A_467 = arith.constant 0 : i32
      %dma_start3A_468 = tpu.memref_slice %arg12[%dma_start3A_466, %dma_start3A_467] : memref<32x128xf32, #tpu.memory_space<vmem>> -> memref<32x128xf32, #tpu.memory_space<vmem>>
      %dma_start3A_469 = arith.constant 0 : i32
      %dma_start3A_470 = tpu.memref_slice %arg7[%add3A_434, %dma_start3A_469] : memref<10112x128xf32, #tpu.memory_space<vmem_shared>> -> memref<32x128xf32, #tpu.memory_space<vmem_shared>>
      tpu.enqueue_dma source(%dma_start3A_470 : memref<32x128xf32, #tpu.memory_space<vmem_shared>>) target(%dma_start3A_468 : memref<32x128xf32, #tpu.memory_space<vmem>>) target_semaphore(%run_scoped3A : memref<!tpu.dma_semaphore, #tpu.memory_space<semaphore_mem>>)
      %dma_wait3A_471 = arith.constant 0 : i32
      %dma_wait3A_472 = arith.constant 0 : i32
      %dma_wait3A_473 = tpu.memref_slice %arg12[%dma_wait3A_471, %dma_wait3A_472] : memref<32x128xf32, #tpu.memory_space<vmem>> -> memref<32x128xf32, #tpu.memory_space<vmem>>
      %dma_wait3A_474 = arith.constant 0 : i32
      %dma_wait3A_475 = tpu.memref_slice %arg7[%add3A_434, %dma_wait3A_474] : memref<10112x128xf32, #tpu.memory_space<vmem_shared>> -> memref<32x128xf32, #tpu.memory_space<vmem_shared>>
      %dma_wait3A_476 = arith.constant 0 : i32
      %dma_wait3A_477 = arith.constant 0 : i32
      %dma_wait3A_478 = tpu.memref_slice %arg12[%dma_wait3A_476, %dma_wait3A_477] : memref<32x128xf32, #tpu.memory_space<vmem>> -> memref<32x128xf32, #tpu.memory_space<vmem>>
      %dma_wait3A_479 = arith.constant 0 : i32
      %dma_wait3A_480 = tpu.memref_slice %arg7[%add3A_434, %dma_wait3A_479] : memref<10112x128xf32, #tpu.memory_space<vmem_shared>> -> memref<32x128xf32, #tpu.memory_space<vmem_shared>>
      tpu.wait_dma2 semaphore(%run_scoped3A : memref<!tpu.dma_semaphore, #tpu.memory_space<semaphore_mem>>) src(%dma_wait3A_480 : memref<32x128xf32, #tpu.memory_space<vmem_shared>>) dst(%dma_wait3A_478 : memref<32x128xf32, #tpu.memory_space<vmem>>)
      tpu.yield
    }) : () -> ()
    %add3A_435 = arith.constant 416 : i32
    %add3A_436 = arith.addi %add3A_5, %add3A_435 : i32
    "tpu.region"() ({
      %run_scoped3A = tpu.sem_alloc : memref<!tpu.dma_semaphore, #tpu.memory_space<semaphore_mem>>
      %dma_start3A_461 = arith.constant 0 : i32
      %dma_start3A_462 = arith.constant 0 : i32
      %dma_start3A_463 = tpu.memref_slice %arg12[%dma_start3A_461, %dma_start3A_462] : memref<32x128xf32, #tpu.memory_space<vmem>> -> memref<32x128xf32, #tpu.memory_space<vmem>>
      %dma_start3A_464 = arith.constant 0 : i32
      %dma_start3A_465 = tpu.memref_slice %arg6[%add3A_436, %dma_start3A_464] : memref<20224x128xf32, #tpu.memory_space<hbm>> -> memref<32x128xf32, #tpu.memory_space<hbm>>
      %dma_start3A_466 = arith.constant 0 : i32
      %dma_start3A_467 = tpu.memref_slice %arg6[%add3A_436, %dma_start3A_466] : memref<20224x128xf32, #tpu.memory_space<hbm>> -> memref<32x128xf32, #tpu.memory_space<hbm>>
      %dma_start3A_468 = arith.constant 0 : i32
      %dma_start3A_469 = arith.constant 0 : i32
      %dma_start3A_470 = tpu.memref_slice %arg12[%dma_start3A_468, %dma_start3A_469] : memref<32x128xf32, #tpu.memory_space<vmem>> -> memref<32x128xf32, #tpu.memory_space<vmem>>
      tpu.enqueue_dma source(%dma_start3A_470 : memref<32x128xf32, #tpu.memory_space<vmem>>) target(%dma_start3A_467 : memref<32x128xf32, #tpu.memory_space<hbm>>) target_semaphore(%run_scoped3A : memref<!tpu.dma_semaphore, #tpu.memory_space<semaphore_mem>>)
      %dma_wait3A_471 = arith.constant 0 : i32
      %dma_wait3A_472 = arith.constant 0 : i32
      %dma_wait3A_473 = tpu.memref_slice %arg12[%dma_wait3A_471, %dma_wait3A_472] : memref<32x128xf32, #tpu.memory_space<vmem>> -> memref<32x128xf32, #tpu.memory_space<vmem>>
      %dma_wait3A_474 = arith.constant 0 : i32
      %dma_wait3A_475 = tpu.memref_slice %arg6[%add3A_436, %dma_wait3A_474] : memref<20224x128xf32, #tpu.memory_space<hbm>> -> memref<32x128xf32, #tpu.memory_space<hbm>>
      %dma_wait3A_476 = arith.constant 0 : i32
      %dma_wait3A_477 = tpu.memref_slice %arg6[%add3A_436, %dma_wait3A_476] : memref<20224x128xf32, #tpu.memory_space<hbm>> -> memref<32x128xf32, #tpu.memory_space<hbm>>
      %dma_wait3A_478 = arith.constant 0 : i32
      %dma_wait3A_479 = arith.constant 0 : i32
      %dma_wait3A_480 = tpu.memref_slice %arg12[%dma_wait3A_478, %dma_wait3A_479] : memref<32x128xf32, #tpu.memory_space<vmem>> -> memref<32x128xf32, #tpu.memory_space<vmem>>
      tpu.wait_dma2 semaphore(%run_scoped3A : memref<!tpu.dma_semaphore, #tpu.memory_space<semaphore_mem>>) src(%dma_wait3A_480 : memref<32x128xf32, #tpu.memory_space<vmem>>) dst(%dma_wait3A_477 : memref<32x128xf32, #tpu.memory_space<hbm>>)
      tpu.yield
    }) : () -> ()
    %add3A_437 = arith.constant 448 : i32
    %add3A_438 = arith.addi %mul3A_2, %add3A_437 : i32
    "tpu.region"() ({
      %run_scoped3A = tpu.sem_alloc : memref<!tpu.dma_semaphore, #tpu.memory_space<semaphore_mem>>
      %dma_start3A_461 = arith.constant 0 : i32
      %dma_start3A_462 = arith.constant 0 : i32
      %dma_start3A_463 = tpu.memref_slice %arg12[%dma_start3A_461, %dma_start3A_462] : memref<32x128xf32, #tpu.memory_space<vmem>> -> memref<32x128xf32, #tpu.memory_space<vmem>>
      %dma_start3A_464 = arith.constant 0 : i32
      %dma_start3A_465 = tpu.memref_slice %arg7[%add3A_438, %dma_start3A_464] : memref<10112x128xf32, #tpu.memory_space<vmem_shared>> -> memref<32x128xf32, #tpu.memory_space<vmem_shared>>
      %dma_start3A_466 = arith.constant 0 : i32
      %dma_start3A_467 = arith.constant 0 : i32
      %dma_start3A_468 = tpu.memref_slice %arg12[%dma_start3A_466, %dma_start3A_467] : memref<32x128xf32, #tpu.memory_space<vmem>> -> memref<32x128xf32, #tpu.memory_space<vmem>>
      %dma_start3A_469 = arith.constant 0 : i32
      %dma_start3A_470 = tpu.memref_slice %arg7[%add3A_438, %dma_start3A_469] : memref<10112x128xf32, #tpu.memory_space<vmem_shared>> -> memref<32x128xf32, #tpu.memory_space<vmem_shared>>
      tpu.enqueue_dma source(%dma_start3A_470 : memref<32x128xf32, #tpu.memory_space<vmem_shared>>) target(%dma_start3A_468 : memref<32x128xf32, #tpu.memory_space<vmem>>) target_semaphore(%run_scoped3A : memref<!tpu.dma_semaphore, #tpu.memory_space<semaphore_mem>>)
      %dma_wait3A_471 = arith.constant 0 : i32
      %dma_wait3A_472 = arith.constant 0 : i32
      %dma_wait3A_473 = tpu.memref_slice %arg12[%dma_wait3A_471, %dma_wait3A_472] : memref<32x128xf32, #tpu.memory_space<vmem>> -> memref<32x128xf32, #tpu.memory_space<vmem>>
      %dma_wait3A_474 = arith.constant 0 : i32
      %dma_wait3A_475 = tpu.memref_slice %arg7[%add3A_438, %dma_wait3A_474] : memref<10112x128xf32, #tpu.memory_space<vmem_shared>> -> memref<32x128xf32, #tpu.memory_space<vmem_shared>>
      %dma_wait3A_476 = arith.constant 0 : i32
      %dma_wait3A_477 = arith.constant 0 : i32
      %dma_wait3A_478 = tpu.memref_slice %arg12[%dma_wait3A_476, %dma_wait3A_477] : memref<32x128xf32, #tpu.memory_space<vmem>> -> memref<32x128xf32, #tpu.memory_space<vmem>>
      %dma_wait3A_479 = arith.constant 0 : i32
      %dma_wait3A_480 = tpu.memref_slice %arg7[%add3A_438, %dma_wait3A_479] : memref<10112x128xf32, #tpu.memory_space<vmem_shared>> -> memref<32x128xf32, #tpu.memory_space<vmem_shared>>
      tpu.wait_dma2 semaphore(%run_scoped3A : memref<!tpu.dma_semaphore, #tpu.memory_space<semaphore_mem>>) src(%dma_wait3A_480 : memref<32x128xf32, #tpu.memory_space<vmem_shared>>) dst(%dma_wait3A_478 : memref<32x128xf32, #tpu.memory_space<vmem>>)
      tpu.yield
    }) : () -> ()
    %add3A_439 = arith.constant 448 : i32
    %add3A_440 = arith.addi %add3A_5, %add3A_439 : i32
    "tpu.region"() ({
      %run_scoped3A = tpu.sem_alloc : memref<!tpu.dma_semaphore, #tpu.memory_space<semaphore_mem>>
      %dma_start3A_461 = arith.constant 0 : i32
      %dma_start3A_462 = arith.constant 0 : i32
      %dma_start3A_463 = tpu.memref_slice %arg12[%dma_start3A_461, %dma_start3A_462] : memref<32x128xf32, #tpu.memory_space<vmem>> -> memref<32x128xf32, #tpu.memory_space<vmem>>
      %dma_start3A_464 = arith.constant 0 : i32
      %dma_start3A_465 = tpu.memref_slice %arg6[%add3A_440, %dma_start3A_464] : memref<20224x128xf32, #tpu.memory_space<hbm>> -> memref<32x128xf32, #tpu.memory_space<hbm>>
      %dma_start3A_466 = arith.constant 0 : i32
      %dma_start3A_467 = tpu.memref_slice %arg6[%add3A_440, %dma_start3A_466] : memref<20224x128xf32, #tpu.memory_space<hbm>> -> memref<32x128xf32, #tpu.memory_space<hbm>>
      %dma_start3A_468 = arith.constant 0 : i32
      %dma_start3A_469 = arith.constant 0 : i32
      %dma_start3A_470 = tpu.memref_slice %arg12[%dma_start3A_468, %dma_start3A_469] : memref<32x128xf32, #tpu.memory_space<vmem>> -> memref<32x128xf32, #tpu.memory_space<vmem>>
      tpu.enqueue_dma source(%dma_start3A_470 : memref<32x128xf32, #tpu.memory_space<vmem>>) target(%dma_start3A_467 : memref<32x128xf32, #tpu.memory_space<hbm>>) target_semaphore(%run_scoped3A : memref<!tpu.dma_semaphore, #tpu.memory_space<semaphore_mem>>)
      %dma_wait3A_471 = arith.constant 0 : i32
      %dma_wait3A_472 = arith.constant 0 : i32
      %dma_wait3A_473 = tpu.memref_slice %arg12[%dma_wait3A_471, %dma_wait3A_472] : memref<32x128xf32, #tpu.memory_space<vmem>> -> memref<32x128xf32, #tpu.memory_space<vmem>>
      %dma_wait3A_474 = arith.constant 0 : i32
      %dma_wait3A_475 = tpu.memref_slice %arg6[%add3A_440, %dma_wait3A_474] : memref<20224x128xf32, #tpu.memory_space<hbm>> -> memref<32x128xf32, #tpu.memory_space<hbm>>
      %dma_wait3A_476 = arith.constant 0 : i32
      %dma_wait3A_477 = tpu.memref_slice %arg6[%add3A_440, %dma_wait3A_476] : memref<20224x128xf32, #tpu.memory_space<hbm>> -> memref<32x128xf32, #tpu.memory_space<hbm>>
      %dma_wait3A_478 = arith.constant 0 : i32
      %dma_wait3A_479 = arith.constant 0 : i32
      %dma_wait3A_480 = tpu.memref_slice %arg12[%dma_wait3A_478, %dma_wait3A_479] : memref<32x128xf32, #tpu.memory_space<vmem>> -> memref<32x128xf32, #tpu.memory_space<vmem>>
      tpu.wait_dma2 semaphore(%run_scoped3A : memref<!tpu.dma_semaphore, #tpu.memory_space<semaphore_mem>>) src(%dma_wait3A_480 : memref<32x128xf32, #tpu.memory_space<vmem>>) dst(%dma_wait3A_477 : memref<32x128xf32, #tpu.memory_space<hbm>>)
      tpu.yield
    }) : () -> ()
    %add3A_441 = arith.constant 480 : i32
    %add3A_442 = arith.addi %mul3A_2, %add3A_441 : i32
    "tpu.region"() ({
      %run_scoped3A = tpu.sem_alloc : memref<!tpu.dma_semaphore, #tpu.memory_space<semaphore_mem>>
      %dma_start3A_461 = arith.constant 0 : i32
      %dma_start3A_462 = arith.constant 0 : i32
      %dma_start3A_463 = tpu.memref_slice %arg12[%dma_start3A_461, %dma_start3A_462] : memref<32x128xf32, #tpu.memory_space<vmem>> -> memref<32x128xf32, #tpu.memory_space<vmem>>
      %dma_start3A_464 = arith.constant 0 : i32
      %dma_start3A_465 = tpu.memref_slice %arg7[%add3A_442, %dma_start3A_464] : memref<10112x128xf32, #tpu.memory_space<vmem_shared>> -> memref<32x128xf32, #tpu.memory_space<vmem_shared>>
      %dma_start3A_466 = arith.constant 0 : i32
      %dma_start3A_467 = arith.constant 0 : i32
      %dma_start3A_468 = tpu.memref_slice %arg12[%dma_start3A_466, %dma_start3A_467] : memref<32x128xf32, #tpu.memory_space<vmem>> -> memref<32x128xf32, #tpu.memory_space<vmem>>
      %dma_start3A_469 = arith.constant 0 : i32
      %dma_start3A_470 = tpu.memref_slice %arg7[%add3A_442, %dma_start3A_469] : memref<10112x128xf32, #tpu.memory_space<vmem_shared>> -> memref<32x128xf32, #tpu.memory_space<vmem_shared>>
      tpu.enqueue_dma source(%dma_start3A_470 : memref<32x128xf32, #tpu.memory_space<vmem_shared>>) target(%dma_start3A_468 : memref<32x128xf32, #tpu.memory_space<vmem>>) target_semaphore(%run_scoped3A : memref<!tpu.dma_semaphore, #tpu.memory_space<semaphore_mem>>)
      %dma_wait3A_471 = arith.constant 0 : i32
      %dma_wait3A_472 = arith.constant 0 : i32
      %dma_wait3A_473 = tpu.memref_slice %arg12[%dma_wait3A_471, %dma_wait3A_472] : memref<32x128xf32, #tpu.memory_space<vmem>> -> memref<32x128xf32, #tpu.memory_space<vmem>>
      %dma_wait3A_474 = arith.constant 0 : i32
      %dma_wait3A_475 = tpu.memref_slice %arg7[%add3A_442, %dma_wait3A_474] : memref<10112x128xf32, #tpu.memory_space<vmem_shared>> -> memref<32x128xf32, #tpu.memory_space<vmem_shared>>
      %dma_wait3A_476 = arith.constant 0 : i32
      %dma_wait3A_477 = arith.constant 0 : i32
      %dma_wait3A_478 = tpu.memref_slice %arg12[%dma_wait3A_476, %dma_wait3A_477] : memref<32x128xf32, #tpu.memory_space<vmem>> -> memref<32x128xf32, #tpu.memory_space<vmem>>
      %dma_wait3A_479 = arith.constant 0 : i32
      %dma_wait3A_480 = tpu.memref_slice %arg7[%add3A_442, %dma_wait3A_479] : memref<10112x128xf32, #tpu.memory_space<vmem_shared>> -> memref<32x128xf32, #tpu.memory_space<vmem_shared>>
      tpu.wait_dma2 semaphore(%run_scoped3A : memref<!tpu.dma_semaphore, #tpu.memory_space<semaphore_mem>>) src(%dma_wait3A_480 : memref<32x128xf32, #tpu.memory_space<vmem_shared>>) dst(%dma_wait3A_478 : memref<32x128xf32, #tpu.memory_space<vmem>>)
      tpu.yield
    }) : () -> ()
    %add3A_443 = arith.constant 480 : i32
    %add3A_444 = arith.addi %add3A_5, %add3A_443 : i32
    "tpu.region"() ({
      %run_scoped3A = tpu.sem_alloc : memref<!tpu.dma_semaphore, #tpu.memory_space<semaphore_mem>>
      %dma_start3A_461 = arith.constant 0 : i32
      %dma_start3A_462 = arith.constant 0 : i32
      %dma_start3A_463 = tpu.memref_slice %arg12[%dma_start3A_461, %dma_start3A_462] : memref<32x128xf32, #tpu.memory_space<vmem>> -> memref<32x128xf32, #tpu.memory_space<vmem>>
      %dma_start3A_464 = arith.constant 0 : i32
      %dma_start3A_465 = tpu.memref_slice %arg6[%add3A_444, %dma_start3A_464] : memref<20224x128xf32, #tpu.memory_space<hbm>> -> memref<32x128xf32, #tpu.memory_space<hbm>>
      %dma_start3A_466 = arith.constant 0 : i32
      %dma_start3A_467 = tpu.memref_slice %arg6[%add3A_444, %dma_start3A_466] : memref<20224x128xf32, #tpu.memory_space<hbm>> -> memref<32x128xf32, #tpu.memory_space<hbm>>
      %dma_start3A_468 = arith.constant 0 : i32
      %dma_start3A_469 = arith.constant 0 : i32
      %dma_start3A_470 = tpu.memref_slice %arg12[%dma_start3A_468, %dma_start3A_469] : memref<32x128xf32, #tpu.memory_space<vmem>> -> memref<32x128xf32, #tpu.memory_space<vmem>>
      tpu.enqueue_dma source(%dma_start3A_470 : memref<32x128xf32, #tpu.memory_space<vmem>>) target(%dma_start3A_467 : memref<32x128xf32, #tpu.memory_space<hbm>>) target_semaphore(%run_scoped3A : memref<!tpu.dma_semaphore, #tpu.memory_space<semaphore_mem>>)
      %dma_wait3A_471 = arith.constant 0 : i32
      %dma_wait3A_472 = arith.constant 0 : i32
      %dma_wait3A_473 = tpu.memref_slice %arg12[%dma_wait3A_471, %dma_wait3A_472] : memref<32x128xf32, #tpu.memory_space<vmem>> -> memref<32x128xf32, #tpu.memory_space<vmem>>
      %dma_wait3A_474 = arith.constant 0 : i32
      %dma_wait3A_475 = tpu.memref_slice %arg6[%add3A_444, %dma_wait3A_474] : memref<20224x128xf32, #tpu.memory_space<hbm>> -> memref<32x128xf32, #tpu.memory_space<hbm>>
      %dma_wait3A_476 = arith.constant 0 : i32
      %dma_wait3A_477 = tpu.memref_slice %arg6[%add3A_444, %dma_wait3A_476] : memref<20224x128xf32, #tpu.memory_space<hbm>> -> memref<32x128xf32, #tpu.memory_space<hbm>>
      %dma_wait3A_478 = arith.constant 0 : i32
      %dma_wait3A_479 = arith.constant 0 : i32
      %dma_wait3A_480 = tpu.memref_slice %arg12[%dma_wait3A_478, %dma_wait3A_479] : memref<32x128xf32, #tpu.memory_space<vmem>> -> memref<32x128xf32, #tpu.memory_space<vmem>>
      tpu.wait_dma2 semaphore(%run_scoped3A : memref<!tpu.dma_semaphore, #tpu.memory_space<semaphore_mem>>) src(%dma_wait3A_480 : memref<32x128xf32, #tpu.memory_space<vmem>>) dst(%dma_wait3A_477 : memref<32x128xf32, #tpu.memory_space<hbm>>)
      tpu.yield
    }) : () -> ()
    %add3A_445 = arith.constant 512 : i32
    %add3A_446 = arith.addi %mul3A_2, %add3A_445 : i32
    "tpu.region"() ({
      %run_scoped3A = tpu.sem_alloc : memref<!tpu.dma_semaphore, #tpu.memory_space<semaphore_mem>>
      %dma_start3A_461 = arith.constant 0 : i32
      %dma_start3A_462 = arith.constant 0 : i32
      %dma_start3A_463 = tpu.memref_slice %arg12[%dma_start3A_461, %dma_start3A_462] : memref<32x128xf32, #tpu.memory_space<vmem>> -> memref<32x128xf32, #tpu.memory_space<vmem>>
      %dma_start3A_464 = arith.constant 0 : i32
      %dma_start3A_465 = tpu.memref_slice %arg7[%add3A_446, %dma_start3A_464] : memref<10112x128xf32, #tpu.memory_space<vmem_shared>> -> memref<32x128xf32, #tpu.memory_space<vmem_shared>>
      %dma_start3A_466 = arith.constant 0 : i32
      %dma_start3A_467 = arith.constant 0 : i32
      %dma_start3A_468 = tpu.memref_slice %arg12[%dma_start3A_466, %dma_start3A_467] : memref<32x128xf32, #tpu.memory_space<vmem>> -> memref<32x128xf32, #tpu.memory_space<vmem>>
      %dma_start3A_469 = arith.constant 0 : i32
      %dma_start3A_470 = tpu.memref_slice %arg7[%add3A_446, %dma_start3A_469] : memref<10112x128xf32, #tpu.memory_space<vmem_shared>> -> memref<32x128xf32, #tpu.memory_space<vmem_shared>>
      tpu.enqueue_dma source(%dma_start3A_470 : memref<32x128xf32, #tpu.memory_space<vmem_shared>>) target(%dma_start3A_468 : memref<32x128xf32, #tpu.memory_space<vmem>>) target_semaphore(%run_scoped3A : memref<!tpu.dma_semaphore, #tpu.memory_space<semaphore_mem>>)
      %dma_wait3A_471 = arith.constant 0 : i32
      %dma_wait3A_472 = arith.constant 0 : i32
      %dma_wait3A_473 = tpu.memref_slice %arg12[%dma_wait3A_471, %dma_wait3A_472] : memref<32x128xf32, #tpu.memory_space<vmem>> -> memref<32x128xf32, #tpu.memory_space<vmem>>
      %dma_wait3A_474 = arith.constant 0 : i32
      %dma_wait3A_475 = tpu.memref_slice %arg7[%add3A_446, %dma_wait3A_474] : memref<10112x128xf32, #tpu.memory_space<vmem_shared>> -> memref<32x128xf32, #tpu.memory_space<vmem_shared>>
      %dma_wait3A_476 = arith.constant 0 : i32
      %dma_wait3A_477 = arith.constant 0 : i32
      %dma_wait3A_478 = tpu.memref_slice %arg12[%dma_wait3A_476, %dma_wait3A_477] : memref<32x128xf32, #tpu.memory_space<vmem>> -> memref<32x128xf32, #tpu.memory_space<vmem>>
      %dma_wait3A_479 = arith.constant 0 : i32
      %dma_wait3A_480 = tpu.memref_slice %arg7[%add3A_446, %dma_wait3A_479] : memref<10112x128xf32, #tpu.memory_space<vmem_shared>> -> memref<32x128xf32, #tpu.memory_space<vmem_shared>>
      tpu.wait_dma2 semaphore(%run_scoped3A : memref<!tpu.dma_semaphore, #tpu.memory_space<semaphore_mem>>) src(%dma_wait3A_480 : memref<32x128xf32, #tpu.memory_space<vmem_shared>>) dst(%dma_wait3A_478 : memref<32x128xf32, #tpu.memory_space<vmem>>)
      tpu.yield
    }) : () -> ()
    %add3A_447 = arith.constant 512 : i32
    %add3A_448 = arith.addi %add3A_5, %add3A_447 : i32
    "tpu.region"() ({
      %run_scoped3A = tpu.sem_alloc : memref<!tpu.dma_semaphore, #tpu.memory_space<semaphore_mem>>
      %dma_start3A_461 = arith.constant 0 : i32
      %dma_start3A_462 = arith.constant 0 : i32
      %dma_start3A_463 = tpu.memref_slice %arg12[%dma_start3A_461, %dma_start3A_462] : memref<32x128xf32, #tpu.memory_space<vmem>> -> memref<32x128xf32, #tpu.memory_space<vmem>>
      %dma_start3A_464 = arith.constant 0 : i32
      %dma_start3A_465 = tpu.memref_slice %arg6[%add3A_448, %dma_start3A_464] : memref<20224x128xf32, #tpu.memory_space<hbm>> -> memref<32x128xf32, #tpu.memory_space<hbm>>
      %dma_start3A_466 = arith.constant 0 : i32
      %dma_start3A_467 = tpu.memref_slice %arg6[%add3A_448, %dma_start3A_466] : memref<20224x128xf32, #tpu.memory_space<hbm>> -> memref<32x128xf32, #tpu.memory_space<hbm>>
      %dma_start3A_468 = arith.constant 0 : i32
      %dma_start3A_469 = arith.constant 0 : i32
      %dma_start3A_470 = tpu.memref_slice %arg12[%dma_start3A_468, %dma_start3A_469] : memref<32x128xf32, #tpu.memory_space<vmem>> -> memref<32x128xf32, #tpu.memory_space<vmem>>
      tpu.enqueue_dma source(%dma_start3A_470 : memref<32x128xf32, #tpu.memory_space<vmem>>) target(%dma_start3A_467 : memref<32x128xf32, #tpu.memory_space<hbm>>) target_semaphore(%run_scoped3A : memref<!tpu.dma_semaphore, #tpu.memory_space<semaphore_mem>>)
      %dma_wait3A_471 = arith.constant 0 : i32
      %dma_wait3A_472 = arith.constant 0 : i32
      %dma_wait3A_473 = tpu.memref_slice %arg12[%dma_wait3A_471, %dma_wait3A_472] : memref<32x128xf32, #tpu.memory_space<vmem>> -> memref<32x128xf32, #tpu.memory_space<vmem>>
      %dma_wait3A_474 = arith.constant 0 : i32
      %dma_wait3A_475 = tpu.memref_slice %arg6[%add3A_448, %dma_wait3A_474] : memref<20224x128xf32, #tpu.memory_space<hbm>> -> memref<32x128xf32, #tpu.memory_space<hbm>>
      %dma_wait3A_476 = arith.constant 0 : i32
      %dma_wait3A_477 = tpu.memref_slice %arg6[%add3A_448, %dma_wait3A_476] : memref<20224x128xf32, #tpu.memory_space<hbm>> -> memref<32x128xf32, #tpu.memory_space<hbm>>
      %dma_wait3A_478 = arith.constant 0 : i32
      %dma_wait3A_479 = arith.constant 0 : i32
      %dma_wait3A_480 = tpu.memref_slice %arg12[%dma_wait3A_478, %dma_wait3A_479] : memref<32x128xf32, #tpu.memory_space<vmem>> -> memref<32x128xf32, #tpu.memory_space<vmem>>
      tpu.wait_dma2 semaphore(%run_scoped3A : memref<!tpu.dma_semaphore, #tpu.memory_space<semaphore_mem>>) src(%dma_wait3A_480 : memref<32x128xf32, #tpu.memory_space<vmem>>) dst(%dma_wait3A_477 : memref<32x128xf32, #tpu.memory_space<hbm>>)
      tpu.yield
    }) : () -> ()
    %add3A_449 = arith.constant 544 : i32
    %add3A_450 = arith.addi %mul3A_2, %add3A_449 : i32
    "tpu.region"() ({
      %run_scoped3A = tpu.sem_alloc : memref<!tpu.dma_semaphore, #tpu.memory_space<semaphore_mem>>
      %dma_start3A_461 = arith.constant 0 : i32
      %dma_start3A_462 = arith.constant 0 : i32
      %dma_start3A_463 = tpu.memref_slice %arg12[%dma_start3A_461, %dma_start3A_462] : memref<32x128xf32, #tpu.memory_space<vmem>> -> memref<32x128xf32, #tpu.memory_space<vmem>>
      %dma_start3A_464 = arith.constant 0 : i32
      %dma_start3A_465 = tpu.memref_slice %arg7[%add3A_450, %dma_start3A_464] : memref<10112x128xf32, #tpu.memory_space<vmem_shared>> -> memref<32x128xf32, #tpu.memory_space<vmem_shared>>
      %dma_start3A_466 = arith.constant 0 : i32
      %dma_start3A_467 = arith.constant 0 : i32
      %dma_start3A_468 = tpu.memref_slice %arg12[%dma_start3A_466, %dma_start3A_467] : memref<32x128xf32, #tpu.memory_space<vmem>> -> memref<32x128xf32, #tpu.memory_space<vmem>>
      %dma_start3A_469 = arith.constant 0 : i32
      %dma_start3A_470 = tpu.memref_slice %arg7[%add3A_450, %dma_start3A_469] : memref<10112x128xf32, #tpu.memory_space<vmem_shared>> -> memref<32x128xf32, #tpu.memory_space<vmem_shared>>
      tpu.enqueue_dma source(%dma_start3A_470 : memref<32x128xf32, #tpu.memory_space<vmem_shared>>) target(%dma_start3A_468 : memref<32x128xf32, #tpu.memory_space<vmem>>) target_semaphore(%run_scoped3A : memref<!tpu.dma_semaphore, #tpu.memory_space<semaphore_mem>>)
      %dma_wait3A_471 = arith.constant 0 : i32
      %dma_wait3A_472 = arith.constant 0 : i32
      %dma_wait3A_473 = tpu.memref_slice %arg12[%dma_wait3A_471, %dma_wait3A_472] : memref<32x128xf32, #tpu.memory_space<vmem>> -> memref<32x128xf32, #tpu.memory_space<vmem>>
      %dma_wait3A_474 = arith.constant 0 : i32
      %dma_wait3A_475 = tpu.memref_slice %arg7[%add3A_450, %dma_wait3A_474] : memref<10112x128xf32, #tpu.memory_space<vmem_shared>> -> memref<32x128xf32, #tpu.memory_space<vmem_shared>>
      %dma_wait3A_476 = arith.constant 0 : i32
      %dma_wait3A_477 = arith.constant 0 : i32
      %dma_wait3A_478 = tpu.memref_slice %arg12[%dma_wait3A_476, %dma_wait3A_477] : memref<32x128xf32, #tpu.memory_space<vmem>> -> memref<32x128xf32, #tpu.memory_space<vmem>>
      %dma_wait3A_479 = arith.constant 0 : i32
      %dma_wait3A_480 = tpu.memref_slice %arg7[%add3A_450, %dma_wait3A_479] : memref<10112x128xf32, #tpu.memory_space<vmem_shared>> -> memref<32x128xf32, #tpu.memory_space<vmem_shared>>
      tpu.wait_dma2 semaphore(%run_scoped3A : memref<!tpu.dma_semaphore, #tpu.memory_space<semaphore_mem>>) src(%dma_wait3A_480 : memref<32x128xf32, #tpu.memory_space<vmem_shared>>) dst(%dma_wait3A_478 : memref<32x128xf32, #tpu.memory_space<vmem>>)
      tpu.yield
    }) : () -> ()
    %add3A_451 = arith.constant 544 : i32
    %add3A_452 = arith.addi %add3A_5, %add3A_451 : i32
    "tpu.region"() ({
      %run_scoped3A = tpu.sem_alloc : memref<!tpu.dma_semaphore, #tpu.memory_space<semaphore_mem>>
      %dma_start3A_461 = arith.constant 0 : i32
      %dma_start3A_462 = arith.constant 0 : i32
      %dma_start3A_463 = tpu.memref_slice %arg12[%dma_start3A_461, %dma_start3A_462] : memref<32x128xf32, #tpu.memory_space<vmem>> -> memref<32x128xf32, #tpu.memory_space<vmem>>
      %dma_start3A_464 = arith.constant 0 : i32
      %dma_start3A_465 = tpu.memref_slice %arg6[%add3A_452, %dma_start3A_464] : memref<20224x128xf32, #tpu.memory_space<hbm>> -> memref<32x128xf32, #tpu.memory_space<hbm>>
      %dma_start3A_466 = arith.constant 0 : i32
      %dma_start3A_467 = tpu.memref_slice %arg6[%add3A_452, %dma_start3A_466] : memref<20224x128xf32, #tpu.memory_space<hbm>> -> memref<32x128xf32, #tpu.memory_space<hbm>>
      %dma_start3A_468 = arith.constant 0 : i32
      %dma_start3A_469 = arith.constant 0 : i32
      %dma_start3A_470 = tpu.memref_slice %arg12[%dma_start3A_468, %dma_start3A_469] : memref<32x128xf32, #tpu.memory_space<vmem>> -> memref<32x128xf32, #tpu.memory_space<vmem>>
      tpu.enqueue_dma source(%dma_start3A_470 : memref<32x128xf32, #tpu.memory_space<vmem>>) target(%dma_start3A_467 : memref<32x128xf32, #tpu.memory_space<hbm>>) target_semaphore(%run_scoped3A : memref<!tpu.dma_semaphore, #tpu.memory_space<semaphore_mem>>)
      %dma_wait3A_471 = arith.constant 0 : i32
      %dma_wait3A_472 = arith.constant 0 : i32
      %dma_wait3A_473 = tpu.memref_slice %arg12[%dma_wait3A_471, %dma_wait3A_472] : memref<32x128xf32, #tpu.memory_space<vmem>> -> memref<32x128xf32, #tpu.memory_space<vmem>>
      %dma_wait3A_474 = arith.constant 0 : i32
      %dma_wait3A_475 = tpu.memref_slice %arg6[%add3A_452, %dma_wait3A_474] : memref<20224x128xf32, #tpu.memory_space<hbm>> -> memref<32x128xf32, #tpu.memory_space<hbm>>
      %dma_wait3A_476 = arith.constant 0 : i32
      %dma_wait3A_477 = tpu.memref_slice %arg6[%add3A_452, %dma_wait3A_476] : memref<20224x128xf32, #tpu.memory_space<hbm>> -> memref<32x128xf32, #tpu.memory_space<hbm>>
      %dma_wait3A_478 = arith.constant 0 : i32
      %dma_wait3A_479 = arith.constant 0 : i32
      %dma_wait3A_480 = tpu.memref_slice %arg12[%dma_wait3A_478, %dma_wait3A_479] : memref<32x128xf32, #tpu.memory_space<vmem>> -> memref<32x128xf32, #tpu.memory_space<vmem>>
      tpu.wait_dma2 semaphore(%run_scoped3A : memref<!tpu.dma_semaphore, #tpu.memory_space<semaphore_mem>>) src(%dma_wait3A_480 : memref<32x128xf32, #tpu.memory_space<vmem>>) dst(%dma_wait3A_477 : memref<32x128xf32, #tpu.memory_space<hbm>>)
      tpu.yield
    }) : () -> ()
    %add3A_453 = arith.constant 576 : i32
    %add3A_454 = arith.addi %mul3A_2, %add3A_453 : i32
    "tpu.region"() ({
      %run_scoped3A = tpu.sem_alloc : memref<!tpu.dma_semaphore, #tpu.memory_space<semaphore_mem>>
      %dma_start3A_461 = arith.constant 0 : i32
      %dma_start3A_462 = arith.constant 0 : i32
      %dma_start3A_463 = tpu.memref_slice %arg12[%dma_start3A_461, %dma_start3A_462] : memref<32x128xf32, #tpu.memory_space<vmem>> -> memref<32x128xf32, #tpu.memory_space<vmem>>
      %dma_start3A_464 = arith.constant 0 : i32
      %dma_start3A_465 = tpu.memref_slice %arg7[%add3A_454, %dma_start3A_464] : memref<10112x128xf32, #tpu.memory_space<vmem_shared>> -> memref<32x128xf32, #tpu.memory_space<vmem_shared>>
      %dma_start3A_466 = arith.constant 0 : i32
      %dma_start3A_467 = arith.constant 0 : i32
      %dma_start3A_468 = tpu.memref_slice %arg12[%dma_start3A_466, %dma_start3A_467] : memref<32x128xf32, #tpu.memory_space<vmem>> -> memref<32x128xf32, #tpu.memory_space<vmem>>
      %dma_start3A_469 = arith.constant 0 : i32
      %dma_start3A_470 = tpu.memref_slice %arg7[%add3A_454, %dma_start3A_469] : memref<10112x128xf32, #tpu.memory_space<vmem_shared>> -> memref<32x128xf32, #tpu.memory_space<vmem_shared>>
      tpu.enqueue_dma source(%dma_start3A_470 : memref<32x128xf32, #tpu.memory_space<vmem_shared>>) target(%dma_start3A_468 : memref<32x128xf32, #tpu.memory_space<vmem>>) target_semaphore(%run_scoped3A : memref<!tpu.dma_semaphore, #tpu.memory_space<semaphore_mem>>)
      %dma_wait3A_471 = arith.constant 0 : i32
      %dma_wait3A_472 = arith.constant 0 : i32
      %dma_wait3A_473 = tpu.memref_slice %arg12[%dma_wait3A_471, %dma_wait3A_472] : memref<32x128xf32, #tpu.memory_space<vmem>> -> memref<32x128xf32, #tpu.memory_space<vmem>>
      %dma_wait3A_474 = arith.constant 0 : i32
      %dma_wait3A_475 = tpu.memref_slice %arg7[%add3A_454, %dma_wait3A_474] : memref<10112x128xf32, #tpu.memory_space<vmem_shared>> -> memref<32x128xf32, #tpu.memory_space<vmem_shared>>
      %dma_wait3A_476 = arith.constant 0 : i32
      %dma_wait3A_477 = arith.constant 0 : i32
      %dma_wait3A_478 = tpu.memref_slice %arg12[%dma_wait3A_476, %dma_wait3A_477] : memref<32x128xf32, #tpu.memory_space<vmem>> -> memref<32x128xf32, #tpu.memory_space<vmem>>
      %dma_wait3A_479 = arith.constant 0 : i32
      %dma_wait3A_480 = tpu.memref_slice %arg7[%add3A_454, %dma_wait3A_479] : memref<10112x128xf32, #tpu.memory_space<vmem_shared>> -> memref<32x128xf32, #tpu.memory_space<vmem_shared>>
      tpu.wait_dma2 semaphore(%run_scoped3A : memref<!tpu.dma_semaphore, #tpu.memory_space<semaphore_mem>>) src(%dma_wait3A_480 : memref<32x128xf32, #tpu.memory_space<vmem_shared>>) dst(%dma_wait3A_478 : memref<32x128xf32, #tpu.memory_space<vmem>>)
      tpu.yield
    }) : () -> ()
    %add3A_455 = arith.constant 576 : i32
    %add3A_456 = arith.addi %add3A_5, %add3A_455 : i32
    "tpu.region"() ({
      %run_scoped3A = tpu.sem_alloc : memref<!tpu.dma_semaphore, #tpu.memory_space<semaphore_mem>>
      %dma_start3A_461 = arith.constant 0 : i32
      %dma_start3A_462 = arith.constant 0 : i32
      %dma_start3A_463 = tpu.memref_slice %arg12[%dma_start3A_461, %dma_start3A_462] : memref<32x128xf32, #tpu.memory_space<vmem>> -> memref<32x128xf32, #tpu.memory_space<vmem>>
      %dma_start3A_464 = arith.constant 0 : i32
      %dma_start3A_465 = tpu.memref_slice %arg6[%add3A_456, %dma_start3A_464] : memref<20224x128xf32, #tpu.memory_space<hbm>> -> memref<32x128xf32, #tpu.memory_space<hbm>>
      %dma_start3A_466 = arith.constant 0 : i32
      %dma_start3A_467 = tpu.memref_slice %arg6[%add3A_456, %dma_start3A_466] : memref<20224x128xf32, #tpu.memory_space<hbm>> -> memref<32x128xf32, #tpu.memory_space<hbm>>
      %dma_start3A_468 = arith.constant 0 : i32
      %dma_start3A_469 = arith.constant 0 : i32
      %dma_start3A_470 = tpu.memref_slice %arg12[%dma_start3A_468, %dma_start3A_469] : memref<32x128xf32, #tpu.memory_space<vmem>> -> memref<32x128xf32, #tpu.memory_space<vmem>>
      tpu.enqueue_dma source(%dma_start3A_470 : memref<32x128xf32, #tpu.memory_space<vmem>>) target(%dma_start3A_467 : memref<32x128xf32, #tpu.memory_space<hbm>>) target_semaphore(%run_scoped3A : memref<!tpu.dma_semaphore, #tpu.memory_space<semaphore_mem>>)
      %dma_wait3A_471 = arith.constant 0 : i32
      %dma_wait3A_472 = arith.constant 0 : i32
      %dma_wait3A_473 = tpu.memref_slice %arg12[%dma_wait3A_471, %dma_wait3A_472] : memref<32x128xf32, #tpu.memory_space<vmem>> -> memref<32x128xf32, #tpu.memory_space<vmem>>
      %dma_wait3A_474 = arith.constant 0 : i32
      %dma_wait3A_475 = tpu.memref_slice %arg6[%add3A_456, %dma_wait3A_474] : memref<20224x128xf32, #tpu.memory_space<hbm>> -> memref<32x128xf32, #tpu.memory_space<hbm>>
      %dma_wait3A_476 = arith.constant 0 : i32
      %dma_wait3A_477 = tpu.memref_slice %arg6[%add3A_456, %dma_wait3A_476] : memref<20224x128xf32, #tpu.memory_space<hbm>> -> memref<32x128xf32, #tpu.memory_space<hbm>>
      %dma_wait3A_478 = arith.constant 0 : i32
      %dma_wait3A_479 = arith.constant 0 : i32
      %dma_wait3A_480 = tpu.memref_slice %arg12[%dma_wait3A_478, %dma_wait3A_479] : memref<32x128xf32, #tpu.memory_space<vmem>> -> memref<32x128xf32, #tpu.memory_space<vmem>>
      tpu.wait_dma2 semaphore(%run_scoped3A : memref<!tpu.dma_semaphore, #tpu.memory_space<semaphore_mem>>) src(%dma_wait3A_480 : memref<32x128xf32, #tpu.memory_space<vmem>>) dst(%dma_wait3A_477 : memref<32x128xf32, #tpu.memory_space<hbm>>)
      tpu.yield
    }) : () -> ()
    %add3A_457 = arith.constant 608 : i32
    %add3A_458 = arith.addi %mul3A_2, %add3A_457 : i32
    "tpu.region"() ({
      %run_scoped3A = tpu.sem_alloc : memref<!tpu.dma_semaphore, #tpu.memory_space<semaphore_mem>>
      %dma_start3A_461 = arith.constant 0 : i32
      %dma_start3A_462 = arith.constant 0 : i32
      %dma_start3A_463 = tpu.memref_slice %arg12[%dma_start3A_461, %dma_start3A_462] : memref<32x128xf32, #tpu.memory_space<vmem>> -> memref<24x128xf32, #tpu.memory_space<vmem>>
      %dma_start3A_464 = arith.constant 0 : i32
      %dma_start3A_465 = tpu.memref_slice %arg7[%add3A_458, %dma_start3A_464] : memref<10112x128xf32, #tpu.memory_space<vmem_shared>> -> memref<24x128xf32, #tpu.memory_space<vmem_shared>>
      %dma_start3A_466 = arith.constant 0 : i32
      %dma_start3A_467 = arith.constant 0 : i32
      %dma_start3A_468 = tpu.memref_slice %arg12[%dma_start3A_466, %dma_start3A_467] : memref<32x128xf32, #tpu.memory_space<vmem>> -> memref<24x128xf32, #tpu.memory_space<vmem>>
      %dma_start3A_469 = arith.constant 0 : i32
      %dma_start3A_470 = tpu.memref_slice %arg7[%add3A_458, %dma_start3A_469] : memref<10112x128xf32, #tpu.memory_space<vmem_shared>> -> memref<24x128xf32, #tpu.memory_space<vmem_shared>>
      tpu.enqueue_dma source(%dma_start3A_470 : memref<24x128xf32, #tpu.memory_space<vmem_shared>>) target(%dma_start3A_468 : memref<24x128xf32, #tpu.memory_space<vmem>>) target_semaphore(%run_scoped3A : memref<!tpu.dma_semaphore, #tpu.memory_space<semaphore_mem>>)
      %dma_wait3A_471 = arith.constant 0 : i32
      %dma_wait3A_472 = arith.constant 0 : i32
      %dma_wait3A_473 = tpu.memref_slice %arg12[%dma_wait3A_471, %dma_wait3A_472] : memref<32x128xf32, #tpu.memory_space<vmem>> -> memref<24x128xf32, #tpu.memory_space<vmem>>
      %dma_wait3A_474 = arith.constant 0 : i32
      %dma_wait3A_475 = tpu.memref_slice %arg7[%add3A_458, %dma_wait3A_474] : memref<10112x128xf32, #tpu.memory_space<vmem_shared>> -> memref<24x128xf32, #tpu.memory_space<vmem_shared>>
      %dma_wait3A_476 = arith.constant 0 : i32
      %dma_wait3A_477 = arith.constant 0 : i32
      %dma_wait3A_478 = tpu.memref_slice %arg12[%dma_wait3A_476, %dma_wait3A_477] : memref<32x128xf32, #tpu.memory_space<vmem>> -> memref<24x128xf32, #tpu.memory_space<vmem>>
      %dma_wait3A_479 = arith.constant 0 : i32
      %dma_wait3A_480 = tpu.memref_slice %arg7[%add3A_458, %dma_wait3A_479] : memref<10112x128xf32, #tpu.memory_space<vmem_shared>> -> memref<24x128xf32, #tpu.memory_space<vmem_shared>>
      tpu.wait_dma2 semaphore(%run_scoped3A : memref<!tpu.dma_semaphore, #tpu.memory_space<semaphore_mem>>) src(%dma_wait3A_480 : memref<24x128xf32, #tpu.memory_space<vmem_shared>>) dst(%dma_wait3A_478 : memref<24x128xf32, #tpu.memory_space<vmem>>)
      tpu.yield
    }) : () -> ()
    %add3A_459 = arith.constant 608 : i32
    %add3A_460 = arith.addi %add3A_5, %add3A_459 : i32
    "tpu.region"() ({
      %run_scoped3A = tpu.sem_alloc : memref<!tpu.dma_semaphore, #tpu.memory_space<semaphore_mem>>
      %dma_start3A_461 = arith.constant 0 : i32
      %dma_start3A_462 = arith.constant 0 : i32
      %dma_start3A_463 = tpu.memref_slice %arg12[%dma_start3A_461, %dma_start3A_462] : memref<32x128xf32, #tpu.memory_space<vmem>> -> memref<24x128xf32, #tpu.memory_space<vmem>>
      %dma_start3A_464 = arith.constant 0 : i32
      %dma_start3A_465 = tpu.memref_slice %arg6[%add3A_460, %dma_start3A_464] : memref<20224x128xf32, #tpu.memory_space<hbm>> -> memref<24x128xf32, #tpu.memory_space<hbm>>
      %dma_start3A_466 = arith.constant 0 : i32
      %dma_start3A_467 = tpu.memref_slice %arg6[%add3A_460, %dma_start3A_466] : memref<20224x128xf32, #tpu.memory_space<hbm>> -> memref<24x128xf32, #tpu.memory_space<hbm>>
      %dma_start3A_468 = arith.constant 0 : i32
      %dma_start3A_469 = arith.constant 0 : i32
      %dma_start3A_470 = tpu.memref_slice %arg12[%dma_start3A_468, %dma_start3A_469] : memref<32x128xf32, #tpu.memory_space<vmem>> -> memref<24x128xf32, #tpu.memory_space<vmem>>
      tpu.enqueue_dma source(%dma_start3A_470 : memref<24x128xf32, #tpu.memory_space<vmem>>) target(%dma_start3A_467 : memref<24x128xf32, #tpu.memory_space<hbm>>) target_semaphore(%run_scoped3A : memref<!tpu.dma_semaphore, #tpu.memory_space<semaphore_mem>>)
      %dma_wait3A_471 = arith.constant 0 : i32
      %dma_wait3A_472 = arith.constant 0 : i32
      %dma_wait3A_473 = tpu.memref_slice %arg12[%dma_wait3A_471, %dma_wait3A_472] : memref<32x128xf32, #tpu.memory_space<vmem>> -> memref<24x128xf32, #tpu.memory_space<vmem>>
      %dma_wait3A_474 = arith.constant 0 : i32
      %dma_wait3A_475 = tpu.memref_slice %arg6[%add3A_460, %dma_wait3A_474] : memref<20224x128xf32, #tpu.memory_space<hbm>> -> memref<24x128xf32, #tpu.memory_space<hbm>>
      %dma_wait3A_476 = arith.constant 0 : i32
      %dma_wait3A_477 = tpu.memref_slice %arg6[%add3A_460, %dma_wait3A_476] : memref<20224x128xf32, #tpu.memory_space<hbm>> -> memref<24x128xf32, #tpu.memory_space<hbm>>
      %dma_wait3A_478 = arith.constant 0 : i32
      %dma_wait3A_479 = arith.constant 0 : i32
      %dma_wait3A_480 = tpu.memref_slice %arg12[%dma_wait3A_478, %dma_wait3A_479] : memref<32x128xf32, #tpu.memory_space<vmem>> -> memref<24x128xf32, #tpu.memory_space<vmem>>
      tpu.wait_dma2 semaphore(%run_scoped3A : memref<!tpu.dma_semaphore, #tpu.memory_space<semaphore_mem>>) src(%dma_wait3A_480 : memref<24x128xf32, #tpu.memory_space<vmem>>) dst(%dma_wait3A_477 : memref<24x128xf32, #tpu.memory_space<hbm>>)
      tpu.yield
    }) : () -> ()
    "tpu.trace_stop"() : () -> ()
    return
  }
}

module attributes {stable_mosaic.version = 14 : i64} {
  func.func @_tc_body(%arg0: i32, %arg1: memref<1000x128xf32, #tpu.memory_space<vmem>>, %arg2: memref<2x1000x128xf32, #tpu.memory_space<vmem>>, %arg3: memref<2x1000x128xf32, #tpu.memory_space<vmem>>, %arg4: memref<128x128xf32, #tpu.memory_space<vmem>>, %arg5: memref<1x128xf32, #tpu.memory_space<vmem>>, %arg6: memref<1000x128xf32, #tpu.memory_space<vmem>>) attributes {dimension_semantics = [#tpu.dimension_semantics<arbitrary>], iteration_bounds = array<i64: 10>, scalar_prefetch = 0 : i64, scratch_operands = 0 : i64, tpu.core_type = #tpu.core_type<tc>, window_params = [{transform_indices = @transform_0, window_bounds = array<i64: 1000, 128>}, {transform_indices = @transform_1, window_bounds = array<i64: 2, 1000, 128>}, {transform_indices = @transform_2, window_bounds = array<i64: 2, 1000, 128>}, {pipeline_mode = #tpu.pipeline_mode<synchronous>, transform_indices = @transform_3, window_bounds = array<i64: 128, 128>}, {pipeline_mode = #tpu.pipeline_mode<synchronous>, transform_indices = @transform_4, window_bounds = array<i64: 1, 128>}, {transform_indices = @transform_5, window_bounds = array<i64: 1000, 128>}]} {
    %get3A = arith.constant 0 : index
    %get3A_0 = arith.constant 0 : index
    %get3A_1 = arith.constant 0 : index
    %get3A_2 = vector.load %arg2[%get3A, %get3A_0, %get3A_1] : memref<2x1000x128xf32, #tpu.memory_space<vmem>>, vector<1x1000x128xf32>
    %get3A_3 = vector.shape_cast %get3A_2 : vector<1x1000x128xf32> to vector<1000x128xf32>
    %get3A_4 = arith.constant 1 : index
    %get3A_5 = arith.constant 0 : index
    %get3A_6 = arith.constant 0 : index
    %get3A_7 = vector.load %arg2[%get3A_4, %get3A_5, %get3A_6] : memref<2x1000x128xf32, #tpu.memory_space<vmem>>, vector<1x1000x128xf32>
    %get3A_8 = vector.shape_cast %get3A_7 : vector<1x1000x128xf32> to vector<1000x128xf32>
    %add3A = arith.addf %get3A_3, %get3A_8 : vector<1000x128xf32>
    %get3A_9 = arith.constant 0 : index
    %get3A_10 = arith.constant 0 : index
    %get3A_11 = arith.constant 0 : index
    %get3A_12 = vector.load %arg3[%get3A_9, %get3A_10, %get3A_11] : memref<2x1000x128xf32, #tpu.memory_space<vmem>>, vector<1x1000x1xf32>
    %get3A_13 = vector.shape_cast %get3A_12 : vector<1x1000x1xf32> to vector<1000x1xf32>
    %get3A_14 = arith.constant 1 : index
    %get3A_15 = arith.constant 0 : index
    %get3A_16 = arith.constant 0 : index
    %get3A_17 = vector.load %arg3[%get3A_14, %get3A_15, %get3A_16] : memref<2x1000x128xf32, #tpu.memory_space<vmem>>, vector<1x1000x1xf32>
    %get3A_18 = vector.shape_cast %get3A_17 : vector<1x1000x1xf32> to vector<1000x1xf32>
    %add3A_19 = arith.addf %get3A_13, %get3A_18 : vector<1000x1xf32>
    %max3A = arith.constant 1.000000e+00 : f32
    %max3A_20 = vector.broadcast %max3A : f32 to vector<1000x1xf32>
    %max3A_21 = arith.maximumf %add3A_19, %max3A_20 : vector<1000x1xf32>
    %div3A = vector.broadcast %max3A_21 : vector<1000x1xf32> to vector<1000x128xf32>
    %div3A_22 = arith.divf %add3A, %div3A : vector<1000x128xf32>
    %get3A_23 = arith.constant 0 : index
    %get3A_24 = arith.constant 0 : index
    %get3A_25 = vector.load %arg4[%get3A_23, %get3A_24] : memref<128x128xf32, #tpu.memory_space<vmem>>, vector<128x128xf32>
    %dot_general3A = arith.constant dense<0.000000e+00> : vector<1000x128xf32>
    %dot_general3A_26 = tpu.matmul %div3A_22, %get3A_25, %dot_general3A {dimension_numbers = #tpu.dot_dimension_numbers<[1], [1], [0], [0], [0, 0, 1, 0], [], []>, transpose_lhs_hint = false} : vector<1000x128xf32>, vector<128x128xf32>, vector<1000x128xf32> -> vector<1000x128xf32>
    %get3A_27 = arith.constant 0 : index
    %get3A_28 = arith.constant 0 : index
    %get3A_29 = vector.load %arg1[%get3A_27, %get3A_28] : memref<1000x128xf32, #tpu.memory_space<vmem>>, vector<1000x128xf32>
    %add3A_30 = arith.addf %get3A_29, %dot_general3A_26 : vector<1000x128xf32>
    %get3A_31 = arith.constant 0 : index
    %get3A_32 = arith.constant 0 : index
    %get3A_33 = vector.load %arg5[%get3A_31, %get3A_32] : memref<1x128xf32, #tpu.memory_space<vmem>>, vector<1x128xf32>
    %add3A_34 = vector.broadcast %get3A_33 : vector<1x128xf32> to vector<1000x128xf32>
    %add3A_35 = arith.addf %add3A_30, %add3A_34 : vector<1000x128xf32>
    %swap3A = arith.constant 0 : index
    %swap3A_36 = arith.constant 0 : index
    %swap3A_37 = vector.load %arg6[%swap3A, %swap3A_36] : memref<1000x128xf32, #tpu.memory_space<vmem>>, vector<1000x128xf32>
    tpu.vector_store %arg6[%swap3A, %swap3A_36], %add3A_35 {strides = array<i32>} : memref<1000x128xf32, #tpu.memory_space<vmem>>, vector<1000x128xf32>,
    return
  }
  func.func @transform_0(%arg0: i32) -> (i32, i32) {
    %c0_i32 = arith.constant 0 : i32
    %c0_i32_0 = arith.constant 0 : i32
    return %arg0, %c0_i32 : i32, i32
  }
  func.func @transform_1(%arg0: i32) -> (i32, i32, i32) {
    %c0_i32 = arith.constant 0 : i32
    %c0_i32_0 = arith.constant 0 : i32
    %c0_i32_1 = arith.constant 0 : i32
    return %c0_i32, %arg0, %c0_i32_0 : i32, i32, i32
  }
  func.func @transform_2(%arg0: i32) -> (i32, i32, i32) {
    %c0_i32 = arith.constant 0 : i32
    %c0_i32_0 = arith.constant 0 : i32
    %c0_i32_1 = arith.constant 0 : i32
    return %c0_i32, %arg0, %c0_i32_0 : i32, i32, i32
  }
  func.func @transform_3(%arg0: i32) -> (i32, i32) {
    %c0_i32 = arith.constant 0 : i32
    %c0_i32_0 = arith.constant 0 : i32
    %c0_i32_1 = arith.constant 0 : i32
    return %c0_i32, %c0_i32_0 : i32, i32
  }
  func.func @transform_4(%arg0: i32) -> (i32, i32) {
    %c0_i32 = arith.constant 0 : i32
    %c0_i32_0 = arith.constant 0 : i32
    %c0_i32_1 = arith.constant 0 : i32
    return %c0_i32, %c0_i32_0 : i32, i32
  }
  func.func @transform_5(%arg0: i32) -> (i32, i32) {
    %c0_i32 = arith.constant 0 : i32
    %c0_i32_0 = arith.constant 0 : i32
    return %arg0, %c0_i32 : i32, i32
  }
}

</mosaic_0001>

<sc_bundles>
// kernel: kernel.4.cloned.1.call-start
scs
__scs_entry_jumppad:
0x0: {  	(pc) =	sbr.rel $0x88, $3  }
0x1: {  	(tag) =	ssettag $0x0;
	lr =	simm.s32 $0x1  }
0x2: {  	[smem:$0x3F9D] =	sst lr;
	_ =	strace $0xD0000000  }
0x3: {  	_ = 	snop  }
0x4: {  	_ = 	snop  }
0x5: {  	_ = 	snop  }
0x6: {  	_ = 	snop  }
0x7: {  	_ = 	snop  }
__scs_overlays_trampoline_lowered:
0x8: {  	[smem:$0x3FAC] =	sst s0  }
0x9: {  	[smem:$0x3FAD] =	sst s1  }
0xa: {  	[smem:$0x3FAE] =	sst s2  }
0xb: {  	[smem:$0x3FAF] =	sst s3  }
0xc: {  	[smem:$0x3FB0] =	sst s4  }
0xd: {  	[smem:$0x3FB1] =	sst s5  }
0xe: {  	[smem:$0x3FB2] =	sst s6  }
0xf: {  	[smem:$0x3FB3] =	sst s7  }
0x10: {  	[smem:$0x3FB4] =	sst s8  }
0x11: {  	[smem:$0x3FB5] =	sst s9;
	s0 =	simm.s32 @!p0 $0x0  }
0x12: {  	s1 =	sld [smem:$0x3F9B];
	s0 =	simm.s32 @p0 $0x1  }
0x13: {  	[smem:$0x3FB6] =	sst s0;
	s0 =	simm.s32 @!p1 $0x0  }
0x14: {  	s2 =	sld [smem:$0x3F9A];
	s0 =	simm.s32 @p1 $0x1  }
0x15: {  	[smem:$0x3FB7] =	sst s0;
	s0 =	simm.s32 @!p2 $0x0  }
0x16: {  	s3 =	sld [smem:$0x3FDB];
	s0 =	simm.s32 @p2 $0x1  }
0x17: {  	s4 =	simm.s32 $0x1BF5;
	[smem:$0x3FB9] =	sst s0  }
0x18: {  	s0 =	sld [smem:$0x3F9C];
	_ =	swait.ge [sflag:s4], $0x0  }
0x19: {  	s7 =	sld [smem:$0x3F9D]  }
0x1a: {  	s8 =	sadd.s32 $0xFFFFE003, lr  }
0x1b: {  	s9 =	sadd.s32 $0xFFFFFEF7, lr;
	s5 =	simm.s32 $0xFFFFFFFF;
	p2 =	slt.u32 s8, $0xFFFFF086  }
0x1c: {  	p1 =	slt.u32 s9, $0xF7A;
	s5 =	simm.s32 @!p2 $0x0  }
0x1d: {  	s5 =	simm.s32 @p1 $0x1;
	p0 =	seq.s32 s7, s2  }
0x1e: {  	s7 =	smul.u32 @!p0 $0xF7A, s2;
	p2 =	seq.s32 @!p0 s5, $0x0  }
0x1f: {  	s9 =	smul.u32 $0xF7A, s1;
	s8 =	simm.s32 @!p0 $0x1BF5;
	p2 =	por !p2, p0  }
0x20: {  	[sflag:s8] =	ssyncset.s32 @!p0 $0xFFFFF086;
	s6 =	sadd.s32 @!p0 s3, s7;
	s7 =	simm.s32 @!p0 $0x108  }
0x21: {  	s3 =	sadd.s32 s3, s9;
	s6 =	sadd.s32 @!p0 $0x88, s6;
	s7 =	simm.s32 @p2 $0x1082  }
0x22: {  	[simem:s7], [sflag:s8] =	dma.local @!p0 [hbm:s6], $0xF7A  }
0x23: {  	s9 =	sor.u32 $0xD0000000, s2;
	s6 =	simm.s32 $0x108;
	_ =	swait.ge @!p0 [sflag:s8], $0x0  }
0x24: {  	s3 =	sadd.s32 $0x88, s3;
	s6 =	simm.s32 @!p1 $0x1082;
	[sflag:s4] =	ssyncset.s32 $0xFFFFF086  }
0x25: {  	[simem:s6], [sflag:s4] =	dma.local [hbm:s3], $0xF7A  }
0x26: {  	[smem:$0x3F9D] =	sst s1;
	(tag) =	ssettag s2;
	_ =	strace s9  }
0x27: {  	s1 =	sld [smem:$0x3FAD]  }
0x28: {  	s2 =	sld [smem:$0x3FAE]  }
0x29: {  	s4 =	sld [smem:$0x3FB0]  }
0x2a: {  	p0 =	seq.s32 s5, $0x0;
	s5 =	sld [smem:$0x3FB1]  }
0x2b: {  	s6 =	sld [smem:$0x3FB2]  }
0x2c: {  	s7 =	sld [smem:$0x3FB3]  }
0x2d: {  	s3 =	simm.s32 $0x108;
	s8 =	sld [smem:$0x3FB4]  }
0x2e: {  	s3 =	simm.s32 @!p0 $0x1082;
	s9 =	sld [smem:$0x3FB5]  }
0x2f: {  	lr =	sadd.s32 s0, s3;
	s0 =	sld [smem:$0x3FAC]  }
0x30: {  	s3 =	sld [smem:$0x3FAF]  }
0x31: {  	[smem:$0x3FB8] =	sst s10  }
0x32: {  	s10 =	sld [smem:$0x3FB6];
	_ =	sdelay $0x3  }
0x33: {  	p0 =	seq.s32 s10, $0x1;
	s10 =	sld [smem:$0x3FB8];
	_ =	sdelay $0x3  }
0x34: {  	[smem:$0x3FB8] =	sst s10  }
0x35: {  	s10 =	sld [smem:$0x3FB7];
	_ =	sdelay $0x3  }
0x36: {  	p1 =	seq.s32 s10, $0x1;
	s10 =	sld [smem:$0x3FB8];
	_ =	sdelay $0x3  }
0x37: {  	[smem:$0x3FB8] =	sst s10  }
0x38: {  	s10 =	sld [smem:$0x3FB9]  }
0x39: {  	_ = 	snop;
	(pc) =	sbr.ind lr, $3  }
0x3a: {  	_ = 	snop  }
0x3b: {  	_ = 	snop  }
0x3c: {  	p2 =	seq.s32 s10, $0x1;
	s10 =	sld [smem:$0x3FB8]  }
0x3d: {  	_ =	shalt  }
0x3e: {  	_ =	shalt  }
0x3f: {  	_ =	shalt  }
0x40: {  	_ =	shalt  }
0x41: {  	_ =	shalt  }
0x42: {  	_ =	shalt  }
0x43: {  	_ =	shalt  }
0x44: {  	_ =	shalt  }
0x45: {  	_ =	shalt  }
0x46: {  	_ =	shalt  }
0x47: {  	_ =	shalt  }
0x48: {  	_ =	shalt  }
0x49: {  	_ =	shalt  }
0x4a: {  	_ =	shalt  }
0x4b: {  	_ =	shalt  }
0x4c: {  	_ =	shalt  }
0x4d: {  	_ =	shalt  }
0x4e: {  	_ =	shalt  }
0x4f: {  	_ =	shalt  }
0x50: {  	_ =	shalt  }
0x51: {  	_ =	shalt  }
0x52: {  	_ =	shalt  }
0x53: {  	_ =	shalt  }
0x54: {  	_ =	shalt  }
0x55: {  	_ =	shalt  }
0x56: {  	_ =	shalt  }
0x57: {  	_ =	shalt  }
0x58: {  	_ =	shalt  }
0x59: {  	_ =	shalt  }
0x5a: {  	_ =	shalt  }
0x5b: {  	_ =	shalt  }
0x5c: {  	_ =	shalt  }
0x5d: {  	_ =	shalt  }
0x5e: {  	_ =	shalt  }
0x5f: {  	_ =	shalt  }
0x60: {  	_ =	shalt  }
0x61: {  	_ =	shalt  }
0x62: {  	_ =	shalt  }
0x63: {  	_ =	shalt  }
0x64: {  	_ =	shalt  }
0x65: {  	_ =	shalt  }
0x66: {  	_ =	shalt  }
0x67: {  	_ =	shalt  }
0x68: {  	_ =	shalt  }
0x69: {  	_ =	shalt  }
0x6a: {  	_ =	shalt  }
0x6b: {  	_ =	shalt  }
0x6c: {  	_ =	shalt  }
0x6d: {  	_ =	shalt  }
0x6e: {  	_ =	shalt  }
0x6f: {  	_ =	shalt  }
0x70: {  	_ =	shalt  }
0x71: {  	_ =	shalt  }
0x72: {  	_ =	shalt  }
0x73: {  	_ =	shalt  }
0x74: {  	_ =	shalt  }
0x75: {  	_ =	shalt  }
0x76: {  	_ =	shalt  }
0x77: {  	_ =	shalt  }
0x78: {  	_ =	shalt  }
0x79: {  	_ =	shalt  }
0x7a: {  	_ =	shalt  }
0x7b: {  	_ =	shalt  }
0x7c: {  	_ =	shalt  }
0x7d: {  	_ =	shalt  }
0x7e: {  	_ =	shalt  }
0x7f: {  	_ =	shalt  }
0x80: {  	_ =	shalt  }
0x81: {  	_ =	shalt  }
0x82: {  	_ =	shalt  }
0x83: {  	_ =	shalt  }
0x84: {  	_ =	shalt  }
0x85: {  	_ =	shalt  }
0x86: {  	_ =	shalt  }
0x87: {  	_ =	shalt  }
.Lfunc_end0:
.L_simem_size_0:
called_computation_lowered:
.L_overlay_start_0:
0x88: {  	s2 =	sld [smem:$0x3FD9]  }
0x89: {  	s3 =	sld [smem:$0x3FFE];
	_ =	sdelay $0x1  }
0x8a: {  	s1 =	srdreg.scid  }
0x8b: {  	s0 =	sand.u32 $0x1, s1  }
0x8c: {  	s17 =	sshll.u32 s0, $0xA;
	s2 =	sadd.s32 s3, s2  }
0x8d: {  	s2 =	sadd.s32 s2, s17  }
0x8e: {  	[smem:$0x3FC4] =	sst s2  }
0x8f: {  	_ = 	snop  }
0x90: {  	s2 =	sld [smem:$0x3FC9];
	(tm) =	ssettm $0x1  }
0x91: {  	s18 =	sld [smem:$0x3FFB];
	_ =	sdelay $0x3  }
0x92: {  	_ =	strace s18  }
0x93: {  	s3 =	sld [smem:$0x3FFC];
	_ =	sdelay $0x3  }
0x94: {  	_ =	strace s3  }
0x95: {  	s3 =	sld [smem:$0x3FFD];
	_ =	sdelay $0x3  }
0x96: {  	_ =	strace s3  }
0x97: {  	_ =	strace $0x8FFFFFFF  }
0x98: {  	s19 =	sld [smem:$0x3FDB];
	_ =	sdelay $0x1  }
0x99: {  	s4 =	simm.s32 $_scs_section_size  }
0x9a: {  	s5 =	simm.s32 $_size__tile_overlayer_lowered;
	s6 =	simm.s32 $_tile_overlayer_lowered  }
0x9b: {  	s22 =	simm.s32 $0x1BFF;
	s21 =	sshll.u32 s6, $0x1;
	s3 =	sadd.s32 s4, s19  }
0x9c: {  	s7 =	simm.s32 $0x0;
	s20 =	sshll.u32 s5, $0x1;
	s5 =	sadd.s32 s21, s3  }
0x9d: {  	[timem:s7], [sflag:s22] =	dma.local [hbm:s5], s20  }
0x9e: {  	_ =	swait.ge [sflag:s22], s20  }
0x9f: {  	s4 =	ssub.s32 $0x0, s20;
	[sflag:s22] =	ssyncset.done $0x0  }
0xa0: {  	[sflag:s22] =	ssyncadd.s32 s4;
	_ =	sdelay $0x1  }
0xa1: {  	s23 =	simm.s32 $0x1B8B  }
0xa2: {  	_ =	swait.ge [sflag:s23], $0x1  }
0xa3: {  	[sflag:s23] =	ssyncset.done $0x0  }
0xa4: {  	s25 =	simm.s32 $0x1B8E;
	s24 =	sld [smem:$0x3FFE];
	[sflag:s23] =	ssyncadd.s32 $0xFFFFFFFF  }
0xa5: {  	s26 =	simm.s32 $execute0_lowered;
	[smem:$0x3FD2] =	sst s25  }
0xa6: {  	s5 =	sshll.u32 s26, $0x1;
	_ =	strace $0x80000046;
	[dreg:$0x1] =	wrdreg $0xFFFFFFFF  }
0xa7: {  	s28 =	simm.s32 $_size_execute0_lowered;
	s3 =	sadd.s32 s3, s5;
	[dreg:$0x0] =	wrdreg $0x0  }
0xa8: {  	s5 =	sshll.u32 s28, $0x1;
	[dreg:$0x2] =	wrdreg s3  }
0xa9: {  	[dreg:$0x3] =	wrdreg s5  }
0xaa: {  	[dreg:$0x4] =	wrdreg $0xC0  }
0xab: {  	_ =	task [dreg:s7], $0x5FFFF  }
0xac: {  	[dreg:$0x1] =	wrdreg $0xFFFFFFFF  }
0xad: {  	[dreg:$0x0] =	wrdreg $0x60  }
0xae: {  	[dreg:$0x2] =	wrdreg s2  }
0xaf: {  	[dreg:$0x3] =	wrdreg s24  }
0xb0: {  	[dreg:$0x4] =	wrdreg $0x0  }
0xb1: {  	[dreg:$0x5] =	wrdreg $0x9  }
0xb2: {  	_ =	task.clear_ibuf [dreg:s7], $0x6FFFF;
	_ =	strace $0x90000046  }
0xb3: {  	s29 =	simm.s32 $0x9;
	_ =	strace $0x8000004E  }
0xb4: {  	_ =	swait.ge [sflag:s29], $0x1  }
0xb5: {  	[sflag:s29] =	ssyncadd.s32 $0xFFFFFFFF  }
0xb6: {  	_ =	strace $0x9000004E  }
0xb7: {  	_ =	sfence  }
0xb8: {  	s30 =	sld [smem:$0x0];
	_ =	sdelay $0x2  }
0xb9: {  	s31 =	sshll.u32 s1, $0xD;
	s1 =	sshrl.u32 s1, $0x2  }
0xba: {  	s3 =	sand.u32 $0x4000, s31;
	s1 =	sadd.s32 s1, s30  }
0xbb: {  	s0 =	sor.u32 s3, s0;
	s1 =	sshll.u32 s1, $0x11  }
0xbc: {  	s0 =	sor.u32 s1, s0  }
0xbd: {  	s0 =	sadd.s32 $0x8F2B, s0  }
0xbe: {  	[sflag:s0] =	ssyncadd.remote.s32 $0x1  }
0xbf: {  	_ =	sfence.sel $0xFFFF  }
0xc0: {  	[dreg:$0x0] =	wrdreg $0xFFFFFFFF;
	(pc) =	sbr.abs _section_cstart, $3  }
0xc1: {  	[dreg:$0x1] =	wrdreg $0xFFFFFFFF  }
0xc2: {  	_ =	task.clear_ibuf [dreg:s7], $0x2FFFF;
	_ =	strace $0x9FFFFFFF  }
0xc3: {  	(tm) =	ssettm $0x7FFFFFFF  }
tec
execute0_lowered:
.L_overlay_start_1:
0x0: {  	(tag) =	ssettag $0x1  }
0x1: {  	s0 =	srdreg.scid;
	s26 =	stileid.u32  }
0x2: {  	s2 =	sand.u32 $0x1, s0;
	s3 =	smul.u32 $0x278, s26  }
0x3: {  	s5 =	smul.u32 $0x2780, s2;
	_ =	sdelay $0x1  }
0x4: {  	s7 =	ssub.s32 $0x2, s2;
	s3 =	sadd.s32 s3, s5  }
0x5: {  	s0 =	rddreg [dreg:$0x1];
	s18 =	sshrl.u32 s7, $0x1;
	s8 =	sshll.u32 s3, $0x4  }
0x6: {  	s6 =	sadd.s32 $0x50E00, s0;
	s3 =	ssub.s32 s7, s18;
	s7 =	sadd.s32 $0x400, s8  }
0x7: {  	s9 =	sadd.s32 s6, s7  }
0x8: {  	[dreg:$0x6] =	wrdreg s9;
	s9 =	sadd.s32 $0x600, s8  }
0x9: {  	s11 =	sadd.s32 s6, s9  }
0xa: {  	s1 =	simm.s32 $0x0;
	[dreg:$0x7] =	wrdreg s11;
	s11 =	sadd.s32 $0xA00, s8  }
0xb: {  	[smem:$0x7FF] =	sst s1;
	s12 =	sadd.s32 s6, s11  }
0xc: {  	s19 =	sadd.s32 s6, s8;
	[dreg:$0x9] =	wrdreg s12;
	s12 =	sadd.s32 $0xC00, s8  }
0xd: {  	s5 =	sadd.s32 $0x200, s8;
	[dreg:$0x4] =	wrdreg s19;
	s14 =	sadd.s32 s6, s12  }
0xe: {  	s20 =	sadd.s32 s6, s5;
	[dreg:$0xa] =	wrdreg s14;
	s14 =	sadd.s32 $0x1000, s8  }
0xf: {  	s10 =	sadd.s32 $0x800, s8;
	[dreg:$0x5] =	wrdreg s20;
	s15 =	sadd.s32 s6, s14  }
0x10: {  	s21 =	sadd.s32 s6, s10;
	[dreg:$0xc] =	wrdreg s15;
	s15 =	sadd.s32 $0x1200, s8  }
0x11: {  	s13 =	sadd.s32 $0xE00, s8;
	[dreg:$0x8] =	wrdreg s21;
	s17 =	sadd.s32 s6, s15  }
0x12: {  	s22 =	sadd.s32 s6, s13;
	[dreg:$0xd] =	wrdreg s17;
	s17 =	sadd.s32 $0x1600, s8  }
0x13: {  	s16 =	sadd.s32 $0x1400, s8;
	[dreg:$0xb] =	wrdreg s22;
	s18 =	sadd.s32 s6, s17  }
0x14: {  	s23 =	sadd.s32 s6, s16;
	[dreg:$0xf] =	wrdreg s18;
	s18 =	sadd.s32 $0x1800, s8  }
0x15: {  	s4 =	sadd.s32 $0x9FE00, s0;
	[dreg:$0xe] =	wrdreg s23;
	s20 =	sadd.s32 s6, s18  }
0x16: {  	s5 =	sadd.s32 s4, s5;
	[dreg:$0x10] =	wrdreg s20;
	s20 =	sadd.s32 $0x1C00, s8  }
0x17: {  	s19 =	sadd.s32 $0x1A00, s8;
	[dreg:$0x19] =	wrdreg s5;
	s21 =	sadd.s32 s6, s20  }
0x18: {  	s24 =	sadd.s32 s6, s19;
	[dreg:$0x12] =	wrdreg s21;
	s21 =	sadd.s32 $0x1E00, s8  }
0x19: {  	s22 =	sadd.s32 $0x2000, s8;
	[dreg:$0x11] =	wrdreg s24;
	s23 =	sadd.s32 s6, s21  }
0x1a: {  	s25 =	sadd.s32 s6, s22;
	[dreg:$0x13] =	wrdreg s23;
	s23 =	sadd.s32 $0x2200, s8  }
0x1b: {  	[dreg:$0x14] =	wrdreg s25;
	s25 =	sadd.s32 $0x2600, s8;
	s24 =	sadd.s32 s6, s23  }
0x1c: {  	[dreg:$0x15] =	wrdreg s24;
	s24 =	sadd.s32 $0x2400, s8;
	s8 =	sadd.s32 s4, s8  }
0x1d: {  	s28 =	sadd.s32 s6, s24;
	[dreg:$0x18] =	wrdreg s8  }
0x1e: {  	s6 =	sadd.s32 s6, s25;
	[dreg:$0x16] =	wrdreg s28  }
0x1f: {  	s8 =	sadd.s32 s4, s10;
	[dreg:$0x17] =	wrdreg s6  }
0x20: {  	s10 =	sadd.s32 s4, s12;
	[dreg:$0x1c] =	wrdreg s8  }
0x21: {  	s12 =	sadd.s32 s4, s14;
	[dreg:$0x1e] =	wrdreg s10  }
0x22: {  	s14 =	sadd.s32 s4, s16;
	[smem:$0x7DF] =	sst s12  }
0x23: {  	s16 =	sadd.s32 s4, s18;
	[smem:$0x7E1] =	sst s14  }
0x24: {  	s18 =	sadd.s32 s4, s20;
	[smem:$0x7E3] =	sst s16  }
0x25: {  	s20 =	sadd.s32 s4, s22;
	[smem:$0x7E5] =	sst s18  }
0x26: {  	[smem:$0x7E7] =	sst s20  }
0x27: {  	s6 =	sadd.s32 s4, s7;
	s12 =	rddreg [dreg:$0x2]  }
0x28: {  	s7 =	sadd.s32 s4, s9;
	[dreg:$0x1a] =	wrdreg s6  }
0x29: {  	s9 =	sadd.s32 s4, s11;
	[dreg:$0x1b] =	wrdreg s7  }
0x2a: {  	s11 =	sadd.s32 s4, s13;
	[dreg:$0x1d] =	wrdreg s9  }
0x2b: {  	s13 =	sadd.s32 s4, s15;
	[dreg:$0x1f] =	wrdreg s11  }
0x2c: {  	s15 =	sadd.s32 s4, s17;
	[smem:$0x7E0] =	sst s13  }
0x2d: {  	s2 =	sshll.u32 s2, $0x4;
	s17 =	sadd.s32 s4, s19;
	[smem:$0x7E2] =	sst s15  }
0x2e: {  	s2 =	sor.u32 s26, s2;
	[smem:$0x7E4] =	sst s17  }
0x2f: {  	s2 =	smul.u32 $0xA000, s2;
	s19 =	sadd.s32 s4, s21;
	s9 =	rddreg [dreg:$0x0]  }
0x30: {  	s22 =	smul.u32 $0x4F000, s26;
	s21 =	sadd.s32 s4, s23;
	[smem:$0x7E6] =	sst s19  }
0x31: {  	s23 =	sadd.s32 s4, s24;
	s4 =	sadd.s32 s4, s25;
	[smem:$0x7E8] =	sst s21  }
0x32: {  	s16 =	sadd.s32 $0xE00, s0;
	s25 =	sshrl.u32 s2, $0x3;
	[smem:$0x7E9] =	sst s23  }
0x33: {  	s10 =	smax.u32 s3, $0x1;
	[smem:$0x7EA] =	sst s4;
	s6 =	sadd.s32 s16, s25  }
0x34: {  	s17 =	sadd.s32 $0x28E00, s0;
	_ =	strace $0x80000047;
	[smem:$0x7EB] =	sst s6  }
0x35: {  	s26 =	sor.u32 $0x10, s25;
	s7 =	sadd.s32 s17, s25;
	[smem:$0x7EF] =	sst s10  }
0x36: {  	s24 =	sshrl.u32 s22, $0x2;
	s8 =	sadd.s32 s16, s26;
	[smem:$0x7EC] =	sst s7  }
0x37: {  	s18 =	sadd.s32 s24, s12;
	s0 =	sadd.s32 s17, s26;
	[smem:$0x7ED] =	sst s8  }
0x38: {  	[smem:$0x7EE] =	sst s0;
	s11 =	sadd.s32 $0x3000, s18  }
0x39: {  	s13 =	sadd.s32 $0x4000, s18;
	[smem:$0x7F0] =	sst s11  }
0x3a: {  	s29 =	simm.s32 $0x5;
	s14 =	sadd.s32 $0x5000, s18;
	[smem:$0x7F1] =	sst s13  }
0x3b: {  	s30 =	simm.s32 $0x14E00;
	s15 =	sadd.s32 $0x6000, s18;
	[smem:$0x7F2] =	sst s14  }
0x3c: {  	s31 =	simm.s32 $0x3;
	s19 =	sadd.s32 $0x7000, s18;
	[smem:$0x7F3] =	sst s15  }
0x3d: {  	s28 =	simm.s32 $0x2;
	s20 =	sadd.s32 $0x8000, s18;
	[smem:$0x7F4] =	sst s19  }
0x3e: {  	s3 =	simm.s32 $0x4;
	s21 =	sadd.s32 $0x9000, s18;
	[smem:$0x7F5] =	sst s20  }
0x3f: {  	s4 =	simm.s32 $0x0;
	s22 =	sadd.s32 $0xA000, s18;
	[smem:$0x7F6] =	sst s21  }
0x40: {  	s7 =	sadd.s32 $0x1000, s18;
	s23 =	sadd.s32 $0xB000, s18;
	[smem:$0x7F7] =	sst s22  }
0x41: {  	s8 =	sadd.s32 $0x2000, s18;
	s24 =	sadd.s32 $0xC000, s18;
	[smem:$0x7F8] =	sst s23  }
0x42: {  	s25 =	sadd.s32 $0xD000, s18;
	s26 =	sadd.s32 $0xE000, s18;
	[smem:$0x7F9] =	sst s24  }
0x43: {  	s10 =	sadd.s32 $0xF000, s18;
	s0 =	simm.s32 $0x6;
	[smem:$0x7FA] =	sst s25  }
0x44: {  	[smem:$0x7FB] =	sst s26;
	s11 =	sadd.s32 $0x10000, s18;
	s13 =	sadd.s32 $0x11000, s18  }
0x45: {  	s14 =	sadd.s32 $0x12000, s18;
	s15 =	sadd.s32 $0x13000, s18;
	s19 =	simm.s32 $0x13E00  }
0x46: {  	s21 =	simm.s32 $0x7;
	s23 =	simm.s32 $0x13C00;
	s20 =	simm.s32 $0x13D00  }
0x47: {  	s22 =	simm.s32 $0x13C80;
	s24 =	simm.s32 $0x13D80;
	[smem:$0x7FC] =	sst s7  }
0x48: {  	v0 =	vimm.f32 $0.0e+00;
	v1 =	vimm.f32 $1.000000000e+00;
	s25 =	simm.s32 $0x1;
	s26 =	simm.s32 $0x20;
	[smem:$0x7FD] =	sst s8  }
.LBB2_1:
0x49: {  	_ =	strace $0x80000048;
	s5 =	simm.s32 $0x0;
	s6 =	simm.s32 $0x200  }
.LBB2_2:
0x4a: {  	p0 =	sne.s32 s6, $0x3E00;
	[tilespmem:s5+$0x13E70] =	vst v0  }
0x4b: {  	[tilespmem:s5+$0x13E00] =	vst v0  }
0x4c: {  	[tilespmem:s5+$0x13E10] =	vst v0  }
.Ltmp0:
0x4d: {  	[tilespmem:s5+$0x13E20] =	vst v0;
	(pc) =	sbr.rel @p0 .LBB2_2-.Ltmp0, $4  }
0x4e: {  	[tilespmem:s5+$0x13E30] =	vst v0  }
0x4f: {  	[tilespmem:s5+$0x13E40] =	vst v0  }
0x50: {  	[tilespmem:s5+$0x13E50] =	vst v0  }
0x51: {  	[tilespmem:s5+$0x13E60] =	vst v0;
	s5 =	sshra.s32 s6, $0x2;
	s6 =	sadd.s32 $0x200, s6  }
0x52: {  	[tilespmem:s5+$0x13E70] =	vst v0  }
0x53: {  	[tilespmem:s5+$0x13E00] =	vst v0  }
0x54: {  	[tilespmem:s5+$0x13E10] =	vst v0  }
0x55: {  	[tilespmem:s5+$0x13E20] =	vst v0  }
0x56: {  	[tilespmem:s5+$0x13E30] =	vst v0  }
0x57: {  	[tilespmem:s5+$0x13E40] =	vst v0  }
0x58: {  	[tilespmem:s5+$0x13E50] =	vst v0  }
0x59: {  	[tilespmem:s5+$0x13E60] =	vst v0  }
0x5a: {  	[spmem:s18] =	stream.linear.scatter [tilespmem:s19], [sflag:$0x7], $0x1000, $0x200038;
	[tilespmem:$0x15E00] =	vst v63  }
0x5b: {  	_ =	swait.ge [sflag:s21], $0x1000  }
0x5c: {  	[sflag:s21] =	ssyncset.done $0x0  }
0x5d: {  	[sflag:s21] =	ssyncadd.s32 $0xFFFFF000  }
0x5e: {  	[spmem:s7] =	stream.linear.scatter [tilespmem:s19], [sflag:$0x7], $0x1000, $0x200038;
	[tilespmem:$0x15E00] =	vst v63  }
0x5f: {  	_ =	swait.ge [sflag:s21], $0x1000  }
0x60: {  	[sflag:s21] =	ssyncset.done $0x0  }
0x61: {  	[sflag:s21] =	ssyncadd.s32 $0xFFFFF000  }
0x62: {  	[spmem:s8] =	stream.linear.scatter [tilespmem:s19], [sflag:$0x7], $0x1000, $0x200038;
	[tilespmem:$0x15E00] =	vst v63  }
0x63: {  	_ =	swait.ge [sflag:s21], $0x1000  }
0x64: {  	s6 =	sld [smem:$0x7F0]  }
0x65: {  	[sflag:s21] =	ssyncset.done $0x0  }
0x66: {  	[sflag:s21] =	ssyncadd.s32 $0xFFFFF000  }
0x67: {  	[spmem:s6] =	stream.linear.scatter [tilespmem:s19], [sflag:$0x7], $0x1000, $0x200038;
	[tilespmem:$0x15E00] =	vst v63  }
0x68: {  	_ =	swait.ge [sflag:s21], $0x1000  }
0x69: {  	s7 =	sld [smem:$0x7F1]  }
0x6a: {  	[sflag:s21] =	ssyncset.done $0x0  }
0x6b: {  	[sflag:s21] =	ssyncadd.s32 $0xFFFFF000  }
0x6c: {  	[spmem:s7] =	stream.linear.scatter [tilespmem:s19], [sflag:$0x7], $0x1000, $0x200038;
	[tilespmem:$0x15E00] =	vst v63  }
0x6d: {  	_ =	swait.ge [sflag:s21], $0x1000  }
0x6e: {  	s8 =	sld [smem:$0x7F2]  }
0x6f: {  	[sflag:s21] =	ssyncset.done $0x0  }
0x70: {  	[sflag:s21] =	ssyncadd.s32 $0xFFFFF000  }
0x71: {  	[spmem:s8] =	stream.linear.scatter [tilespmem:s19], [sflag:$0x7], $0x1000, $0x200038;
	[tilespmem:$0x15E00] =	vst v63  }
0x72: {  	_ =	swait.ge [sflag:s21], $0x1000  }
0x73: {  	s6 =	sld [smem:$0x7F3]  }
0x74: {  	[sflag:s21] =	ssyncset.done $0x0  }
0x75: {  	[sflag:s21] =	ssyncadd.s32 $0xFFFFF000  }
0x76: {  	[spmem:s6] =	stream.linear.scatter [tilespmem:s19], [sflag:$0x7], $0x1000, $0x200038;
	[tilespmem:$0x15E00] =	vst v63  }
0x77: {  	_ =	swait.ge [sflag:s21], $0x1000  }
0x78: {  	s7 =	sld [smem:$0x7F4]  }
0x79: {  	[sflag:s21] =	ssyncset.done $0x0  }
0x7a: {  	[sflag:s21] =	ssyncadd.s32 $0xFFFFF000  }
0x7b: {  	[spmem:s7] =	stream.linear.scatter [tilespmem:s19], [sflag:$0x7], $0x1000, $0x200038;
	[tilespmem:$0x15E00] =	vst v63  }
0x7c: {  	_ =	swait.ge [sflag:s21], $0x1000  }
0x7d: {  	s8 =	sld [smem:$0x7F5]  }
0x7e: {  	[sflag:s21] =	ssyncset.done $0x0  }
0x7f: {  	[sflag:s21] =	ssyncadd.s32 $0xFFFFF000  }
0x80: {  	[spmem:s8] =	stream.linear.scatter [tilespmem:s19], [sflag:$0x7], $0x1000, $0x200038;
	[tilespmem:$0x15E00] =	vst v63  }
0x81: {  	_ =	swait.ge [sflag:s21], $0x1000  }
0x82: {  	s6 =	sld [smem:$0x7F6]  }
0x83: {  	[sflag:s21] =	ssyncset.done $0x0  }
0x84: {  	[sflag:s21] =	ssyncadd.s32 $0xFFFFF000  }
0x85: {  	[spmem:s6] =	stream.linear.scatter [tilespmem:s19], [sflag:$0x7], $0x1000, $0x200038;
	[tilespmem:$0x15E00] =	vst v63  }
0x86: {  	_ =	swait.ge [sflag:s21], $0x1000  }
0x87: {  	s7 =	sld [smem:$0x7F7]  }
0x88: {  	[sflag:s21] =	ssyncset.done $0x0  }
0x89: {  	[sflag:s21] =	ssyncadd.s32 $0xFFFFF000  }
0x8a: {  	[spmem:s7] =	stream.linear.scatter [tilespmem:s19], [sflag:$0x7], $0x1000, $0x200038;
	[tilespmem:$0x15E00] =	vst v63  }
0x8b: {  	_ =	swait.ge [sflag:s21], $0x1000  }
0x8c: {  	s8 =	sld [smem:$0x7F8]  }
0x8d: {  	[sflag:s21] =	ssyncset.done $0x0  }
0x8e: {  	[sflag:s21] =	ssyncadd.s32 $0xFFFFF000  }
0x8f: {  	[spmem:s8] =	stream.linear.scatter [tilespmem:s19], [sflag:$0x7], $0x1000, $0x200038;
	[tilespmem:$0x15E00] =	vst v63  }
0x90: {  	_ =	swait.ge [sflag:s21], $0x1000  }
0x91: {  	s6 =	sld [smem:$0x7F9]  }
0x92: {  	[sflag:s21] =	ssyncset.done $0x0  }
0x93: {  	[sflag:s21] =	ssyncadd.s32 $0xFFFFF000  }
0x94: {  	[spmem:s6] =	stream.linear.scatter [tilespmem:s19], [sflag:$0x7], $0x1000, $0x200038;
	[tilespmem:$0x15E00] =	vst v63  }
0x95: {  	_ =	swait.ge [sflag:s21], $0x1000  }
0x96: {  	s7 =	sld [smem:$0x7FA]  }
0x97: {  	[sflag:s21] =	ssyncset.done $0x0  }
0x98: {  	[sflag:s21] =	ssyncadd.s32 $0xFFFFF000  }
0x99: {  	[spmem:s7] =	stream.linear.scatter [tilespmem:s19], [sflag:$0x7], $0x1000, $0x200038;
	[tilespmem:$0x15E00] =	vst v63  }
0x9a: {  	_ =	swait.ge [sflag:s21], $0x1000  }
0x9b: {  	s8 =	sld [smem:$0x7FB]  }
0x9c: {  	[sflag:s21] =	ssyncset.done $0x0  }
0x9d: {  	[sflag:s21] =	ssyncadd.s32 $0xFFFFF000  }
0x9e: {  	[spmem:s8] =	stream.linear.scatter [tilespmem:s19], [sflag:$0x7], $0x1000, $0x200038;
	[tilespmem:$0x15E00] =	vst v63  }
0x9f: {  	_ =	swait.ge [sflag:s21], $0x1000  }
0xa0: {  	[sflag:s21] =	ssyncset.done $0x0  }
0xa1: {  	[sflag:s21] =	ssyncadd.s32 $0xFFFFF000  }
0xa2: {  	[spmem:s10] =	stream.linear.scatter [tilespmem:s19], [sflag:$0x7], $0x1000, $0x200038;
	[tilespmem:$0x15E00] =	vst v63  }
0xa3: {  	_ =	swait.ge [sflag:s21], $0x1000  }
0xa4: {  	[sflag:s21] =	ssyncset.done $0x0  }
0xa5: {  	[sflag:s21] =	ssyncadd.s32 $0xFFFFF000  }
0xa6: {  	[spmem:s11] =	stream.linear.scatter [tilespmem:s19], [sflag:$0x7], $0x1000, $0x200038;
	[tilespmem:$0x15E00] =	vst v63  }
0xa7: {  	_ =	swait.ge [sflag:s21], $0x1000  }
0xa8: {  	[sflag:s21] =	ssyncset.done $0x0  }
0xa9: {  	[sflag:s21] =	ssyncadd.s32 $0xFFFFF000  }
0xaa: {  	[spmem:s13] =	stream.linear.scatter [tilespmem:s19], [sflag:$0x7], $0x1000, $0x200038;
	[tilespmem:$0x15E00] =	vst v63  }
0xab: {  	_ =	swait.ge [sflag:s21], $0x1000  }
0xac: {  	[sflag:s21] =	ssyncset.done $0x0  }
0xad: {  	[sflag:s21] =	ssyncadd.s32 $0xFFFFF000  }
0xae: {  	[spmem:s14] =	stream.linear.scatter [tilespmem:s19], [sflag:$0x7], $0x1000, $0x200038;
	[tilespmem:$0x15E00] =	vst v63  }
0xaf: {  	_ =	swait.ge [sflag:s21], $0x1000  }
0xb0: {  	[sflag:s21] =	ssyncset.done $0x0  }
0xb1: {  	[sflag:s21] =	ssyncadd.s32 $0xFFFFF000  }
0xb2: {  	[spmem:s15] =	stream.linear.scatter [tilespmem:s19], [sflag:$0x7], $0xC00, $0x200038;
	[tilespmem:$0x15E00] =	vst v63  }
0xb3: {  	_ =	swait.ge [sflag:s21], $0xC00  }
0xb4: {  	[sflag:s21] =	ssyncset.done $0x0  }
0xb5: {  	[sflag:s21] =	ssyncadd.s32 $0xFFFFF400  }
0xb6: {  	[bflag:$0x0] =	sbarrier.arrive $0xFFFF  }
0xb7: {  	_ =	strace $0x90000048  }
0xb8: {  	s6 =	sld [smem:$0x7EB];
	_ =	sdelay $0x1  }
0xb9: {  	s7 =	sld [smem:$0x7EC]  }
0xba: {  	[tilespmem:s23], [sflag:$0x1] =	stream.linear.gather [hbm4b:s6+s1], $0x80, $0x38;
	[tilespmem:$0x15E00] =	vst v63  }
0xbb: {  	s8 =	sld [smem:$0x7ED]  }
0xbc: {  	[tilespmem:s20], [sflag:$0x3] =	stream.linear.gather [hbm4b:s7+s1], $0x80, $0x38;
	[tilespmem:$0x15E00] =	vst v63  }
0xbd: {  	s6 =	sld [smem:$0x7EE]  }
0xbe: {  	[tilespmem:s22], [sflag:$0x2] =	stream.linear.gather [hbm4b:s8+s1], $0x80, $0x38;
	[tilespmem:$0x15E00] =	vst v63  }
0xbf: {  	_ = 	snop  }
0xc0: {  	[tilespmem:s24], [sflag:$0x4] =	stream.linear.gather [hbm4b:s6+s1], $0x80, $0x38;
	[tilespmem:$0x15E00] =	vst v63  }
0xc1: {  	_ =	swait.ge [sflag:s25], $0x80  }
0xc2: {  	[sflag:s25] =	ssyncset.done $0x0  }
0xc3: {  	[sflag:s25] =	ssyncadd.s32 $0xFFFFFF80  }
0xc4: {  	[tilespmem:s19], [sflag:$0x5] =	stream.indirect.gather [hbm4b:s9+s26], $0x80, s23, s26, $0xb8;
	[tilespmem:$0x15E00] =	vst v63  }
0xc5: {  	_ =	strace $0x80000049  }
0xc6: {  	_ =	swait.ge [sflag:s28], $0x80  }
0xc7: {  	[sflag:s28] =	ssyncset.done $0x0  }
0xc8: {  	[sflag:s28] =	ssyncadd.s32 $0xFFFFFF80  }
0xc9: {  	_ =	swait.ge [sflag:s29], $0x1000  }
0xca: {  	[sflag:s29] =	ssyncset.done $0x0  }
0xcb: {  	[sflag:s29] =	ssyncadd.s32 $0xFFFFF000  }
0xcc: {  	[tilespmem:s30], [sflag:$0x6] =	stream.indirect.gather [hbm4b:s9+s26], $0x80, s22, s26, $0x2000b8;
	[tilespmem:$0x15E00] =	vst v63  }
0xcd: {  	s7 =	simm.s32 $0x100;
	_ =	swait.ge [sflag:s31], $0x80  }
0xce: {  	s6 =	sand.u32 $0x1FC00, s7;
	[sflag:s31] =	ssyncset.done $0x0  }
0xcf: {  	s5 =	sand.u32 $0x300, s7;
	s6 =	sadd.s32 s2, s6;
	[sflag:s31] =	ssyncadd.s32 $0xFFFFFF80  }
0xd0: {  	[spmem:s12] =	stream.indirect.scatter.add.f32 [tilespmem:s19], [sflag:$0x7], $0x80, s20, s26, $0x2000b8;
	[tilespmem:$0x15E00] =	vst v63  }
0xd1: {  	s5 =	sor.u32 s5, s6;
	_ =	swait.ge [sflag:s21], $0x1000  }
0xd2: {  	s5 =	sshrl.u32 s5, $0x3;
	[sflag:s21] =	ssyncset.done $0x0  }
0xd3: {  	s8 =	sadd.s32 s16, s5;
	[sflag:s21] =	ssyncadd.s32 $0xFFFFF000  }
0xd4: {  	[tilespmem:s23], [sflag:$0x1] =	stream.linear.gather [hbm4b:s8+s1], $0x80, $0x200038;
	[tilespmem:$0x15E00] =	vst v63  }
0xd5: {  	s5 =	sadd.s32 s17, s5  }
0xd6: {  	[tilespmem:s20], [sflag:$0x3] =	stream.linear.gather [hbm4b:s5+s1], $0x80, $0x200038;
	[tilespmem:$0x15E00] =	vst v63  }
0xd7: {  	_ =	swait.ge [sflag:s25], $0x80  }
0xd8: {  	[sflag:s25] =	ssyncset.done $0x0  }
0xd9: {  	[sflag:s25] =	ssyncadd.s32 $0xFFFFFF80  }
0xda: {  	_ =	swait.ge [sflag:s0], $0x1000  }
0xdb: {  	[sflag:s0] =	ssyncset.done $0x0  }
0xdc: {  	[sflag:s0] =	ssyncadd.s32 $0xFFFFF000  }
0xdd: {  	[tilespmem:s19], [sflag:$0x5] =	stream.indirect.gather [hbm4b:s9+s26], $0x80, s23, s26, $0x2000b8;
	[tilespmem:$0x15E00] =	vst v63  }
0xde: {  	s7 =	simm.s32 $0x180;
	_ =	swait.ge [sflag:s3], $0x80  }
0xdf: {  	s8 =	sand.u32 $0x1FC00, s7;
	[sflag:s3] =	ssyncset.done $0x0  }
0xe0: {  	s6 =	sadd.s32 s2, s8;
	s5 =	sand.u32 $0x380, s7;
	[sflag:s3] =	ssyncadd.s32 $0xFFFFFF80  }
0xe1: {  	[spmem:s12] =	stream.indirect.scatter.add.f32 [tilespmem:s30], [sflag:$0x7], $0x80, s24, s26, $0x2000b8;
	[tilespmem:$0x15E00] =	vst v63  }
0xe2: {  	s5 =	sor.u32 s5, s6;
	_ =	swait.ge [sflag:s21], $0x1000  }
0xe3: {  	s6 =	sshrl.u32 s5, $0x3;
	[sflag:s21] =	ssyncset.done $0x0  }
0xe4: {  	s5 =	sadd.s32 s16, s6;
	[sflag:s21] =	ssyncadd.s32 $0xFFFFF000  }
0xe5: {  	[tilespmem:s22], [sflag:$0x2] =	stream.linear.gather [hbm4b:s5+s1], $0x80, $0x200038;
	[tilespmem:$0x15E00] =	vst v63  }
0xe6: {  	s7 =	sadd.s32 s17, s6;
	s5 =	simm.s32 $0x280  }
.LBB2_4:
0xe7: {  	p0 =	sne.s32 s5, $0x9D80;
	s6 =	smov.u32 s5;
	s5 =	sadd.s32 $0x100, s5  }
0xe8: {  	[tilespmem:s24], [sflag:$0x4] =	stream.linear.gather [hbm4b:s7+s1], $0x80, $0x200038;
	[tilespmem:$0x15E00] =	vst v63  }
0xe9: {  	_ =	swait.ge [sflag:s28], $0x80  }
0xea: {  	[sflag:s28] =	ssyncset.done $0x0  }
0xeb: {  	[sflag:s28] =	ssyncadd.s32 $0xFFFFFF80  }
0xec: {  	_ =	swait.ge [sflag:s29], $0x1000  }
0xed: {  	[sflag:s29] =	ssyncset.done $0x0  }
0xee: {  	[sflag:s29] =	ssyncadd.s32 $0xFFFFF000  }
0xef: {  	[tilespmem:s30], [sflag:$0x6] =	stream.indirect.gather [hbm4b:s9+s26], $0x80, s22, s26, $0x2000b8;
	[tilespmem:$0x15E00] =	vst v63  }
0xf0: {  	_ =	swait.ge [sflag:s31], $0x80  }
0xf1: {  	s7 =	sadd.s32 $0xFFFFFF80, s6;
	[sflag:s31] =	ssyncset.done $0x0  }
0xf2: {  	s8 =	sand.u32 $0x1FC00, s7;
	s7 =	sand.u32 $0x300, s7;
	[sflag:s31] =	ssyncadd.s32 $0xFFFFFF80  }
0xf3: {  	[spmem:s12] =	stream.indirect.scatter.add.f32 [tilespmem:s19], [sflag:$0x7], $0x80, s20, s26, $0x2000b8;
	[tilespmem:$0x15E00] =	vst v63  }
0xf4: {  	s8 =	sadd.s32 s2, s8;
	_ =	swait.ge [sflag:s21], $0x1000  }
0xf5: {  	s7 =	sor.u32 s7, s8;
	[sflag:s21] =	ssyncset.done $0x0  }
0xf6: {  	s7 =	sshrl.u32 s7, $0x3;
	[sflag:s21] =	ssyncadd.s32 $0xFFFFF000  }
0xf7: {  	s8 =	sadd.s32 s16, s7;
	s7 =	sadd.s32 s17, s7  }
0xf8: {  	[tilespmem:s23], [sflag:$0x1] =	stream.linear.gather [hbm4b:s8+s1], $0x80, $0x200038;
	[tilespmem:$0x15E00] =	vst v63  }
0xf9: {  	_ = 	snop  }
0xfa: {  	[tilespmem:s20], [sflag:$0x3] =	stream.linear.gather [hbm4b:s7+s1], $0x80, $0x200038;
	[tilespmem:$0x15E00] =	vst v63  }
0xfb: {  	_ =	swait.ge [sflag:s25], $0x80  }
0xfc: {  	[sflag:s25] =	ssyncset.done $0x0  }
0xfd: {  	[sflag:s25] =	ssyncadd.s32 $0xFFFFFF80  }
0xfe: {  	_ =	swait.ge [sflag:s0], $0x1000  }
0xff: {  	[sflag:s0] =	ssyncset.done $0x0  }
0x100: {  	[sflag:s0] =	ssyncadd.s32 $0xFFFFF000  }
0x101: {  	[tilespmem:s19], [sflag:$0x5] =	stream.indirect.gather [hbm4b:s9+s26], $0x80, s23, s26, $0x2000b8;
	[tilespmem:$0x15E00] =	vst v63  }
0x102: {  	_ =	swait.ge [sflag:s3], $0x80  }
0x103: {  	s7 =	sand.u32 $0x1FC00, s6;
	[sflag:s3] =	ssyncset.done $0x0  }
0x104: {  	s6 =	sand.u32 $0x380, s6;
	s7 =	sadd.s32 s2, s7;
	[sflag:s3] =	ssyncadd.s32 $0xFFFFFF80  }
0x105: {  	[spmem:s12] =	stream.indirect.scatter.add.f32 [tilespmem:s30], [sflag:$0x7], $0x80, s24, s26, $0x2000b8;
	[tilespmem:$0x15E00] =	vst v63  }
.Ltmp1:
0x106: {  	_ = 	snop;
	(pc) =	sbr.rel @p0 .LBB2_4-.Ltmp1, $4  }
0x107: {  	s6 =	sor.u32 s6, s7;
	_ =	swait.ge [sflag:s21], $0x1000  }
0x108: {  	s6 =	sshrl.u32 s6, $0x3;
	[sflag:s21] =	ssyncset.done $0x0  }
0x109: {  	s8 =	sadd.s32 s16, s6;
	s7 =	sadd.s32 s17, s6;
	[sflag:s21] =	ssyncadd.s32 $0xFFFFF000  }
0x10a: {  	[tilespmem:s22], [sflag:$0x2] =	stream.linear.gather [hbm4b:s8+s1], $0x80, $0x200038;
	[tilespmem:$0x15E00] =	vst v63  }
0x10b: {  	[tilespmem:s24], [sflag:$0x4] =	stream.linear.gather [hbm4b:s7+s1], $0x80, $0x200038;
	[tilespmem:$0x15E00] =	vst v63  }
0x10c: {  	_ =	swait.ge [sflag:s29], $0x1000  }
0x10d: {  	[sflag:s29] =	ssyncset.done $0x0  }
0x10e: {  	[sflag:s29] =	ssyncadd.s32 $0xFFFFF000  }
0x10f: {  	_ =	swait.ge [sflag:s31], $0x80  }
0x110: {  	[sflag:s31] =	ssyncset.done $0x0  }
0x111: {  	[sflag:s31] =	ssyncadd.s32 $0xFFFFFF80  }
0x112: {  	_ =	swait.ge [sflag:s28], $0x80  }
0x113: {  	[sflag:s28] =	ssyncset.done $0x0  }
0x114: {  	[sflag:s28] =	ssyncadd.s32 $0xFFFFFF80  }
0x115: {  	_ =	swait.ge [sflag:s3], $0x80  }
0x116: {  	[sflag:s3] =	ssyncset.done $0x0  }
0x117: {  	[sflag:s3] =	ssyncadd.s32 $0xFFFFFF80  }
0x118: {  	[bflag:$0x0] =	sbarrier.arrive $0xFFFF  }
0x119: {  	_ =	strace $0x90000049  }
0x11a: {  	_ =	strace $0x8000004A  }
0x11b: {  	[tilespmem:s19], [sflag:$0x7] =	stream.linear.gather [spmem:s18], $0x1000, $0x200038;
	[tilespmem:$0x15E00] =	vst v63  }
0x11c: {  	_ =	swait.ge [sflag:s21], $0x1000  }
0x11d: {  	[sflag:s21] =	ssyncset.done $0x0  }
0x11e: {  	s5 =	simm.s32 $0x0;
	s6 =	rddreg [dreg:$0x4];
	[sflag:s21] =	ssyncadd.s32 $0xFFFFF000  }
0x11f: {  	[hbm4b:s6+s5] =	stream.linear.scatter [tilespmem:s19], [sflag:$0x7], $0x1000, $0x200038;
	[tilespmem:$0x15E00] =	vst v63  }
0x120: {  	_ =	swait.ge [sflag:s21], $0x1000  }
0x121: {  	s7 =	sld [smem:$0x7FC]  }
0x122: {  	[sflag:s21] =	ssyncset.done $0x0  }
0x123: {  	[sflag:s21] =	ssyncadd.s32 $0xFFFFF000  }
0x124: {  	[tilespmem:s19], [sflag:$0x7] =	stream.linear.gather [spmem:s7], $0x1000, $0x200038;
	[tilespmem:$0x15E00] =	vst v63  }
0x125: {  	_ =	swait.ge [sflag:s21], $0x1000  }
0x126: {  	[sflag:s21] =	ssyncset.done $0x0  }
0x127: {  	s8 =	rddreg [dreg:$0x5];
	[sflag:s21] =	ssyncadd.s32 $0xFFFFF000  }
0x128: {  	[hbm4b:s8+s5] =	stream.linear.scatter [tilespmem:s19], [sflag:$0x7], $0x1000, $0x200038;
	[tilespmem:$0x15E00] =	vst v63  }
0x129: {  	_ =	swait.ge [sflag:s21], $0x1000  }
0x12a: {  	s8 =	sld [smem:$0x7FD]  }
0x12b: {  	[sflag:s21] =	ssyncset.done $0x0  }
0x12c: {  	[sflag:s21] =	ssyncadd.s32 $0xFFFFF000  }
0x12d: {  	[tilespmem:s19], [sflag:$0x7] =	stream.linear.gather [spmem:s8], $0x1000, $0x200038;
	[tilespmem:$0x15E00] =	vst v63  }
0x12e: {  	_ =	swait.ge [sflag:s21], $0x1000  }
0x12f: {  	[sflag:s21] =	ssyncset.done $0x0  }
0x130: {  	s6 =	rddreg [dreg:$0x6];
	[sflag:s21] =	ssyncadd.s32 $0xFFFFF000  }
0x131: {  	[hbm4b:s6+s5] =	stream.linear.scatter [tilespmem:s19], [sflag:$0x7], $0x1000, $0x200038;
	[tilespmem:$0x15E00] =	vst v63  }
0x132: {  	_ =	swait.ge [sflag:s21], $0x1000  }
0x133: {  	s6 =	sld [smem:$0x7F0]  }
0x134: {  	[sflag:s21] =	ssyncset.done $0x0  }
0x135: {  	[sflag:s21] =	ssyncadd.s32 $0xFFFFF000  }
0x136: {  	[tilespmem:s19], [sflag:$0x7] =	stream.linear.gather [spmem:s6], $0x1000, $0x200038;
	[tilespmem:$0x15E00] =	vst v63  }
0x137: {  	_ =	swait.ge [sflag:s21], $0x1000  }
0x138: {  	[sflag:s21] =	ssyncset.done $0x0  }
0x139: {  	s6 =	rddreg [dreg:$0x7];
	[sflag:s21] =	ssyncadd.s32 $0xFFFFF000  }
0x13a: {  	[hbm4b:s6+s5] =	stream.linear.scatter [tilespmem:s19], [sflag:$0x7], $0x1000, $0x200038;
	[tilespmem:$0x15E00] =	vst v63  }
0x13b: {  	_ =	swait.ge [sflag:s21], $0x1000  }
0x13c: {  	s6 =	sld [smem:$0x7F1]  }
0x13d: {  	[sflag:s21] =	ssyncset.done $0x0  }
0x13e: {  	[sflag:s21] =	ssyncadd.s32 $0xFFFFF000  }
0x13f: {  	[tilespmem:s19], [sflag:$0x7] =	stream.linear.gather [spmem:s6], $0x1000, $0x200038;
	[tilespmem:$0x15E00] =	vst v63  }
0x140: {  	_ =	swait.ge [sflag:s21], $0x1000  }
0x141: {  	[sflag:s21] =	ssyncset.done $0x0  }
0x142: {  	s6 =	rddreg [dreg:$0x8];
	[sflag:s21] =	ssyncadd.s32 $0xFFFFF000  }
0x143: {  	[hbm4b:s6+s5] =	stream.linear.scatter [tilespmem:s19], [sflag:$0x7], $0x1000, $0x200038;
	[tilespmem:$0x15E00] =	vst v63  }
0x144: {  	_ =	swait.ge [sflag:s21], $0x1000  }
0x145: {  	s6 =	sld [smem:$0x7F2]  }
0x146: {  	[sflag:s21] =	ssyncset.done $0x0  }
0x147: {  	[sflag:s21] =	ssyncadd.s32 $0xFFFFF000  }
0x148: {  	[tilespmem:s19], [sflag:$0x7] =	stream.linear.gather [spmem:s6], $0x1000, $0x200038;
	[tilespmem:$0x15E00] =	vst v63  }
0x149: {  	_ =	swait.ge [sflag:s21], $0x1000  }
0x14a: {  	[sflag:s21] =	ssyncset.done $0x0  }
0x14b: {  	s6 =	rddreg [dreg:$0x9];
	[sflag:s21] =	ssyncadd.s32 $0xFFFFF000  }
0x14c: {  	[hbm4b:s6+s5] =	stream.linear.scatter [tilespmem:s19], [sflag:$0x7], $0x1000, $0x200038;
	[tilespmem:$0x15E00] =	vst v63  }
0x14d: {  	_ =	swait.ge [sflag:s21], $0x1000  }
0x14e: {  	s6 =	sld [smem:$0x7F3]  }
0x14f: {  	[sflag:s21] =	ssyncset.done $0x0  }
0x150: {  	[sflag:s21] =	ssyncadd.s32 $0xFFFFF000  }
0x151: {  	[tilespmem:s19], [sflag:$0x7] =	stream.linear.gather [spmem:s6], $0x1000, $0x200038;
	[tilespmem:$0x15E00] =	vst v63  }
0x152: {  	_ =	swait.ge [sflag:s21], $0x1000  }
0x153: {  	[sflag:s21] =	ssyncset.done $0x0  }
0x154: {  	s6 =	rddreg [dreg:$0xa];
	[sflag:s21] =	ssyncadd.s32 $0xFFFFF000  }
0x155: {  	[hbm4b:s6+s5] =	stream.linear.scatter [tilespmem:s19], [sflag:$0x7], $0x1000, $0x200038;
	[tilespmem:$0x15E00] =	vst v63  }
0x156: {  	_ =	swait.ge [sflag:s21], $0x1000  }
0x157: {  	s6 =	sld [smem:$0x7F4]  }
0x158: {  	[sflag:s21] =	ssyncset.done $0x0  }
0x159: {  	[sflag:s21] =	ssyncadd.s32 $0xFFFFF000  }
0x15a: {  	[tilespmem:s19], [sflag:$0x7] =	stream.linear.gather [spmem:s6], $0x1000, $0x200038;
	[tilespmem:$0x15E00] =	vst v63  }
0x15b: {  	_ =	swait.ge [sflag:s21], $0x1000  }
0x15c: {  	[sflag:s21] =	ssyncset.done $0x0  }
0x15d: {  	s6 =	rddreg [dreg:$0xb];
	[sflag:s21] =	ssyncadd.s32 $0xFFFFF000  }
0x15e: {  	[hbm4b:s6+s5] =	stream.linear.scatter [tilespmem:s19], [sflag:$0x7], $0x1000, $0x200038;
	[tilespmem:$0x15E00] =	vst v63  }
0x15f: {  	_ =	swait.ge [sflag:s21], $0x1000  }
0x160: {  	s6 =	sld [smem:$0x7F5]  }
0x161: {  	[sflag:s21] =	ssyncset.done $0x0  }
0x162: {  	[sflag:s21] =	ssyncadd.s32 $0xFFFFF000  }
0x163: {  	[tilespmem:s19], [sflag:$0x7] =	stream.linear.gather [spmem:s6], $0x1000, $0x200038;
	[tilespmem:$0x15E00] =	vst v63  }
0x164: {  	_ =	swait.ge [sflag:s21], $0x1000  }
0x165: {  	[sflag:s21] =	ssyncset.done $0x0  }
0x166: {  	s6 =	rddreg [dreg:$0xc];
	[sflag:s21] =	ssyncadd.s32 $0xFFFFF000  }
0x167: {  	[hbm4b:s6+s5] =	stream.linear.scatter [tilespmem:s19], [sflag:$0x7], $0x1000, $0x200038;
	[tilespmem:$0x15E00] =	vst v63  }
0x168: {  	_ =	swait.ge [sflag:s21], $0x1000  }
0x169: {  	s6 =	sld [smem:$0x7F6]  }
0x16a: {  	[sflag:s21] =	ssyncset.done $0x0  }
0x16b: {  	[sflag:s21] =	ssyncadd.s32 $0xFFFFF000  }
0x16c: {  	[tilespmem:s19], [sflag:$0x7] =	stream.linear.gather [spmem:s6], $0x1000, $0x200038;
	[tilespmem:$0x15E00] =	vst v63  }
0x16d: {  	_ =	swait.ge [sflag:s21], $0x1000  }
0x16e: {  	[sflag:s21] =	ssyncset.done $0x0  }
0x16f: {  	s6 =	rddreg [dreg:$0xd];
	[sflag:s21] =	ssyncadd.s32 $0xFFFFF000  }
0x170: {  	[hbm4b:s6+s5] =	stream.linear.scatter [tilespmem:s19], [sflag:$0x7], $0x1000, $0x200038;
	[tilespmem:$0x15E00] =	vst v63  }
0x171: {  	_ =	swait.ge [sflag:s21], $0x1000  }
0x172: {  	s6 =	sld [smem:$0x7F7]  }
0x173: {  	[sflag:s21] =	ssyncset.done $0x0  }
0x174: {  	[sflag:s21] =	ssyncadd.s32 $0xFFFFF000  }
0x175: {  	[tilespmem:s19], [sflag:$0x7] =	stream.linear.gather [spmem:s6], $0x1000, $0x200038;
	[tilespmem:$0x15E00] =	vst v63  }
0x176: {  	_ =	swait.ge [sflag:s21], $0x1000  }
0x177: {  	[sflag:s21] =	ssyncset.done $0x0  }
0x178: {  	s6 =	rddreg [dreg:$0xe];
	[sflag:s21] =	ssyncadd.s32 $0xFFFFF000  }
0x179: {  	[hbm4b:s6+s5] =	stream.linear.scatter [tilespmem:s19], [sflag:$0x7], $0x1000, $0x200038;
	[tilespmem:$0x15E00] =	vst v63  }
0x17a: {  	_ =	swait.ge [sflag:s21], $0x1000  }
0x17b: {  	s6 =	sld [smem:$0x7F8]  }
0x17c: {  	[sflag:s21] =	ssyncset.done $0x0  }
0x17d: {  	[sflag:s21] =	ssyncadd.s32 $0xFFFFF000  }
0x17e: {  	[tilespmem:s19], [sflag:$0x7] =	stream.linear.gather [spmem:s6], $0x1000, $0x200038;
	[tilespmem:$0x15E00] =	vst v63  }
0x17f: {  	_ =	swait.ge [sflag:s21], $0x1000  }
0x180: {  	[sflag:s21] =	ssyncset.done $0x0  }
0x181: {  	s6 =	rddreg [dreg:$0xf];
	[sflag:s21] =	ssyncadd.s32 $0xFFFFF000  }
0x182: {  	[hbm4b:s6+s5] =	stream.linear.scatter [tilespmem:s19], [sflag:$0x7], $0x1000, $0x200038;
	[tilespmem:$0x15E00] =	vst v63  }
0x183: {  	_ =	swait.ge [sflag:s21], $0x1000  }
0x184: {  	s6 =	sld [smem:$0x7F9]  }
0x185: {  	[sflag:s21] =	ssyncset.done $0x0  }
0x186: {  	[sflag:s21] =	ssyncadd.s32 $0xFFFFF000  }
0x187: {  	[tilespmem:s19], [sflag:$0x7] =	stream.linear.gather [spmem:s6], $0x1000, $0x200038;
	[tilespmem:$0x15E00] =	vst v63  }
0x188: {  	_ =	swait.ge [sflag:s21], $0x1000  }
0x189: {  	[sflag:s21] =	ssyncset.done $0x0  }
0x18a: {  	s6 =	rddreg [dreg:$0x10];
	[sflag:s21] =	ssyncadd.s32 $0xFFFFF000  }
0x18b: {  	[hbm4b:s6+s5] =	stream.linear.scatter [tilespmem:s19], [sflag:$0x7], $0x1000, $0x200038;
	[tilespmem:$0x15E00] =	vst v63  }
0x18c: {  	_ =	swait.ge [sflag:s21], $0x1000  }
0x18d: {  	s6 =	sld [smem:$0x7FA]  }
0x18e: {  	[sflag:s21] =	ssyncset.done $0x0  }
0x18f: {  	[sflag:s21] =	ssyncadd.s32 $0xFFFFF000  }
0x190: {  	[tilespmem:s19], [sflag:$0x7] =	stream.linear.gather [spmem:s6], $0x1000, $0x200038;
	[tilespmem:$0x15E00] =	vst v63  }
0x191: {  	_ =	swait.ge [sflag:s21], $0x1000  }
0x192: {  	[sflag:s21] =	ssyncset.done $0x0  }
0x193: {  	s6 =	rddreg [dreg:$0x11];
	[sflag:s21] =	ssyncadd.s32 $0xFFFFF000  }
0x194: {  	[hbm4b:s6+s5] =	stream.linear.scatter [tilespmem:s19], [sflag:$0x7], $0x1000, $0x200038;
	[tilespmem:$0x15E00] =	vst v63  }
0x195: {  	_ =	swait.ge [sflag:s21], $0x1000  }
0x196: {  	s6 =	sld [smem:$0x7FB]  }
0x197: {  	[sflag:s21] =	ssyncset.done $0x0  }
0x198: {  	[sflag:s21] =	ssyncadd.s32 $0xFFFFF000  }
0x199: {  	[tilespmem:s19], [sflag:$0x7] =	stream.linear.gather [spmem:s6], $0x1000, $0x200038;
	[tilespmem:$0x15E00] =	vst v63  }
0x19a: {  	_ =	swait.ge [sflag:s21], $0x1000  }
0x19b: {  	[sflag:s21] =	ssyncset.done $0x0  }
0x19c: {  	s6 =	rddreg [dreg:$0x12];
	[sflag:s21] =	ssyncadd.s32 $0xFFFFF000  }
0x19d: {  	[hbm4b:s6+s5] =	stream.linear.scatter [tilespmem:s19], [sflag:$0x7], $0x1000, $0x200038;
	[tilespmem:$0x15E00] =	vst v63  }
0x19e: {  	_ =	swait.ge [sflag:s21], $0x1000  }
0x19f: {  	[sflag:s21] =	ssyncset.done $0x0  }
0x1a0: {  	[sflag:s21] =	ssyncadd.s32 $0xFFFFF000  }
0x1a1: {  	[tilespmem:s19], [sflag:$0x7] =	stream.linear.gather [spmem:s10], $0x1000, $0x200038;
	[tilespmem:$0x15E00] =	vst v63  }
0x1a2: {  	_ =	swait.ge [sflag:s21], $0x1000  }
0x1a3: {  	[sflag:s21] =	ssyncset.done $0x0  }
0x1a4: {  	s6 =	rddreg [dreg:$0x13];
	[sflag:s21] =	ssyncadd.s32 $0xFFFFF000  }
0x1a5: {  	[hbm4b:s6+s5] =	stream.linear.scatter [tilespmem:s19], [sflag:$0x7], $0x1000, $0x200038;
	[tilespmem:$0x15E00] =	vst v63  }
0x1a6: {  	_ =	swait.ge [sflag:s21], $0x1000  }
0x1a7: {  	[sflag:s21] =	ssyncset.done $0x0  }
0x1a8: {  	[sflag:s21] =	ssyncadd.s32 $0xFFFFF000  }
0x1a9: {  	[tilespmem:s19], [sflag:$0x7] =	stream.linear.gather [spmem:s11], $0x1000, $0x200038;
	[tilespmem:$0x15E00] =	vst v63  }
0x1aa: {  	_ =	swait.ge [sflag:s21], $0x1000  }
0x1ab: {  	[sflag:s21] =	ssyncset.done $0x0  }
0x1ac: {  	s6 =	rddreg [dreg:$0x14];
	[sflag:s21] =	ssyncadd.s32 $0xFFFFF000  }
0x1ad: {  	[hbm4b:s6+s5] =	stream.linear.scatter [tilespmem:s19], [sflag:$0x7], $0x1000, $0x200038;
	[tilespmem:$0x15E00] =	vst v63  }
0x1ae: {  	_ =	swait.ge [sflag:s21], $0x1000  }
0x1af: {  	[sflag:s21] =	ssyncset.done $0x0  }
0x1b0: {  	[sflag:s21] =	ssyncadd.s32 $0xFFFFF000  }
0x1b1: {  	[tilespmem:s19], [sflag:$0x7] =	stream.linear.gather [spmem:s13], $0x1000, $0x200038;
	[tilespmem:$0x15E00] =	vst v63  }
0x1b2: {  	_ =	swait.ge [sflag:s21], $0x1000  }
0x1b3: {  	[sflag:s21] =	ssyncset.done $0x0  }
0x1b4: {  	s6 =	rddreg [dreg:$0x15];
	[sflag:s21] =	ssyncadd.s32 $0xFFFFF000  }
0x1b5: {  	[hbm4b:s6+s5] =	stream.linear.scatter [tilespmem:s19], [sflag:$0x7], $0x1000, $0x200038;
	[tilespmem:$0x15E00] =	vst v63  }
0x1b6: {  	_ =	swait.ge [sflag:s21], $0x1000  }
0x1b7: {  	[sflag:s21] =	ssyncset.done $0x0  }
0x1b8: {  	[sflag:s21] =	ssyncadd.s32 $0xFFFFF000  }
0x1b9: {  	[tilespmem:s19], [sflag:$0x7] =	stream.linear.gather [spmem:s14], $0x1000, $0x200038;
	[tilespmem:$0x15E00] =	vst v63  }
0x1ba: {  	_ =	swait.ge [sflag:s21], $0x1000  }
0x1bb: {  	[sflag:s21] =	ssyncset.done $0x0  }
0x1bc: {  	s6 =	rddreg [dreg:$0x16];
	[sflag:s21] =	ssyncadd.s32 $0xFFFFF000  }
0x1bd: {  	[hbm4b:s6+s5] =	stream.linear.scatter [tilespmem:s19], [sflag:$0x7], $0x1000, $0x200038;
	[tilespmem:$0x15E00] =	vst v63  }
0x1be: {  	_ =	swait.ge [sflag:s21], $0x1000  }
0x1bf: {  	[sflag:s21] =	ssyncset.done $0x0  }
0x1c0: {  	[sflag:s21] =	ssyncadd.s32 $0xFFFFF000  }
0x1c1: {  	[tilespmem:s19], [sflag:$0x7] =	stream.linear.gather [spmem:s15], $0xC00, $0x200038;
	[tilespmem:$0x15E00] =	vst v63  }
0x1c2: {  	_ =	swait.ge [sflag:s21], $0xC00  }
0x1c3: {  	[sflag:s21] =	ssyncset.done $0x0  }
0x1c4: {  	s6 =	rddreg [dreg:$0x17];
	[sflag:s21] =	ssyncadd.s32 $0xFFFFF400  }
0x1c5: {  	[hbm4b:s6+s5] =	stream.linear.scatter [tilespmem:s19], [sflag:$0x7], $0xC00, $0x200038;
	[tilespmem:$0x15E00] =	vst v63  }
0x1c6: {  	_ =	swait.ge [sflag:s21], $0xC00  }
0x1c7: {  	[sflag:s21] =	ssyncset.done $0x0  }
0x1c8: {  	[sflag:s21] =	ssyncadd.s32 $0xFFFFF400  }
0x1c9: {  	_ =	strace $0x9000004A  }
0x1ca: {  	s5 =	simm.s32 $0x0;
	s6 =	simm.s32 $0x200;
	_ =	strace $0x8000004B  }
.LBB2_6:
0x1cb: {  	p0 =	sne.s32 s6, $0x3E00;
	[tilespmem:s5+$0x13E70] =	vst v0  }
0x1cc: {  	[tilespmem:s5+$0x13E00] =	vst v0  }
0x1cd: {  	[tilespmem:s5+$0x13E10] =	vst v0  }
.Ltmp2:
0x1ce: {  	[tilespmem:s5+$0x13E20] =	vst v0;
	(pc) =	sbr.rel @p0 .LBB2_6-.Ltmp2, $4  }
0x1cf: {  	[tilespmem:s5+$0x13E30] =	vst v0  }
0x1d0: {  	[tilespmem:s5+$0x13E40] =	vst v0  }
0x1d1: {  	[tilespmem:s5+$0x13E50] =	vst v0  }
0x1d2: {  	[tilespmem:s5+$0x13E60] =	vst v0;
	s5 =	sshra.s32 s6, $0x2;
	s6 =	sadd.s32 $0x200, s6  }
0x1d3: {  	[tilespmem:s5+$0x13E70] =	vst v0  }
0x1d4: {  	[tilespmem:s5+$0x13E00] =	vst v0  }
0x1d5: {  	[tilespmem:s5+$0x13E10] =	vst v0  }
0x1d6: {  	[tilespmem:s5+$0x13E20] =	vst v0  }
0x1d7: {  	[tilespmem:s5+$0x13E30] =	vst v0  }
0x1d8: {  	[tilespmem:s5+$0x13E40] =	vst v0  }
0x1d9: {  	[tilespmem:s5+$0x13E50] =	vst v0  }
0x1da: {  	[tilespmem:s5+$0x13E60] =	vst v0  }
0x1db: {  	[spmem:s18] =	stream.linear.scatter [tilespmem:s19], [sflag:$0x7], $0x1000, $0x200038;
	[tilespmem:$0x15E00] =	vst v63  }
0x1dc: {  	_ =	swait.ge [sflag:s21], $0x1000  }
0x1dd: {  	[sflag:s21] =	ssyncset.done $0x0  }
0x1de: {  	[sflag:s21] =	ssyncadd.s32 $0xFFFFF000  }
0x1df: {  	[spmem:s7] =	stream.linear.scatter [tilespmem:s19], [sflag:$0x7], $0x1000, $0x200038;
	[tilespmem:$0x15E00] =	vst v63  }
0x1e0: {  	_ =	swait.ge [sflag:s21], $0x1000  }
0x1e1: {  	[sflag:s21] =	ssyncset.done $0x0  }
0x1e2: {  	[sflag:s21] =	ssyncadd.s32 $0xFFFFF000  }
0x1e3: {  	[spmem:s8] =	stream.linear.scatter [tilespmem:s19], [sflag:$0x7], $0x1000, $0x200038;
	[tilespmem:$0x15E00] =	vst v63  }
0x1e4: {  	_ =	swait.ge [sflag:s21], $0x1000  }
0x1e5: {  	s6 =	sld [smem:$0x7F0]  }
0x1e6: {  	[sflag:s21] =	ssyncset.done $0x0  }
0x1e7: {  	[sflag:s21] =	ssyncadd.s32 $0xFFFFF000  }
0x1e8: {  	[spmem:s6] =	stream.linear.scatter [tilespmem:s19], [sflag:$0x7], $0x1000, $0x200038;
	[tilespmem:$0x15E00] =	vst v63  }
0x1e9: {  	_ =	swait.ge [sflag:s21], $0x1000  }
0x1ea: {  	s7 =	sld [smem:$0x7F1]  }
0x1eb: {  	[sflag:s21] =	ssyncset.done $0x0  }
0x1ec: {  	[sflag:s21] =	ssyncadd.s32 $0xFFFFF000  }
0x1ed: {  	[spmem:s7] =	stream.linear.scatter [tilespmem:s19], [sflag:$0x7], $0x1000, $0x200038;
	[tilespmem:$0x15E00] =	vst v63  }
0x1ee: {  	_ =	swait.ge [sflag:s21], $0x1000  }
0x1ef: {  	s8 =	sld [smem:$0x7F2]  }
0x1f0: {  	[sflag:s21] =	ssyncset.done $0x0  }
0x1f1: {  	[sflag:s21] =	ssyncadd.s32 $0xFFFFF000  }
0x1f2: {  	[spmem:s8] =	stream.linear.scatter [tilespmem:s19], [sflag:$0x7], $0x1000, $0x200038;
	[tilespmem:$0x15E00] =	vst v63  }
0x1f3: {  	_ =	swait.ge [sflag:s21], $0x1000  }
0x1f4: {  	s6 =	sld [smem:$0x7F3]  }
0x1f5: {  	[sflag:s21] =	ssyncset.done $0x0  }
0x1f6: {  	[sflag:s21] =	ssyncadd.s32 $0xFFFFF000  }
0x1f7: {  	[spmem:s6] =	stream.linear.scatter [tilespmem:s19], [sflag:$0x7], $0x1000, $0x200038;
	[tilespmem:$0x15E00] =	vst v63  }
0x1f8: {  	_ =	swait.ge [sflag:s21], $0x1000  }
0x1f9: {  	s7 =	sld [smem:$0x7F4]  }
0x1fa: {  	[sflag:s21] =	ssyncset.done $0x0  }
0x1fb: {  	[sflag:s21] =	ssyncadd.s32 $0xFFFFF000  }
0x1fc: {  	[spmem:s7] =	stream.linear.scatter [tilespmem:s19], [sflag:$0x7], $0x1000, $0x200038;
	[tilespmem:$0x15E00] =	vst v63  }
0x1fd: {  	_ =	swait.ge [sflag:s21], $0x1000  }
0x1fe: {  	s8 =	sld [smem:$0x7F5]  }
0x1ff: {  	[sflag:s21] =	ssyncset.done $0x0  }
0x200: {  	[sflag:s21] =	ssyncadd.s32 $0xFFFFF000  }
0x201: {  	[spmem:s8] =	stream.linear.scatter [tilespmem:s19], [sflag:$0x7], $0x1000, $0x200038;
	[tilespmem:$0x15E00] =	vst v63  }
0x202: {  	_ =	swait.ge [sflag:s21], $0x1000  }
0x203: {  	s6 =	sld [smem:$0x7F6]  }
0x204: {  	[sflag:s21] =	ssyncset.done $0x0  }
0x205: {  	[sflag:s21] =	ssyncadd.s32 $0xFFFFF000  }
0x206: {  	[spmem:s6] =	stream.linear.scatter [tilespmem:s19], [sflag:$0x7], $0x1000, $0x200038;
	[tilespmem:$0x15E00] =	vst v63  }
0x207: {  	_ =	swait.ge [sflag:s21], $0x1000  }
0x208: {  	s7 =	sld [smem:$0x7F7]  }
0x209: {  	[sflag:s21] =	ssyncset.done $0x0  }
0x20a: {  	[sflag:s21] =	ssyncadd.s32 $0xFFFFF000  }
0x20b: {  	[spmem:s7] =	stream.linear.scatter [tilespmem:s19], [sflag:$0x7], $0x1000, $0x200038;
	[tilespmem:$0x15E00] =	vst v63  }
0x20c: {  	_ =	swait.ge [sflag:s21], $0x1000  }
0x20d: {  	s8 =	sld [smem:$0x7F8]  }
0x20e: {  	[sflag:s21] =	ssyncset.done $0x0  }
0x20f: {  	[sflag:s21] =	ssyncadd.s32 $0xFFFFF000  }
0x210: {  	[spmem:s8] =	stream.linear.scatter [tilespmem:s19], [sflag:$0x7], $0x1000, $0x200038;
	[tilespmem:$0x15E00] =	vst v63  }
0x211: {  	_ =	swait.ge [sflag:s21], $0x1000  }
0x212: {  	s6 =	sld [smem:$0x7F9]  }
0x213: {  	[sflag:s21] =	ssyncset.done $0x0  }
0x214: {  	[sflag:s21] =	ssyncadd.s32 $0xFFFFF000  }
0x215: {  	[spmem:s6] =	stream.linear.scatter [tilespmem:s19], [sflag:$0x7], $0x1000, $0x200038;
	[tilespmem:$0x15E00] =	vst v63  }
0x216: {  	_ =	swait.ge [sflag:s21], $0x1000  }
0x217: {  	s7 =	sld [smem:$0x7FA]  }
0x218: {  	[sflag:s21] =	ssyncset.done $0x0  }
0x219: {  	[sflag:s21] =	ssyncadd.s32 $0xFFFFF000  }
0x21a: {  	[spmem:s7] =	stream.linear.scatter [tilespmem:s19], [sflag:$0x7], $0x1000, $0x200038;
	[tilespmem:$0x15E00] =	vst v63  }
0x21b: {  	_ =	swait.ge [sflag:s21], $0x1000  }
0x21c: {  	s8 =	sld [smem:$0x7FB]  }
0x21d: {  	[sflag:s21] =	ssyncset.done $0x0  }
0x21e: {  	[sflag:s21] =	ssyncadd.s32 $0xFFFFF000  }
0x21f: {  	[spmem:s8] =	stream.linear.scatter [tilespmem:s19], [sflag:$0x7], $0x1000, $0x200038;
	[tilespmem:$0x15E00] =	vst v63  }
0x220: {  	_ =	swait.ge [sflag:s21], $0x1000  }
0x221: {  	[sflag:s21] =	ssyncset.done $0x0  }
0x222: {  	[sflag:s21] =	ssyncadd.s32 $0xFFFFF000  }
0x223: {  	[spmem:s10] =	stream.linear.scatter [tilespmem:s19], [sflag:$0x7], $0x1000, $0x200038;
	[tilespmem:$0x15E00] =	vst v63  }
0x224: {  	_ =	swait.ge [sflag:s21], $0x1000  }
0x225: {  	[sflag:s21] =	ssyncset.done $0x0  }
0x226: {  	[sflag:s21] =	ssyncadd.s32 $0xFFFFF000  }
0x227: {  	[spmem:s11] =	stream.linear.scatter [tilespmem:s19], [sflag:$0x7], $0x1000, $0x200038;
	[tilespmem:$0x15E00] =	vst v63  }
0x228: {  	_ =	swait.ge [sflag:s21], $0x1000  }
0x229: {  	[sflag:s21] =	ssyncset.done $0x0  }
0x22a: {  	[sflag:s21] =	ssyncadd.s32 $0xFFFFF000  }
0x22b: {  	[spmem:s13] =	stream.linear.scatter [tilespmem:s19], [sflag:$0x7], $0x1000, $0x200038;
	[tilespmem:$0x15E00] =	vst v63  }
0x22c: {  	_ =	swait.ge [sflag:s21], $0x1000  }
0x22d: {  	[sflag:s21] =	ssyncset.done $0x0  }
0x22e: {  	[sflag:s21] =	ssyncadd.s32 $0xFFFFF000  }
0x22f: {  	[spmem:s14] =	stream.linear.scatter [tilespmem:s19], [sflag:$0x7], $0x1000, $0x200038;
	[tilespmem:$0x15E00] =	vst v63  }
0x230: {  	_ =	swait.ge [sflag:s21], $0x1000  }
0x231: {  	[sflag:s21] =	ssyncset.done $0x0  }
0x232: {  	[sflag:s21] =	ssyncadd.s32 $0xFFFFF000  }
0x233: {  	[spmem:s15] =	stream.linear.scatter [tilespmem:s19], [sflag:$0x7], $0xC00, $0x200038;
	[tilespmem:$0x15E00] =	vst v63  }
0x234: {  	_ =	swait.ge [sflag:s21], $0xC00  }
0x235: {  	[sflag:s21] =	ssyncset.done $0x0  }
0x236: {  	s5 =	simm.s32 $0x0;
	s6 =	simm.s32 $0x200;
	[sflag:s21] =	ssyncadd.s32 $0xFFFFF400  }
.LBB2_8:
0x237: {  	p0 =	sne.s32 s6, $0x3E00;
	[tilespmem:s5+$0x14E70] =	vst v1  }
0x238: {  	[tilespmem:s5+$0x14E00] =	vst v1  }
0x239: {  	[tilespmem:s5+$0x14E10] =	vst v1  }
.Ltmp3:
0x23a: {  	[tilespmem:s5+$0x14E20] =	vst v1;
	(pc) =	sbr.rel @p0 .LBB2_8-.Ltmp3, $4  }
0x23b: {  	[tilespmem:s5+$0x14E30] =	vst v1  }
0x23c: {  	[tilespmem:s5+$0x14E40] =	vst v1  }
0x23d: {  	[tilespmem:s5+$0x14E50] =	vst v1  }
0x23e: {  	[tilespmem:s5+$0x14E60] =	vst v1;
	s5 =	sshra.s32 s6, $0x2;
	s6 =	sadd.s32 $0x200, s6  }
0x23f: {  	[tilespmem:s5+$0x14E70] =	vst v1  }
0x240: {  	[tilespmem:s5+$0x14E00] =	vst v1  }
0x241: {  	[tilespmem:s5+$0x14E10] =	vst v1  }
0x242: {  	[tilespmem:s5+$0x14E20] =	vst v1  }
0x243: {  	[tilespmem:s5+$0x14E30] =	vst v1  }
0x244: {  	[tilespmem:s5+$0x14E40] =	vst v1  }
0x245: {  	[tilespmem:s5+$0x14E50] =	vst v1  }
0x246: {  	[tilespmem:s5+$0x14E60] =	vst v1  }
0x247: {  	[bflag:$0x0] =	sbarrier.arrive $0xFFFF  }
0x248: {  	_ =	strace $0x9000004B  }
0x249: {  	s6 =	sld [smem:$0x7EC];
	_ =	sdelay $0x1  }
0x24a: {  	s7 =	sld [smem:$0x7EE]  }
0x24b: {  	[tilespmem:s20], [sflag:$0x3] =	stream.linear.gather [hbm4b:s6+s1], $0x80, $0x38;
	[tilespmem:$0x15E00] =	vst v63  }
0x24c: {  	_ = 	snop  }
0x24d: {  	[tilespmem:s24], [sflag:$0x4] =	stream.linear.gather [hbm4b:s7+s1], $0x80, $0x38;
	[tilespmem:$0x15E00] =	vst v63  }
0x24e: {  	_ =	strace $0x8000004C  }
0x24f: {  	s8 =	simm.s32 $0x100;
	_ =	swait.ge [sflag:s31], $0x80  }
0x250: {  	s6 =	sand.u32 $0x1FC00, s8;
	[sflag:s31] =	ssyncset.done $0x0  }
0x251: {  	s5 =	sand.u32 $0x300, s8;
	s6 =	sadd.s32 s2, s6;
	[sflag:s31] =	ssyncadd.s32 $0xFFFFFF80  }
0x252: {  	[spmem:s12] =	stream.indirect.scatter.add.f32 [tilespmem:s30], [sflag:$0x7], $0x80, s20, s26, $0x2000b8;
	[tilespmem:$0x15E00] =	vst v63  }
0x253: {  	s5 =	sor.u32 s5, s6;
	_ =	swait.ge [sflag:s21], $0x1000  }
0x254: {  	s5 =	sshrl.u32 s5, $0x3;
	[sflag:s21] =	ssyncset.done $0x0  }
0x255: {  	s5 =	sadd.s32 s17, s5;
	[sflag:s21] =	ssyncadd.s32 $0xFFFFF000  }
0x256: {  	[tilespmem:s20], [sflag:$0x3] =	stream.linear.gather [hbm4b:s5+s1], $0x80, $0x200038;
	[tilespmem:$0x15E00] =	vst v63  }
0x257: {  	s7 =	simm.s32 $0x180;
	_ =	swait.ge [sflag:s3], $0x80  }
0x258: {  	s8 =	sand.u32 $0x1FC00, s7;
	[sflag:s3] =	ssyncset.done $0x0  }
0x259: {  	s6 =	sadd.s32 s2, s8;
	s5 =	sand.u32 $0x380, s7;
	[sflag:s3] =	ssyncadd.s32 $0xFFFFFF80  }
0x25a: {  	[spmem:s12] =	stream.indirect.scatter.add.f32 [tilespmem:s30], [sflag:$0x7], $0x80, s24, s26, $0x2000b8;
	[tilespmem:$0x15E00] =	vst v63  }
0x25b: {  	s6 =	sor.u32 s5, s6;
	_ =	swait.ge [sflag:s21], $0x1000  }
0x25c: {  	s5 =	simm.s32 $0x280;
	s6 =	sshrl.u32 s6, $0x3;
	[sflag:s21] =	ssyncset.done $0x0  }
.LBB2_10:
0x25d: {  	p0 =	sne.s32 s5, $0x9D80  }
0x25e: {  	[sflag:s21] =	ssyncadd.s32 $0xFFFFF000;
	s6 =	sadd.s32 s17, s6;
	s7 =	smov.u32 s5  }
0x25f: {  	[tilespmem:s24], [sflag:$0x4] =	stream.linear.gather [hbm4b:s6+s1], $0x80, $0x200038;
	[tilespmem:$0x15E00] =	vst v63  }
0x260: {  	s5 =	sadd.s32 $0x100, s5;
	s6 =	sadd.s32 $0xFFFFFF80, s7;
	_ =	swait.ge [sflag:s31], $0x80  }
0x261: {  	s8 =	sand.u32 $0x1FC00, s6;
	s6 =	sand.u32 $0x300, s6;
	[sflag:s31] =	ssyncset.done $0x0  }
0x262: {  	s8 =	sadd.s32 s2, s8;
	[sflag:s31] =	ssyncadd.s32 $0xFFFFFF80  }
0x263: {  	[spmem:s12] =	stream.indirect.scatter.add.f32 [tilespmem:s30], [sflag:$0x7], $0x80, s20, s26, $0x2000b8;
	[tilespmem:$0x15E00] =	vst v63  }
0x264: {  	s6 =	sor.u32 s6, s8;
	_ =	swait.ge [sflag:s21], $0x1000  }
0x265: {  	s6 =	sshrl.u32 s6, $0x3;
	[sflag:s21] =	ssyncset.done $0x0  }
0x266: {  	s6 =	sadd.s32 s17, s6;
	[sflag:s21] =	ssyncadd.s32 $0xFFFFF000  }
0x267: {  	[tilespmem:s20], [sflag:$0x3] =	stream.linear.gather [hbm4b:s6+s1], $0x80, $0x200038;
	[tilespmem:$0x15E00] =	vst v63  }
0x268: {  	_ =	swait.ge [sflag:s3], $0x80  }
.Ltmp4:
0x269: {  	s6 =	sand.u32 $0x1FC00, s7;
	[sflag:s3] =	ssyncset.done $0x0;
	(pc) =	sbr.rel @p0 .LBB2_10-.Ltmp4, $4  }
0x26a: {  	s7 =	sand.u32 $0x380, s7;
	s6 =	sadd.s32 s2, s6;
	[sflag:s3] =	ssyncadd.s32 $0xFFFFFF80  }
0x26b: {  	[spmem:s12] =	stream.indirect.scatter.add.f32 [tilespmem:s30], [sflag:$0x7], $0x80, s24, s26, $0x2000b8;
	[tilespmem:$0x15E00] =	vst v63  }
0x26c: {  	s6 =	sor.u32 s7, s6;
	_ =	swait.ge [sflag:s21], $0x1000  }
0x26d: {  	s6 =	sshrl.u32 s6, $0x3;
	[sflag:s21] =	ssyncset.done $0x0  }
0x26e: {  	[sflag:s21] =	ssyncadd.s32 $0xFFFFF000;
	s5 =	sadd.s32 s17, s6  }
0x26f: {  	[tilespmem:s24], [sflag:$0x4] =	stream.linear.gather [hbm4b:s5+s1], $0x80, $0x200038;
	[tilespmem:$0x15E00] =	vst v63  }
0x270: {  	_ =	swait.ge [sflag:s31], $0x80  }
0x271: {  	[sflag:s31] =	ssyncset.done $0x0  }
0x272: {  	[sflag:s31] =	ssyncadd.s32 $0xFFFFFF80  }
0x273: {  	_ =	swait.ge [sflag:s3], $0x80  }
0x274: {  	[sflag:s3] =	ssyncset.done $0x0  }
0x275: {  	[sflag:s3] =	ssyncadd.s32 $0xFFFFFF80  }
0x276: {  	[bflag:$0x0] =	sbarrier.arrive $0xFFFF  }
0x277: {  	_ =	strace $0x9000004C  }
0x278: {  	_ =	strace $0x8000004D  }
0x279: {  	[tilespmem:s19], [sflag:$0x7] =	stream.linear.gather [spmem:s18], $0x1000, $0x200038;
	[tilespmem:$0x15E00] =	vst v63  }
0x27a: {  	_ =	swait.ge [sflag:s21], $0x1000  }
0x27b: {  	[sflag:s21] =	ssyncset.done $0x0  }
0x27c: {  	s7 =	rddreg [dreg:$0x18];
	[sflag:s21] =	ssyncadd.s32 $0xFFFFF000  }
0x27d: {  	[hbm4b:s7+s1] =	stream.linear.scatter [tilespmem:s19], [sflag:$0x7], $0x1000, $0x200038;
	[tilespmem:$0x15E00] =	vst v63  }
0x27e: {  	_ =	swait.ge [sflag:s21], $0x1000  }
0x27f: {  	s7 =	sld [smem:$0x7FC]  }
0x280: {  	[sflag:s21] =	ssyncset.done $0x0  }
0x281: {  	[sflag:s21] =	ssyncadd.s32 $0xFFFFF000  }
0x282: {  	[tilespmem:s19], [sflag:$0x7] =	stream.linear.gather [spmem:s7], $0x1000, $0x200038;
	[tilespmem:$0x15E00] =	vst v63  }
0x283: {  	_ =	swait.ge [sflag:s21], $0x1000  }
0x284: {  	[sflag:s21] =	ssyncset.done $0x0  }
0x285: {  	s8 =	rddreg [dreg:$0x19];
	[sflag:s21] =	ssyncadd.s32 $0xFFFFF000  }
0x286: {  	[hbm4b:s8+s1] =	stream.linear.scatter [tilespmem:s19], [sflag:$0x7], $0x1000, $0x200038;
	[tilespmem:$0x15E00] =	vst v63  }
0x287: {  	_ =	swait.ge [sflag:s21], $0x1000  }
0x288: {  	s8 =	sld [smem:$0x7FD]  }
0x289: {  	[sflag:s21] =	ssyncset.done $0x0  }
0x28a: {  	[sflag:s21] =	ssyncadd.s32 $0xFFFFF000  }
0x28b: {  	[tilespmem:s19], [sflag:$0x7] =	stream.linear.gather [spmem:s8], $0x1000, $0x200038;
	[tilespmem:$0x15E00] =	vst v63  }
0x28c: {  	_ =	swait.ge [sflag:s21], $0x1000  }
0x28d: {  	[sflag:s21] =	ssyncset.done $0x0  }
0x28e: {  	s6 =	rddreg [dreg:$0x1a];
	[sflag:s21] =	ssyncadd.s32 $0xFFFFF000  }
0x28f: {  	[hbm4b:s6+s1] =	stream.linear.scatter [tilespmem:s19], [sflag:$0x7], $0x1000, $0x200038;
	[tilespmem:$0x15E00] =	vst v63  }
0x290: {  	_ =	swait.ge [sflag:s21], $0x1000  }
0x291: {  	s6 =	sld [smem:$0x7F0]  }
0x292: {  	[sflag:s21] =	ssyncset.done $0x0  }
0x293: {  	[sflag:s21] =	ssyncadd.s32 $0xFFFFF000  }
0x294: {  	[tilespmem:s19], [sflag:$0x7] =	stream.linear.gather [spmem:s6], $0x1000, $0x200038;
	[tilespmem:$0x15E00] =	vst v63  }
0x295: {  	_ =	swait.ge [sflag:s21], $0x1000  }
0x296: {  	[sflag:s21] =	ssyncset.done $0x0  }
0x297: {  	s6 =	rddreg [dreg:$0x1b];
	[sflag:s21] =	ssyncadd.s32 $0xFFFFF000  }
0x298: {  	[hbm4b:s6+s1] =	stream.linear.scatter [tilespmem:s19], [sflag:$0x7], $0x1000, $0x200038;
	[tilespmem:$0x15E00] =	vst v63  }
0x299: {  	_ =	swait.ge [sflag:s21], $0x1000  }
0x29a: {  	s6 =	sld [smem:$0x7F1]  }
0x29b: {  	[sflag:s21] =	ssyncset.done $0x0  }
0x29c: {  	[sflag:s21] =	ssyncadd.s32 $0xFFFFF000  }
0x29d: {  	[tilespmem:s19], [sflag:$0x7] =	stream.linear.gather [spmem:s6], $0x1000, $0x200038;
	[tilespmem:$0x15E00] =	vst v63  }
0x29e: {  	_ =	swait.ge [sflag:s21], $0x1000  }
0x29f: {  	[sflag:s21] =	ssyncset.done $0x0  }
0x2a0: {  	s6 =	rddreg [dreg:$0x1c];
	[sflag:s21] =	ssyncadd.s32 $0xFFFFF000  }
0x2a1: {  	[hbm4b:s6+s1] =	stream.linear.scatter [tilespmem:s19], [sflag:$0x7], $0x1000, $0x200038;
	[tilespmem:$0x15E00] =	vst v63  }
0x2a2: {  	_ =	swait.ge [sflag:s21], $0x1000  }
0x2a3: {  	s6 =	sld [smem:$0x7F2]  }
0x2a4: {  	[sflag:s21] =	ssyncset.done $0x0  }
0x2a5: {  	[sflag:s21] =	ssyncadd.s32 $0xFFFFF000  }
0x2a6: {  	[tilespmem:s19], [sflag:$0x7] =	stream.linear.gather [spmem:s6], $0x1000, $0x200038;
	[tilespmem:$0x15E00] =	vst v63  }
0x2a7: {  	_ =	swait.ge [sflag:s21], $0x1000  }
0x2a8: {  	[sflag:s21] =	ssyncset.done $0x0  }
0x2a9: {  	s6 =	rddreg [dreg:$0x1d];
	[sflag:s21] =	ssyncadd.s32 $0xFFFFF000  }
0x2aa: {  	[hbm4b:s6+s1] =	stream.linear.scatter [tilespmem:s19], [sflag:$0x7], $0x1000, $0x200038;
	[tilespmem:$0x15E00] =	vst v63  }
0x2ab: {  	_ =	swait.ge [sflag:s21], $0x1000  }
0x2ac: {  	s6 =	sld [smem:$0x7F3]  }
0x2ad: {  	[sflag:s21] =	ssyncset.done $0x0  }
0x2ae: {  	[sflag:s21] =	ssyncadd.s32 $0xFFFFF000  }
0x2af: {  	[tilespmem:s19], [sflag:$0x7] =	stream.linear.gather [spmem:s6], $0x1000, $0x200038;
	[tilespmem:$0x15E00] =	vst v63  }
0x2b0: {  	_ =	swait.ge [sflag:s21], $0x1000  }
0x2b1: {  	[sflag:s21] =	ssyncset.done $0x0  }
0x2b2: {  	s6 =	rddreg [dreg:$0x1e];
	[sflag:s21] =	ssyncadd.s32 $0xFFFFF000  }
0x2b3: {  	[hbm4b:s6+s1] =	stream.linear.scatter [tilespmem:s19], [sflag:$0x7], $0x1000, $0x200038;
	[tilespmem:$0x15E00] =	vst v63  }
0x2b4: {  	_ =	swait.ge [sflag:s21], $0x1000  }
0x2b5: {  	s6 =	sld [smem:$0x7F4]  }
0x2b6: {  	[sflag:s21] =	ssyncset.done $0x0  }
0x2b7: {  	[sflag:s21] =	ssyncadd.s32 $0xFFFFF000  }
0x2b8: {  	[tilespmem:s19], [sflag:$0x7] =	stream.linear.gather [spmem:s6], $0x1000, $0x200038;
	[tilespmem:$0x15E00] =	vst v63  }
0x2b9: {  	_ =	swait.ge [sflag:s21], $0x1000  }
0x2ba: {  	[sflag:s21] =	ssyncset.done $0x0  }
0x2bb: {  	s6 =	rddreg [dreg:$0x1f];
	[sflag:s21] =	ssyncadd.s32 $0xFFFFF000  }
0x2bc: {  	[hbm4b:s6+s1] =	stream.linear.scatter [tilespmem:s19], [sflag:$0x7], $0x1000, $0x200038;
	[tilespmem:$0x15E00] =	vst v63  }
0x2bd: {  	_ =	swait.ge [sflag:s21], $0x1000  }
0x2be: {  	s6 =	sld [smem:$0x7F5]  }
0x2bf: {  	[sflag:s21] =	ssyncset.done $0x0  }
0x2c0: {  	[sflag:s21] =	ssyncadd.s32 $0xFFFFF000  }
0x2c1: {  	[tilespmem:s19], [sflag:$0x7] =	stream.linear.gather [spmem:s6], $0x1000, $0x200038;
	[tilespmem:$0x15E00] =	vst v63  }
0x2c2: {  	_ =	swait.ge [sflag:s21], $0x1000  }
0x2c3: {  	s6 =	sld [smem:$0x7DF]  }
0x2c4: {  	[sflag:s21] =	ssyncset.done $0x0  }
0x2c5: {  	[sflag:s21] =	ssyncadd.s32 $0xFFFFF000  }
0x2c6: {  	[hbm4b:s6+s1] =	stream.linear.scatter [tilespmem:s19], [sflag:$0x7], $0x1000, $0x200038;
	[tilespmem:$0x15E00] =	vst v63  }
0x2c7: {  	_ =	swait.ge [sflag:s21], $0x1000  }
0x2c8: {  	s6 =	sld [smem:$0x7F6]  }
0x2c9: {  	[sflag:s21] =	ssyncset.done $0x0  }
0x2ca: {  	[sflag:s21] =	ssyncadd.s32 $0xFFFFF000  }
0x2cb: {  	[tilespmem:s19], [sflag:$0x7] =	stream.linear.gather [spmem:s6], $0x1000, $0x200038;
	[tilespmem:$0x15E00] =	vst v63  }
0x2cc: {  	_ =	swait.ge [sflag:s21], $0x1000  }
0x2cd: {  	s6 =	sld [smem:$0x7E0]  }
0x2ce: {  	[sflag:s21] =	ssyncset.done $0x0  }
0x2cf: {  	[sflag:s21] =	ssyncadd.s32 $0xFFFFF000  }
0x2d0: {  	[hbm4b:s6+s1] =	stream.linear.scatter [tilespmem:s19], [sflag:$0x7], $0x1000, $0x200038;
	[tilespmem:$0x15E00] =	vst v63  }
0x2d1: {  	_ =	swait.ge [sflag:s21], $0x1000  }
0x2d2: {  	s6 =	sld [smem:$0x7F7]  }
0x2d3: {  	[sflag:s21] =	ssyncset.done $0x0  }
0x2d4: {  	[sflag:s21] =	ssyncadd.s32 $0xFFFFF000  }
0x2d5: {  	[tilespmem:s19], [sflag:$0x7] =	stream.linear.gather [spmem:s6], $0x1000, $0x200038;
	[tilespmem:$0x15E00] =	vst v63  }
0x2d6: {  	_ =	swait.ge [sflag:s21], $0x1000  }
0x2d7: {  	s6 =	sld [smem:$0x7E1]  }
0x2d8: {  	[sflag:s21] =	ssyncset.done $0x0  }
0x2d9: {  	[sflag:s21] =	ssyncadd.s32 $0xFFFFF000  }
0x2da: {  	[hbm4b:s6+s1] =	stream.linear.scatter [tilespmem:s19], [sflag:$0x7], $0x1000, $0x200038;
	[tilespmem:$0x15E00] =	vst v63  }
0x2db: {  	_ =	swait.ge [sflag:s21], $0x1000  }
0x2dc: {  	s6 =	sld [smem:$0x7F8]  }
0x2dd: {  	[sflag:s21] =	ssyncset.done $0x0  }
0x2de: {  	[sflag:s21] =	ssyncadd.s32 $0xFFFFF000  }
0x2df: {  	[tilespmem:s19], [sflag:$0x7] =	stream.linear.gather [spmem:s6], $0x1000, $0x200038;
	[tilespmem:$0x15E00] =	vst v63  }
0x2e0: {  	_ =	swait.ge [sflag:s21], $0x1000  }
0x2e1: {  	s6 =	sld [smem:$0x7E2]  }
0x2e2: {  	[sflag:s21] =	ssyncset.done $0x0  }
0x2e3: {  	[sflag:s21] =	ssyncadd.s32 $0xFFFFF000  }
0x2e4: {  	[hbm4b:s6+s1] =	stream.linear.scatter [tilespmem:s19], [sflag:$0x7], $0x1000, $0x200038;
	[tilespmem:$0x15E00] =	vst v63  }
0x2e5: {  	_ =	swait.ge [sflag:s21], $0x1000  }
0x2e6: {  	s6 =	sld [smem:$0x7F9]  }
0x2e7: {  	[sflag:s21] =	ssyncset.done $0x0  }
0x2e8: {  	[sflag:s21] =	ssyncadd.s32 $0xFFFFF000  }
0x2e9: {  	[tilespmem:s19], [sflag:$0x7] =	stream.linear.gather [spmem:s6], $0x1000, $0x200038;
	[tilespmem:$0x15E00] =	vst v63  }
0x2ea: {  	_ =	swait.ge [sflag:s21], $0x1000  }
0x2eb: {  	s6 =	sld [smem:$0x7E3]  }
0x2ec: {  	[sflag:s21] =	ssyncset.done $0x0  }
0x2ed: {  	[sflag:s21] =	ssyncadd.s32 $0xFFFFF000  }
0x2ee: {  	[hbm4b:s6+s1] =	stream.linear.scatter [tilespmem:s19], [sflag:$0x7], $0x1000, $0x200038;
	[tilespmem:$0x15E00] =	vst v63  }
0x2ef: {  	_ =	swait.ge [sflag:s21], $0x1000  }
0x2f0: {  	s6 =	sld [smem:$0x7FA]  }
0x2f1: {  	[sflag:s21] =	ssyncset.done $0x0  }
0x2f2: {  	[sflag:s21] =	ssyncadd.s32 $0xFFFFF000  }
0x2f3: {  	[tilespmem:s19], [sflag:$0x7] =	stream.linear.gather [spmem:s6], $0x1000, $0x200038;
	[tilespmem:$0x15E00] =	vst v63  }
0x2f4: {  	_ =	swait.ge [sflag:s21], $0x1000  }
0x2f5: {  	s6 =	sld [smem:$0x7E4]  }
0x2f6: {  	[sflag:s21] =	ssyncset.done $0x0  }
0x2f7: {  	[sflag:s21] =	ssyncadd.s32 $0xFFFFF000  }
0x2f8: {  	[hbm4b:s6+s1] =	stream.linear.scatter [tilespmem:s19], [sflag:$0x7], $0x1000, $0x200038;
	[tilespmem:$0x15E00] =	vst v63  }
0x2f9: {  	_ =	swait.ge [sflag:s21], $0x1000  }
0x2fa: {  	s6 =	sld [smem:$0x7FB]  }
0x2fb: {  	[sflag:s21] =	ssyncset.done $0x0  }
0x2fc: {  	[sflag:s21] =	ssyncadd.s32 $0xFFFFF000  }
0x2fd: {  	[tilespmem:s19], [sflag:$0x7] =	stream.linear.gather [spmem:s6], $0x1000, $0x200038;
	[tilespmem:$0x15E00] =	vst v63  }
0x2fe: {  	_ =	swait.ge [sflag:s21], $0x1000  }
0x2ff: {  	s6 =	sld [smem:$0x7E5]  }
0x300: {  	[sflag:s21] =	ssyncset.done $0x0  }
0x301: {  	[sflag:s21] =	ssyncadd.s32 $0xFFFFF000  }
0x302: {  	[hbm4b:s6+s1] =	stream.linear.scatter [tilespmem:s19], [sflag:$0x7], $0x1000, $0x200038;
	[tilespmem:$0x15E00] =	vst v63  }
0x303: {  	_ =	swait.ge [sflag:s21], $0x1000  }
0x304: {  	[sflag:s21] =	ssyncset.done $0x0  }
0x305: {  	[sflag:s21] =	ssyncadd.s32 $0xFFFFF000  }
0x306: {  	[tilespmem:s19], [sflag:$0x7] =	stream.linear.gather [spmem:s10], $0x1000, $0x200038;
	[tilespmem:$0x15E00] =	vst v63  }
0x307: {  	_ =	swait.ge [sflag:s21], $0x1000  }
0x308: {  	s6 =	sld [smem:$0x7E6]  }
0x309: {  	[sflag:s21] =	ssyncset.done $0x0  }
0x30a: {  	[sflag:s21] =	ssyncadd.s32 $0xFFFFF000  }
0x30b: {  	[hbm4b:s6+s1] =	stream.linear.scatter [tilespmem:s19], [sflag:$0x7], $0x1000, $0x200038;
	[tilespmem:$0x15E00] =	vst v63  }
0x30c: {  	_ =	swait.ge [sflag:s21], $0x1000  }
0x30d: {  	[sflag:s21] =	ssyncset.done $0x0  }
0x30e: {  	[sflag:s21] =	ssyncadd.s32 $0xFFFFF000  }
0x30f: {  	[tilespmem:s19], [sflag:$0x7] =	stream.linear.gather [spmem:s11], $0x1000, $0x200038;
	[tilespmem:$0x15E00] =	vst v63  }
0x310: {  	_ =	swait.ge [sflag:s21], $0x1000  }
0x311: {  	s6 =	sld [smem:$0x7E7]  }
0x312: {  	[sflag:s21] =	ssyncset.done $0x0  }
0x313: {  	[sflag:s21] =	ssyncadd.s32 $0xFFFFF000  }
0x314: {  	[hbm4b:s6+s1] =	stream.linear.scatter [tilespmem:s19], [sflag:$0x7], $0x1000, $0x200038;
	[tilespmem:$0x15E00] =	vst v63  }
0x315: {  	_ =	swait.ge [sflag:s21], $0x1000  }
0x316: {  	[sflag:s21] =	ssyncset.done $0x0  }
0x317: {  	[sflag:s21] =	ssyncadd.s32 $0xFFFFF000  }
0x318: {  	[tilespmem:s19], [sflag:$0x7] =	stream.linear.gather [spmem:s13], $0x1000, $0x200038;
	[tilespmem:$0x15E00] =	vst v63  }
0x319: {  	_ =	swait.ge [sflag:s21], $0x1000  }
0x31a: {  	s6 =	sld [smem:$0x7E8]  }
0x31b: {  	[sflag:s21] =	ssyncset.done $0x0  }
0x31c: {  	[sflag:s21] =	ssyncadd.s32 $0xFFFFF000  }
0x31d: {  	[hbm4b:s6+s1] =	stream.linear.scatter [tilespmem:s19], [sflag:$0x7], $0x1000, $0x200038;
	[tilespmem:$0x15E00] =	vst v63  }
0x31e: {  	_ =	swait.ge [sflag:s21], $0x1000  }
0x31f: {  	[sflag:s21] =	ssyncset.done $0x0  }
0x320: {  	[sflag:s21] =	ssyncadd.s32 $0xFFFFF000  }
0x321: {  	[tilespmem:s19], [sflag:$0x7] =	stream.linear.gather [spmem:s14], $0x1000, $0x200038;
	[tilespmem:$0x15E00] =	vst v63  }
0x322: {  	_ =	swait.ge [sflag:s21], $0x1000  }
0x323: {  	s6 =	sld [smem:$0x7E9]  }
0x324: {  	[sflag:s21] =	ssyncset.done $0x0  }
0x325: {  	[sflag:s21] =	ssyncadd.s32 $0xFFFFF000  }
0x326: {  	[hbm4b:s6+s1] =	stream.linear.scatter [tilespmem:s19], [sflag:$0x7], $0x1000, $0x200038;
	[tilespmem:$0x15E00] =	vst v63  }
0x327: {  	_ =	swait.ge [sflag:s21], $0x1000  }
0x328: {  	[sflag:s21] =	ssyncset.done $0x0  }
0x329: {  	[sflag:s21] =	ssyncadd.s32 $0xFFFFF000  }
0x32a: {  	[tilespmem:s19], [sflag:$0x7] =	stream.linear.gather [spmem:s15], $0xC00, $0x200038;
	[tilespmem:$0x15E00] =	vst v63  }
0x32b: {  	_ =	swait.ge [sflag:s21], $0xC00  }
0x32c: {  	s6 =	sld [smem:$0x7EA]  }
0x32d: {  	[sflag:s21] =	ssyncset.done $0x0  }
0x32e: {  	[sflag:s21] =	ssyncadd.s32 $0xFFFFF400  }
0x32f: {  	[hbm4b:s6+s1] =	stream.linear.scatter [tilespmem:s19], [sflag:$0x7], $0xC00, $0x200038;
	[tilespmem:$0x15E00] =	vst v63  }
0x330: {  	_ =	swait.ge [sflag:s21], $0xC00  }
0x331: {  	s6 =	sld [smem:$0x7EF];
	_ =	sdelay $0x1  }
0x332: {  	s4 =	sadd.s32 $0x1, s4  }
0x333: {  	p0 =	sne.s32 s4, s6  }
.Ltmp5:
0x334: {  	_ = 	snop;
	(pc) =	sbr.rel @p0 .LBB2_1-.Ltmp5, $4  }
0x335: {  	_ = 	snop  }
0x336: {  	[sflag:s21] =	ssyncset.done $0x0  }
0x337: {  	[sflag:s21] =	ssyncadd.s32 $0xFFFFF400  }
0x338: {  	_ =	strace $0x9000004D  }
0x339: {  	_ =	sfence.sel $0x180000  }
0x33a: {  	[bflag:$0x0] =	sbarrier.arrive $0xFFFF  }
0x33b: {  	_ =	strace $0x90000047  }
0x33c: {  	s0 =	stileid.u32;
	[bflag:$0x2] =	sbarrier.arrive $0xFFFF  }
0x33d: {  	p0 =	sne.s32 s0, $0x0;
	s0 =	rddreg [dreg:$0x3]  }
0x33e: {  	s0 =	sadd.s32 @!p0 $0x100000, s0  }
0x33f: {  	[sflag:s0] =	ssyncadd.tile.s32 @!p0 $0x1;
	_ =	shalt  }
.Lfunc_end2:
_tile_overlayer_lowered:
.L_overlay_start_2:
0x340: {  	(tag) =	ssettag $0x2  }
0x341: {  	s0 =	rddreg [dreg:$0x0];
	s2 =	stileid.u32  }
0x342: {  	s1 =	rddreg [dreg:$0x1];
	p0 =	sne.s32 s2, $0x0  }
0x343: {  	s3 =	rddreg [dreg:$0x2];
	[bflag:$0x3] =	sbarrier.arrive $0xFFFF;
	s2 =	simm.s32 @!p0 $0x1C07  }
0x344: {  	[timem:s3], [sflag:s2] =	dma.local @!p0 [hbm:s0], s1  }
0x345: {  	s0 =	simm.s32 @!p0 $0x7  }
0x346: {  	_ =	swait.ge @!p0 [sflag:s0], s1  }
0x347: {  	s1 =	ssub.s32 @!p0 $0x0, s1;
	[sflag:s0] =	ssyncset.done @!p0 $0x0  }
0x348: {  	[sflag:s0] =	ssyncadd.s32 @!p0 s1  }
0x349: {  	[bflag:$0x3] =	sbarrier.arrive $0xFFFF  }
0x34a: {  	_ =	shalt  }

</sc_bundles>
